<compile_context>
chip_gen: v7x
topology: tpu7x:2x2x1
jax: 0.10.2.dev20260603
libtpu: 0.0.44.dev20260713+nightly
codegen_flags: <defaults>
</compile_context>

<pallas_src>
import functools

import jax
import jax.numpy as jnp
from jax import lax
from jax.experimental import pallas as pl
from jax.experimental.pallas import tpu as pltpu
from jax.experimental.pallas import tpu_sc as plsc

NC = 2
NS = 16
NW = NC * NS
L = 16
CH = 128
BIG = 1e30


def _cdiv(a, b):
    return (a + b - 1) // b


def _rsqrt_newton(s):
    i = plsc.bitcast(s, jnp.int32)
    i = jnp.int32(0x5F3759DF) - lax.shift_right_logical(i, 1)
    y = plsc.bitcast(i, jnp.float32)
    for _ in range(3):
        y = y * (jnp.float32(1.5) - jnp.float32(0.5) * s * y * y)
    return y


def _dist16(tA, tB, rows):
    r3 = rows * 3
    dx = plsc.load_gather(tA, [r3]) - plsc.load_gather(tB, [r3])
    dy = plsc.load_gather(tA, [r3 + 1]) - plsc.load_gather(tB, [r3 + 1])
    dz = plsc.load_gather(tA, [r3 + 2]) - plsc.load_gather(tB, [r3 + 2])
    return dx * dx + dy * dy + dz * dz


def _make_kernel(B, N, nM, nNM, TM, TMP, TN, TNP):
    mesh = plsc.VectorSubcoreMesh(core_axis_name="c", subcore_axis_name="s")
    n_mchunk = TMP // CH
    n_nchunk = TNP // CH
    n_local = B // NC
    BN = B * N

    @functools.partial(
        pl.kernel,
        mesh=mesh,
        compiler_params=pltpu.CompilerParams(use_tc_tiling_on_sc=False,
                                             needs_layout_passes=False),
        out_type=jax.ShapeDtypeStruct((NW, 8 * L), jnp.float32),
        scratch_types=[
            pltpu.VMEM((max(TMP, TNP),), jnp.int32),
            pltpu.VMEM((max(TMP, TNP),), jnp.int32),
            pltpu.VMEM((3 * max(TMP, TNP),), jnp.int32),
            pltpu.VMEM((3 * max(TMP, TNP),), jnp.int32),
            pltpu.VMEM((3 * CH,), jnp.float32),
            pltpu.VMEM((3 * CH,), jnp.float32),
            pltpu.VMEM((n_local, TNP), jnp.float32),
            pltpu.VMEM((n_local * L,), jnp.float32),
            pltpu.VMEM((NS, n_local * L), jnp.float32),
            pltpu.VMEM((8 * L,), jnp.float32),
            pltpu.VMEM_SHARED((NS, n_local * L), jnp.float32),
            pltpu.SemaphoreType.DMA,
            pltpu.SemaphoreType.DMA,
        ],
    )
    def body(tabA, tabB, mA, mB, nmA, nmB, part_out,
             rawA_v, rawB_v, idxA_v, idxB_v, rA, rB, dist_v, stage_v,
             allsums_v, part_v, shared, semA, semB):
        cid = lax.axis_index("c")
        sid = lax.axis_index("s")
        wid = cid * NS + sid
        lane = lax.iota(jnp.int32, L)
        zeros = jnp.zeros((L,), jnp.float32)
        zeros_i = jnp.zeros((L,), jnp.int32)

        def expand(c, boff, limit):
            for j in range(CH // L):
                pos = c * CH + j * L + lane
                valid = pos < limit
                p3 = pos * 3
                a = rawA_v[pl.ds(c * CH + j * L, L)] + boff
                b = rawB_v[pl.ds(c * CH + j * L, L)] + boff
                a = jnp.where(valid, a, zeros_i)
                b = jnp.where(valid, b, zeros_i)
                for t in range(3):
                    plsc.store_scatter(idxA_v, [p3 + t], a + t * BN)
                    plsc.store_scatter(idxB_v, [p3 + t], b + t * BN)

        def gather_chunk(c):
            cps = []
            for k in range(3):
                cps.append(pltpu.async_copy(
                    tabA.at[idxA_v.at[pl.ds((3 * c + k) * CH, CH)]],
                    rA.at[pl.ds(k * CH, CH)], semA))
                cps.append(pltpu.async_copy(
                    tabB.at[idxB_v.at[pl.ds((3 * c + k) * CH, CH)]],
                    rB.at[pl.ds(k * CH, CH)], semB))
            for cp in cps:
                cp.wait()

        pltpu.sync_copy(mA.at[wid], rawA_v.at[pl.ds(0, TMP)])
        pltpu.sync_copy(mB.at[wid], rawB_v.at[pl.ds(0, TMP)])

        def mchunk(c, acc):
            expand(c, 0, TM)
            gather_chunk(c)
            for j in range(CH // L):
                rows = j * L + lane
                s = _dist16(rA, rB, rows)
                valid = (c * CH + j * L + lane) < TM
                acc = acc + jnp.where(valid, s, jnp.float32(0.0))
            return acc

        macc = lax.fori_loop(0, n_mchunk, mchunk, zeros)
        part_v[pl.ds(0, L)] = macc
        for r in range(5, 8):
            part_v[pl.ds(r * L, L)] = zeros

        for lb in range(n_local):
            b = n_local * cid + lb
            pltpu.sync_copy(nmA.at[b, sid], rawA_v.at[pl.ds(0, TNP)])
            pltpu.sync_copy(nmB.at[b, sid], rawB_v.at[pl.ds(0, TNP)])

            def nchunk(c, acc):
                expand(c, 0, TN)
                gather_chunk(c)
                for j in range(CH // L):
                    rows = j * L + lane
                    s = _dist16(rA, rB, rows)
                    d = s * _rsqrt_newton(s)
                    d = jnp.where(s > jnp.float32(0.0), d, jnp.float32(0.0))
                    valid = (c * CH + j * L + lane) < TN
                    dist_v[lb, pl.ds(c * CH + j * L, L)] = jnp.where(
                        valid, d, jnp.float32(BIG))
                    acc = acc + jnp.where(valid, d, jnp.float32(0.0))
                return acc

            nacc = lax.fori_loop(0, n_nchunk, nchunk, zeros)
            stage_v[pl.ds(lb * L, L)] = nacc

        pltpu.sync_copy(stage_v, shared.at[sid])
        plsc.subcore_barrier()
        pltpu.sync_copy(shared, allsums_v)

        for lb in range(n_local):
            dacc = zeros
            for t in range(NS):
                dacc = dacc + allsums_v[t, pl.ds(lb * L, L)]
            mean = jnp.sum(dacc) * jnp.float32(1.0 / nNM)
            mvec = jnp.broadcast_to(mean, (L,))

            def hchunk(k, carry):
                hs, hc = carry
                d = dist_v[lb, pl.ds(k * L, L)]
                h = jnp.maximum(mvec - d, jnp.float32(0.0))
                h2 = h * h
                return (hs + h2,
                        hc + jnp.where(h2 > jnp.float32(0.0),
                                       jnp.float32(1.0), jnp.float32(0.0)))

            hs, hc = lax.fori_loop(0, TNP // L, hchunk, (zeros, zeros))
            part_v[pl.ds((1 + lb) * L, L)] = hs
            part_v[pl.ds((3 + lb) * L, L)] = hc

        pltpu.sync_copy(part_v, part_out.at[wid])

    return body


def kernel(outA, outB, matchA, matchB, nonMatchA, nonMatchB, hardNegative,
           device):
    B, N, D = outA.shape
    nM = matchA.shape[1]
    nNM = nonMatchA.shape[1]
    TM = (B * nM) // NW
    TMP = _cdiv(TM, CH) * CH
    TN = nNM // NS
    TNP = _cdiv(TN, CH) * CH

    tabA = outA.transpose(2, 0, 1).reshape(B * N * D)
    tabB = outB.transpose(2, 0, 1).reshape(B * N * D)

    offs = (jnp.arange(B, dtype=jnp.int32) * N)[:, None]
    mAp = jnp.pad((matchA.astype(jnp.int32) + offs).reshape(NW, TM),
                  ((0, 0), (0, TMP - TM)))
    mBp = jnp.pad((matchB.astype(jnp.int32) + offs).reshape(NW, TM),
                  ((0, 0), (0, TMP - TM)))
    nmAp = jnp.pad((nonMatchA.astype(jnp.int32) + offs).reshape(B, NS, TN),
                   ((0, 0), (0, 0), (0, TNP - TN)))
    nmBp = jnp.pad((nonMatchB.astype(jnp.int32) + offs).reshape(B, NS, TN),
                   ((0, 0), (0, 0), (0, TNP - TN)))

    part = _make_kernel(B, N, nM, nNM, TM, TMP, TN, TNP)(
        tabA, tabB, mAp, mBp, nmAp, nmBp)

    matchLossSum = part[:, 0:L].sum() / nM
    n_local = B // NC
    pc = part.reshape(NC, NS, 8, L)
    nmSum = jnp.stack([pc[b // n_local, :, 1 + b % n_local, :].sum()
                       for b in range(B)])
    cnt = jnp.stack([pc[b // n_local, :, 3 + b % n_local, :].sum()
                     for b in range(B)])

    denom = jnp.where(cnt == 0, jnp.float32(nNM), cnt)
    hard = nmSum / denom
    soft = nmSum / nNM
    nmLoss = jnp.where(jnp.asarray(hardNegative) != 0, hard, soft)
    nonMatchLossSum = nmLoss.sum()
    contrastiveLossSum = matchLossSum + nonMatchLossSum
    return (contrastiveLossSum.astype(jnp.float32),
            matchLossSum.astype(jnp.float32),
            nonMatchLossSum.astype(jnp.float32))

# --- scband reference (transcript-rebuilt; emitter-appended) ---
"""Pipeline reference for scband-contrastive-loss-l2-10033043604035 (READ-ONLY COPY).

The authoritative reference and input builder live on the scoring server;
editing this copy changes nothing except your own understanding.
"""

import jax, jax.numpy as jnp
import numpy as np


def setup_inputs(seed: int = 0) -> dict:
    key = jax.random.key(seed)
    ks = jax.random.split(key, 6)
    B, N, D = 4, 307200, 3
    nM, nNM = 10000, 100000
    outA = jax.random.normal(ks[0], (B, N, D), dtype=jnp.float32)
    outB = jax.random.normal(ks[1], (B, N, D), dtype=jnp.float32)
    matchA = jax.random.randint(ks[2], (B, nM), 0, N)
    matchB = jax.random.randint(ks[3], (B, nM), 0, N)
    nonMatchA = jax.random.randint(ks[4], (B, nNM), 0, N)
    nonMatchB = jax.random.randint(ks[5], (B, nNM), 0, N)
    return {"outA": outA, "outB": outB, "matchA": matchA, "matchB": matchB,
            "nonMatchA": nonMatchA, "nonMatchB": nonMatchB, "hardNegative": 1, "device": 0}


def reference(outA, outB, matchA, matchB, nonMatchA, nonMatchB, hardNegative, device):
    # margin is stored on the module but (faithful to the original code) never used in forward;
    # meanDist of the non-match distances plays the role of the margin.
    nonMatchLossWeight = 1.0
    B = outA.shape[0]
    contrastiveLossSum = jnp.float32(0.0)
    matchLossSum = jnp.float32(0.0)
    nonMatchLossSum = jnp.float32(0.0)
    for b in range(B):
        nbMatch = matchA.shape[1]
        nbNonMatch = nonMatchA.shape[1]
        # index_select over the pixel dimension == gather
        matchADes = jnp.take(outA[b], matchA[b], axis=0)        # [nM, D]
        matchBDes = jnp.take(outB[b], matchB[b], axis=0)        # [nM, D]
        nonMatchADes = jnp.take(outA[b], nonMatchA[b], axis=0)  # [nNM, D]
        nonMatchBDes = jnp.take(outB[b], nonMatchB[b], axis=0)  # [nNM, D]
        matchLoss = (1.0 / nbMatch) * jnp.sum((matchADes - matchBDes) ** 2)
        nonMatchDist = jnp.sqrt(jnp.sum((nonMatchADes - nonMatchBDes) ** 2, axis=1))  # L2 norm over descriptor dim
        # torch uses .item() on the mean -> detached scalar
        meanDist = jax.lax.stop_gradient(jnp.mean(nonMatchDist))
        nonMatchloss = jnp.maximum(meanDist - nonMatchDist, 0.0) ** 2
        # len(torch.nonzero(...)) is a detached Python int in the original
        cnt = jax.lax.stop_gradient(jnp.sum(nonMatchloss > 0).astype(jnp.float32))
        denom = jnp.where(cnt == 0, jnp.float32(nbNonMatch), cnt)
        nonMatchlossHard = nonMatchLossWeight * (1.0 / denom) * jnp.sum(nonMatchloss)
        nonMatchlossSoft = nonMatchLossWeight * (1.0 / nbNonMatch) * jnp.sum(nonMatchloss)
        nonMatchlossScalar = jnp.where(hardNegative != 0, nonMatchlossHard, nonMatchlossSoft)
        contrastiveLoss = matchLoss + nonMatchlossScalar
        contrastiveLossSum = contrastiveLossSum + contrastiveLoss
        matchLossSum = matchLossSum + matchLoss
        nonMatchLossSum = nonMatchLossSum + nonMatchlossScalar
    return (contrastiveLossSum, matchLossSum, nonMatchLossSum)

if __name__ == "__main__":
    import jax
    _d = setup_inputs()
    print(jax.jit(kernel)(*tuple(_d.values())))

</pallas_src>

<mosaic_0001>
#map = affine_map<(d0, d1) -> (0)>
#map1 = affine_map<(d0, d1) -> (0, 0)>
#map2 = affine_map<(d0, d1) -> (0, 0, 0)>
module attributes {stable_mosaic.version = 14 : i64} {
  func.func @body(%arg0: i32, %arg1: i32, %arg2: memref<3686400xf32, #tpu.memory_space<hbm>>, %arg3: memref<3686400xf32, #tpu.memory_space<hbm>>, %arg4: memref<32x1280xi32, #tpu.memory_space<hbm>>, %arg5: memref<32x1280xi32, #tpu.memory_space<hbm>>, %arg6: memref<4x16x6272xi32, #tpu.memory_space<hbm>>, %arg7: memref<4x16x6272xi32, #tpu.memory_space<hbm>>, %arg8: memref<32x128xf32, #tpu.memory_space<hbm>>, %arg9: memref<6272xi32, #tpu.memory_space<vmem>>, %arg10: memref<6272xi32, #tpu.memory_space<vmem>>, %arg11: memref<18816xi32, #tpu.memory_space<vmem>>, %arg12: memref<18816xi32, #tpu.memory_space<vmem>>, %arg13: memref<384xf32, #tpu.memory_space<vmem>>, %arg14: memref<384xf32, #tpu.memory_space<vmem>>, %arg15: memref<2x6272xf32, #tpu.memory_space<vmem>>, %arg16: memref<32xf32, #tpu.memory_space<vmem>>, %arg17: memref<16x32xf32, #tpu.memory_space<vmem>>, %arg18: memref<128xf32, #tpu.memory_space<vmem>>, %arg19: memref<16x32xf32, #tpu.memory_space<vmem_shared>>, %arg20: memref<!tpu.dma_semaphore, #tpu.memory_space<semaphore_mem>>, %arg21: memref<!tpu.dma_semaphore, #tpu.memory_space<semaphore_mem>>) attributes {dimension_semantics = [#tpu.dimension_semantics<core_parallel>, #tpu.dimension_semantics<subcore_parallel>], iteration_bounds = array<i64: 2, 16>, scalar_prefetch = 0 : i64, scratch_operands = 13 : i64, tpu.core_type = #tpu.core_type<sc_vector_subcore>, window_params = [{transform_indices = #map}, {transform_indices = #map}, {transform_indices = #map1}, {transform_indices = #map1}, {transform_indices = #map2}, {transform_indices = #map2}, {transform_indices = #map1}]} {
    %mul3A = arith.constant 16 : i32
    %mul3A_0 = arith.muli %arg0, %mul3A : i32
    %add3A = arith.addi %mul3A_0, %arg1 : i32
    %iota3A = tpu.iota {dimensions = array<i32: 0>} : vector<16xi32>
    %broadcast_in_dim3A = arith.constant 0.000000e+00 : f32
    %broadcast_in_dim3A_1 = vector.broadcast %broadcast_in_dim3A : f32 to vector<16xf32>
    %broadcast_in_dim3A_2 = arith.constant 0 : i32
    %broadcast_in_dim3A_3 = vector.broadcast %broadcast_in_dim3A_2 : i32 to vector<16xi32>
    "tpu.region"() ({
      %run_scoped3A = tpu.sem_alloc : memref<!tpu.dma_semaphore, #tpu.memory_space<semaphore_mem>>
      %dma_start3A = arith.constant 0 : i32
      %dma_start3A_232 = tpu.memref_slice %arg9[%dma_start3A] : memref<6272xi32, #tpu.memory_space<vmem>> -> memref<1280xi32, #tpu.memory_space<vmem>>
      %dma_start3A_233 = arith.constant 0 : i32
      %dma_start3A_234 = tpu.memref_slice %arg4[%add3A, %dma_start3A_233] : memref<32x1280xi32, #tpu.memory_space<hbm>> -> memref<1x1280xi32, #tpu.memory_space<hbm>>
      %dma_start3A_235 = tpu.memref_squeeze %dma_start3A_234 : memref<1x1280xi32, #tpu.memory_space<hbm>> -> memref<1280xi32, #tpu.memory_space<hbm>>
      %dma_start3A_236 = arith.constant 0 : i32
      %dma_start3A_237 = tpu.memref_slice %arg9[%dma_start3A_236] : memref<6272xi32, #tpu.memory_space<vmem>> -> memref<1280xi32, #tpu.memory_space<vmem>>
      %dma_start3A_238 = arith.constant 0 : i32
      %dma_start3A_239 = tpu.memref_slice %arg4[%add3A, %dma_start3A_238] : memref<32x1280xi32, #tpu.memory_space<hbm>> -> memref<1x1280xi32, #tpu.memory_space<hbm>>
      %dma_start3A_240 = tpu.memref_squeeze %dma_start3A_239 : memref<1x1280xi32, #tpu.memory_space<hbm>> -> memref<1280xi32, #tpu.memory_space<hbm>>
      tpu.enqueue_dma source(%dma_start3A_240 : memref<1280xi32, #tpu.memory_space<hbm>>) target(%dma_start3A_237 : memref<1280xi32, #tpu.memory_space<vmem>>) target_semaphore(%run_scoped3A : memref<!tpu.dma_semaphore, #tpu.memory_space<semaphore_mem>>)
      %dma_wait3A = arith.constant 0 : i32
      %dma_wait3A_241 = tpu.memref_slice %arg9[%dma_wait3A] : memref<6272xi32, #tpu.memory_space<vmem>> -> memref<1280xi32, #tpu.memory_space<vmem>>
      %dma_wait3A_242 = arith.constant 0 : i32
      %dma_wait3A_243 = tpu.memref_slice %arg4[%add3A, %dma_wait3A_242] : memref<32x1280xi32, #tpu.memory_space<hbm>> -> memref<1x1280xi32, #tpu.memory_space<hbm>>
      %dma_wait3A_244 = tpu.memref_squeeze %dma_wait3A_243 : memref<1x1280xi32, #tpu.memory_space<hbm>> -> memref<1280xi32, #tpu.memory_space<hbm>>
      %dma_wait3A_245 = arith.constant 0 : i32
      %dma_wait3A_246 = tpu.memref_slice %arg9[%dma_wait3A_245] : memref<6272xi32, #tpu.memory_space<vmem>> -> memref<1280xi32, #tpu.memory_space<vmem>>
      %dma_wait3A_247 = arith.constant 0 : i32
      %dma_wait3A_248 = tpu.memref_slice %arg4[%add3A, %dma_wait3A_247] : memref<32x1280xi32, #tpu.memory_space<hbm>> -> memref<1x1280xi32, #tpu.memory_space<hbm>>
      %dma_wait3A_249 = tpu.memref_squeeze %dma_wait3A_248 : memref<1x1280xi32, #tpu.memory_space<hbm>> -> memref<1280xi32, #tpu.memory_space<hbm>>
      tpu.wait_dma2 semaphore(%run_scoped3A : memref<!tpu.dma_semaphore, #tpu.memory_space<semaphore_mem>>) src(%dma_wait3A_249 : memref<1280xi32, #tpu.memory_space<hbm>>) dst(%dma_wait3A_246 : memref<1280xi32, #tpu.memory_space<vmem>>)
      tpu.yield
    }) : () -> ()
    "tpu.region"() ({
      %run_scoped3A = tpu.sem_alloc : memref<!tpu.dma_semaphore, #tpu.memory_space<semaphore_mem>>
      %dma_start3A = arith.constant 0 : i32
      %dma_start3A_232 = tpu.memref_slice %arg10[%dma_start3A] : memref<6272xi32, #tpu.memory_space<vmem>> -> memref<1280xi32, #tpu.memory_space<vmem>>
      %dma_start3A_233 = arith.constant 0 : i32
      %dma_start3A_234 = tpu.memref_slice %arg5[%add3A, %dma_start3A_233] : memref<32x1280xi32, #tpu.memory_space<hbm>> -> memref<1x1280xi32, #tpu.memory_space<hbm>>
      %dma_start3A_235 = tpu.memref_squeeze %dma_start3A_234 : memref<1x1280xi32, #tpu.memory_space<hbm>> -> memref<1280xi32, #tpu.memory_space<hbm>>
      %dma_start3A_236 = arith.constant 0 : i32
      %dma_start3A_237 = tpu.memref_slice %arg10[%dma_start3A_236] : memref<6272xi32, #tpu.memory_space<vmem>> -> memref<1280xi32, #tpu.memory_space<vmem>>
      %dma_start3A_238 = arith.constant 0 : i32
      %dma_start3A_239 = tpu.memref_slice %arg5[%add3A, %dma_start3A_238] : memref<32x1280xi32, #tpu.memory_space<hbm>> -> memref<1x1280xi32, #tpu.memory_space<hbm>>
      %dma_start3A_240 = tpu.memref_squeeze %dma_start3A_239 : memref<1x1280xi32, #tpu.memory_space<hbm>> -> memref<1280xi32, #tpu.memory_space<hbm>>
      tpu.enqueue_dma source(%dma_start3A_240 : memref<1280xi32, #tpu.memory_space<hbm>>) target(%dma_start3A_237 : memref<1280xi32, #tpu.memory_space<vmem>>) target_semaphore(%run_scoped3A : memref<!tpu.dma_semaphore, #tpu.memory_space<semaphore_mem>>)
      %dma_wait3A = arith.constant 0 : i32
      %dma_wait3A_241 = tpu.memref_slice %arg10[%dma_wait3A] : memref<6272xi32, #tpu.memory_space<vmem>> -> memref<1280xi32, #tpu.memory_space<vmem>>
      %dma_wait3A_242 = arith.constant 0 : i32
      %dma_wait3A_243 = tpu.memref_slice %arg5[%add3A, %dma_wait3A_242] : memref<32x1280xi32, #tpu.memory_space<hbm>> -> memref<1x1280xi32, #tpu.memory_space<hbm>>
      %dma_wait3A_244 = tpu.memref_squeeze %dma_wait3A_243 : memref<1x1280xi32, #tpu.memory_space<hbm>> -> memref<1280xi32, #tpu.memory_space<hbm>>
      %dma_wait3A_245 = arith.constant 0 : i32
      %dma_wait3A_246 = tpu.memref_slice %arg10[%dma_wait3A_245] : memref<6272xi32, #tpu.memory_space<vmem>> -> memref<1280xi32, #tpu.memory_space<vmem>>
      %dma_wait3A_247 = arith.constant 0 : i32
      %dma_wait3A_248 = tpu.memref_slice %arg5[%add3A, %dma_wait3A_247] : memref<32x1280xi32, #tpu.memory_space<hbm>> -> memref<1x1280xi32, #tpu.memory_space<hbm>>
      %dma_wait3A_249 = tpu.memref_squeeze %dma_wait3A_248 : memref<1x1280xi32, #tpu.memory_space<hbm>> -> memref<1280xi32, #tpu.memory_space<hbm>>
      tpu.wait_dma2 semaphore(%run_scoped3A : memref<!tpu.dma_semaphore, #tpu.memory_space<semaphore_mem>>) src(%dma_wait3A_249 : memref<1280xi32, #tpu.memory_space<hbm>>) dst(%dma_wait3A_246 : memref<1280xi32, #tpu.memory_space<vmem>>)
      tpu.yield
    }) : () -> ()
    %scan3A = arith.constant 0 : i32
    %scan3A_4 = arith.constant 10 : i32
    %scan3A_5 = arith.addi %scan3A, %scan3A_4 : i32
    %scan3A_6 = arith.constant 1 : i32
    %scan3A_7 = scf.for %scan3A_232 = %scan3A to %scan3A_5 step %scan3A_6 iter_args(%scan3A_233 = %broadcast_in_dim3A_1) -> (vector<16xf32>)  : i32 {
      %mul3A_234 = arith.constant 128 : i32
      %mul3A_235 = arith.muli %scan3A_232, %mul3A_234 : i32
      %add3A_236 = arith.constant 0 : i32
      %add3A_237 = arith.addi %mul3A_235, %add3A_236 : i32
      %add3A_238 = vector.broadcast %add3A_237 : i32 to vector<16xi32>
      %add3A_239 = arith.addi %add3A_238, %iota3A : vector<16xi32>
      %lt3A = arith.constant 1250 : i32
      %lt3A_240 = vector.broadcast %lt3A : i32 to vector<16xi32>
      %lt3A_241 = arith.cmpi slt, %add3A_239, %lt3A_240 : vector<16xi32>
      %mul3A_242 = arith.constant 3 : i32
      %mul3A_243 = vector.broadcast %mul3A_242 : i32 to vector<16xi32>
      %mul3A_244 = arith.muli %add3A_239, %mul3A_243 : vector<16xi32>
      %mul3A_245 = arith.constant 128 : i32
      %mul3A_246 = arith.muli %scan3A_232, %mul3A_245 : i32
      %add3A_247 = arith.constant 0 : i32
      %add3A_248 = arith.addi %mul3A_246, %add3A_247 : i32
      %get3A_249 = arith.index_cast %add3A_248 : i32 to index
      %get3A_250 = tpu.vector_load %arg9[%get3A_249] {strides = array<i32>} : memref<6272xi32, #tpu.memory_space<vmem>>, vector<16xi32>,
      %add3A_251 = arith.constant 0 : i32
      %add3A_252 = vector.broadcast %add3A_251 : i32 to vector<16xi32>
      %add3A_253 = arith.addi %get3A_250, %add3A_252 : vector<16xi32>
      %mul3A_254 = arith.constant 128 : i32
      %mul3A_255 = arith.muli %scan3A_232, %mul3A_254 : i32
      %add3A_256 = arith.constant 0 : i32
      %add3A_257 = arith.addi %mul3A_255, %add3A_256 : i32
      %get3A_258 = arith.index_cast %add3A_257 : i32 to index
      %get3A_259 = tpu.vector_load %arg10[%get3A_258] {strides = array<i32>} : memref<6272xi32, #tpu.memory_space<vmem>>, vector<16xi32>,
      %add3A_260 = arith.constant 0 : i32
      %add3A_261 = vector.broadcast %add3A_260 : i32 to vector<16xi32>
      %add3A_262 = arith.addi %get3A_259, %add3A_261 : vector<16xi32>
      %select_n3A = arith.select %lt3A_241, %add3A_253, %broadcast_in_dim3A_3 : vector<16xi1>, vector<16xi32>
      %select_n3A_263 = arith.select %lt3A_241, %add3A_262, %broadcast_in_dim3A_3 : vector<16xi1>, vector<16xi32>
      %add3A_264 = arith.constant 0 : i32
      %add3A_265 = vector.broadcast %add3A_264 : i32 to vector<16xi32>
      %add3A_266 = arith.addi %mul3A_244, %add3A_265 : vector<16xi32>
      %add3A_267 = arith.constant 0 : i32
      %add3A_268 = vector.broadcast %add3A_267 : i32 to vector<16xi32>
      %add3A_269 = arith.addi %select_n3A, %add3A_268 : vector<16xi32>
      tpu.vector_store_idx %arg11[%add3A_266], %add3A_269 : memref<18816xi32, #tpu.memory_space<vmem>>[vector<16xi32>], vector<16xi32>,
      %add3A_270 = arith.constant 0 : i32
      %add3A_271 = vector.broadcast %add3A_270 : i32 to vector<16xi32>
      %add3A_272 = arith.addi %mul3A_244, %add3A_271 : vector<16xi32>
      %add3A_273 = arith.constant 0 : i32
      %add3A_274 = vector.broadcast %add3A_273 : i32 to vector<16xi32>
      %add3A_275 = arith.addi %select_n3A_263, %add3A_274 : vector<16xi32>
      tpu.vector_store_idx %arg12[%add3A_272], %add3A_275 : memref<18816xi32, #tpu.memory_space<vmem>>[vector<16xi32>], vector<16xi32>,
      %add3A_276 = arith.constant 1 : i32
      %add3A_277 = vector.broadcast %add3A_276 : i32 to vector<16xi32>
      %add3A_278 = arith.addi %mul3A_244, %add3A_277 : vector<16xi32>
      %add3A_279 = arith.constant 1228800 : i32
      %add3A_280 = vector.broadcast %add3A_279 : i32 to vector<16xi32>
      %add3A_281 = arith.addi %select_n3A, %add3A_280 : vector<16xi32>
      tpu.vector_store_idx %arg11[%add3A_278], %add3A_281 : memref<18816xi32, #tpu.memory_space<vmem>>[vector<16xi32>], vector<16xi32>,
      %add3A_282 = arith.constant 1 : i32
      %add3A_283 = vector.broadcast %add3A_282 : i32 to vector<16xi32>
      %add3A_284 = arith.addi %mul3A_244, %add3A_283 : vector<16xi32>
      %add3A_285 = arith.constant 1228800 : i32
      %add3A_286 = vector.broadcast %add3A_285 : i32 to vector<16xi32>
      %add3A_287 = arith.addi %select_n3A_263, %add3A_286 : vector<16xi32>
      tpu.vector_store_idx %arg12[%add3A_284], %add3A_287 : memref<18816xi32, #tpu.memory_space<vmem>>[vector<16xi32>], vector<16xi32>,
      %add3A_288 = arith.constant 2 : i32
      %add3A_289 = vector.broadcast %add3A_288 : i32 to vector<16xi32>
      %add3A_290 = arith.addi %mul3A_244, %add3A_289 : vector<16xi32>
      %add3A_291 = arith.constant 2457600 : i32
      %add3A_292 = vector.broadcast %add3A_291 : i32 to vector<16xi32>
      %add3A_293 = arith.addi %select_n3A, %add3A_292 : vector<16xi32>
      tpu.vector_store_idx %arg11[%add3A_290], %add3A_293 : memref<18816xi32, #tpu.memory_space<vmem>>[vector<16xi32>], vector<16xi32>,
      %add3A_294 = arith.constant 2 : i32
      %add3A_295 = vector.broadcast %add3A_294 : i32 to vector<16xi32>
      %add3A_296 = arith.addi %mul3A_244, %add3A_295 : vector<16xi32>
      %add3A_297 = arith.constant 2457600 : i32
      %add3A_298 = vector.broadcast %add3A_297 : i32 to vector<16xi32>
      %add3A_299 = arith.addi %select_n3A_263, %add3A_298 : vector<16xi32>
      tpu.vector_store_idx %arg12[%add3A_296], %add3A_299 : memref<18816xi32, #tpu.memory_space<vmem>>[vector<16xi32>], vector<16xi32>,
      %mul3A_300 = arith.constant 128 : i32
      %mul3A_301 = arith.muli %scan3A_232, %mul3A_300 : i32
      %add3A_302 = arith.constant 16 : i32
      %add3A_303 = arith.addi %mul3A_301, %add3A_302 : i32
      %add3A_304 = vector.broadcast %add3A_303 : i32 to vector<16xi32>
      %add3A_305 = arith.addi %add3A_304, %iota3A : vector<16xi32>
      %lt3A_306 = arith.constant 1250 : i32
      %lt3A_307 = vector.broadcast %lt3A_306 : i32 to vector<16xi32>
      %lt3A_308 = arith.cmpi slt, %add3A_305, %lt3A_307 : vector<16xi32>
      %mul3A_309 = arith.constant 3 : i32
      %mul3A_310 = vector.broadcast %mul3A_309 : i32 to vector<16xi32>
      %mul3A_311 = arith.muli %add3A_305, %mul3A_310 : vector<16xi32>
      %mul3A_312 = arith.constant 128 : i32
      %mul3A_313 = arith.muli %scan3A_232, %mul3A_312 : i32
      %add3A_314 = arith.constant 16 : i32
      %add3A_315 = arith.addi %mul3A_313, %add3A_314 : i32
      %get3A_316 = arith.index_cast %add3A_315 : i32 to index
      %get3A_317 = tpu.vector_load %arg9[%get3A_316] {strides = array<i32>} : memref<6272xi32, #tpu.memory_space<vmem>>, vector<16xi32>,
      %add3A_318 = arith.constant 0 : i32
      %add3A_319 = vector.broadcast %add3A_318 : i32 to vector<16xi32>
      %add3A_320 = arith.addi %get3A_317, %add3A_319 : vector<16xi32>
      %mul3A_321 = arith.constant 128 : i32
      %mul3A_322 = arith.muli %scan3A_232, %mul3A_321 : i32
      %add3A_323 = arith.constant 16 : i32
      %add3A_324 = arith.addi %mul3A_322, %add3A_323 : i32
      %get3A_325 = arith.index_cast %add3A_324 : i32 to index
      %get3A_326 = tpu.vector_load %arg10[%get3A_325] {strides = array<i32>} : memref<6272xi32, #tpu.memory_space<vmem>>, vector<16xi32>,
      %add3A_327 = arith.constant 0 : i32
      %add3A_328 = vector.broadcast %add3A_327 : i32 to vector<16xi32>
      %add3A_329 = arith.addi %get3A_326, %add3A_328 : vector<16xi32>
      %select_n3A_330 = arith.select %lt3A_308, %add3A_320, %broadcast_in_dim3A_3 : vector<16xi1>, vector<16xi32>
      %select_n3A_331 = arith.select %lt3A_308, %add3A_329, %broadcast_in_dim3A_3 : vector<16xi1>, vector<16xi32>
      %add3A_332 = arith.constant 0 : i32
      %add3A_333 = vector.broadcast %add3A_332 : i32 to vector<16xi32>
      %add3A_334 = arith.addi %mul3A_311, %add3A_333 : vector<16xi32>
      %add3A_335 = arith.constant 0 : i32
      %add3A_336 = vector.broadcast %add3A_335 : i32 to vector<16xi32>
      %add3A_337 = arith.addi %select_n3A_330, %add3A_336 : vector<16xi32>
      tpu.vector_store_idx %arg11[%add3A_334], %add3A_337 : memref<18816xi32, #tpu.memory_space<vmem>>[vector<16xi32>], vector<16xi32>,
      %add3A_338 = arith.constant 0 : i32
      %add3A_339 = vector.broadcast %add3A_338 : i32 to vector<16xi32>
      %add3A_340 = arith.addi %mul3A_311, %add3A_339 : vector<16xi32>
      %add3A_341 = arith.constant 0 : i32
      %add3A_342 = vector.broadcast %add3A_341 : i32 to vector<16xi32>
      %add3A_343 = arith.addi %select_n3A_331, %add3A_342 : vector<16xi32>
      tpu.vector_store_idx %arg12[%add3A_340], %add3A_343 : memref<18816xi32, #tpu.memory_space<vmem>>[vector<16xi32>], vector<16xi32>,
      %add3A_344 = arith.constant 1 : i32
      %add3A_345 = vector.broadcast %add3A_344 : i32 to vector<16xi32>
      %add3A_346 = arith.addi %mul3A_311, %add3A_345 : vector<16xi32>
      %add3A_347 = arith.constant 1228800 : i32
      %add3A_348 = vector.broadcast %add3A_347 : i32 to vector<16xi32>
      %add3A_349 = arith.addi %select_n3A_330, %add3A_348 : vector<16xi32>
      tpu.vector_store_idx %arg11[%add3A_346], %add3A_349 : memref<18816xi32, #tpu.memory_space<vmem>>[vector<16xi32>], vector<16xi32>,
      %add3A_350 = arith.constant 1 : i32
      %add3A_351 = vector.broadcast %add3A_350 : i32 to vector<16xi32>
      %add3A_352 = arith.addi %mul3A_311, %add3A_351 : vector<16xi32>
      %add3A_353 = arith.constant 1228800 : i32
      %add3A_354 = vector.broadcast %add3A_353 : i32 to vector<16xi32>
      %add3A_355 = arith.addi %select_n3A_331, %add3A_354 : vector<16xi32>
      tpu.vector_store_idx %arg12[%add3A_352], %add3A_355 : memref<18816xi32, #tpu.memory_space<vmem>>[vector<16xi32>], vector<16xi32>,
      %add3A_356 = arith.constant 2 : i32
      %add3A_357 = vector.broadcast %add3A_356 : i32 to vector<16xi32>
      %add3A_358 = arith.addi %mul3A_311, %add3A_357 : vector<16xi32>
      %add3A_359 = arith.constant 2457600 : i32
      %add3A_360 = vector.broadcast %add3A_359 : i32 to vector<16xi32>
      %add3A_361 = arith.addi %select_n3A_330, %add3A_360 : vector<16xi32>
      tpu.vector_store_idx %arg11[%add3A_358], %add3A_361 : memref<18816xi32, #tpu.memory_space<vmem>>[vector<16xi32>], vector<16xi32>,
      %add3A_362 = arith.constant 2 : i32
      %add3A_363 = vector.broadcast %add3A_362 : i32 to vector<16xi32>
      %add3A_364 = arith.addi %mul3A_311, %add3A_363 : vector<16xi32>
      %add3A_365 = arith.constant 2457600 : i32
      %add3A_366 = vector.broadcast %add3A_365 : i32 to vector<16xi32>
      %add3A_367 = arith.addi %select_n3A_331, %add3A_366 : vector<16xi32>
      tpu.vector_store_idx %arg12[%add3A_364], %add3A_367 : memref<18816xi32, #tpu.memory_space<vmem>>[vector<16xi32>], vector<16xi32>,
      %mul3A_368 = arith.constant 128 : i32
      %mul3A_369 = arith.muli %scan3A_232, %mul3A_368 : i32
      %add3A_370 = arith.constant 32 : i32
      %add3A_371 = arith.addi %mul3A_369, %add3A_370 : i32
      %add3A_372 = vector.broadcast %add3A_371 : i32 to vector<16xi32>
      %add3A_373 = arith.addi %add3A_372, %iota3A : vector<16xi32>
      %lt3A_374 = arith.constant 1250 : i32
      %lt3A_375 = vector.broadcast %lt3A_374 : i32 to vector<16xi32>
      %lt3A_376 = arith.cmpi slt, %add3A_373, %lt3A_375 : vector<16xi32>
      %mul3A_377 = arith.constant 3 : i32
      %mul3A_378 = vector.broadcast %mul3A_377 : i32 to vector<16xi32>
      %mul3A_379 = arith.muli %add3A_373, %mul3A_378 : vector<16xi32>
      %mul3A_380 = arith.constant 128 : i32
      %mul3A_381 = arith.muli %scan3A_232, %mul3A_380 : i32
      %add3A_382 = arith.constant 32 : i32
      %add3A_383 = arith.addi %mul3A_381, %add3A_382 : i32
      %get3A_384 = arith.index_cast %add3A_383 : i32 to index
      %get3A_385 = tpu.vector_load %arg9[%get3A_384] {strides = array<i32>} : memref<6272xi32, #tpu.memory_space<vmem>>, vector<16xi32>,
      %add3A_386 = arith.constant 0 : i32
      %add3A_387 = vector.broadcast %add3A_386 : i32 to vector<16xi32>
      %add3A_388 = arith.addi %get3A_385, %add3A_387 : vector<16xi32>
      %mul3A_389 = arith.constant 128 : i32
      %mul3A_390 = arith.muli %scan3A_232, %mul3A_389 : i32
      %add3A_391 = arith.constant 32 : i32
      %add3A_392 = arith.addi %mul3A_390, %add3A_391 : i32
      %get3A_393 = arith.index_cast %add3A_392 : i32 to index
      %get3A_394 = tpu.vector_load %arg10[%get3A_393] {strides = array<i32>} : memref<6272xi32, #tpu.memory_space<vmem>>, vector<16xi32>,
      %add3A_395 = arith.constant 0 : i32
      %add3A_396 = vector.broadcast %add3A_395 : i32 to vector<16xi32>
      %add3A_397 = arith.addi %get3A_394, %add3A_396 : vector<16xi32>
      %select_n3A_398 = arith.select %lt3A_376, %add3A_388, %broadcast_in_dim3A_3 : vector<16xi1>, vector<16xi32>
      %select_n3A_399 = arith.select %lt3A_376, %add3A_397, %broadcast_in_dim3A_3 : vector<16xi1>, vector<16xi32>
      %add3A_400 = arith.constant 0 : i32
      %add3A_401 = vector.broadcast %add3A_400 : i32 to vector<16xi32>
      %add3A_402 = arith.addi %mul3A_379, %add3A_401 : vector<16xi32>
      %add3A_403 = arith.constant 0 : i32
      %add3A_404 = vector.broadcast %add3A_403 : i32 to vector<16xi32>
      %add3A_405 = arith.addi %select_n3A_398, %add3A_404 : vector<16xi32>
      tpu.vector_store_idx %arg11[%add3A_402], %add3A_405 : memref<18816xi32, #tpu.memory_space<vmem>>[vector<16xi32>], vector<16xi32>,
      %add3A_406 = arith.constant 0 : i32
      %add3A_407 = vector.broadcast %add3A_406 : i32 to vector<16xi32>
      %add3A_408 = arith.addi %mul3A_379, %add3A_407 : vector<16xi32>
      %add3A_409 = arith.constant 0 : i32
      %add3A_410 = vector.broadcast %add3A_409 : i32 to vector<16xi32>
      %add3A_411 = arith.addi %select_n3A_399, %add3A_410 : vector<16xi32>
      tpu.vector_store_idx %arg12[%add3A_408], %add3A_411 : memref<18816xi32, #tpu.memory_space<vmem>>[vector<16xi32>], vector<16xi32>,
      %add3A_412 = arith.constant 1 : i32
      %add3A_413 = vector.broadcast %add3A_412 : i32 to vector<16xi32>
      %add3A_414 = arith.addi %mul3A_379, %add3A_413 : vector<16xi32>
      %add3A_415 = arith.constant 1228800 : i32
      %add3A_416 = vector.broadcast %add3A_415 : i32 to vector<16xi32>
      %add3A_417 = arith.addi %select_n3A_398, %add3A_416 : vector<16xi32>
      tpu.vector_store_idx %arg11[%add3A_414], %add3A_417 : memref<18816xi32, #tpu.memory_space<vmem>>[vector<16xi32>], vector<16xi32>,
      %add3A_418 = arith.constant 1 : i32
      %add3A_419 = vector.broadcast %add3A_418 : i32 to vector<16xi32>
      %add3A_420 = arith.addi %mul3A_379, %add3A_419 : vector<16xi32>
      %add3A_421 = arith.constant 1228800 : i32
      %add3A_422 = vector.broadcast %add3A_421 : i32 to vector<16xi32>
      %add3A_423 = arith.addi %select_n3A_399, %add3A_422 : vector<16xi32>
      tpu.vector_store_idx %arg12[%add3A_420], %add3A_423 : memref<18816xi32, #tpu.memory_space<vmem>>[vector<16xi32>], vector<16xi32>,
      %add3A_424 = arith.constant 2 : i32
      %add3A_425 = vector.broadcast %add3A_424 : i32 to vector<16xi32>
      %add3A_426 = arith.addi %mul3A_379, %add3A_425 : vector<16xi32>
      %add3A_427 = arith.constant 2457600 : i32
      %add3A_428 = vector.broadcast %add3A_427 : i32 to vector<16xi32>
      %add3A_429 = arith.addi %select_n3A_398, %add3A_428 : vector<16xi32>
      tpu.vector_store_idx %arg11[%add3A_426], %add3A_429 : memref<18816xi32, #tpu.memory_space<vmem>>[vector<16xi32>], vector<16xi32>,
      %add3A_430 = arith.constant 2 : i32
      %add3A_431 = vector.broadcast %add3A_430 : i32 to vector<16xi32>
      %add3A_432 = arith.addi %mul3A_379, %add3A_431 : vector<16xi32>
      %add3A_433 = arith.constant 2457600 : i32
      %add3A_434 = vector.broadcast %add3A_433 : i32 to vector<16xi32>
      %add3A_435 = arith.addi %select_n3A_399, %add3A_434 : vector<16xi32>
      tpu.vector_store_idx %arg12[%add3A_432], %add3A_435 : memref<18816xi32, #tpu.memory_space<vmem>>[vector<16xi32>], vector<16xi32>,
      %mul3A_436 = arith.constant 128 : i32
      %mul3A_437 = arith.muli %scan3A_232, %mul3A_436 : i32
      %add3A_438 = arith.constant 48 : i32
      %add3A_439 = arith.addi %mul3A_437, %add3A_438 : i32
      %add3A_440 = vector.broadcast %add3A_439 : i32 to vector<16xi32>
      %add3A_441 = arith.addi %add3A_440, %iota3A : vector<16xi32>
      %lt3A_442 = arith.constant 1250 : i32
      %lt3A_443 = vector.broadcast %lt3A_442 : i32 to vector<16xi32>
      %lt3A_444 = arith.cmpi slt, %add3A_441, %lt3A_443 : vector<16xi32>
      %mul3A_445 = arith.constant 3 : i32
      %mul3A_446 = vector.broadcast %mul3A_445 : i32 to vector<16xi32>
      %mul3A_447 = arith.muli %add3A_441, %mul3A_446 : vector<16xi32>
      %mul3A_448 = arith.constant 128 : i32
      %mul3A_449 = arith.muli %scan3A_232, %mul3A_448 : i32
      %add3A_450 = arith.constant 48 : i32
      %add3A_451 = arith.addi %mul3A_449, %add3A_450 : i32
      %get3A_452 = arith.index_cast %add3A_451 : i32 to index
      %get3A_453 = tpu.vector_load %arg9[%get3A_452] {strides = array<i32>} : memref<6272xi32, #tpu.memory_space<vmem>>, vector<16xi32>,
      %add3A_454 = arith.constant 0 : i32
      %add3A_455 = vector.broadcast %add3A_454 : i32 to vector<16xi32>
      %add3A_456 = arith.addi %get3A_453, %add3A_455 : vector<16xi32>
      %mul3A_457 = arith.constant 128 : i32
      %mul3A_458 = arith.muli %scan3A_232, %mul3A_457 : i32
      %add3A_459 = arith.constant 48 : i32
      %add3A_460 = arith.addi %mul3A_458, %add3A_459 : i32
      %get3A_461 = arith.index_cast %add3A_460 : i32 to index
      %get3A_462 = tpu.vector_load %arg10[%get3A_461] {strides = array<i32>} : memref<6272xi32, #tpu.memory_space<vmem>>, vector<16xi32>,
      %add3A_463 = arith.constant 0 : i32
      %add3A_464 = vector.broadcast %add3A_463 : i32 to vector<16xi32>
      %add3A_465 = arith.addi %get3A_462, %add3A_464 : vector<16xi32>
      %select_n3A_466 = arith.select %lt3A_444, %add3A_456, %broadcast_in_dim3A_3 : vector<16xi1>, vector<16xi32>
      %select_n3A_467 = arith.select %lt3A_444, %add3A_465, %broadcast_in_dim3A_3 : vector<16xi1>, vector<16xi32>
      %add3A_468 = arith.constant 0 : i32
      %add3A_469 = vector.broadcast %add3A_468 : i32 to vector<16xi32>
      %add3A_470 = arith.addi %mul3A_447, %add3A_469 : vector<16xi32>
      %add3A_471 = arith.constant 0 : i32
      %add3A_472 = vector.broadcast %add3A_471 : i32 to vector<16xi32>
      %add3A_473 = arith.addi %select_n3A_466, %add3A_472 : vector<16xi32>
      tpu.vector_store_idx %arg11[%add3A_470], %add3A_473 : memref<18816xi32, #tpu.memory_space<vmem>>[vector<16xi32>], vector<16xi32>,
      %add3A_474 = arith.constant 0 : i32
      %add3A_475 = vector.broadcast %add3A_474 : i32 to vector<16xi32>
      %add3A_476 = arith.addi %mul3A_447, %add3A_475 : vector<16xi32>
      %add3A_477 = arith.constant 0 : i32
      %add3A_478 = vector.broadcast %add3A_477 : i32 to vector<16xi32>
      %add3A_479 = arith.addi %select_n3A_467, %add3A_478 : vector<16xi32>
      tpu.vector_store_idx %arg12[%add3A_476], %add3A_479 : memref<18816xi32, #tpu.memory_space<vmem>>[vector<16xi32>], vector<16xi32>,
      %add3A_480 = arith.constant 1 : i32
      %add3A_481 = vector.broadcast %add3A_480 : i32 to vector<16xi32>
      %add3A_482 = arith.addi %mul3A_447, %add3A_481 : vector<16xi32>
      %add3A_483 = arith.constant 1228800 : i32
      %add3A_484 = vector.broadcast %add3A_483 : i32 to vector<16xi32>
      %add3A_485 = arith.addi %select_n3A_466, %add3A_484 : vector<16xi32>
      tpu.vector_store_idx %arg11[%add3A_482], %add3A_485 : memref<18816xi32, #tpu.memory_space<vmem>>[vector<16xi32>], vector<16xi32>,
      %add3A_486 = arith.constant 1 : i32
      %add3A_487 = vector.broadcast %add3A_486 : i32 to vector<16xi32>
      %add3A_488 = arith.addi %mul3A_447, %add3A_487 : vector<16xi32>
      %add3A_489 = arith.constant 1228800 : i32
      %add3A_490 = vector.broadcast %add3A_489 : i32 to vector<16xi32>
      %add3A_491 = arith.addi %select_n3A_467, %add3A_490 : vector<16xi32>
      tpu.vector_store_idx %arg12[%add3A_488], %add3A_491 : memref<18816xi32, #tpu.memory_space<vmem>>[vector<16xi32>], vector<16xi32>,
      %add3A_492 = arith.constant 2 : i32
      %add3A_493 = vector.broadcast %add3A_492 : i32 to vector<16xi32>
      %add3A_494 = arith.addi %mul3A_447, %add3A_493 : vector<16xi32>
      %add3A_495 = arith.constant 2457600 : i32
      %add3A_496 = vector.broadcast %add3A_495 : i32 to vector<16xi32>
      %add3A_497 = arith.addi %select_n3A_466, %add3A_496 : vector<16xi32>
      tpu.vector_store_idx %arg11[%add3A_494], %add3A_497 : memref<18816xi32, #tpu.memory_space<vmem>>[vector<16xi32>], vector<16xi32>,
      %add3A_498 = arith.constant 2 : i32
      %add3A_499 = vector.broadcast %add3A_498 : i32 to vector<16xi32>
      %add3A_500 = arith.addi %mul3A_447, %add3A_499 : vector<16xi32>
      %add3A_501 = arith.constant 2457600 : i32
      %add3A_502 = vector.broadcast %add3A_501 : i32 to vector<16xi32>
      %add3A_503 = arith.addi %select_n3A_467, %add3A_502 : vector<16xi32>
      tpu.vector_store_idx %arg12[%add3A_500], %add3A_503 : memref<18816xi32, #tpu.memory_space<vmem>>[vector<16xi32>], vector<16xi32>,
      %mul3A_504 = arith.constant 128 : i32
      %mul3A_505 = arith.muli %scan3A_232, %mul3A_504 : i32
      %add3A_506 = arith.constant 64 : i32
      %add3A_507 = arith.addi %mul3A_505, %add3A_506 : i32
      %add3A_508 = vector.broadcast %add3A_507 : i32 to vector<16xi32>
      %add3A_509 = arith.addi %add3A_508, %iota3A : vector<16xi32>
      %lt3A_510 = arith.constant 1250 : i32
      %lt3A_511 = vector.broadcast %lt3A_510 : i32 to vector<16xi32>
      %lt3A_512 = arith.cmpi slt, %add3A_509, %lt3A_511 : vector<16xi32>
      %mul3A_513 = arith.constant 3 : i32
      %mul3A_514 = vector.broadcast %mul3A_513 : i32 to vector<16xi32>
      %mul3A_515 = arith.muli %add3A_509, %mul3A_514 : vector<16xi32>
      %mul3A_516 = arith.constant 128 : i32
      %mul3A_517 = arith.muli %scan3A_232, %mul3A_516 : i32
      %add3A_518 = arith.constant 64 : i32
      %add3A_519 = arith.addi %mul3A_517, %add3A_518 : i32
      %get3A_520 = arith.index_cast %add3A_519 : i32 to index
      %get3A_521 = tpu.vector_load %arg9[%get3A_520] {strides = array<i32>} : memref<6272xi32, #tpu.memory_space<vmem>>, vector<16xi32>,
      %add3A_522 = arith.constant 0 : i32
      %add3A_523 = vector.broadcast %add3A_522 : i32 to vector<16xi32>
      %add3A_524 = arith.addi %get3A_521, %add3A_523 : vector<16xi32>
      %mul3A_525 = arith.constant 128 : i32
      %mul3A_526 = arith.muli %scan3A_232, %mul3A_525 : i32
      %add3A_527 = arith.constant 64 : i32
      %add3A_528 = arith.addi %mul3A_526, %add3A_527 : i32
      %get3A_529 = arith.index_cast %add3A_528 : i32 to index
      %get3A_530 = tpu.vector_load %arg10[%get3A_529] {strides = array<i32>} : memref<6272xi32, #tpu.memory_space<vmem>>, vector<16xi32>,
      %add3A_531 = arith.constant 0 : i32
      %add3A_532 = vector.broadcast %add3A_531 : i32 to vector<16xi32>
      %add3A_533 = arith.addi %get3A_530, %add3A_532 : vector<16xi32>
      %select_n3A_534 = arith.select %lt3A_512, %add3A_524, %broadcast_in_dim3A_3 : vector<16xi1>, vector<16xi32>
      %select_n3A_535 = arith.select %lt3A_512, %add3A_533, %broadcast_in_dim3A_3 : vector<16xi1>, vector<16xi32>
      %add3A_536 = arith.constant 0 : i32
      %add3A_537 = vector.broadcast %add3A_536 : i32 to vector<16xi32>
      %add3A_538 = arith.addi %mul3A_515, %add3A_537 : vector<16xi32>
      %add3A_539 = arith.constant 0 : i32
      %add3A_540 = vector.broadcast %add3A_539 : i32 to vector<16xi32>
      %add3A_541 = arith.addi %select_n3A_534, %add3A_540 : vector<16xi32>
      tpu.vector_store_idx %arg11[%add3A_538], %add3A_541 : memref<18816xi32, #tpu.memory_space<vmem>>[vector<16xi32>], vector<16xi32>,
      %add3A_542 = arith.constant 0 : i32
      %add3A_543 = vector.broadcast %add3A_542 : i32 to vector<16xi32>
      %add3A_544 = arith.addi %mul3A_515, %add3A_543 : vector<16xi32>
      %add3A_545 = arith.constant 0 : i32
      %add3A_546 = vector.broadcast %add3A_545 : i32 to vector<16xi32>
      %add3A_547 = arith.addi %select_n3A_535, %add3A_546 : vector<16xi32>
      tpu.vector_store_idx %arg12[%add3A_544], %add3A_547 : memref<18816xi32, #tpu.memory_space<vmem>>[vector<16xi32>], vector<16xi32>,
      %add3A_548 = arith.constant 1 : i32
      %add3A_549 = vector.broadcast %add3A_548 : i32 to vector<16xi32>
      %add3A_550 = arith.addi %mul3A_515, %add3A_549 : vector<16xi32>
      %add3A_551 = arith.constant 1228800 : i32
      %add3A_552 = vector.broadcast %add3A_551 : i32 to vector<16xi32>
      %add3A_553 = arith.addi %select_n3A_534, %add3A_552 : vector<16xi32>
      tpu.vector_store_idx %arg11[%add3A_550], %add3A_553 : memref<18816xi32, #tpu.memory_space<vmem>>[vector<16xi32>], vector<16xi32>,
      %add3A_554 = arith.constant 1 : i32
      %add3A_555 = vector.broadcast %add3A_554 : i32 to vector<16xi32>
      %add3A_556 = arith.addi %mul3A_515, %add3A_555 : vector<16xi32>
      %add3A_557 = arith.constant 1228800 : i32
      %add3A_558 = vector.broadcast %add3A_557 : i32 to vector<16xi32>
      %add3A_559 = arith.addi %select_n3A_535, %add3A_558 : vector<16xi32>
      tpu.vector_store_idx %arg12[%add3A_556], %add3A_559 : memref<18816xi32, #tpu.memory_space<vmem>>[vector<16xi32>], vector<16xi32>,
      %add3A_560 = arith.constant 2 : i32
      %add3A_561 = vector.broadcast %add3A_560 : i32 to vector<16xi32>
      %add3A_562 = arith.addi %mul3A_515, %add3A_561 : vector<16xi32>
      %add3A_563 = arith.constant 2457600 : i32
      %add3A_564 = vector.broadcast %add3A_563 : i32 to vector<16xi32>
      %add3A_565 = arith.addi %select_n3A_534, %add3A_564 : vector<16xi32>
      tpu.vector_store_idx %arg11[%add3A_562], %add3A_565 : memref<18816xi32, #tpu.memory_space<vmem>>[vector<16xi32>], vector<16xi32>,
      %add3A_566 = arith.constant 2 : i32
      %add3A_567 = vector.broadcast %add3A_566 : i32 to vector<16xi32>
      %add3A_568 = arith.addi %mul3A_515, %add3A_567 : vector<16xi32>
      %add3A_569 = arith.constant 2457600 : i32
      %add3A_570 = vector.broadcast %add3A_569 : i32 to vector<16xi32>
      %add3A_571 = arith.addi %select_n3A_535, %add3A_570 : vector<16xi32>
      tpu.vector_store_idx %arg12[%add3A_568], %add3A_571 : memref<18816xi32, #tpu.memory_space<vmem>>[vector<16xi32>], vector<16xi32>,
      %mul3A_572 = arith.constant 128 : i32
      %mul3A_573 = arith.muli %scan3A_232, %mul3A_572 : i32
      %add3A_574 = arith.constant 80 : i32
      %add3A_575 = arith.addi %mul3A_573, %add3A_574 : i32
      %add3A_576 = vector.broadcast %add3A_575 : i32 to vector<16xi32>
      %add3A_577 = arith.addi %add3A_576, %iota3A : vector<16xi32>
      %lt3A_578 = arith.constant 1250 : i32
      %lt3A_579 = vector.broadcast %lt3A_578 : i32 to vector<16xi32>
      %lt3A_580 = arith.cmpi slt, %add3A_577, %lt3A_579 : vector<16xi32>
      %mul3A_581 = arith.constant 3 : i32
      %mul3A_582 = vector.broadcast %mul3A_581 : i32 to vector<16xi32>
      %mul3A_583 = arith.muli %add3A_577, %mul3A_582 : vector<16xi32>
      %mul3A_584 = arith.constant 128 : i32
      %mul3A_585 = arith.muli %scan3A_232, %mul3A_584 : i32
      %add3A_586 = arith.constant 80 : i32
      %add3A_587 = arith.addi %mul3A_585, %add3A_586 : i32
      %get3A_588 = arith.index_cast %add3A_587 : i32 to index
      %get3A_589 = tpu.vector_load %arg9[%get3A_588] {strides = array<i32>} : memref<6272xi32, #tpu.memory_space<vmem>>, vector<16xi32>,
      %add3A_590 = arith.constant 0 : i32
      %add3A_591 = vector.broadcast %add3A_590 : i32 to vector<16xi32>
      %add3A_592 = arith.addi %get3A_589, %add3A_591 : vector<16xi32>
      %mul3A_593 = arith.constant 128 : i32
      %mul3A_594 = arith.muli %scan3A_232, %mul3A_593 : i32
      %add3A_595 = arith.constant 80 : i32
      %add3A_596 = arith.addi %mul3A_594, %add3A_595 : i32
      %get3A_597 = arith.index_cast %add3A_596 : i32 to index
      %get3A_598 = tpu.vector_load %arg10[%get3A_597] {strides = array<i32>} : memref<6272xi32, #tpu.memory_space<vmem>>, vector<16xi32>,
      %add3A_599 = arith.constant 0 : i32
      %add3A_600 = vector.broadcast %add3A_599 : i32 to vector<16xi32>
      %add3A_601 = arith.addi %get3A_598, %add3A_600 : vector<16xi32>
      %select_n3A_602 = arith.select %lt3A_580, %add3A_592, %broadcast_in_dim3A_3 : vector<16xi1>, vector<16xi32>
      %select_n3A_603 = arith.select %lt3A_580, %add3A_601, %broadcast_in_dim3A_3 : vector<16xi1>, vector<16xi32>
      %add3A_604 = arith.constant 0 : i32
      %add3A_605 = vector.broadcast %add3A_604 : i32 to vector<16xi32>
      %add3A_606 = arith.addi %mul3A_583, %add3A_605 : vector<16xi32>
      %add3A_607 = arith.constant 0 : i32
      %add3A_608 = vector.broadcast %add3A_607 : i32 to vector<16xi32>
      %add3A_609 = arith.addi %select_n3A_602, %add3A_608 : vector<16xi32>
      tpu.vector_store_idx %arg11[%add3A_606], %add3A_609 : memref<18816xi32, #tpu.memory_space<vmem>>[vector<16xi32>], vector<16xi32>,
      %add3A_610 = arith.constant 0 : i32
      %add3A_611 = vector.broadcast %add3A_610 : i32 to vector<16xi32>
      %add3A_612 = arith.addi %mul3A_583, %add3A_611 : vector<16xi32>
      %add3A_613 = arith.constant 0 : i32
      %add3A_614 = vector.broadcast %add3A_613 : i32 to vector<16xi32>
      %add3A_615 = arith.addi %select_n3A_603, %add3A_614 : vector<16xi32>
      tpu.vector_store_idx %arg12[%add3A_612], %add3A_615 : memref<18816xi32, #tpu.memory_space<vmem>>[vector<16xi32>], vector<16xi32>,
      %add3A_616 = arith.constant 1 : i32
      %add3A_617 = vector.broadcast %add3A_616 : i32 to vector<16xi32>
      %add3A_618 = arith.addi %mul3A_583, %add3A_617 : vector<16xi32>
      %add3A_619 = arith.constant 1228800 : i32
      %add3A_620 = vector.broadcast %add3A_619 : i32 to vector<16xi32>
      %add3A_621 = arith.addi %select_n3A_602, %add3A_620 : vector<16xi32>
      tpu.vector_store_idx %arg11[%add3A_618], %add3A_621 : memref<18816xi32, #tpu.memory_space<vmem>>[vector<16xi32>], vector<16xi32>,
      %add3A_622 = arith.constant 1 : i32
      %add3A_623 = vector.broadcast %add3A_622 : i32 to vector<16xi32>
      %add3A_624 = arith.addi %mul3A_583, %add3A_623 : vector<16xi32>
      %add3A_625 = arith.constant 1228800 : i32
      %add3A_626 = vector.broadcast %add3A_625 : i32 to vector<16xi32>
      %add3A_627 = arith.addi %select_n3A_603, %add3A_626 : vector<16xi32>
      tpu.vector_store_idx %arg12[%add3A_624], %add3A_627 : memref<18816xi32, #tpu.memory_space<vmem>>[vector<16xi32>], vector<16xi32>,
      %add3A_628 = arith.constant 2 : i32
      %add3A_629 = vector.broadcast %add3A_628 : i32 to vector<16xi32>
      %add3A_630 = arith.addi %mul3A_583, %add3A_629 : vector<16xi32>
      %add3A_631 = arith.constant 2457600 : i32
      %add3A_632 = vector.broadcast %add3A_631 : i32 to vector<16xi32>
      %add3A_633 = arith.addi %select_n3A_602, %add3A_632 : vector<16xi32>
      tpu.vector_store_idx %arg11[%add3A_630], %add3A_633 : memref<18816xi32, #tpu.memory_space<vmem>>[vector<16xi32>], vector<16xi32>,
      %add3A_634 = arith.constant 2 : i32
      %add3A_635 = vector.broadcast %add3A_634 : i32 to vector<16xi32>
      %add3A_636 = arith.addi %mul3A_583, %add3A_635 : vector<16xi32>
      %add3A_637 = arith.constant 2457600 : i32
      %add3A_638 = vector.broadcast %add3A_637 : i32 to vector<16xi32>
      %add3A_639 = arith.addi %select_n3A_603, %add3A_638 : vector<16xi32>
      tpu.vector_store_idx %arg12[%add3A_636], %add3A_639 : memref<18816xi32, #tpu.memory_space<vmem>>[vector<16xi32>], vector<16xi32>,
      %mul3A_640 = arith.constant 128 : i32
      %mul3A_641 = arith.muli %scan3A_232, %mul3A_640 : i32
      %add3A_642 = arith.constant 96 : i32
      %add3A_643 = arith.addi %mul3A_641, %add3A_642 : i32
      %add3A_644 = vector.broadcast %add3A_643 : i32 to vector<16xi32>
      %add3A_645 = arith.addi %add3A_644, %iota3A : vector<16xi32>
      %lt3A_646 = arith.constant 1250 : i32
      %lt3A_647 = vector.broadcast %lt3A_646 : i32 to vector<16xi32>
      %lt3A_648 = arith.cmpi slt, %add3A_645, %lt3A_647 : vector<16xi32>
      %mul3A_649 = arith.constant 3 : i32
      %mul3A_650 = vector.broadcast %mul3A_649 : i32 to vector<16xi32>
      %mul3A_651 = arith.muli %add3A_645, %mul3A_650 : vector<16xi32>
      %mul3A_652 = arith.constant 128 : i32
      %mul3A_653 = arith.muli %scan3A_232, %mul3A_652 : i32
      %add3A_654 = arith.constant 96 : i32
      %add3A_655 = arith.addi %mul3A_653, %add3A_654 : i32
      %get3A_656 = arith.index_cast %add3A_655 : i32 to index
      %get3A_657 = tpu.vector_load %arg9[%get3A_656] {strides = array<i32>} : memref<6272xi32, #tpu.memory_space<vmem>>, vector<16xi32>,
      %add3A_658 = arith.constant 0 : i32
      %add3A_659 = vector.broadcast %add3A_658 : i32 to vector<16xi32>
      %add3A_660 = arith.addi %get3A_657, %add3A_659 : vector<16xi32>
      %mul3A_661 = arith.constant 128 : i32
      %mul3A_662 = arith.muli %scan3A_232, %mul3A_661 : i32
      %add3A_663 = arith.constant 96 : i32
      %add3A_664 = arith.addi %mul3A_662, %add3A_663 : i32
      %get3A_665 = arith.index_cast %add3A_664 : i32 to index
      %get3A_666 = tpu.vector_load %arg10[%get3A_665] {strides = array<i32>} : memref<6272xi32, #tpu.memory_space<vmem>>, vector<16xi32>,
      %add3A_667 = arith.constant 0 : i32
      %add3A_668 = vector.broadcast %add3A_667 : i32 to vector<16xi32>
      %add3A_669 = arith.addi %get3A_666, %add3A_668 : vector<16xi32>
      %select_n3A_670 = arith.select %lt3A_648, %add3A_660, %broadcast_in_dim3A_3 : vector<16xi1>, vector<16xi32>
      %select_n3A_671 = arith.select %lt3A_648, %add3A_669, %broadcast_in_dim3A_3 : vector<16xi1>, vector<16xi32>
      %add3A_672 = arith.constant 0 : i32
      %add3A_673 = vector.broadcast %add3A_672 : i32 to vector<16xi32>
      %add3A_674 = arith.addi %mul3A_651, %add3A_673 : vector<16xi32>
      %add3A_675 = arith.constant 0 : i32
      %add3A_676 = vector.broadcast %add3A_675 : i32 to vector<16xi32>
      %add3A_677 = arith.addi %select_n3A_670, %add3A_676 : vector<16xi32>
      tpu.vector_store_idx %arg11[%add3A_674], %add3A_677 : memref<18816xi32, #tpu.memory_space<vmem>>[vector<16xi32>], vector<16xi32>,
      %add3A_678 = arith.constant 0 : i32
      %add3A_679 = vector.broadcast %add3A_678 : i32 to vector<16xi32>
      %add3A_680 = arith.addi %mul3A_651, %add3A_679 : vector<16xi32>
      %add3A_681 = arith.constant 0 : i32
      %add3A_682 = vector.broadcast %add3A_681 : i32 to vector<16xi32>
      %add3A_683 = arith.addi %select_n3A_671, %add3A_682 : vector<16xi32>
      tpu.vector_store_idx %arg12[%add3A_680], %add3A_683 : memref<18816xi32, #tpu.memory_space<vmem>>[vector<16xi32>], vector<16xi32>,
      %add3A_684 = arith.constant 1 : i32
      %add3A_685 = vector.broadcast %add3A_684 : i32 to vector<16xi32>
      %add3A_686 = arith.addi %mul3A_651, %add3A_685 : vector<16xi32>
      %add3A_687 = arith.constant 1228800 : i32
      %add3A_688 = vector.broadcast %add3A_687 : i32 to vector<16xi32>
      %add3A_689 = arith.addi %select_n3A_670, %add3A_688 : vector<16xi32>
      tpu.vector_store_idx %arg11[%add3A_686], %add3A_689 : memref<18816xi32, #tpu.memory_space<vmem>>[vector<16xi32>], vector<16xi32>,
      %add3A_690 = arith.constant 1 : i32
      %add3A_691 = vector.broadcast %add3A_690 : i32 to vector<16xi32>
      %add3A_692 = arith.addi %mul3A_651, %add3A_691 : vector<16xi32>
      %add3A_693 = arith.constant 1228800 : i32
      %add3A_694 = vector.broadcast %add3A_693 : i32 to vector<16xi32>
      %add3A_695 = arith.addi %select_n3A_671, %add3A_694 : vector<16xi32>
      tpu.vector_store_idx %arg12[%add3A_692], %add3A_695 : memref<18816xi32, #tpu.memory_space<vmem>>[vector<16xi32>], vector<16xi32>,
      %add3A_696 = arith.constant 2 : i32
      %add3A_697 = vector.broadcast %add3A_696 : i32 to vector<16xi32>
      %add3A_698 = arith.addi %mul3A_651, %add3A_697 : vector<16xi32>
      %add3A_699 = arith.constant 2457600 : i32
      %add3A_700 = vector.broadcast %add3A_699 : i32 to vector<16xi32>
      %add3A_701 = arith.addi %select_n3A_670, %add3A_700 : vector<16xi32>
      tpu.vector_store_idx %arg11[%add3A_698], %add3A_701 : memref<18816xi32, #tpu.memory_space<vmem>>[vector<16xi32>], vector<16xi32>,
      %add3A_702 = arith.constant 2 : i32
      %add3A_703 = vector.broadcast %add3A_702 : i32 to vector<16xi32>
      %add3A_704 = arith.addi %mul3A_651, %add3A_703 : vector<16xi32>
      %add3A_705 = arith.constant 2457600 : i32
      %add3A_706 = vector.broadcast %add3A_705 : i32 to vector<16xi32>
      %add3A_707 = arith.addi %select_n3A_671, %add3A_706 : vector<16xi32>
      tpu.vector_store_idx %arg12[%add3A_704], %add3A_707 : memref<18816xi32, #tpu.memory_space<vmem>>[vector<16xi32>], vector<16xi32>,
      %mul3A_708 = arith.constant 128 : i32
      %mul3A_709 = arith.muli %scan3A_232, %mul3A_708 : i32
      %add3A_710 = arith.constant 112 : i32
      %add3A_711 = arith.addi %mul3A_709, %add3A_710 : i32
      %add3A_712 = vector.broadcast %add3A_711 : i32 to vector<16xi32>
      %add3A_713 = arith.addi %add3A_712, %iota3A : vector<16xi32>
      %lt3A_714 = arith.constant 1250 : i32
      %lt3A_715 = vector.broadcast %lt3A_714 : i32 to vector<16xi32>
      %lt3A_716 = arith.cmpi slt, %add3A_713, %lt3A_715 : vector<16xi32>
      %mul3A_717 = arith.constant 3 : i32
      %mul3A_718 = vector.broadcast %mul3A_717 : i32 to vector<16xi32>
      %mul3A_719 = arith.muli %add3A_713, %mul3A_718 : vector<16xi32>
      %mul3A_720 = arith.constant 128 : i32
      %mul3A_721 = arith.muli %scan3A_232, %mul3A_720 : i32
      %add3A_722 = arith.constant 112 : i32
      %add3A_723 = arith.addi %mul3A_721, %add3A_722 : i32
      %get3A_724 = arith.index_cast %add3A_723 : i32 to index
      %get3A_725 = tpu.vector_load %arg9[%get3A_724] {strides = array<i32>} : memref<6272xi32, #tpu.memory_space<vmem>>, vector<16xi32>,
      %add3A_726 = arith.constant 0 : i32
      %add3A_727 = vector.broadcast %add3A_726 : i32 to vector<16xi32>
      %add3A_728 = arith.addi %get3A_725, %add3A_727 : vector<16xi32>
      %mul3A_729 = arith.constant 128 : i32
      %mul3A_730 = arith.muli %scan3A_232, %mul3A_729 : i32
      %add3A_731 = arith.constant 112 : i32
      %add3A_732 = arith.addi %mul3A_730, %add3A_731 : i32
      %get3A_733 = arith.index_cast %add3A_732 : i32 to index
      %get3A_734 = tpu.vector_load %arg10[%get3A_733] {strides = array<i32>} : memref<6272xi32, #tpu.memory_space<vmem>>, vector<16xi32>,
      %add3A_735 = arith.constant 0 : i32
      %add3A_736 = vector.broadcast %add3A_735 : i32 to vector<16xi32>
      %add3A_737 = arith.addi %get3A_734, %add3A_736 : vector<16xi32>
      %select_n3A_738 = arith.select %lt3A_716, %add3A_728, %broadcast_in_dim3A_3 : vector<16xi1>, vector<16xi32>
      %select_n3A_739 = arith.select %lt3A_716, %add3A_737, %broadcast_in_dim3A_3 : vector<16xi1>, vector<16xi32>
      %add3A_740 = arith.constant 0 : i32
      %add3A_741 = vector.broadcast %add3A_740 : i32 to vector<16xi32>
      %add3A_742 = arith.addi %mul3A_719, %add3A_741 : vector<16xi32>
      %add3A_743 = arith.constant 0 : i32
      %add3A_744 = vector.broadcast %add3A_743 : i32 to vector<16xi32>
      %add3A_745 = arith.addi %select_n3A_738, %add3A_744 : vector<16xi32>
      tpu.vector_store_idx %arg11[%add3A_742], %add3A_745 : memref<18816xi32, #tpu.memory_space<vmem>>[vector<16xi32>], vector<16xi32>,
      %add3A_746 = arith.constant 0 : i32
      %add3A_747 = vector.broadcast %add3A_746 : i32 to vector<16xi32>
      %add3A_748 = arith.addi %mul3A_719, %add3A_747 : vector<16xi32>
      %add3A_749 = arith.constant 0 : i32
      %add3A_750 = vector.broadcast %add3A_749 : i32 to vector<16xi32>
      %add3A_751 = arith.addi %select_n3A_739, %add3A_750 : vector<16xi32>
      tpu.vector_store_idx %arg12[%add3A_748], %add3A_751 : memref<18816xi32, #tpu.memory_space<vmem>>[vector<16xi32>], vector<16xi32>,
      %add3A_752 = arith.constant 1 : i32
      %add3A_753 = vector.broadcast %add3A_752 : i32 to vector<16xi32>
      %add3A_754 = arith.addi %mul3A_719, %add3A_753 : vector<16xi32>
      %add3A_755 = arith.constant 1228800 : i32
      %add3A_756 = vector.broadcast %add3A_755 : i32 to vector<16xi32>
      %add3A_757 = arith.addi %select_n3A_738, %add3A_756 : vector<16xi32>
      tpu.vector_store_idx %arg11[%add3A_754], %add3A_757 : memref<18816xi32, #tpu.memory_space<vmem>>[vector<16xi32>], vector<16xi32>,
      %add3A_758 = arith.constant 1 : i32
      %add3A_759 = vector.broadcast %add3A_758 : i32 to vector<16xi32>
      %add3A_760 = arith.addi %mul3A_719, %add3A_759 : vector<16xi32>
      %add3A_761 = arith.constant 1228800 : i32
      %add3A_762 = vector.broadcast %add3A_761 : i32 to vector<16xi32>
      %add3A_763 = arith.addi %select_n3A_739, %add3A_762 : vector<16xi32>
      tpu.vector_store_idx %arg12[%add3A_760], %add3A_763 : memref<18816xi32, #tpu.memory_space<vmem>>[vector<16xi32>], vector<16xi32>,
      %add3A_764 = arith.constant 2 : i32
      %add3A_765 = vector.broadcast %add3A_764 : i32 to vector<16xi32>
      %add3A_766 = arith.addi %mul3A_719, %add3A_765 : vector<16xi32>
      %add3A_767 = arith.constant 2457600 : i32
      %add3A_768 = vector.broadcast %add3A_767 : i32 to vector<16xi32>
      %add3A_769 = arith.addi %select_n3A_738, %add3A_768 : vector<16xi32>
      tpu.vector_store_idx %arg11[%add3A_766], %add3A_769 : memref<18816xi32, #tpu.memory_space<vmem>>[vector<16xi32>], vector<16xi32>,
      %add3A_770 = arith.constant 2 : i32
      %add3A_771 = vector.broadcast %add3A_770 : i32 to vector<16xi32>
      %add3A_772 = arith.addi %mul3A_719, %add3A_771 : vector<16xi32>
      %add3A_773 = arith.constant 2457600 : i32
      %add3A_774 = vector.broadcast %add3A_773 : i32 to vector<16xi32>
      %add3A_775 = arith.addi %select_n3A_739, %add3A_774 : vector<16xi32>
      tpu.vector_store_idx %arg12[%add3A_772], %add3A_775 : memref<18816xi32, #tpu.memory_space<vmem>>[vector<16xi32>], vector<16xi32>,
      %mul3A_776 = arith.constant 3 : i32
      %mul3A_777 = arith.muli %mul3A_776, %scan3A_232 : i32
      %add3A_778 = arith.constant 0 : i32
      %add3A_779 = arith.addi %mul3A_777, %add3A_778 : i32
      %mul3A_780 = arith.constant 128 : i32
      %mul3A_781 = arith.muli %add3A_779, %mul3A_780 : i32
      %dma_start3A = arith.constant 0 : i32
      %dma_start3A_782 = tpu.memref_slice %arg13[%dma_start3A] : memref<384xf32, #tpu.memory_space<vmem>> -> memref<128xf32, #tpu.memory_space<vmem>>
      %dma_start3A_783 = tpu.memref_slice %arg11[%mul3A_781] : memref<18816xi32, #tpu.memory_space<vmem>> -> memref<128xi32, #tpu.memory_space<vmem>>
      %dma_start3A_784 = arith.constant 0 : i32
      %dma_start3A_785 = tpu.memref_slice %arg2[%dma_start3A_784] : memref<3686400xf32, #tpu.memory_space<hbm>> -> memref<3686400xf32, #tpu.memory_space<hbm>>
      tpu.enqueue_indirect_dma source(%dma_start3A_785 : memref<3686400xf32, #tpu.memory_space<hbm>>) target(%dma_start3A_782 : memref<128xf32, #tpu.memory_space<vmem>>) offsets(%dma_start3A_783 : memref<128xi32, #tpu.memory_space<vmem>>) semaphore(%arg20 : memref<!tpu.dma_semaphore, #tpu.memory_space<semaphore_mem>>)
      %mul3A_786 = arith.constant 3 : i32
      %mul3A_787 = arith.muli %mul3A_786, %scan3A_232 : i32
      %add3A_788 = arith.constant 0 : i32
      %add3A_789 = arith.addi %mul3A_787, %add3A_788 : i32
      %mul3A_790 = arith.constant 128 : i32
      %mul3A_791 = arith.muli %add3A_789, %mul3A_790 : i32
      %dma_start3A_792 = arith.constant 0 : i32
      %dma_start3A_793 = tpu.memref_slice %arg14[%dma_start3A_792] : memref<384xf32, #tpu.memory_space<vmem>> -> memref<128xf32, #tpu.memory_space<vmem>>
      %dma_start3A_794 = tpu.memref_slice %arg12[%mul3A_791] : memref<18816xi32, #tpu.memory_space<vmem>> -> memref<128xi32, #tpu.memory_space<vmem>>
      %dma_start3A_795 = arith.constant 0 : i32
      %dma_start3A_796 = tpu.memref_slice %arg3[%dma_start3A_795] : memref<3686400xf32, #tpu.memory_space<hbm>> -> memref<3686400xf32, #tpu.memory_space<hbm>>
      tpu.enqueue_indirect_dma source(%dma_start3A_796 : memref<3686400xf32, #tpu.memory_space<hbm>>) target(%dma_start3A_793 : memref<128xf32, #tpu.memory_space<vmem>>) offsets(%dma_start3A_794 : memref<128xi32, #tpu.memory_space<vmem>>) semaphore(%arg21 : memref<!tpu.dma_semaphore, #tpu.memory_space<semaphore_mem>>)
      %mul3A_797 = arith.constant 3 : i32
      %mul3A_798 = arith.muli %mul3A_797, %scan3A_232 : i32
      %add3A_799 = arith.constant 1 : i32
      %add3A_800 = arith.addi %mul3A_798, %add3A_799 : i32
      %mul3A_801 = arith.constant 128 : i32
      %mul3A_802 = arith.muli %add3A_800, %mul3A_801 : i32
      %dma_start3A_803 = arith.constant 128 : i32
      %dma_start3A_804 = tpu.memref_slice %arg13[%dma_start3A_803] : memref<384xf32, #tpu.memory_space<vmem>> -> memref<128xf32, #tpu.memory_space<vmem>>
      %dma_start3A_805 = tpu.memref_slice %arg11[%mul3A_802] : memref<18816xi32, #tpu.memory_space<vmem>> -> memref<128xi32, #tpu.memory_space<vmem>>
      %dma_start3A_806 = arith.constant 0 : i32
      %dma_start3A_807 = tpu.memref_slice %arg2[%dma_start3A_806] : memref<3686400xf32, #tpu.memory_space<hbm>> -> memref<3686400xf32, #tpu.memory_space<hbm>>
      tpu.enqueue_indirect_dma source(%dma_start3A_807 : memref<3686400xf32, #tpu.memory_space<hbm>>) target(%dma_start3A_804 : memref<128xf32, #tpu.memory_space<vmem>>) offsets(%dma_start3A_805 : memref<128xi32, #tpu.memory_space<vmem>>) semaphore(%arg20 : memref<!tpu.dma_semaphore, #tpu.memory_space<semaphore_mem>>)
      %mul3A_808 = arith.constant 3 : i32
      %mul3A_809 = arith.muli %mul3A_808, %scan3A_232 : i32
      %add3A_810 = arith.constant 1 : i32
      %add3A_811 = arith.addi %mul3A_809, %add3A_810 : i32
      %mul3A_812 = arith.constant 128 : i32
      %mul3A_813 = arith.muli %add3A_811, %mul3A_812 : i32
      %dma_start3A_814 = arith.constant 128 : i32
      %dma_start3A_815 = tpu.memref_slice %arg14[%dma_start3A_814] : memref<384xf32, #tpu.memory_space<vmem>> -> memref<128xf32, #tpu.memory_space<vmem>>
      %dma_start3A_816 = tpu.memref_slice %arg12[%mul3A_813] : memref<18816xi32, #tpu.memory_space<vmem>> -> memref<128xi32, #tpu.memory_space<vmem>>
      %dma_start3A_817 = arith.constant 0 : i32
      %dma_start3A_818 = tpu.memref_slice %arg3[%dma_start3A_817] : memref<3686400xf32, #tpu.memory_space<hbm>> -> memref<3686400xf32, #tpu.memory_space<hbm>>
      tpu.enqueue_indirect_dma source(%dma_start3A_818 : memref<3686400xf32, #tpu.memory_space<hbm>>) target(%dma_start3A_815 : memref<128xf32, #tpu.memory_space<vmem>>) offsets(%dma_start3A_816 : memref<128xi32, #tpu.memory_space<vmem>>) semaphore(%arg21 : memref<!tpu.dma_semaphore, #tpu.memory_space<semaphore_mem>>)
      %mul3A_819 = arith.constant 3 : i32
      %mul3A_820 = arith.muli %mul3A_819, %scan3A_232 : i32
      %add3A_821 = arith.constant 2 : i32
      %add3A_822 = arith.addi %mul3A_820, %add3A_821 : i32
      %mul3A_823 = arith.constant 128 : i32
      %mul3A_824 = arith.muli %add3A_822, %mul3A_823 : i32
      %dma_start3A_825 = arith.constant 256 : i32
      %dma_start3A_826 = tpu.memref_slice %arg13[%dma_start3A_825] : memref<384xf32, #tpu.memory_space<vmem>> -> memref<128xf32, #tpu.memory_space<vmem>>
      %dma_start3A_827 = tpu.memref_slice %arg11[%mul3A_824] : memref<18816xi32, #tpu.memory_space<vmem>> -> memref<128xi32, #tpu.memory_space<vmem>>
      %dma_start3A_828 = arith.constant 0 : i32
      %dma_start3A_829 = tpu.memref_slice %arg2[%dma_start3A_828] : memref<3686400xf32, #tpu.memory_space<hbm>> -> memref<3686400xf32, #tpu.memory_space<hbm>>
      tpu.enqueue_indirect_dma source(%dma_start3A_829 : memref<3686400xf32, #tpu.memory_space<hbm>>) target(%dma_start3A_826 : memref<128xf32, #tpu.memory_space<vmem>>) offsets(%dma_start3A_827 : memref<128xi32, #tpu.memory_space<vmem>>) semaphore(%arg20 : memref<!tpu.dma_semaphore, #tpu.memory_space<semaphore_mem>>)
      %mul3A_830 = arith.constant 3 : i32
      %mul3A_831 = arith.muli %mul3A_830, %scan3A_232 : i32
      %add3A_832 = arith.constant 2 : i32
      %add3A_833 = arith.addi %mul3A_831, %add3A_832 : i32
      %mul3A_834 = arith.constant 128 : i32
      %mul3A_835 = arith.muli %add3A_833, %mul3A_834 : i32
      %dma_start3A_836 = arith.constant 256 : i32
      %dma_start3A_837 = tpu.memref_slice %arg14[%dma_start3A_836] : memref<384xf32, #tpu.memory_space<vmem>> -> memref<128xf32, #tpu.memory_space<vmem>>
      %dma_start3A_838 = tpu.memref_slice %arg12[%mul3A_835] : memref<18816xi32, #tpu.memory_space<vmem>> -> memref<128xi32, #tpu.memory_space<vmem>>
      %dma_start3A_839 = arith.constant 0 : i32
      %dma_start3A_840 = tpu.memref_slice %arg3[%dma_start3A_839] : memref<3686400xf32, #tpu.memory_space<hbm>> -> memref<3686400xf32, #tpu.memory_space<hbm>>
      tpu.enqueue_indirect_dma source(%dma_start3A_840 : memref<3686400xf32, #tpu.memory_space<hbm>>) target(%dma_start3A_837 : memref<128xf32, #tpu.memory_space<vmem>>) offsets(%dma_start3A_838 : memref<128xi32, #tpu.memory_space<vmem>>) semaphore(%arg21 : memref<!tpu.dma_semaphore, #tpu.memory_space<semaphore_mem>>)
      %dma_wait3A = arith.constant 0 : i32
      %dma_wait3A_841 = tpu.memref_slice %arg13[%dma_wait3A] : memref<384xf32, #tpu.memory_space<vmem>> -> memref<128xf32, #tpu.memory_space<vmem>>
      %dma_wait3A_842 = tpu.memref_slice %arg11[%mul3A_781] : memref<18816xi32, #tpu.memory_space<vmem>> -> memref<128xi32, #tpu.memory_space<vmem>>
      %dma_wait3A_843 = arith.constant 0 : i32
      %dma_wait3A_844 = tpu.memref_slice %arg2[%dma_wait3A_843] : memref<3686400xf32, #tpu.memory_space<hbm>> -> memref<3686400xf32, #tpu.memory_space<hbm>>
      tpu.wait_indirect_dma semaphore(%arg20 : memref<!tpu.dma_semaphore, #tpu.memory_space<semaphore_mem>>) src(%dma_wait3A_844 : memref<3686400xf32, #tpu.memory_space<hbm>>) dst(%dma_wait3A_841 : memref<128xf32, #tpu.memory_space<vmem>>)
      %dma_wait3A_845 = arith.constant 0 : i32
      %dma_wait3A_846 = tpu.memref_slice %arg14[%dma_wait3A_845] : memref<384xf32, #tpu.memory_space<vmem>> -> memref<128xf32, #tpu.memory_space<vmem>>
      %dma_wait3A_847 = tpu.memref_slice %arg12[%mul3A_791] : memref<18816xi32, #tpu.memory_space<vmem>> -> memref<128xi32, #tpu.memory_space<vmem>>
      %dma_wait3A_848 = arith.constant 0 : i32
      %dma_wait3A_849 = tpu.memref_slice %arg3[%dma_wait3A_848] : memref<3686400xf32, #tpu.memory_space<hbm>> -> memref<3686400xf32, #tpu.memory_space<hbm>>
      tpu.wait_indirect_dma semaphore(%arg21 : memref<!tpu.dma_semaphore, #tpu.memory_space<semaphore_mem>>) src(%dma_wait3A_849 : memref<3686400xf32, #tpu.memory_space<hbm>>) dst(%dma_wait3A_846 : memref<128xf32, #tpu.memory_space<vmem>>)
      %dma_wait3A_850 = arith.constant 128 : i32
      %dma_wait3A_851 = tpu.memref_slice %arg13[%dma_wait3A_850] : memref<384xf32, #tpu.memory_space<vmem>> -> memref<128xf32, #tpu.memory_space<vmem>>
      %dma_wait3A_852 = tpu.memref_slice %arg11[%mul3A_802] : memref<18816xi32, #tpu.memory_space<vmem>> -> memref<128xi32, #tpu.memory_space<vmem>>
      %dma_wait3A_853 = arith.constant 0 : i32
      %dma_wait3A_854 = tpu.memref_slice %arg2[%dma_wait3A_853] : memref<3686400xf32, #tpu.memory_space<hbm>> -> memref<3686400xf32, #tpu.memory_space<hbm>>
      tpu.wait_indirect_dma semaphore(%arg20 : memref<!tpu.dma_semaphore, #tpu.memory_space<semaphore_mem>>) src(%dma_wait3A_854 : memref<3686400xf32, #tpu.memory_space<hbm>>) dst(%dma_wait3A_851 : memref<128xf32, #tpu.memory_space<vmem>>)
      %dma_wait3A_855 = arith.constant 128 : i32
      %dma_wait3A_856 = tpu.memref_slice %arg14[%dma_wait3A_855] : memref<384xf32, #tpu.memory_space<vmem>> -> memref<128xf32, #tpu.memory_space<vmem>>
      %dma_wait3A_857 = tpu.memref_slice %arg12[%mul3A_813] : memref<18816xi32, #tpu.memory_space<vmem>> -> memref<128xi32, #tpu.memory_space<vmem>>
      %dma_wait3A_858 = arith.constant 0 : i32
      %dma_wait3A_859 = tpu.memref_slice %arg3[%dma_wait3A_858] : memref<3686400xf32, #tpu.memory_space<hbm>> -> memref<3686400xf32, #tpu.memory_space<hbm>>
      tpu.wait_indirect_dma semaphore(%arg21 : memref<!tpu.dma_semaphore, #tpu.memory_space<semaphore_mem>>) src(%dma_wait3A_859 : memref<3686400xf32, #tpu.memory_space<hbm>>) dst(%dma_wait3A_856 : memref<128xf32, #tpu.memory_space<vmem>>)
      %dma_wait3A_860 = arith.constant 256 : i32
      %dma_wait3A_861 = tpu.memref_slice %arg13[%dma_wait3A_860] : memref<384xf32, #tpu.memory_space<vmem>> -> memref<128xf32, #tpu.memory_space<vmem>>
      %dma_wait3A_862 = tpu.memref_slice %arg11[%mul3A_824] : memref<18816xi32, #tpu.memory_space<vmem>> -> memref<128xi32, #tpu.memory_space<vmem>>
      %dma_wait3A_863 = arith.constant 0 : i32
      %dma_wait3A_864 = tpu.memref_slice %arg2[%dma_wait3A_863] : memref<3686400xf32, #tpu.memory_space<hbm>> -> memref<3686400xf32, #tpu.memory_space<hbm>>
      tpu.wait_indirect_dma semaphore(%arg20 : memref<!tpu.dma_semaphore, #tpu.memory_space<semaphore_mem>>) src(%dma_wait3A_864 : memref<3686400xf32, #tpu.memory_space<hbm>>) dst(%dma_wait3A_861 : memref<128xf32, #tpu.memory_space<vmem>>)
      %dma_wait3A_865 = arith.constant 256 : i32
      %dma_wait3A_866 = tpu.memref_slice %arg14[%dma_wait3A_865] : memref<384xf32, #tpu.memory_space<vmem>> -> memref<128xf32, #tpu.memory_space<vmem>>
      %dma_wait3A_867 = tpu.memref_slice %arg12[%mul3A_835] : memref<18816xi32, #tpu.memory_space<vmem>> -> memref<128xi32, #tpu.memory_space<vmem>>
      %dma_wait3A_868 = arith.constant 0 : i32
      %dma_wait3A_869 = tpu.memref_slice %arg3[%dma_wait3A_868] : memref<3686400xf32, #tpu.memory_space<hbm>> -> memref<3686400xf32, #tpu.memory_space<hbm>>
      tpu.wait_indirect_dma semaphore(%arg21 : memref<!tpu.dma_semaphore, #tpu.memory_space<semaphore_mem>>) src(%dma_wait3A_869 : memref<3686400xf32, #tpu.memory_space<hbm>>) dst(%dma_wait3A_866 : memref<128xf32, #tpu.memory_space<vmem>>)
      %add3A_870 = arith.constant 0 : i32
      %add3A_871 = vector.broadcast %add3A_870 : i32 to vector<16xi32>
      %add3A_872 = arith.addi %add3A_871, %iota3A : vector<16xi32>
      %mul3A_873 = arith.constant 3 : i32
      %mul3A_874 = vector.broadcast %mul3A_873 : i32 to vector<16xi32>
      %mul3A_875 = arith.muli %add3A_872, %mul3A_874 : vector<16xi32>
      %gather3A = tpu.vector_load_idx %arg13[%mul3A_875] : memref<384xf32, #tpu.memory_space<vmem>>[vector<16xi32>], vector<16xf32>,
      %gather3A_876 = tpu.vector_load_idx %arg14[%mul3A_875] : memref<384xf32, #tpu.memory_space<vmem>>[vector<16xi32>], vector<16xf32>,
      %sub3A = arith.subf %gather3A, %gather3A_876 : vector<16xf32>
      %add3A_877 = arith.constant 1 : i32
      %add3A_878 = vector.broadcast %add3A_877 : i32 to vector<16xi32>
      %add3A_879 = arith.addi %mul3A_875, %add3A_878 : vector<16xi32>
      %gather3A_880 = tpu.vector_load_idx %arg13[%add3A_879] : memref<384xf32, #tpu.memory_space<vmem>>[vector<16xi32>], vector<16xf32>,
      %add3A_881 = arith.constant 1 : i32
      %add3A_882 = vector.broadcast %add3A_881 : i32 to vector<16xi32>
      %add3A_883 = arith.addi %mul3A_875, %add3A_882 : vector<16xi32>
      %gather3A_884 = tpu.vector_load_idx %arg14[%add3A_883] : memref<384xf32, #tpu.memory_space<vmem>>[vector<16xi32>], vector<16xf32>,
      %sub3A_885 = arith.subf %gather3A_880, %gather3A_884 : vector<16xf32>
      %add3A_886 = arith.constant 2 : i32
      %add3A_887 = vector.broadcast %add3A_886 : i32 to vector<16xi32>
      %add3A_888 = arith.addi %mul3A_875, %add3A_887 : vector<16xi32>
      %gather3A_889 = tpu.vector_load_idx %arg13[%add3A_888] : memref<384xf32, #tpu.memory_space<vmem>>[vector<16xi32>], vector<16xf32>,
      %add3A_890 = arith.constant 2 : i32
      %add3A_891 = vector.broadcast %add3A_890 : i32 to vector<16xi32>
      %add3A_892 = arith.addi %mul3A_875, %add3A_891 : vector<16xi32>
      %gather3A_893 = tpu.vector_load_idx %arg14[%add3A_892] : memref<384xf32, #tpu.memory_space<vmem>>[vector<16xi32>], vector<16xf32>,
      %sub3A_894 = arith.subf %gather3A_889, %gather3A_893 : vector<16xf32>
      %mul3A_895 = arith.mulf %sub3A, %sub3A : vector<16xf32>
      %mul3A_896 = arith.mulf %sub3A_885, %sub3A_885 : vector<16xf32>
      %add3A_897 = arith.addf %mul3A_895, %mul3A_896 : vector<16xf32>
      %mul3A_898 = arith.mulf %sub3A_894, %sub3A_894 : vector<16xf32>
      %add3A_899 = arith.addf %add3A_897, %mul3A_898 : vector<16xf32>
      %mul3A_900 = arith.constant 128 : i32
      %mul3A_901 = arith.muli %scan3A_232, %mul3A_900 : i32
      %add3A_902 = arith.constant 0 : i32
      %add3A_903 = arith.addi %mul3A_901, %add3A_902 : i32
      %add3A_904 = vector.broadcast %add3A_903 : i32 to vector<16xi32>
      %add3A_905 = arith.addi %add3A_904, %iota3A : vector<16xi32>
      %lt3A_906 = arith.constant 1250 : i32
      %lt3A_907 = vector.broadcast %lt3A_906 : i32 to vector<16xi32>
      %lt3A_908 = arith.cmpi slt, %add3A_905, %lt3A_907 : vector<16xi32>
      %jit3A = arith.constant 0.000000e+00 : f32
      %broadcast_in_dim3A_909 = vector.broadcast %jit3A : f32 to vector<16xf32>
      %select_n3A_910 = arith.select %lt3A_908, %add3A_899, %broadcast_in_dim3A_909 : vector<16xi1>, vector<16xf32>
      %add3A_911 = arith.addf %scan3A_233, %select_n3A_910 : vector<16xf32>
      %add3A_912 = arith.constant 16 : i32
      %add3A_913 = vector.broadcast %add3A_912 : i32 to vector<16xi32>
      %add3A_914 = arith.addi %add3A_913, %iota3A : vector<16xi32>
      %mul3A_915 = arith.constant 3 : i32
      %mul3A_916 = vector.broadcast %mul3A_915 : i32 to vector<16xi32>
      %mul3A_917 = arith.muli %add3A_914, %mul3A_916 : vector<16xi32>
      %gather3A_918 = tpu.vector_load_idx %arg13[%mul3A_917] : memref<384xf32, #tpu.memory_space<vmem>>[vector<16xi32>], vector<16xf32>,
      %gather3A_919 = tpu.vector_load_idx %arg14[%mul3A_917] : memref<384xf32, #tpu.memory_space<vmem>>[vector<16xi32>], vector<16xf32>,
      %sub3A_920 = arith.subf %gather3A_918, %gather3A_919 : vector<16xf32>
      %add3A_921 = arith.constant 1 : i32
      %add3A_922 = vector.broadcast %add3A_921 : i32 to vector<16xi32>
      %add3A_923 = arith.addi %mul3A_917, %add3A_922 : vector<16xi32>
      %gather3A_924 = tpu.vector_load_idx %arg13[%add3A_923] : memref<384xf32, #tpu.memory_space<vmem>>[vector<16xi32>], vector<16xf32>,
      %add3A_925 = arith.constant 1 : i32
      %add3A_926 = vector.broadcast %add3A_925 : i32 to vector<16xi32>
      %add3A_927 = arith.addi %mul3A_917, %add3A_926 : vector<16xi32>
      %gather3A_928 = tpu.vector_load_idx %arg14[%add3A_927] : memref<384xf32, #tpu.memory_space<vmem>>[vector<16xi32>], vector<16xf32>,
      %sub3A_929 = arith.subf %gather3A_924, %gather3A_928 : vector<16xf32>
      %add3A_930 = arith.constant 2 : i32
      %add3A_931 = vector.broadcast %add3A_930 : i32 to vector<16xi32>
      %add3A_932 = arith.addi %mul3A_917, %add3A_931 : vector<16xi32>
      %gather3A_933 = tpu.vector_load_idx %arg13[%add3A_932] : memref<384xf32, #tpu.memory_space<vmem>>[vector<16xi32>], vector<16xf32>,
      %add3A_934 = arith.constant 2 : i32
      %add3A_935 = vector.broadcast %add3A_934 : i32 to vector<16xi32>
      %add3A_936 = arith.addi %mul3A_917, %add3A_935 : vector<16xi32>
      %gather3A_937 = tpu.vector_load_idx %arg14[%add3A_936] : memref<384xf32, #tpu.memory_space<vmem>>[vector<16xi32>], vector<16xf32>,
      %sub3A_938 = arith.subf %gather3A_933, %gather3A_937 : vector<16xf32>
      %mul3A_939 = arith.mulf %sub3A_920, %sub3A_920 : vector<16xf32>
      %mul3A_940 = arith.mulf %sub3A_929, %sub3A_929 : vector<16xf32>
      %add3A_941 = arith.addf %mul3A_939, %mul3A_940 : vector<16xf32>
      %mul3A_942 = arith.mulf %sub3A_938, %sub3A_938 : vector<16xf32>
      %add3A_943 = arith.addf %add3A_941, %mul3A_942 : vector<16xf32>
      %mul3A_944 = arith.constant 128 : i32
      %mul3A_945 = arith.muli %scan3A_232, %mul3A_944 : i32
      %add3A_946 = arith.constant 16 : i32
      %add3A_947 = arith.addi %mul3A_945, %add3A_946 : i32
      %add3A_948 = vector.broadcast %add3A_947 : i32 to vector<16xi32>
      %add3A_949 = arith.addi %add3A_948, %iota3A : vector<16xi32>
      %lt3A_950 = arith.constant 1250 : i32
      %lt3A_951 = vector.broadcast %lt3A_950 : i32 to vector<16xi32>
      %lt3A_952 = arith.cmpi slt, %add3A_949, %lt3A_951 : vector<16xi32>
      %jit3A_953 = arith.constant 0.000000e+00 : f32
      %broadcast_in_dim3A_954 = vector.broadcast %jit3A_953 : f32 to vector<16xf32>
      %select_n3A_955 = arith.select %lt3A_952, %add3A_943, %broadcast_in_dim3A_954 : vector<16xi1>, vector<16xf32>
      %add3A_956 = arith.addf %add3A_911, %select_n3A_955 : vector<16xf32>
      %add3A_957 = arith.constant 32 : i32
      %add3A_958 = vector.broadcast %add3A_957 : i32 to vector<16xi32>
      %add3A_959 = arith.addi %add3A_958, %iota3A : vector<16xi32>
      %mul3A_960 = arith.constant 3 : i32
      %mul3A_961 = vector.broadcast %mul3A_960 : i32 to vector<16xi32>
      %mul3A_962 = arith.muli %add3A_959, %mul3A_961 : vector<16xi32>
      %gather3A_963 = tpu.vector_load_idx %arg13[%mul3A_962] : memref<384xf32, #tpu.memory_space<vmem>>[vector<16xi32>], vector<16xf32>,
      %gather3A_964 = tpu.vector_load_idx %arg14[%mul3A_962] : memref<384xf32, #tpu.memory_space<vmem>>[vector<16xi32>], vector<16xf32>,
      %sub3A_965 = arith.subf %gather3A_963, %gather3A_964 : vector<16xf32>
      %add3A_966 = arith.constant 1 : i32
      %add3A_967 = vector.broadcast %add3A_966 : i32 to vector<16xi32>
      %add3A_968 = arith.addi %mul3A_962, %add3A_967 : vector<16xi32>
      %gather3A_969 = tpu.vector_load_idx %arg13[%add3A_968] : memref<384xf32, #tpu.memory_space<vmem>>[vector<16xi32>], vector<16xf32>,
      %add3A_970 = arith.constant 1 : i32
      %add3A_971 = vector.broadcast %add3A_970 : i32 to vector<16xi32>
      %add3A_972 = arith.addi %mul3A_962, %add3A_971 : vector<16xi32>
      %gather3A_973 = tpu.vector_load_idx %arg14[%add3A_972] : memref<384xf32, #tpu.memory_space<vmem>>[vector<16xi32>], vector<16xf32>,
      %sub3A_974 = arith.subf %gather3A_969, %gather3A_973 : vector<16xf32>
      %add3A_975 = arith.constant 2 : i32
      %add3A_976 = vector.broadcast %add3A_975 : i32 to vector<16xi32>
      %add3A_977 = arith.addi %mul3A_962, %add3A_976 : vector<16xi32>
      %gather3A_978 = tpu.vector_load_idx %arg13[%add3A_977] : memref<384xf32, #tpu.memory_space<vmem>>[vector<16xi32>], vector<16xf32>,
      %add3A_979 = arith.constant 2 : i32
      %add3A_980 = vector.broadcast %add3A_979 : i32 to vector<16xi32>
      %add3A_981 = arith.addi %mul3A_962, %add3A_980 : vector<16xi32>
      %gather3A_982 = tpu.vector_load_idx %arg14[%add3A_981] : memref<384xf32, #tpu.memory_space<vmem>>[vector<16xi32>], vector<16xf32>,
      %sub3A_983 = arith.subf %gather3A_978, %gather3A_982 : vector<16xf32>
      %mul3A_984 = arith.mulf %sub3A_965, %sub3A_965 : vector<16xf32>
      %mul3A_985 = arith.mulf %sub3A_974, %sub3A_974 : vector<16xf32>
      %add3A_986 = arith.addf %mul3A_984, %mul3A_985 : vector<16xf32>
      %mul3A_987 = arith.mulf %sub3A_983, %sub3A_983 : vector<16xf32>
      %add3A_988 = arith.addf %add3A_986, %mul3A_987 : vector<16xf32>
      %mul3A_989 = arith.constant 128 : i32
      %mul3A_990 = arith.muli %scan3A_232, %mul3A_989 : i32
      %add3A_991 = arith.constant 32 : i32
      %add3A_992 = arith.addi %mul3A_990, %add3A_991 : i32
      %add3A_993 = vector.broadcast %add3A_992 : i32 to vector<16xi32>
      %add3A_994 = arith.addi %add3A_993, %iota3A : vector<16xi32>
      %lt3A_995 = arith.constant 1250 : i32
      %lt3A_996 = vector.broadcast %lt3A_995 : i32 to vector<16xi32>
      %lt3A_997 = arith.cmpi slt, %add3A_994, %lt3A_996 : vector<16xi32>
      %jit3A_998 = arith.constant 0.000000e+00 : f32
      %broadcast_in_dim3A_999 = vector.broadcast %jit3A_998 : f32 to vector<16xf32>
      %select_n3A_1000 = arith.select %lt3A_997, %add3A_988, %broadcast_in_dim3A_999 : vector<16xi1>, vector<16xf32>
      %add3A_1001 = arith.addf %add3A_956, %select_n3A_1000 : vector<16xf32>
      %add3A_1002 = arith.constant 48 : i32
      %add3A_1003 = vector.broadcast %add3A_1002 : i32 to vector<16xi32>
      %add3A_1004 = arith.addi %add3A_1003, %iota3A : vector<16xi32>
      %mul3A_1005 = arith.constant 3 : i32
      %mul3A_1006 = vector.broadcast %mul3A_1005 : i32 to vector<16xi32>
      %mul3A_1007 = arith.muli %add3A_1004, %mul3A_1006 : vector<16xi32>
      %gather3A_1008 = tpu.vector_load_idx %arg13[%mul3A_1007] : memref<384xf32, #tpu.memory_space<vmem>>[vector<16xi32>], vector<16xf32>,
      %gather3A_1009 = tpu.vector_load_idx %arg14[%mul3A_1007] : memref<384xf32, #tpu.memory_space<vmem>>[vector<16xi32>], vector<16xf32>,
      %sub3A_1010 = arith.subf %gather3A_1008, %gather3A_1009 : vector<16xf32>
      %add3A_1011 = arith.constant 1 : i32
      %add3A_1012 = vector.broadcast %add3A_1011 : i32 to vector<16xi32>
      %add3A_1013 = arith.addi %mul3A_1007, %add3A_1012 : vector<16xi32>
      %gather3A_1014 = tpu.vector_load_idx %arg13[%add3A_1013] : memref<384xf32, #tpu.memory_space<vmem>>[vector<16xi32>], vector<16xf32>,
      %add3A_1015 = arith.constant 1 : i32
      %add3A_1016 = vector.broadcast %add3A_1015 : i32 to vector<16xi32>
      %add3A_1017 = arith.addi %mul3A_1007, %add3A_1016 : vector<16xi32>
      %gather3A_1018 = tpu.vector_load_idx %arg14[%add3A_1017] : memref<384xf32, #tpu.memory_space<vmem>>[vector<16xi32>], vector<16xf32>,
      %sub3A_1019 = arith.subf %gather3A_1014, %gather3A_1018 : vector<16xf32>
      %add3A_1020 = arith.constant 2 : i32
      %add3A_1021 = vector.broadcast %add3A_1020 : i32 to vector<16xi32>
      %add3A_1022 = arith.addi %mul3A_1007, %add3A_1021 : vector<16xi32>
      %gather3A_1023 = tpu.vector_load_idx %arg13[%add3A_1022] : memref<384xf32, #tpu.memory_space<vmem>>[vector<16xi32>], vector<16xf32>,
      %add3A_1024 = arith.constant 2 : i32
      %add3A_1025 = vector.broadcast %add3A_1024 : i32 to vector<16xi32>
      %add3A_1026 = arith.addi %mul3A_1007, %add3A_1025 : vector<16xi32>
      %gather3A_1027 = tpu.vector_load_idx %arg14[%add3A_1026] : memref<384xf32, #tpu.memory_space<vmem>>[vector<16xi32>], vector<16xf32>,
      %sub3A_1028 = arith.subf %gather3A_1023, %gather3A_1027 : vector<16xf32>
      %mul3A_1029 = arith.mulf %sub3A_1010, %sub3A_1010 : vector<16xf32>
      %mul3A_1030 = arith.mulf %sub3A_1019, %sub3A_1019 : vector<16xf32>
      %add3A_1031 = arith.addf %mul3A_1029, %mul3A_1030 : vector<16xf32>
      %mul3A_1032 = arith.mulf %sub3A_1028, %sub3A_1028 : vector<16xf32>
      %add3A_1033 = arith.addf %add3A_1031, %mul3A_1032 : vector<16xf32>
      %mul3A_1034 = arith.constant 128 : i32
      %mul3A_1035 = arith.muli %scan3A_232, %mul3A_1034 : i32
      %add3A_1036 = arith.constant 48 : i32
      %add3A_1037 = arith.addi %mul3A_1035, %add3A_1036 : i32
      %add3A_1038 = vector.broadcast %add3A_1037 : i32 to vector<16xi32>
      %add3A_1039 = arith.addi %add3A_1038, %iota3A : vector<16xi32>
      %lt3A_1040 = arith.constant 1250 : i32
      %lt3A_1041 = vector.broadcast %lt3A_1040 : i32 to vector<16xi32>
      %lt3A_1042 = arith.cmpi slt, %add3A_1039, %lt3A_1041 : vector<16xi32>
      %jit3A_1043 = arith.constant 0.000000e+00 : f32
      %broadcast_in_dim3A_1044 = vector.broadcast %jit3A_1043 : f32 to vector<16xf32>
      %select_n3A_1045 = arith.select %lt3A_1042, %add3A_1033, %broadcast_in_dim3A_1044 : vector<16xi1>, vector<16xf32>
      %add3A_1046 = arith.addf %add3A_1001, %select_n3A_1045 : vector<16xf32>
      %add3A_1047 = arith.constant 64 : i32
      %add3A_1048 = vector.broadcast %add3A_1047 : i32 to vector<16xi32>
      %add3A_1049 = arith.addi %add3A_1048, %iota3A : vector<16xi32>
      %mul3A_1050 = arith.constant 3 : i32
      %mul3A_1051 = vector.broadcast %mul3A_1050 : i32 to vector<16xi32>
      %mul3A_1052 = arith.muli %add3A_1049, %mul3A_1051 : vector<16xi32>
      %gather3A_1053 = tpu.vector_load_idx %arg13[%mul3A_1052] : memref<384xf32, #tpu.memory_space<vmem>>[vector<16xi32>], vector<16xf32>,
      %gather3A_1054 = tpu.vector_load_idx %arg14[%mul3A_1052] : memref<384xf32, #tpu.memory_space<vmem>>[vector<16xi32>], vector<16xf32>,
      %sub3A_1055 = arith.subf %gather3A_1053, %gather3A_1054 : vector<16xf32>
      %add3A_1056 = arith.constant 1 : i32
      %add3A_1057 = vector.broadcast %add3A_1056 : i32 to vector<16xi32>
      %add3A_1058 = arith.addi %mul3A_1052, %add3A_1057 : vector<16xi32>
      %gather3A_1059 = tpu.vector_load_idx %arg13[%add3A_1058] : memref<384xf32, #tpu.memory_space<vmem>>[vector<16xi32>], vector<16xf32>,
      %add3A_1060 = arith.constant 1 : i32
      %add3A_1061 = vector.broadcast %add3A_1060 : i32 to vector<16xi32>
      %add3A_1062 = arith.addi %mul3A_1052, %add3A_1061 : vector<16xi32>
      %gather3A_1063 = tpu.vector_load_idx %arg14[%add3A_1062] : memref<384xf32, #tpu.memory_space<vmem>>[vector<16xi32>], vector<16xf32>,
      %sub3A_1064 = arith.subf %gather3A_1059, %gather3A_1063 : vector<16xf32>
      %add3A_1065 = arith.constant 2 : i32
      %add3A_1066 = vector.broadcast %add3A_1065 : i32 to vector<16xi32>
      %add3A_1067 = arith.addi %mul3A_1052, %add3A_1066 : vector<16xi32>
      %gather3A_1068 = tpu.vector_load_idx %arg13[%add3A_1067] : memref<384xf32, #tpu.memory_space<vmem>>[vector<16xi32>], vector<16xf32>,
      %add3A_1069 = arith.constant 2 : i32
      %add3A_1070 = vector.broadcast %add3A_1069 : i32 to vector<16xi32>
      %add3A_1071 = arith.addi %mul3A_1052, %add3A_1070 : vector<16xi32>
      %gather3A_1072 = tpu.vector_load_idx %arg14[%add3A_1071] : memref<384xf32, #tpu.memory_space<vmem>>[vector<16xi32>], vector<16xf32>,
      %sub3A_1073 = arith.subf %gather3A_1068, %gather3A_1072 : vector<16xf32>
      %mul3A_1074 = arith.mulf %sub3A_1055, %sub3A_1055 : vector<16xf32>
      %mul3A_1075 = arith.mulf %sub3A_1064, %sub3A_1064 : vector<16xf32>
      %add3A_1076 = arith.addf %mul3A_1074, %mul3A_1075 : vector<16xf32>
      %mul3A_1077 = arith.mulf %sub3A_1073, %sub3A_1073 : vector<16xf32>
      %add3A_1078 = arith.addf %add3A_1076, %mul3A_1077 : vector<16xf32>
      %mul3A_1079 = arith.constant 128 : i32
      %mul3A_1080 = arith.muli %scan3A_232, %mul3A_1079 : i32
      %add3A_1081 = arith.constant 64 : i32
      %add3A_1082 = arith.addi %mul3A_1080, %add3A_1081 : i32
      %add3A_1083 = vector.broadcast %add3A_1082 : i32 to vector<16xi32>
      %add3A_1084 = arith.addi %add3A_1083, %iota3A : vector<16xi32>
      %lt3A_1085 = arith.constant 1250 : i32
      %lt3A_1086 = vector.broadcast %lt3A_1085 : i32 to vector<16xi32>
      %lt3A_1087 = arith.cmpi slt, %add3A_1084, %lt3A_1086 : vector<16xi32>
      %jit3A_1088 = arith.constant 0.000000e+00 : f32
      %broadcast_in_dim3A_1089 = vector.broadcast %jit3A_1088 : f32 to vector<16xf32>
      %select_n3A_1090 = arith.select %lt3A_1087, %add3A_1078, %broadcast_in_dim3A_1089 : vector<16xi1>, vector<16xf32>
      %add3A_1091 = arith.addf %add3A_1046, %select_n3A_1090 : vector<16xf32>
      %add3A_1092 = arith.constant 80 : i32
      %add3A_1093 = vector.broadcast %add3A_1092 : i32 to vector<16xi32>
      %add3A_1094 = arith.addi %add3A_1093, %iota3A : vector<16xi32>
      %mul3A_1095 = arith.constant 3 : i32
      %mul3A_1096 = vector.broadcast %mul3A_1095 : i32 to vector<16xi32>
      %mul3A_1097 = arith.muli %add3A_1094, %mul3A_1096 : vector<16xi32>
      %gather3A_1098 = tpu.vector_load_idx %arg13[%mul3A_1097] : memref<384xf32, #tpu.memory_space<vmem>>[vector<16xi32>], vector<16xf32>,
      %gather3A_1099 = tpu.vector_load_idx %arg14[%mul3A_1097] : memref<384xf32, #tpu.memory_space<vmem>>[vector<16xi32>], vector<16xf32>,
      %sub3A_1100 = arith.subf %gather3A_1098, %gather3A_1099 : vector<16xf32>
      %add3A_1101 = arith.constant 1 : i32
      %add3A_1102 = vector.broadcast %add3A_1101 : i32 to vector<16xi32>
      %add3A_1103 = arith.addi %mul3A_1097, %add3A_1102 : vector<16xi32>
      %gather3A_1104 = tpu.vector_load_idx %arg13[%add3A_1103] : memref<384xf32, #tpu.memory_space<vmem>>[vector<16xi32>], vector<16xf32>,
      %add3A_1105 = arith.constant 1 : i32
      %add3A_1106 = vector.broadcast %add3A_1105 : i32 to vector<16xi32>
      %add3A_1107 = arith.addi %mul3A_1097, %add3A_1106 : vector<16xi32>
      %gather3A_1108 = tpu.vector_load_idx %arg14[%add3A_1107] : memref<384xf32, #tpu.memory_space<vmem>>[vector<16xi32>], vector<16xf32>,
      %sub3A_1109 = arith.subf %gather3A_1104, %gather3A_1108 : vector<16xf32>
      %add3A_1110 = arith.constant 2 : i32
      %add3A_1111 = vector.broadcast %add3A_1110 : i32 to vector<16xi32>
      %add3A_1112 = arith.addi %mul3A_1097, %add3A_1111 : vector<16xi32>
      %gather3A_1113 = tpu.vector_load_idx %arg13[%add3A_1112] : memref<384xf32, #tpu.memory_space<vmem>>[vector<16xi32>], vector<16xf32>,
      %add3A_1114 = arith.constant 2 : i32
      %add3A_1115 = vector.broadcast %add3A_1114 : i32 to vector<16xi32>
      %add3A_1116 = arith.addi %mul3A_1097, %add3A_1115 : vector<16xi32>
      %gather3A_1117 = tpu.vector_load_idx %arg14[%add3A_1116] : memref<384xf32, #tpu.memory_space<vmem>>[vector<16xi32>], vector<16xf32>,
      %sub3A_1118 = arith.subf %gather3A_1113, %gather3A_1117 : vector<16xf32>
      %mul3A_1119 = arith.mulf %sub3A_1100, %sub3A_1100 : vector<16xf32>
      %mul3A_1120 = arith.mulf %sub3A_1109, %sub3A_1109 : vector<16xf32>
      %add3A_1121 = arith.addf %mul3A_1119, %mul3A_1120 : vector<16xf32>
      %mul3A_1122 = arith.mulf %sub3A_1118, %sub3A_1118 : vector<16xf32>
      %add3A_1123 = arith.addf %add3A_1121, %mul3A_1122 : vector<16xf32>
      %mul3A_1124 = arith.constant 128 : i32
      %mul3A_1125 = arith.muli %scan3A_232, %mul3A_1124 : i32
      %add3A_1126 = arith.constant 80 : i32
      %add3A_1127 = arith.addi %mul3A_1125, %add3A_1126 : i32
      %add3A_1128 = vector.broadcast %add3A_1127 : i32 to vector<16xi32>
      %add3A_1129 = arith.addi %add3A_1128, %iota3A : vector<16xi32>
      %lt3A_1130 = arith.constant 1250 : i32
      %lt3A_1131 = vector.broadcast %lt3A_1130 : i32 to vector<16xi32>
      %lt3A_1132 = arith.cmpi slt, %add3A_1129, %lt3A_1131 : vector<16xi32>
      %jit3A_1133 = arith.constant 0.000000e+00 : f32
      %broadcast_in_dim3A_1134 = vector.broadcast %jit3A_1133 : f32 to vector<16xf32>
      %select_n3A_1135 = arith.select %lt3A_1132, %add3A_1123, %broadcast_in_dim3A_1134 : vector<16xi1>, vector<16xf32>
      %add3A_1136 = arith.addf %add3A_1091, %select_n3A_1135 : vector<16xf32>
      %add3A_1137 = arith.constant 96 : i32
      %add3A_1138 = vector.broadcast %add3A_1137 : i32 to vector<16xi32>
      %add3A_1139 = arith.addi %add3A_1138, %iota3A : vector<16xi32>
      %mul3A_1140 = arith.constant 3 : i32
      %mul3A_1141 = vector.broadcast %mul3A_1140 : i32 to vector<16xi32>
      %mul3A_1142 = arith.muli %add3A_1139, %mul3A_1141 : vector<16xi32>
      %gather3A_1143 = tpu.vector_load_idx %arg13[%mul3A_1142] : memref<384xf32, #tpu.memory_space<vmem>>[vector<16xi32>], vector<16xf32>,
      %gather3A_1144 = tpu.vector_load_idx %arg14[%mul3A_1142] : memref<384xf32, #tpu.memory_space<vmem>>[vector<16xi32>], vector<16xf32>,
      %sub3A_1145 = arith.subf %gather3A_1143, %gather3A_1144 : vector<16xf32>
      %add3A_1146 = arith.constant 1 : i32
      %add3A_1147 = vector.broadcast %add3A_1146 : i32 to vector<16xi32>
      %add3A_1148 = arith.addi %mul3A_1142, %add3A_1147 : vector<16xi32>
      %gather3A_1149 = tpu.vector_load_idx %arg13[%add3A_1148] : memref<384xf32, #tpu.memory_space<vmem>>[vector<16xi32>], vector<16xf32>,
      %add3A_1150 = arith.constant 1 : i32
      %add3A_1151 = vector.broadcast %add3A_1150 : i32 to vector<16xi32>
      %add3A_1152 = arith.addi %mul3A_1142, %add3A_1151 : vector<16xi32>
      %gather3A_1153 = tpu.vector_load_idx %arg14[%add3A_1152] : memref<384xf32, #tpu.memory_space<vmem>>[vector<16xi32>], vector<16xf32>,
      %sub3A_1154 = arith.subf %gather3A_1149, %gather3A_1153 : vector<16xf32>
      %add3A_1155 = arith.constant 2 : i32
      %add3A_1156 = vector.broadcast %add3A_1155 : i32 to vector<16xi32>
      %add3A_1157 = arith.addi %mul3A_1142, %add3A_1156 : vector<16xi32>
      %gather3A_1158 = tpu.vector_load_idx %arg13[%add3A_1157] : memref<384xf32, #tpu.memory_space<vmem>>[vector<16xi32>], vector<16xf32>,
      %add3A_1159 = arith.constant 2 : i32
      %add3A_1160 = vector.broadcast %add3A_1159 : i32 to vector<16xi32>
      %add3A_1161 = arith.addi %mul3A_1142, %add3A_1160 : vector<16xi32>
      %gather3A_1162 = tpu.vector_load_idx %arg14[%add3A_1161] : memref<384xf32, #tpu.memory_space<vmem>>[vector<16xi32>], vector<16xf32>,
      %sub3A_1163 = arith.subf %gather3A_1158, %gather3A_1162 : vector<16xf32>
      %mul3A_1164 = arith.mulf %sub3A_1145, %sub3A_1145 : vector<16xf32>
      %mul3A_1165 = arith.mulf %sub3A_1154, %sub3A_1154 : vector<16xf32>
      %add3A_1166 = arith.addf %mul3A_1164, %mul3A_1165 : vector<16xf32>
      %mul3A_1167 = arith.mulf %sub3A_1163, %sub3A_1163 : vector<16xf32>
      %add3A_1168 = arith.addf %add3A_1166, %mul3A_1167 : vector<16xf32>
      %mul3A_1169 = arith.constant 128 : i32
      %mul3A_1170 = arith.muli %scan3A_232, %mul3A_1169 : i32
      %add3A_1171 = arith.constant 96 : i32
      %add3A_1172 = arith.addi %mul3A_1170, %add3A_1171 : i32
      %add3A_1173 = vector.broadcast %add3A_1172 : i32 to vector<16xi32>
      %add3A_1174 = arith.addi %add3A_1173, %iota3A : vector<16xi32>
      %lt3A_1175 = arith.constant 1250 : i32
      %lt3A_1176 = vector.broadcast %lt3A_1175 : i32 to vector<16xi32>
      %lt3A_1177 = arith.cmpi slt, %add3A_1174, %lt3A_1176 : vector<16xi32>
      %jit3A_1178 = arith.constant 0.000000e+00 : f32
      %broadcast_in_dim3A_1179 = vector.broadcast %jit3A_1178 : f32 to vector<16xf32>
      %select_n3A_1180 = arith.select %lt3A_1177, %add3A_1168, %broadcast_in_dim3A_1179 : vector<16xi1>, vector<16xf32>
      %add3A_1181 = arith.addf %add3A_1136, %select_n3A_1180 : vector<16xf32>
      %add3A_1182 = arith.constant 112 : i32
      %add3A_1183 = vector.broadcast %add3A_1182 : i32 to vector<16xi32>
      %add3A_1184 = arith.addi %add3A_1183, %iota3A : vector<16xi32>
      %mul3A_1185 = arith.constant 3 : i32
      %mul3A_1186 = vector.broadcast %mul3A_1185 : i32 to vector<16xi32>
      %mul3A_1187 = arith.muli %add3A_1184, %mul3A_1186 : vector<16xi32>
      %gather3A_1188 = tpu.vector_load_idx %arg13[%mul3A_1187] : memref<384xf32, #tpu.memory_space<vmem>>[vector<16xi32>], vector<16xf32>,
      %gather3A_1189 = tpu.vector_load_idx %arg14[%mul3A_1187] : memref<384xf32, #tpu.memory_space<vmem>>[vector<16xi32>], vector<16xf32>,
      %sub3A_1190 = arith.subf %gather3A_1188, %gather3A_1189 : vector<16xf32>
      %add3A_1191 = arith.constant 1 : i32
      %add3A_1192 = vector.broadcast %add3A_1191 : i32 to vector<16xi32>
      %add3A_1193 = arith.addi %mul3A_1187, %add3A_1192 : vector<16xi32>
      %gather3A_1194 = tpu.vector_load_idx %arg13[%add3A_1193] : memref<384xf32, #tpu.memory_space<vmem>>[vector<16xi32>], vector<16xf32>,
      %add3A_1195 = arith.constant 1 : i32
      %add3A_1196 = vector.broadcast %add3A_1195 : i32 to vector<16xi32>
      %add3A_1197 = arith.addi %mul3A_1187, %add3A_1196 : vector<16xi32>
      %gather3A_1198 = tpu.vector_load_idx %arg14[%add3A_1197] : memref<384xf32, #tpu.memory_space<vmem>>[vector<16xi32>], vector<16xf32>,
      %sub3A_1199 = arith.subf %gather3A_1194, %gather3A_1198 : vector<16xf32>
      %add3A_1200 = arith.constant 2 : i32
      %add3A_1201 = vector.broadcast %add3A_1200 : i32 to vector<16xi32>
      %add3A_1202 = arith.addi %mul3A_1187, %add3A_1201 : vector<16xi32>
      %gather3A_1203 = tpu.vector_load_idx %arg13[%add3A_1202] : memref<384xf32, #tpu.memory_space<vmem>>[vector<16xi32>], vector<16xf32>,
      %add3A_1204 = arith.constant 2 : i32
      %add3A_1205 = vector.broadcast %add3A_1204 : i32 to vector<16xi32>
      %add3A_1206 = arith.addi %mul3A_1187, %add3A_1205 : vector<16xi32>
      %gather3A_1207 = tpu.vector_load_idx %arg14[%add3A_1206] : memref<384xf32, #tpu.memory_space<vmem>>[vector<16xi32>], vector<16xf32>,
      %sub3A_1208 = arith.subf %gather3A_1203, %gather3A_1207 : vector<16xf32>
      %mul3A_1209 = arith.mulf %sub3A_1190, %sub3A_1190 : vector<16xf32>
      %mul3A_1210 = arith.mulf %sub3A_1199, %sub3A_1199 : vector<16xf32>
      %add3A_1211 = arith.addf %mul3A_1209, %mul3A_1210 : vector<16xf32>
      %mul3A_1212 = arith.mulf %sub3A_1208, %sub3A_1208 : vector<16xf32>
      %add3A_1213 = arith.addf %add3A_1211, %mul3A_1212 : vector<16xf32>
      %mul3A_1214 = arith.constant 128 : i32
      %mul3A_1215 = arith.muli %scan3A_232, %mul3A_1214 : i32
      %add3A_1216 = arith.constant 112 : i32
      %add3A_1217 = arith.addi %mul3A_1215, %add3A_1216 : i32
      %add3A_1218 = vector.broadcast %add3A_1217 : i32 to vector<16xi32>
      %add3A_1219 = arith.addi %add3A_1218, %iota3A : vector<16xi32>
      %lt3A_1220 = arith.constant 1250 : i32
      %lt3A_1221 = vector.broadcast %lt3A_1220 : i32 to vector<16xi32>
      %lt3A_1222 = arith.cmpi slt, %add3A_1219, %lt3A_1221 : vector<16xi32>
      %jit3A_1223 = arith.constant 0.000000e+00 : f32
      %broadcast_in_dim3A_1224 = vector.broadcast %jit3A_1223 : f32 to vector<16xf32>
      %select_n3A_1225 = arith.select %lt3A_1222, %add3A_1213, %broadcast_in_dim3A_1224 : vector<16xi1>, vector<16xf32>
      %add3A_1226 = arith.addf %add3A_1181, %select_n3A_1225 : vector<16xf32>
      scf.yield %add3A_1226 : vector<16xf32>
    }
    %scan3A_8 = arith.constant 10 : i32
    %swap3A = arith.constant 0 : index
    %swap3A_9 = tpu.vector_load %arg18[%swap3A] {strides = array<i32>} : memref<128xf32, #tpu.memory_space<vmem>>, vector<16xf32>,
    tpu.vector_store %arg18[%swap3A], %scan3A_7 {strides = array<i32>} : memref<128xf32, #tpu.memory_space<vmem>>, vector<16xf32>,
    %swap3A_10 = arith.constant 80 : index
    %swap3A_11 = tpu.vector_load %arg18[%swap3A_10] {strides = array<i32>} : memref<128xf32, #tpu.memory_space<vmem>>, vector<16xf32>,
    tpu.vector_store %arg18[%swap3A_10], %broadcast_in_dim3A_1 {strides = array<i32>} : memref<128xf32, #tpu.memory_space<vmem>>, vector<16xf32>,
    %swap3A_12 = arith.constant 96 : index
    %swap3A_13 = tpu.vector_load %arg18[%swap3A_12] {strides = array<i32>} : memref<128xf32, #tpu.memory_space<vmem>>, vector<16xf32>,
    tpu.vector_store %arg18[%swap3A_12], %broadcast_in_dim3A_1 {strides = array<i32>} : memref<128xf32, #tpu.memory_space<vmem>>, vector<16xf32>,
    %swap3A_14 = arith.constant 112 : index
    %swap3A_15 = tpu.vector_load %arg18[%swap3A_14] {strides = array<i32>} : memref<128xf32, #tpu.memory_space<vmem>>, vector<16xf32>,
    tpu.vector_store %arg18[%swap3A_14], %broadcast_in_dim3A_1 {strides = array<i32>} : memref<128xf32, #tpu.memory_space<vmem>>, vector<16xf32>,
    %mul3A_16 = arith.constant 2 : i32
    %mul3A_17 = arith.muli %mul3A_16, %arg0 : i32
    %add3A_18 = arith.constant 0 : i32
    %add3A_19 = arith.addi %mul3A_17, %add3A_18 : i32
    "tpu.region"() ({
      %run_scoped3A = tpu.sem_alloc : memref<!tpu.dma_semaphore, #tpu.memory_space<semaphore_mem>>
      %dma_start3A = arith.constant 0 : i32
      %dma_start3A_232 = tpu.memref_slice %arg9[%dma_start3A] : memref<6272xi32, #tpu.memory_space<vmem>> -> memref<6272xi32, #tpu.memory_space<vmem>>
      %dma_start3A_233 = arith.constant 0 : i32
      %dma_start3A_234 = tpu.memref_slice %arg6[%add3A_19, %arg1, %dma_start3A_233] : memref<4x16x6272xi32, #tpu.memory_space<hbm>> -> memref<1x1x6272xi32, #tpu.memory_space<hbm>>
      %dma_start3A_235 = tpu.memref_squeeze %dma_start3A_234 : memref<1x1x6272xi32, #tpu.memory_space<hbm>> -> memref<6272xi32, #tpu.memory_space<hbm>>
      %dma_start3A_236 = arith.constant 0 : i32
      %dma_start3A_237 = tpu.memref_slice %arg9[%dma_start3A_236] : memref<6272xi32, #tpu.memory_space<vmem>> -> memref<6272xi32, #tpu.memory_space<vmem>>
      %dma_start3A_238 = arith.constant 0 : i32
      %dma_start3A_239 = tpu.memref_slice %arg6[%add3A_19, %arg1, %dma_start3A_238] : memref<4x16x6272xi32, #tpu.memory_space<hbm>> -> memref<1x1x6272xi32, #tpu.memory_space<hbm>>
      %dma_start3A_240 = tpu.memref_squeeze %dma_start3A_239 : memref<1x1x6272xi32, #tpu.memory_space<hbm>> -> memref<6272xi32, #tpu.memory_space<hbm>>
      tpu.enqueue_dma source(%dma_start3A_240 : memref<6272xi32, #tpu.memory_space<hbm>>) target(%dma_start3A_237 : memref<6272xi32, #tpu.memory_space<vmem>>) target_semaphore(%run_scoped3A : memref<!tpu.dma_semaphore, #tpu.memory_space<semaphore_mem>>)
      %dma_wait3A = arith.constant 0 : i32
      %dma_wait3A_241 = tpu.memref_slice %arg9[%dma_wait3A] : memref<6272xi32, #tpu.memory_space<vmem>> -> memref<6272xi32, #tpu.memory_space<vmem>>
      %dma_wait3A_242 = arith.constant 0 : i32
      %dma_wait3A_243 = tpu.memref_slice %arg6[%add3A_19, %arg1, %dma_wait3A_242] : memref<4x16x6272xi32, #tpu.memory_space<hbm>> -> memref<1x1x6272xi32, #tpu.memory_space<hbm>>
      %dma_wait3A_244 = tpu.memref_squeeze %dma_wait3A_243 : memref<1x1x6272xi32, #tpu.memory_space<hbm>> -> memref<6272xi32, #tpu.memory_space<hbm>>
      %dma_wait3A_245 = arith.constant 0 : i32
      %dma_wait3A_246 = tpu.memref_slice %arg9[%dma_wait3A_245] : memref<6272xi32, #tpu.memory_space<vmem>> -> memref<6272xi32, #tpu.memory_space<vmem>>
      %dma_wait3A_247 = arith.constant 0 : i32
      %dma_wait3A_248 = tpu.memref_slice %arg6[%add3A_19, %arg1, %dma_wait3A_247] : memref<4x16x6272xi32, #tpu.memory_space<hbm>> -> memref<1x1x6272xi32, #tpu.memory_space<hbm>>
      %dma_wait3A_249 = tpu.memref_squeeze %dma_wait3A_248 : memref<1x1x6272xi32, #tpu.memory_space<hbm>> -> memref<6272xi32, #tpu.memory_space<hbm>>
      tpu.wait_dma2 semaphore(%run_scoped3A : memref<!tpu.dma_semaphore, #tpu.memory_space<semaphore_mem>>) src(%dma_wait3A_249 : memref<6272xi32, #tpu.memory_space<hbm>>) dst(%dma_wait3A_246 : memref<6272xi32, #tpu.memory_space<vmem>>)
      tpu.yield
    }) : () -> ()
    "tpu.region"() ({
      %run_scoped3A = tpu.sem_alloc : memref<!tpu.dma_semaphore, #tpu.memory_space<semaphore_mem>>
      %dma_start3A = arith.constant 0 : i32
      %dma_start3A_232 = tpu.memref_slice %arg10[%dma_start3A] : memref<6272xi32, #tpu.memory_space<vmem>> -> memref<6272xi32, #tpu.memory_space<vmem>>
      %dma_start3A_233 = arith.constant 0 : i32
      %dma_start3A_234 = tpu.memref_slice %arg7[%add3A_19, %arg1, %dma_start3A_233] : memref<4x16x6272xi32, #tpu.memory_space<hbm>> -> memref<1x1x6272xi32, #tpu.memory_space<hbm>>
      %dma_start3A_235 = tpu.memref_squeeze %dma_start3A_234 : memref<1x1x6272xi32, #tpu.memory_space<hbm>> -> memref<6272xi32, #tpu.memory_space<hbm>>
      %dma_start3A_236 = arith.constant 0 : i32
      %dma_start3A_237 = tpu.memref_slice %arg10[%dma_start3A_236] : memref<6272xi32, #tpu.memory_space<vmem>> -> memref<6272xi32, #tpu.memory_space<vmem>>
      %dma_start3A_238 = arith.constant 0 : i32
      %dma_start3A_239 = tpu.memref_slice %arg7[%add3A_19, %arg1, %dma_start3A_238] : memref<4x16x6272xi32, #tpu.memory_space<hbm>> -> memref<1x1x6272xi32, #tpu.memory_space<hbm>>
      %dma_start3A_240 = tpu.memref_squeeze %dma_start3A_239 : memref<1x1x6272xi32, #tpu.memory_space<hbm>> -> memref<6272xi32, #tpu.memory_space<hbm>>
      tpu.enqueue_dma source(%dma_start3A_240 : memref<6272xi32, #tpu.memory_space<hbm>>) target(%dma_start3A_237 : memref<6272xi32, #tpu.memory_space<vmem>>) target_semaphore(%run_scoped3A : memref<!tpu.dma_semaphore, #tpu.memory_space<semaphore_mem>>)
      %dma_wait3A = arith.constant 0 : i32
      %dma_wait3A_241 = tpu.memref_slice %arg10[%dma_wait3A] : memref<6272xi32, #tpu.memory_space<vmem>> -> memref<6272xi32, #tpu.memory_space<vmem>>
      %dma_wait3A_242 = arith.constant 0 : i32
      %dma_wait3A_243 = tpu.memref_slice %arg7[%add3A_19, %arg1, %dma_wait3A_242] : memref<4x16x6272xi32, #tpu.memory_space<hbm>> -> memref<1x1x6272xi32, #tpu.memory_space<hbm>>
      %dma_wait3A_244 = tpu.memref_squeeze %dma_wait3A_243 : memref<1x1x6272xi32, #tpu.memory_space<hbm>> -> memref<6272xi32, #tpu.memory_space<hbm>>
      %dma_wait3A_245 = arith.constant 0 : i32
      %dma_wait3A_246 = tpu.memref_slice %arg10[%dma_wait3A_245] : memref<6272xi32, #tpu.memory_space<vmem>> -> memref<6272xi32, #tpu.memory_space<vmem>>
      %dma_wait3A_247 = arith.constant 0 : i32
      %dma_wait3A_248 = tpu.memref_slice %arg7[%add3A_19, %arg1, %dma_wait3A_247] : memref<4x16x6272xi32, #tpu.memory_space<hbm>> -> memref<1x1x6272xi32, #tpu.memory_space<hbm>>
      %dma_wait3A_249 = tpu.memref_squeeze %dma_wait3A_248 : memref<1x1x6272xi32, #tpu.memory_space<hbm>> -> memref<6272xi32, #tpu.memory_space<hbm>>
      tpu.wait_dma2 semaphore(%run_scoped3A : memref<!tpu.dma_semaphore, #tpu.memory_space<semaphore_mem>>) src(%dma_wait3A_249 : memref<6272xi32, #tpu.memory_space<hbm>>) dst(%dma_wait3A_246 : memref<6272xi32, #tpu.memory_space<vmem>>)
      tpu.yield
    }) : () -> ()
    %scan3A_20 = arith.constant 0 : i32
    %scan3A_21 = arith.constant 49 : i32
    %scan3A_22 = arith.addi %scan3A_20, %scan3A_21 : i32
    %scan3A_23 = arith.constant 1 : i32
    %scan3A_24 = scf.for %scan3A_232 = %scan3A_20 to %scan3A_22 step %scan3A_23 iter_args(%scan3A_233 = %broadcast_in_dim3A_1) -> (vector<16xf32>)  : i32 {
      %mul3A_234 = arith.constant 128 : i32
      %mul3A_235 = arith.muli %scan3A_232, %mul3A_234 : i32
      %add3A_236 = arith.constant 0 : i32
      %add3A_237 = arith.addi %mul3A_235, %add3A_236 : i32
      %add3A_238 = vector.broadcast %add3A_237 : i32 to vector<16xi32>
      %add3A_239 = arith.addi %add3A_238, %iota3A : vector<16xi32>
      %lt3A = arith.constant 6250 : i32
      %lt3A_240 = vector.broadcast %lt3A : i32 to vector<16xi32>
      %lt3A_241 = arith.cmpi slt, %add3A_239, %lt3A_240 : vector<16xi32>
      %mul3A_242 = arith.constant 3 : i32
      %mul3A_243 = vector.broadcast %mul3A_242 : i32 to vector<16xi32>
      %mul3A_244 = arith.muli %add3A_239, %mul3A_243 : vector<16xi32>
      %mul3A_245 = arith.constant 128 : i32
      %mul3A_246 = arith.muli %scan3A_232, %mul3A_245 : i32
      %add3A_247 = arith.constant 0 : i32
      %add3A_248 = arith.addi %mul3A_246, %add3A_247 : i32
      %get3A_249 = arith.index_cast %add3A_248 : i32 to index
      %get3A_250 = tpu.vector_load %arg9[%get3A_249] {strides = array<i32>} : memref<6272xi32, #tpu.memory_space<vmem>>, vector<16xi32>,
      %add3A_251 = arith.constant 0 : i32
      %add3A_252 = vector.broadcast %add3A_251 : i32 to vector<16xi32>
      %add3A_253 = arith.addi %get3A_250, %add3A_252 : vector<16xi32>
      %mul3A_254 = arith.constant 128 : i32
      %mul3A_255 = arith.muli %scan3A_232, %mul3A_254 : i32
      %add3A_256 = arith.constant 0 : i32
      %add3A_257 = arith.addi %mul3A_255, %add3A_256 : i32
      %get3A_258 = arith.index_cast %add3A_257 : i32 to index
      %get3A_259 = tpu.vector_load %arg10[%get3A_258] {strides = array<i32>} : memref<6272xi32, #tpu.memory_space<vmem>>, vector<16xi32>,
      %add3A_260 = arith.constant 0 : i32
      %add3A_261 = vector.broadcast %add3A_260 : i32 to vector<16xi32>
      %add3A_262 = arith.addi %get3A_259, %add3A_261 : vector<16xi32>
      %select_n3A = arith.select %lt3A_241, %add3A_253, %broadcast_in_dim3A_3 : vector<16xi1>, vector<16xi32>
      %select_n3A_263 = arith.select %lt3A_241, %add3A_262, %broadcast_in_dim3A_3 : vector<16xi1>, vector<16xi32>
      %add3A_264 = arith.constant 0 : i32
      %add3A_265 = vector.broadcast %add3A_264 : i32 to vector<16xi32>
      %add3A_266 = arith.addi %mul3A_244, %add3A_265 : vector<16xi32>
      %add3A_267 = arith.constant 0 : i32
      %add3A_268 = vector.broadcast %add3A_267 : i32 to vector<16xi32>
      %add3A_269 = arith.addi %select_n3A, %add3A_268 : vector<16xi32>
      tpu.vector_store_idx %arg11[%add3A_266], %add3A_269 : memref<18816xi32, #tpu.memory_space<vmem>>[vector<16xi32>], vector<16xi32>,
      %add3A_270 = arith.constant 0 : i32
      %add3A_271 = vector.broadcast %add3A_270 : i32 to vector<16xi32>
      %add3A_272 = arith.addi %mul3A_244, %add3A_271 : vector<16xi32>
      %add3A_273 = arith.constant 0 : i32
      %add3A_274 = vector.broadcast %add3A_273 : i32 to vector<16xi32>
      %add3A_275 = arith.addi %select_n3A_263, %add3A_274 : vector<16xi32>
      tpu.vector_store_idx %arg12[%add3A_272], %add3A_275 : memref<18816xi32, #tpu.memory_space<vmem>>[vector<16xi32>], vector<16xi32>,
      %add3A_276 = arith.constant 1 : i32
      %add3A_277 = vector.broadcast %add3A_276 : i32 to vector<16xi32>
      %add3A_278 = arith.addi %mul3A_244, %add3A_277 : vector<16xi32>
      %add3A_279 = arith.constant 1228800 : i32
      %add3A_280 = vector.broadcast %add3A_279 : i32 to vector<16xi32>
      %add3A_281 = arith.addi %select_n3A, %add3A_280 : vector<16xi32>
      tpu.vector_store_idx %arg11[%add3A_278], %add3A_281 : memref<18816xi32, #tpu.memory_space<vmem>>[vector<16xi32>], vector<16xi32>,
      %add3A_282 = arith.constant 1 : i32
      %add3A_283 = vector.broadcast %add3A_282 : i32 to vector<16xi32>
      %add3A_284 = arith.addi %mul3A_244, %add3A_283 : vector<16xi32>
      %add3A_285 = arith.constant 1228800 : i32
      %add3A_286 = vector.broadcast %add3A_285 : i32 to vector<16xi32>
      %add3A_287 = arith.addi %select_n3A_263, %add3A_286 : vector<16xi32>
      tpu.vector_store_idx %arg12[%add3A_284], %add3A_287 : memref<18816xi32, #tpu.memory_space<vmem>>[vector<16xi32>], vector<16xi32>,
      %add3A_288 = arith.constant 2 : i32
      %add3A_289 = vector.broadcast %add3A_288 : i32 to vector<16xi32>
      %add3A_290 = arith.addi %mul3A_244, %add3A_289 : vector<16xi32>
      %add3A_291 = arith.constant 2457600 : i32
      %add3A_292 = vector.broadcast %add3A_291 : i32 to vector<16xi32>
      %add3A_293 = arith.addi %select_n3A, %add3A_292 : vector<16xi32>
      tpu.vector_store_idx %arg11[%add3A_290], %add3A_293 : memref<18816xi32, #tpu.memory_space<vmem>>[vector<16xi32>], vector<16xi32>,
      %add3A_294 = arith.constant 2 : i32
      %add3A_295 = vector.broadcast %add3A_294 : i32 to vector<16xi32>
      %add3A_296 = arith.addi %mul3A_244, %add3A_295 : vector<16xi32>
      %add3A_297 = arith.constant 2457600 : i32
      %add3A_298 = vector.broadcast %add3A_297 : i32 to vector<16xi32>
      %add3A_299 = arith.addi %select_n3A_263, %add3A_298 : vector<16xi32>
      tpu.vector_store_idx %arg12[%add3A_296], %add3A_299 : memref<18816xi32, #tpu.memory_space<vmem>>[vector<16xi32>], vector<16xi32>,
      %mul3A_300 = arith.constant 128 : i32
      %mul3A_301 = arith.muli %scan3A_232, %mul3A_300 : i32
      %add3A_302 = arith.constant 16 : i32
      %add3A_303 = arith.addi %mul3A_301, %add3A_302 : i32
      %add3A_304 = vector.broadcast %add3A_303 : i32 to vector<16xi32>
      %add3A_305 = arith.addi %add3A_304, %iota3A : vector<16xi32>
      %lt3A_306 = arith.constant 6250 : i32
      %lt3A_307 = vector.broadcast %lt3A_306 : i32 to vector<16xi32>
      %lt3A_308 = arith.cmpi slt, %add3A_305, %lt3A_307 : vector<16xi32>
      %mul3A_309 = arith.constant 3 : i32
      %mul3A_310 = vector.broadcast %mul3A_309 : i32 to vector<16xi32>
      %mul3A_311 = arith.muli %add3A_305, %mul3A_310 : vector<16xi32>
      %mul3A_312 = arith.constant 128 : i32
      %mul3A_313 = arith.muli %scan3A_232, %mul3A_312 : i32
      %add3A_314 = arith.constant 16 : i32
      %add3A_315 = arith.addi %mul3A_313, %add3A_314 : i32
      %get3A_316 = arith.index_cast %add3A_315 : i32 to index
      %get3A_317 = tpu.vector_load %arg9[%get3A_316] {strides = array<i32>} : memref<6272xi32, #tpu.memory_space<vmem>>, vector<16xi32>,
      %add3A_318 = arith.constant 0 : i32
      %add3A_319 = vector.broadcast %add3A_318 : i32 to vector<16xi32>
      %add3A_320 = arith.addi %get3A_317, %add3A_319 : vector<16xi32>
      %mul3A_321 = arith.constant 128 : i32
      %mul3A_322 = arith.muli %scan3A_232, %mul3A_321 : i32
      %add3A_323 = arith.constant 16 : i32
      %add3A_324 = arith.addi %mul3A_322, %add3A_323 : i32
      %get3A_325 = arith.index_cast %add3A_324 : i32 to index
      %get3A_326 = tpu.vector_load %arg10[%get3A_325] {strides = array<i32>} : memref<6272xi32, #tpu.memory_space<vmem>>, vector<16xi32>,
      %add3A_327 = arith.constant 0 : i32
      %add3A_328 = vector.broadcast %add3A_327 : i32 to vector<16xi32>
      %add3A_329 = arith.addi %get3A_326, %add3A_328 : vector<16xi32>
      %select_n3A_330 = arith.select %lt3A_308, %add3A_320, %broadcast_in_dim3A_3 : vector<16xi1>, vector<16xi32>
      %select_n3A_331 = arith.select %lt3A_308, %add3A_329, %broadcast_in_dim3A_3 : vector<16xi1>, vector<16xi32>
      %add3A_332 = arith.constant 0 : i32
      %add3A_333 = vector.broadcast %add3A_332 : i32 to vector<16xi32>
      %add3A_334 = arith.addi %mul3A_311, %add3A_333 : vector<16xi32>
      %add3A_335 = arith.constant 0 : i32
      %add3A_336 = vector.broadcast %add3A_335 : i32 to vector<16xi32>
      %add3A_337 = arith.addi %select_n3A_330, %add3A_336 : vector<16xi32>
      tpu.vector_store_idx %arg11[%add3A_334], %add3A_337 : memref<18816xi32, #tpu.memory_space<vmem>>[vector<16xi32>], vector<16xi32>,
      %add3A_338 = arith.constant 0 : i32
      %add3A_339 = vector.broadcast %add3A_338 : i32 to vector<16xi32>
      %add3A_340 = arith.addi %mul3A_311, %add3A_339 : vector<16xi32>
      %add3A_341 = arith.constant 0 : i32
      %add3A_342 = vector.broadcast %add3A_341 : i32 to vector<16xi32>
      %add3A_343 = arith.addi %select_n3A_331, %add3A_342 : vector<16xi32>
      tpu.vector_store_idx %arg12[%add3A_340], %add3A_343 : memref<18816xi32, #tpu.memory_space<vmem>>[vector<16xi32>], vector<16xi32>,
      %add3A_344 = arith.constant 1 : i32
      %add3A_345 = vector.broadcast %add3A_344 : i32 to vector<16xi32>
      %add3A_346 = arith.addi %mul3A_311, %add3A_345 : vector<16xi32>
      %add3A_347 = arith.constant 1228800 : i32
      %add3A_348 = vector.broadcast %add3A_347 : i32 to vector<16xi32>
      %add3A_349 = arith.addi %select_n3A_330, %add3A_348 : vector<16xi32>
      tpu.vector_store_idx %arg11[%add3A_346], %add3A_349 : memref<18816xi32, #tpu.memory_space<vmem>>[vector<16xi32>], vector<16xi32>,
      %add3A_350 = arith.constant 1 : i32
      %add3A_351 = vector.broadcast %add3A_350 : i32 to vector<16xi32>
      %add3A_352 = arith.addi %mul3A_311, %add3A_351 : vector<16xi32>
      %add3A_353 = arith.constant 1228800 : i32
      %add3A_354 = vector.broadcast %add3A_353 : i32 to vector<16xi32>
      %add3A_355 = arith.addi %select_n3A_331, %add3A_354 : vector<16xi32>
      tpu.vector_store_idx %arg12[%add3A_352], %add3A_355 : memref<18816xi32, #tpu.memory_space<vmem>>[vector<16xi32>], vector<16xi32>,
      %add3A_356 = arith.constant 2 : i32
      %add3A_357 = vector.broadcast %add3A_356 : i32 to vector<16xi32>
      %add3A_358 = arith.addi %mul3A_311, %add3A_357 : vector<16xi32>
      %add3A_359 = arith.constant 2457600 : i32
      %add3A_360 = vector.broadcast %add3A_359 : i32 to vector<16xi32>
      %add3A_361 = arith.addi %select_n3A_330, %add3A_360 : vector<16xi32>
      tpu.vector_store_idx %arg11[%add3A_358], %add3A_361 : memref<18816xi32, #tpu.memory_space<vmem>>[vector<16xi32>], vector<16xi32>,
      %add3A_362 = arith.constant 2 : i32
      %add3A_363 = vector.broadcast %add3A_362 : i32 to vector<16xi32>
      %add3A_364 = arith.addi %mul3A_311, %add3A_363 : vector<16xi32>
      %add3A_365 = arith.constant 2457600 : i32
      %add3A_366 = vector.broadcast %add3A_365 : i32 to vector<16xi32>
      %add3A_367 = arith.addi %select_n3A_331, %add3A_366 : vector<16xi32>
      tpu.vector_store_idx %arg12[%add3A_364], %add3A_367 : memref<18816xi32, #tpu.memory_space<vmem>>[vector<16xi32>], vector<16xi32>,
      %mul3A_368 = arith.constant 128 : i32
      %mul3A_369 = arith.muli %scan3A_232, %mul3A_368 : i32
      %add3A_370 = arith.constant 32 : i32
      %add3A_371 = arith.addi %mul3A_369, %add3A_370 : i32
      %add3A_372 = vector.broadcast %add3A_371 : i32 to vector<16xi32>
      %add3A_373 = arith.addi %add3A_372, %iota3A : vector<16xi32>
      %lt3A_374 = arith.constant 6250 : i32
      %lt3A_375 = vector.broadcast %lt3A_374 : i32 to vector<16xi32>
      %lt3A_376 = arith.cmpi slt, %add3A_373, %lt3A_375 : vector<16xi32>
      %mul3A_377 = arith.constant 3 : i32
      %mul3A_378 = vector.broadcast %mul3A_377 : i32 to vector<16xi32>
      %mul3A_379 = arith.muli %add3A_373, %mul3A_378 : vector<16xi32>
      %mul3A_380 = arith.constant 128 : i32
      %mul3A_381 = arith.muli %scan3A_232, %mul3A_380 : i32
      %add3A_382 = arith.constant 32 : i32
      %add3A_383 = arith.addi %mul3A_381, %add3A_382 : i32
      %get3A_384 = arith.index_cast %add3A_383 : i32 to index
      %get3A_385 = tpu.vector_load %arg9[%get3A_384] {strides = array<i32>} : memref<6272xi32, #tpu.memory_space<vmem>>, vector<16xi32>,
      %add3A_386 = arith.constant 0 : i32
      %add3A_387 = vector.broadcast %add3A_386 : i32 to vector<16xi32>
      %add3A_388 = arith.addi %get3A_385, %add3A_387 : vector<16xi32>
      %mul3A_389 = arith.constant 128 : i32
      %mul3A_390 = arith.muli %scan3A_232, %mul3A_389 : i32
      %add3A_391 = arith.constant 32 : i32
      %add3A_392 = arith.addi %mul3A_390, %add3A_391 : i32
      %get3A_393 = arith.index_cast %add3A_392 : i32 to index
      %get3A_394 = tpu.vector_load %arg10[%get3A_393] {strides = array<i32>} : memref<6272xi32, #tpu.memory_space<vmem>>, vector<16xi32>,
      %add3A_395 = arith.constant 0 : i32
      %add3A_396 = vector.broadcast %add3A_395 : i32 to vector<16xi32>
      %add3A_397 = arith.addi %get3A_394, %add3A_396 : vector<16xi32>
      %select_n3A_398 = arith.select %lt3A_376, %add3A_388, %broadcast_in_dim3A_3 : vector<16xi1>, vector<16xi32>
      %select_n3A_399 = arith.select %lt3A_376, %add3A_397, %broadcast_in_dim3A_3 : vector<16xi1>, vector<16xi32>
      %add3A_400 = arith.constant 0 : i32
      %add3A_401 = vector.broadcast %add3A_400 : i32 to vector<16xi32>
      %add3A_402 = arith.addi %mul3A_379, %add3A_401 : vector<16xi32>
      %add3A_403 = arith.constant 0 : i32
      %add3A_404 = vector.broadcast %add3A_403 : i32 to vector<16xi32>
      %add3A_405 = arith.addi %select_n3A_398, %add3A_404 : vector<16xi32>
      tpu.vector_store_idx %arg11[%add3A_402], %add3A_405 : memref<18816xi32, #tpu.memory_space<vmem>>[vector<16xi32>], vector<16xi32>,
      %add3A_406 = arith.constant 0 : i32
      %add3A_407 = vector.broadcast %add3A_406 : i32 to vector<16xi32>
      %add3A_408 = arith.addi %mul3A_379, %add3A_407 : vector<16xi32>
      %add3A_409 = arith.constant 0 : i32
      %add3A_410 = vector.broadcast %add3A_409 : i32 to vector<16xi32>
      %add3A_411 = arith.addi %select_n3A_399, %add3A_410 : vector<16xi32>
      tpu.vector_store_idx %arg12[%add3A_408], %add3A_411 : memref<18816xi32, #tpu.memory_space<vmem>>[vector<16xi32>], vector<16xi32>,
      %add3A_412 = arith.constant 1 : i32
      %add3A_413 = vector.broadcast %add3A_412 : i32 to vector<16xi32>
      %add3A_414 = arith.addi %mul3A_379, %add3A_413 : vector<16xi32>
      %add3A_415 = arith.constant 1228800 : i32
      %add3A_416 = vector.broadcast %add3A_415 : i32 to vector<16xi32>
      %add3A_417 = arith.addi %select_n3A_398, %add3A_416 : vector<16xi32>
      tpu.vector_store_idx %arg11[%add3A_414], %add3A_417 : memref<18816xi32, #tpu.memory_space<vmem>>[vector<16xi32>], vector<16xi32>,
      %add3A_418 = arith.constant 1 : i32
      %add3A_419 = vector.broadcast %add3A_418 : i32 to vector<16xi32>
      %add3A_420 = arith.addi %mul3A_379, %add3A_419 : vector<16xi32>
      %add3A_421 = arith.constant 1228800 : i32
      %add3A_422 = vector.broadcast %add3A_421 : i32 to vector<16xi32>
      %add3A_423 = arith.addi %select_n3A_399, %add3A_422 : vector<16xi32>
      tpu.vector_store_idx %arg12[%add3A_420], %add3A_423 : memref<18816xi32, #tpu.memory_space<vmem>>[vector<16xi32>], vector<16xi32>,
      %add3A_424 = arith.constant 2 : i32
      %add3A_425 = vector.broadcast %add3A_424 : i32 to vector<16xi32>
      %add3A_426 = arith.addi %mul3A_379, %add3A_425 : vector<16xi32>
      %add3A_427 = arith.constant 2457600 : i32
      %add3A_428 = vector.broadcast %add3A_427 : i32 to vector<16xi32>
      %add3A_429 = arith.addi %select_n3A_398, %add3A_428 : vector<16xi32>
      tpu.vector_store_idx %arg11[%add3A_426], %add3A_429 : memref<18816xi32, #tpu.memory_space<vmem>>[vector<16xi32>], vector<16xi32>,
      %add3A_430 = arith.constant 2 : i32
      %add3A_431 = vector.broadcast %add3A_430 : i32 to vector<16xi32>
      %add3A_432 = arith.addi %mul3A_379, %add3A_431 : vector<16xi32>
      %add3A_433 = arith.constant 2457600 : i32
      %add3A_434 = vector.broadcast %add3A_433 : i32 to vector<16xi32>
      %add3A_435 = arith.addi %select_n3A_399, %add3A_434 : vector<16xi32>
      tpu.vector_store_idx %arg12[%add3A_432], %add3A_435 : memref<18816xi32, #tpu.memory_space<vmem>>[vector<16xi32>], vector<16xi32>,
      %mul3A_436 = arith.constant 128 : i32
      %mul3A_437 = arith.muli %scan3A_232, %mul3A_436 : i32
      %add3A_438 = arith.constant 48 : i32
      %add3A_439 = arith.addi %mul3A_437, %add3A_438 : i32
      %add3A_440 = vector.broadcast %add3A_439 : i32 to vector<16xi32>
      %add3A_441 = arith.addi %add3A_440, %iota3A : vector<16xi32>
      %lt3A_442 = arith.constant 6250 : i32
      %lt3A_443 = vector.broadcast %lt3A_442 : i32 to vector<16xi32>
      %lt3A_444 = arith.cmpi slt, %add3A_441, %lt3A_443 : vector<16xi32>
      %mul3A_445 = arith.constant 3 : i32
      %mul3A_446 = vector.broadcast %mul3A_445 : i32 to vector<16xi32>
      %mul3A_447 = arith.muli %add3A_441, %mul3A_446 : vector<16xi32>
      %mul3A_448 = arith.constant 128 : i32
      %mul3A_449 = arith.muli %scan3A_232, %mul3A_448 : i32
      %add3A_450 = arith.constant 48 : i32
      %add3A_451 = arith.addi %mul3A_449, %add3A_450 : i32
      %get3A_452 = arith.index_cast %add3A_451 : i32 to index
      %get3A_453 = tpu.vector_load %arg9[%get3A_452] {strides = array<i32>} : memref<6272xi32, #tpu.memory_space<vmem>>, vector<16xi32>,
      %add3A_454 = arith.constant 0 : i32
      %add3A_455 = vector.broadcast %add3A_454 : i32 to vector<16xi32>
      %add3A_456 = arith.addi %get3A_453, %add3A_455 : vector<16xi32>
      %mul3A_457 = arith.constant 128 : i32
      %mul3A_458 = arith.muli %scan3A_232, %mul3A_457 : i32
      %add3A_459 = arith.constant 48 : i32
      %add3A_460 = arith.addi %mul3A_458, %add3A_459 : i32
      %get3A_461 = arith.index_cast %add3A_460 : i32 to index
      %get3A_462 = tpu.vector_load %arg10[%get3A_461] {strides = array<i32>} : memref<6272xi32, #tpu.memory_space<vmem>>, vector<16xi32>,
      %add3A_463 = arith.constant 0 : i32
      %add3A_464 = vector.broadcast %add3A_463 : i32 to vector<16xi32>
      %add3A_465 = arith.addi %get3A_462, %add3A_464 : vector<16xi32>
      %select_n3A_466 = arith.select %lt3A_444, %add3A_456, %broadcast_in_dim3A_3 : vector<16xi1>, vector<16xi32>
      %select_n3A_467 = arith.select %lt3A_444, %add3A_465, %broadcast_in_dim3A_3 : vector<16xi1>, vector<16xi32>
      %add3A_468 = arith.constant 0 : i32
      %add3A_469 = vector.broadcast %add3A_468 : i32 to vector<16xi32>
      %add3A_470 = arith.addi %mul3A_447, %add3A_469 : vector<16xi32>
      %add3A_471 = arith.constant 0 : i32
      %add3A_472 = vector.broadcast %add3A_471 : i32 to vector<16xi32>
      %add3A_473 = arith.addi %select_n3A_466, %add3A_472 : vector<16xi32>
      tpu.vector_store_idx %arg11[%add3A_470], %add3A_473 : memref<18816xi32, #tpu.memory_space<vmem>>[vector<16xi32>], vector<16xi32>,
      %add3A_474 = arith.constant 0 : i32
      %add3A_475 = vector.broadcast %add3A_474 : i32 to vector<16xi32>
      %add3A_476 = arith.addi %mul3A_447, %add3A_475 : vector<16xi32>
      %add3A_477 = arith.constant 0 : i32
      %add3A_478 = vector.broadcast %add3A_477 : i32 to vector<16xi32>
      %add3A_479 = arith.addi %select_n3A_467, %add3A_478 : vector<16xi32>
      tpu.vector_store_idx %arg12[%add3A_476], %add3A_479 : memref<18816xi32, #tpu.memory_space<vmem>>[vector<16xi32>], vector<16xi32>,
      %add3A_480 = arith.constant 1 : i32
      %add3A_481 = vector.broadcast %add3A_480 : i32 to vector<16xi32>
      %add3A_482 = arith.addi %mul3A_447, %add3A_481 : vector<16xi32>
      %add3A_483 = arith.constant 1228800 : i32
      %add3A_484 = vector.broadcast %add3A_483 : i32 to vector<16xi32>
      %add3A_485 = arith.addi %select_n3A_466, %add3A_484 : vector<16xi32>
      tpu.vector_store_idx %arg11[%add3A_482], %add3A_485 : memref<18816xi32, #tpu.memory_space<vmem>>[vector<16xi32>], vector<16xi32>,
      %add3A_486 = arith.constant 1 : i32
      %add3A_487 = vector.broadcast %add3A_486 : i32 to vector<16xi32>
      %add3A_488 = arith.addi %mul3A_447, %add3A_487 : vector<16xi32>
      %add3A_489 = arith.constant 1228800 : i32
      %add3A_490 = vector.broadcast %add3A_489 : i32 to vector<16xi32>
      %add3A_491 = arith.addi %select_n3A_467, %add3A_490 : vector<16xi32>
      tpu.vector_store_idx %arg12[%add3A_488], %add3A_491 : memref<18816xi32, #tpu.memory_space<vmem>>[vector<16xi32>], vector<16xi32>,
      %add3A_492 = arith.constant 2 : i32
      %add3A_493 = vector.broadcast %add3A_492 : i32 to vector<16xi32>
      %add3A_494 = arith.addi %mul3A_447, %add3A_493 : vector<16xi32>
      %add3A_495 = arith.constant 2457600 : i32
      %add3A_496 = vector.broadcast %add3A_495 : i32 to vector<16xi32>
      %add3A_497 = arith.addi %select_n3A_466, %add3A_496 : vector<16xi32>
      tpu.vector_store_idx %arg11[%add3A_494], %add3A_497 : memref<18816xi32, #tpu.memory_space<vmem>>[vector<16xi32>], vector<16xi32>,
      %add3A_498 = arith.constant 2 : i32
      %add3A_499 = vector.broadcast %add3A_498 : i32 to vector<16xi32>
      %add3A_500 = arith.addi %mul3A_447, %add3A_499 : vector<16xi32>
      %add3A_501 = arith.constant 2457600 : i32
      %add3A_502 = vector.broadcast %add3A_501 : i32 to vector<16xi32>
      %add3A_503 = arith.addi %select_n3A_467, %add3A_502 : vector<16xi32>
      tpu.vector_store_idx %arg12[%add3A_500], %add3A_503 : memref<18816xi32, #tpu.memory_space<vmem>>[vector<16xi32>], vector<16xi32>,
      %mul3A_504 = arith.constant 128 : i32
      %mul3A_505 = arith.muli %scan3A_232, %mul3A_504 : i32
      %add3A_506 = arith.constant 64 : i32
      %add3A_507 = arith.addi %mul3A_505, %add3A_506 : i32
      %add3A_508 = vector.broadcast %add3A_507 : i32 to vector<16xi32>
      %add3A_509 = arith.addi %add3A_508, %iota3A : vector<16xi32>
      %lt3A_510 = arith.constant 6250 : i32
      %lt3A_511 = vector.broadcast %lt3A_510 : i32 to vector<16xi32>
      %lt3A_512 = arith.cmpi slt, %add3A_509, %lt3A_511 : vector<16xi32>
      %mul3A_513 = arith.constant 3 : i32
      %mul3A_514 = vector.broadcast %mul3A_513 : i32 to vector<16xi32>
      %mul3A_515 = arith.muli %add3A_509, %mul3A_514 : vector<16xi32>
      %mul3A_516 = arith.constant 128 : i32
      %mul3A_517 = arith.muli %scan3A_232, %mul3A_516 : i32
      %add3A_518 = arith.constant 64 : i32
      %add3A_519 = arith.addi %mul3A_517, %add3A_518 : i32
      %get3A_520 = arith.index_cast %add3A_519 : i32 to index
      %get3A_521 = tpu.vector_load %arg9[%get3A_520] {strides = array<i32>} : memref<6272xi32, #tpu.memory_space<vmem>>, vector<16xi32>,
      %add3A_522 = arith.constant 0 : i32
      %add3A_523 = vector.broadcast %add3A_522 : i32 to vector<16xi32>
      %add3A_524 = arith.addi %get3A_521, %add3A_523 : vector<16xi32>
      %mul3A_525 = arith.constant 128 : i32
      %mul3A_526 = arith.muli %scan3A_232, %mul3A_525 : i32
      %add3A_527 = arith.constant 64 : i32
      %add3A_528 = arith.addi %mul3A_526, %add3A_527 : i32
      %get3A_529 = arith.index_cast %add3A_528 : i32 to index
      %get3A_530 = tpu.vector_load %arg10[%get3A_529] {strides = array<i32>} : memref<6272xi32, #tpu.memory_space<vmem>>, vector<16xi32>,
      %add3A_531 = arith.constant 0 : i32
      %add3A_532 = vector.broadcast %add3A_531 : i32 to vector<16xi32>
      %add3A_533 = arith.addi %get3A_530, %add3A_532 : vector<16xi32>
      %select_n3A_534 = arith.select %lt3A_512, %add3A_524, %broadcast_in_dim3A_3 : vector<16xi1>, vector<16xi32>
      %select_n3A_535 = arith.select %lt3A_512, %add3A_533, %broadcast_in_dim3A_3 : vector<16xi1>, vector<16xi32>
      %add3A_536 = arith.constant 0 : i32
      %add3A_537 = vector.broadcast %add3A_536 : i32 to vector<16xi32>
      %add3A_538 = arith.addi %mul3A_515, %add3A_537 : vector<16xi32>
      %add3A_539 = arith.constant 0 : i32
      %add3A_540 = vector.broadcast %add3A_539 : i32 to vector<16xi32>
      %add3A_541 = arith.addi %select_n3A_534, %add3A_540 : vector<16xi32>
      tpu.vector_store_idx %arg11[%add3A_538], %add3A_541 : memref<18816xi32, #tpu.memory_space<vmem>>[vector<16xi32>], vector<16xi32>,
      %add3A_542 = arith.constant 0 : i32
      %add3A_543 = vector.broadcast %add3A_542 : i32 to vector<16xi32>
      %add3A_544 = arith.addi %mul3A_515, %add3A_543 : vector<16xi32>
      %add3A_545 = arith.constant 0 : i32
      %add3A_546 = vector.broadcast %add3A_545 : i32 to vector<16xi32>
      %add3A_547 = arith.addi %select_n3A_535, %add3A_546 : vector<16xi32>
      tpu.vector_store_idx %arg12[%add3A_544], %add3A_547 : memref<18816xi32, #tpu.memory_space<vmem>>[vector<16xi32>], vector<16xi32>,
      %add3A_548 = arith.constant 1 : i32
      %add3A_549 = vector.broadcast %add3A_548 : i32 to vector<16xi32>
      %add3A_550 = arith.addi %mul3A_515, %add3A_549 : vector<16xi32>
      %add3A_551 = arith.constant 1228800 : i32
      %add3A_552 = vector.broadcast %add3A_551 : i32 to vector<16xi32>
      %add3A_553 = arith.addi %select_n3A_534, %add3A_552 : vector<16xi32>
      tpu.vector_store_idx %arg11[%add3A_550], %add3A_553 : memref<18816xi32, #tpu.memory_space<vmem>>[vector<16xi32>], vector<16xi32>,
      %add3A_554 = arith.constant 1 : i32
      %add3A_555 = vector.broadcast %add3A_554 : i32 to vector<16xi32>
      %add3A_556 = arith.addi %mul3A_515, %add3A_555 : vector<16xi32>
      %add3A_557 = arith.constant 1228800 : i32
      %add3A_558 = vector.broadcast %add3A_557 : i32 to vector<16xi32>
      %add3A_559 = arith.addi %select_n3A_535, %add3A_558 : vector<16xi32>
      tpu.vector_store_idx %arg12[%add3A_556], %add3A_559 : memref<18816xi32, #tpu.memory_space<vmem>>[vector<16xi32>], vector<16xi32>,
      %add3A_560 = arith.constant 2 : i32
      %add3A_561 = vector.broadcast %add3A_560 : i32 to vector<16xi32>
      %add3A_562 = arith.addi %mul3A_515, %add3A_561 : vector<16xi32>
      %add3A_563 = arith.constant 2457600 : i32
      %add3A_564 = vector.broadcast %add3A_563 : i32 to vector<16xi32>
      %add3A_565 = arith.addi %select_n3A_534, %add3A_564 : vector<16xi32>
      tpu.vector_store_idx %arg11[%add3A_562], %add3A_565 : memref<18816xi32, #tpu.memory_space<vmem>>[vector<16xi32>], vector<16xi32>,
      %add3A_566 = arith.constant 2 : i32
      %add3A_567 = vector.broadcast %add3A_566 : i32 to vector<16xi32>
      %add3A_568 = arith.addi %mul3A_515, %add3A_567 : vector<16xi32>
      %add3A_569 = arith.constant 2457600 : i32
      %add3A_570 = vector.broadcast %add3A_569 : i32 to vector<16xi32>
      %add3A_571 = arith.addi %select_n3A_535, %add3A_570 : vector<16xi32>
      tpu.vector_store_idx %arg12[%add3A_568], %add3A_571 : memref<18816xi32, #tpu.memory_space<vmem>>[vector<16xi32>], vector<16xi32>,
      %mul3A_572 = arith.constant 128 : i32
      %mul3A_573 = arith.muli %scan3A_232, %mul3A_572 : i32
      %add3A_574 = arith.constant 80 : i32
      %add3A_575 = arith.addi %mul3A_573, %add3A_574 : i32
      %add3A_576 = vector.broadcast %add3A_575 : i32 to vector<16xi32>
      %add3A_577 = arith.addi %add3A_576, %iota3A : vector<16xi32>
      %lt3A_578 = arith.constant 6250 : i32
      %lt3A_579 = vector.broadcast %lt3A_578 : i32 to vector<16xi32>
      %lt3A_580 = arith.cmpi slt, %add3A_577, %lt3A_579 : vector<16xi32>
      %mul3A_581 = arith.constant 3 : i32
      %mul3A_582 = vector.broadcast %mul3A_581 : i32 to vector<16xi32>
      %mul3A_583 = arith.muli %add3A_577, %mul3A_582 : vector<16xi32>
      %mul3A_584 = arith.constant 128 : i32
      %mul3A_585 = arith.muli %scan3A_232, %mul3A_584 : i32
      %add3A_586 = arith.constant 80 : i32
      %add3A_587 = arith.addi %mul3A_585, %add3A_586 : i32
      %get3A_588 = arith.index_cast %add3A_587 : i32 to index
      %get3A_589 = tpu.vector_load %arg9[%get3A_588] {strides = array<i32>} : memref<6272xi32, #tpu.memory_space<vmem>>, vector<16xi32>,
      %add3A_590 = arith.constant 0 : i32
      %add3A_591 = vector.broadcast %add3A_590 : i32 to vector<16xi32>
      %add3A_592 = arith.addi %get3A_589, %add3A_591 : vector<16xi32>
      %mul3A_593 = arith.constant 128 : i32
      %mul3A_594 = arith.muli %scan3A_232, %mul3A_593 : i32
      %add3A_595 = arith.constant 80 : i32
      %add3A_596 = arith.addi %mul3A_594, %add3A_595 : i32
      %get3A_597 = arith.index_cast %add3A_596 : i32 to index
      %get3A_598 = tpu.vector_load %arg10[%get3A_597] {strides = array<i32>} : memref<6272xi32, #tpu.memory_space<vmem>>, vector<16xi32>,
      %add3A_599 = arith.constant 0 : i32
      %add3A_600 = vector.broadcast %add3A_599 : i32 to vector<16xi32>
      %add3A_601 = arith.addi %get3A_598, %add3A_600 : vector<16xi32>
      %select_n3A_602 = arith.select %lt3A_580, %add3A_592, %broadcast_in_dim3A_3 : vector<16xi1>, vector<16xi32>
      %select_n3A_603 = arith.select %lt3A_580, %add3A_601, %broadcast_in_dim3A_3 : vector<16xi1>, vector<16xi32>
      %add3A_604 = arith.constant 0 : i32
      %add3A_605 = vector.broadcast %add3A_604 : i32 to vector<16xi32>
      %add3A_606 = arith.addi %mul3A_583, %add3A_605 : vector<16xi32>
      %add3A_607 = arith.constant 0 : i32
      %add3A_608 = vector.broadcast %add3A_607 : i32 to vector<16xi32>
      %add3A_609 = arith.addi %select_n3A_602, %add3A_608 : vector<16xi32>
      tpu.vector_store_idx %arg11[%add3A_606], %add3A_609 : memref<18816xi32, #tpu.memory_space<vmem>>[vector<16xi32>], vector<16xi32>,
      %add3A_610 = arith.constant 0 : i32
      %add3A_611 = vector.broadcast %add3A_610 : i32 to vector<16xi32>
      %add3A_612 = arith.addi %mul3A_583, %add3A_611 : vector<16xi32>
      %add3A_613 = arith.constant 0 : i32
      %add3A_614 = vector.broadcast %add3A_613 : i32 to vector<16xi32>
      %add3A_615 = arith.addi %select_n3A_603, %add3A_614 : vector<16xi32>
      tpu.vector_store_idx %arg12[%add3A_612], %add3A_615 : memref<18816xi32, #tpu.memory_space<vmem>>[vector<16xi32>], vector<16xi32>,
      %add3A_616 = arith.constant 1 : i32
      %add3A_617 = vector.broadcast %add3A_616 : i32 to vector<16xi32>
      %add3A_618 = arith.addi %mul3A_583, %add3A_617 : vector<16xi32>
      %add3A_619 = arith.constant 1228800 : i32
      %add3A_620 = vector.broadcast %add3A_619 : i32 to vector<16xi32>
      %add3A_621 = arith.addi %select_n3A_602, %add3A_620 : vector<16xi32>
      tpu.vector_store_idx %arg11[%add3A_618], %add3A_621 : memref<18816xi32, #tpu.memory_space<vmem>>[vector<16xi32>], vector<16xi32>,
      %add3A_622 = arith.constant 1 : i32
      %add3A_623 = vector.broadcast %add3A_622 : i32 to vector<16xi32>
      %add3A_624 = arith.addi %mul3A_583, %add3A_623 : vector<16xi32>
      %add3A_625 = arith.constant 1228800 : i32
      %add3A_626 = vector.broadcast %add3A_625 : i32 to vector<16xi32>
      %add3A_627 = arith.addi %select_n3A_603, %add3A_626 : vector<16xi32>
      tpu.vector_store_idx %arg12[%add3A_624], %add3A_627 : memref<18816xi32, #tpu.memory_space<vmem>>[vector<16xi32>], vector<16xi32>,
      %add3A_628 = arith.constant 2 : i32
      %add3A_629 = vector.broadcast %add3A_628 : i32 to vector<16xi32>
      %add3A_630 = arith.addi %mul3A_583, %add3A_629 : vector<16xi32>
      %add3A_631 = arith.constant 2457600 : i32
      %add3A_632 = vector.broadcast %add3A_631 : i32 to vector<16xi32>
      %add3A_633 = arith.addi %select_n3A_602, %add3A_632 : vector<16xi32>
      tpu.vector_store_idx %arg11[%add3A_630], %add3A_633 : memref<18816xi32, #tpu.memory_space<vmem>>[vector<16xi32>], vector<16xi32>,
      %add3A_634 = arith.constant 2 : i32
      %add3A_635 = vector.broadcast %add3A_634 : i32 to vector<16xi32>
      %add3A_636 = arith.addi %mul3A_583, %add3A_635 : vector<16xi32>
      %add3A_637 = arith.constant 2457600 : i32
      %add3A_638 = vector.broadcast %add3A_637 : i32 to vector<16xi32>
      %add3A_639 = arith.addi %select_n3A_603, %add3A_638 : vector<16xi32>
      tpu.vector_store_idx %arg12[%add3A_636], %add3A_639 : memref<18816xi32, #tpu.memory_space<vmem>>[vector<16xi32>], vector<16xi32>,
      %mul3A_640 = arith.constant 128 : i32
      %mul3A_641 = arith.muli %scan3A_232, %mul3A_640 : i32
      %add3A_642 = arith.constant 96 : i32
      %add3A_643 = arith.addi %mul3A_641, %add3A_642 : i32
      %add3A_644 = vector.broadcast %add3A_643 : i32 to vector<16xi32>
      %add3A_645 = arith.addi %add3A_644, %iota3A : vector<16xi32>
      %lt3A_646 = arith.constant 6250 : i32
      %lt3A_647 = vector.broadcast %lt3A_646 : i32 to vector<16xi32>
      %lt3A_648 = arith.cmpi slt, %add3A_645, %lt3A_647 : vector<16xi32>
      %mul3A_649 = arith.constant 3 : i32
      %mul3A_650 = vector.broadcast %mul3A_649 : i32 to vector<16xi32>
      %mul3A_651 = arith.muli %add3A_645, %mul3A_650 : vector<16xi32>
      %mul3A_652 = arith.constant 128 : i32
      %mul3A_653 = arith.muli %scan3A_232, %mul3A_652 : i32
      %add3A_654 = arith.constant 96 : i32
      %add3A_655 = arith.addi %mul3A_653, %add3A_654 : i32
      %get3A_656 = arith.index_cast %add3A_655 : i32 to index
      %get3A_657 = tpu.vector_load %arg9[%get3A_656] {strides = array<i32>} : memref<6272xi32, #tpu.memory_space<vmem>>, vector<16xi32>,
      %add3A_658 = arith.constant 0 : i32
      %add3A_659 = vector.broadcast %add3A_658 : i32 to vector<16xi32>
      %add3A_660 = arith.addi %get3A_657, %add3A_659 : vector<16xi32>
      %mul3A_661 = arith.constant 128 : i32
      %mul3A_662 = arith.muli %scan3A_232, %mul3A_661 : i32
      %add3A_663 = arith.constant 96 : i32
      %add3A_664 = arith.addi %mul3A_662, %add3A_663 : i32
      %get3A_665 = arith.index_cast %add3A_664 : i32 to index
      %get3A_666 = tpu.vector_load %arg10[%get3A_665] {strides = array<i32>} : memref<6272xi32, #tpu.memory_space<vmem>>, vector<16xi32>,
      %add3A_667 = arith.constant 0 : i32
      %add3A_668 = vector.broadcast %add3A_667 : i32 to vector<16xi32>
      %add3A_669 = arith.addi %get3A_666, %add3A_668 : vector<16xi32>
      %select_n3A_670 = arith.select %lt3A_648, %add3A_660, %broadcast_in_dim3A_3 : vector<16xi1>, vector<16xi32>
      %select_n3A_671 = arith.select %lt3A_648, %add3A_669, %broadcast_in_dim3A_3 : vector<16xi1>, vector<16xi32>
      %add3A_672 = arith.constant 0 : i32
      %add3A_673 = vector.broadcast %add3A_672 : i32 to vector<16xi32>
      %add3A_674 = arith.addi %mul3A_651, %add3A_673 : vector<16xi32>
      %add3A_675 = arith.constant 0 : i32
      %add3A_676 = vector.broadcast %add3A_675 : i32 to vector<16xi32>
      %add3A_677 = arith.addi %select_n3A_670, %add3A_676 : vector<16xi32>
      tpu.vector_store_idx %arg11[%add3A_674], %add3A_677 : memref<18816xi32, #tpu.memory_space<vmem>>[vector<16xi32>], vector<16xi32>,
      %add3A_678 = arith.constant 0 : i32
      %add3A_679 = vector.broadcast %add3A_678 : i32 to vector<16xi32>
      %add3A_680 = arith.addi %mul3A_651, %add3A_679 : vector<16xi32>
      %add3A_681 = arith.constant 0 : i32
      %add3A_682 = vector.broadcast %add3A_681 : i32 to vector<16xi32>
      %add3A_683 = arith.addi %select_n3A_671, %add3A_682 : vector<16xi32>
      tpu.vector_store_idx %arg12[%add3A_680], %add3A_683 : memref<18816xi32, #tpu.memory_space<vmem>>[vector<16xi32>], vector<16xi32>,
      %add3A_684 = arith.constant 1 : i32
      %add3A_685 = vector.broadcast %add3A_684 : i32 to vector<16xi32>
      %add3A_686 = arith.addi %mul3A_651, %add3A_685 : vector<16xi32>
      %add3A_687 = arith.constant 1228800 : i32
      %add3A_688 = vector.broadcast %add3A_687 : i32 to vector<16xi32>
      %add3A_689 = arith.addi %select_n3A_670, %add3A_688 : vector<16xi32>
      tpu.vector_store_idx %arg11[%add3A_686], %add3A_689 : memref<18816xi32, #tpu.memory_space<vmem>>[vector<16xi32>], vector<16xi32>,
      %add3A_690 = arith.constant 1 : i32
      %add3A_691 = vector.broadcast %add3A_690 : i32 to vector<16xi32>
      %add3A_692 = arith.addi %mul3A_651, %add3A_691 : vector<16xi32>
      %add3A_693 = arith.constant 1228800 : i32
      %add3A_694 = vector.broadcast %add3A_693 : i32 to vector<16xi32>
      %add3A_695 = arith.addi %select_n3A_671, %add3A_694 : vector<16xi32>
      tpu.vector_store_idx %arg12[%add3A_692], %add3A_695 : memref<18816xi32, #tpu.memory_space<vmem>>[vector<16xi32>], vector<16xi32>,
      %add3A_696 = arith.constant 2 : i32
      %add3A_697 = vector.broadcast %add3A_696 : i32 to vector<16xi32>
      %add3A_698 = arith.addi %mul3A_651, %add3A_697 : vector<16xi32>
      %add3A_699 = arith.constant 2457600 : i32
      %add3A_700 = vector.broadcast %add3A_699 : i32 to vector<16xi32>
      %add3A_701 = arith.addi %select_n3A_670, %add3A_700 : vector<16xi32>
      tpu.vector_store_idx %arg11[%add3A_698], %add3A_701 : memref<18816xi32, #tpu.memory_space<vmem>>[vector<16xi32>], vector<16xi32>,
      %add3A_702 = arith.constant 2 : i32
      %add3A_703 = vector.broadcast %add3A_702 : i32 to vector<16xi32>
      %add3A_704 = arith.addi %mul3A_651, %add3A_703 : vector<16xi32>
      %add3A_705 = arith.constant 2457600 : i32
      %add3A_706 = vector.broadcast %add3A_705 : i32 to vector<16xi32>
      %add3A_707 = arith.addi %select_n3A_671, %add3A_706 : vector<16xi32>
      tpu.vector_store_idx %arg12[%add3A_704], %add3A_707 : memref<18816xi32, #tpu.memory_space<vmem>>[vector<16xi32>], vector<16xi32>,
      %mul3A_708 = arith.constant 128 : i32
      %mul3A_709 = arith.muli %scan3A_232, %mul3A_708 : i32
      %add3A_710 = arith.constant 112 : i32
      %add3A_711 = arith.addi %mul3A_709, %add3A_710 : i32
      %add3A_712 = vector.broadcast %add3A_711 : i32 to vector<16xi32>
      %add3A_713 = arith.addi %add3A_712, %iota3A : vector<16xi32>
      %lt3A_714 = arith.constant 6250 : i32
      %lt3A_715 = vector.broadcast %lt3A_714 : i32 to vector<16xi32>
      %lt3A_716 = arith.cmpi slt, %add3A_713, %lt3A_715 : vector<16xi32>
      %mul3A_717 = arith.constant 3 : i32
      %mul3A_718 = vector.broadcast %mul3A_717 : i32 to vector<16xi32>
      %mul3A_719 = arith.muli %add3A_713, %mul3A_718 : vector<16xi32>
      %mul3A_720 = arith.constant 128 : i32
      %mul3A_721 = arith.muli %scan3A_232, %mul3A_720 : i32
      %add3A_722 = arith.constant 112 : i32
      %add3A_723 = arith.addi %mul3A_721, %add3A_722 : i32
      %get3A_724 = arith.index_cast %add3A_723 : i32 to index
      %get3A_725 = tpu.vector_load %arg9[%get3A_724] {strides = array<i32>} : memref<6272xi32, #tpu.memory_space<vmem>>, vector<16xi32>,
      %add3A_726 = arith.constant 0 : i32
      %add3A_727 = vector.broadcast %add3A_726 : i32 to vector<16xi32>
      %add3A_728 = arith.addi %get3A_725, %add3A_727 : vector<16xi32>
      %mul3A_729 = arith.constant 128 : i32
      %mul3A_730 = arith.muli %scan3A_232, %mul3A_729 : i32
      %add3A_731 = arith.constant 112 : i32
      %add3A_732 = arith.addi %mul3A_730, %add3A_731 : i32
      %get3A_733 = arith.index_cast %add3A_732 : i32 to index
      %get3A_734 = tpu.vector_load %arg10[%get3A_733] {strides = array<i32>} : memref<6272xi32, #tpu.memory_space<vmem>>, vector<16xi32>,
      %add3A_735 = arith.constant 0 : i32
      %add3A_736 = vector.broadcast %add3A_735 : i32 to vector<16xi32>
      %add3A_737 = arith.addi %get3A_734, %add3A_736 : vector<16xi32>
      %select_n3A_738 = arith.select %lt3A_716, %add3A_728, %broadcast_in_dim3A_3 : vector<16xi1>, vector<16xi32>
      %select_n3A_739 = arith.select %lt3A_716, %add3A_737, %broadcast_in_dim3A_3 : vector<16xi1>, vector<16xi32>
      %add3A_740 = arith.constant 0 : i32
      %add3A_741 = vector.broadcast %add3A_740 : i32 to vector<16xi32>
      %add3A_742 = arith.addi %mul3A_719, %add3A_741 : vector<16xi32>
      %add3A_743 = arith.constant 0 : i32
      %add3A_744 = vector.broadcast %add3A_743 : i32 to vector<16xi32>
      %add3A_745 = arith.addi %select_n3A_738, %add3A_744 : vector<16xi32>
      tpu.vector_store_idx %arg11[%add3A_742], %add3A_745 : memref<18816xi32, #tpu.memory_space<vmem>>[vector<16xi32>], vector<16xi32>,
      %add3A_746 = arith.constant 0 : i32
      %add3A_747 = vector.broadcast %add3A_746 : i32 to vector<16xi32>
      %add3A_748 = arith.addi %mul3A_719, %add3A_747 : vector<16xi32>
      %add3A_749 = arith.constant 0 : i32
      %add3A_750 = vector.broadcast %add3A_749 : i32 to vector<16xi32>
      %add3A_751 = arith.addi %select_n3A_739, %add3A_750 : vector<16xi32>
      tpu.vector_store_idx %arg12[%add3A_748], %add3A_751 : memref<18816xi32, #tpu.memory_space<vmem>>[vector<16xi32>], vector<16xi32>,
      %add3A_752 = arith.constant 1 : i32
      %add3A_753 = vector.broadcast %add3A_752 : i32 to vector<16xi32>
      %add3A_754 = arith.addi %mul3A_719, %add3A_753 : vector<16xi32>
      %add3A_755 = arith.constant 1228800 : i32
      %add3A_756 = vector.broadcast %add3A_755 : i32 to vector<16xi32>
      %add3A_757 = arith.addi %select_n3A_738, %add3A_756 : vector<16xi32>
      tpu.vector_store_idx %arg11[%add3A_754], %add3A_757 : memref<18816xi32, #tpu.memory_space<vmem>>[vector<16xi32>], vector<16xi32>,
      %add3A_758 = arith.constant 1 : i32
      %add3A_759 = vector.broadcast %add3A_758 : i32 to vector<16xi32>
      %add3A_760 = arith.addi %mul3A_719, %add3A_759 : vector<16xi32>
      %add3A_761 = arith.constant 1228800 : i32
      %add3A_762 = vector.broadcast %add3A_761 : i32 to vector<16xi32>
      %add3A_763 = arith.addi %select_n3A_739, %add3A_762 : vector<16xi32>
      tpu.vector_store_idx %arg12[%add3A_760], %add3A_763 : memref<18816xi32, #tpu.memory_space<vmem>>[vector<16xi32>], vector<16xi32>,
      %add3A_764 = arith.constant 2 : i32
      %add3A_765 = vector.broadcast %add3A_764 : i32 to vector<16xi32>
      %add3A_766 = arith.addi %mul3A_719, %add3A_765 : vector<16xi32>
      %add3A_767 = arith.constant 2457600 : i32
      %add3A_768 = vector.broadcast %add3A_767 : i32 to vector<16xi32>
      %add3A_769 = arith.addi %select_n3A_738, %add3A_768 : vector<16xi32>
      tpu.vector_store_idx %arg11[%add3A_766], %add3A_769 : memref<18816xi32, #tpu.memory_space<vmem>>[vector<16xi32>], vector<16xi32>,
      %add3A_770 = arith.constant 2 : i32
      %add3A_771 = vector.broadcast %add3A_770 : i32 to vector<16xi32>
      %add3A_772 = arith.addi %mul3A_719, %add3A_771 : vector<16xi32>
      %add3A_773 = arith.constant 2457600 : i32
      %add3A_774 = vector.broadcast %add3A_773 : i32 to vector<16xi32>
      %add3A_775 = arith.addi %select_n3A_739, %add3A_774 : vector<16xi32>
      tpu.vector_store_idx %arg12[%add3A_772], %add3A_775 : memref<18816xi32, #tpu.memory_space<vmem>>[vector<16xi32>], vector<16xi32>,
      %mul3A_776 = arith.constant 3 : i32
      %mul3A_777 = arith.muli %mul3A_776, %scan3A_232 : i32
      %add3A_778 = arith.constant 0 : i32
      %add3A_779 = arith.addi %mul3A_777, %add3A_778 : i32
      %mul3A_780 = arith.constant 128 : i32
      %mul3A_781 = arith.muli %add3A_779, %mul3A_780 : i32
      %dma_start3A = arith.constant 0 : i32
      %dma_start3A_782 = tpu.memref_slice %arg13[%dma_start3A] : memref<384xf32, #tpu.memory_space<vmem>> -> memref<128xf32, #tpu.memory_space<vmem>>
      %dma_start3A_783 = tpu.memref_slice %arg11[%mul3A_781] : memref<18816xi32, #tpu.memory_space<vmem>> -> memref<128xi32, #tpu.memory_space<vmem>>
      %dma_start3A_784 = arith.constant 0 : i32
      %dma_start3A_785 = tpu.memref_slice %arg2[%dma_start3A_784] : memref<3686400xf32, #tpu.memory_space<hbm>> -> memref<3686400xf32, #tpu.memory_space<hbm>>
      tpu.enqueue_indirect_dma source(%dma_start3A_785 : memref<3686400xf32, #tpu.memory_space<hbm>>) target(%dma_start3A_782 : memref<128xf32, #tpu.memory_space<vmem>>) offsets(%dma_start3A_783 : memref<128xi32, #tpu.memory_space<vmem>>) semaphore(%arg20 : memref<!tpu.dma_semaphore, #tpu.memory_space<semaphore_mem>>)
      %mul3A_786 = arith.constant 3 : i32
      %mul3A_787 = arith.muli %mul3A_786, %scan3A_232 : i32
      %add3A_788 = arith.constant 0 : i32
      %add3A_789 = arith.addi %mul3A_787, %add3A_788 : i32
      %mul3A_790 = arith.constant 128 : i32
      %mul3A_791 = arith.muli %add3A_789, %mul3A_790 : i32
      %dma_start3A_792 = arith.constant 0 : i32
      %dma_start3A_793 = tpu.memref_slice %arg14[%dma_start3A_792] : memref<384xf32, #tpu.memory_space<vmem>> -> memref<128xf32, #tpu.memory_space<vmem>>
      %dma_start3A_794 = tpu.memref_slice %arg12[%mul3A_791] : memref<18816xi32, #tpu.memory_space<vmem>> -> memref<128xi32, #tpu.memory_space<vmem>>
      %dma_start3A_795 = arith.constant 0 : i32
      %dma_start3A_796 = tpu.memref_slice %arg3[%dma_start3A_795] : memref<3686400xf32, #tpu.memory_space<hbm>> -> memref<3686400xf32, #tpu.memory_space<hbm>>
      tpu.enqueue_indirect_dma source(%dma_start3A_796 : memref<3686400xf32, #tpu.memory_space<hbm>>) target(%dma_start3A_793 : memref<128xf32, #tpu.memory_space<vmem>>) offsets(%dma_start3A_794 : memref<128xi32, #tpu.memory_space<vmem>>) semaphore(%arg21 : memref<!tpu.dma_semaphore, #tpu.memory_space<semaphore_mem>>)
      %mul3A_797 = arith.constant 3 : i32
      %mul3A_798 = arith.muli %mul3A_797, %scan3A_232 : i32
      %add3A_799 = arith.constant 1 : i32
      %add3A_800 = arith.addi %mul3A_798, %add3A_799 : i32
      %mul3A_801 = arith.constant 128 : i32
      %mul3A_802 = arith.muli %add3A_800, %mul3A_801 : i32
      %dma_start3A_803 = arith.constant 128 : i32
      %dma_start3A_804 = tpu.memref_slice %arg13[%dma_start3A_803] : memref<384xf32, #tpu.memory_space<vmem>> -> memref<128xf32, #tpu.memory_space<vmem>>
      %dma_start3A_805 = tpu.memref_slice %arg11[%mul3A_802] : memref<18816xi32, #tpu.memory_space<vmem>> -> memref<128xi32, #tpu.memory_space<vmem>>
      %dma_start3A_806 = arith.constant 0 : i32
      %dma_start3A_807 = tpu.memref_slice %arg2[%dma_start3A_806] : memref<3686400xf32, #tpu.memory_space<hbm>> -> memref<3686400xf32, #tpu.memory_space<hbm>>
      tpu.enqueue_indirect_dma source(%dma_start3A_807 : memref<3686400xf32, #tpu.memory_space<hbm>>) target(%dma_start3A_804 : memref<128xf32, #tpu.memory_space<vmem>>) offsets(%dma_start3A_805 : memref<128xi32, #tpu.memory_space<vmem>>) semaphore(%arg20 : memref<!tpu.dma_semaphore, #tpu.memory_space<semaphore_mem>>)
      %mul3A_808 = arith.constant 3 : i32
      %mul3A_809 = arith.muli %mul3A_808, %scan3A_232 : i32
      %add3A_810 = arith.constant 1 : i32
      %add3A_811 = arith.addi %mul3A_809, %add3A_810 : i32
      %mul3A_812 = arith.constant 128 : i32
      %mul3A_813 = arith.muli %add3A_811, %mul3A_812 : i32
      %dma_start3A_814 = arith.constant 128 : i32
      %dma_start3A_815 = tpu.memref_slice %arg14[%dma_start3A_814] : memref<384xf32, #tpu.memory_space<vmem>> -> memref<128xf32, #tpu.memory_space<vmem>>
      %dma_start3A_816 = tpu.memref_slice %arg12[%mul3A_813] : memref<18816xi32, #tpu.memory_space<vmem>> -> memref<128xi32, #tpu.memory_space<vmem>>
      %dma_start3A_817 = arith.constant 0 : i32
      %dma_start3A_818 = tpu.memref_slice %arg3[%dma_start3A_817] : memref<3686400xf32, #tpu.memory_space<hbm>> -> memref<3686400xf32, #tpu.memory_space<hbm>>
      tpu.enqueue_indirect_dma source(%dma_start3A_818 : memref<3686400xf32, #tpu.memory_space<hbm>>) target(%dma_start3A_815 : memref<128xf32, #tpu.memory_space<vmem>>) offsets(%dma_start3A_816 : memref<128xi32, #tpu.memory_space<vmem>>) semaphore(%arg21 : memref<!tpu.dma_semaphore, #tpu.memory_space<semaphore_mem>>)
      %mul3A_819 = arith.constant 3 : i32
      %mul3A_820 = arith.muli %mul3A_819, %scan3A_232 : i32
      %add3A_821 = arith.constant 2 : i32
      %add3A_822 = arith.addi %mul3A_820, %add3A_821 : i32
      %mul3A_823 = arith.constant 128 : i32
      %mul3A_824 = arith.muli %add3A_822, %mul3A_823 : i32
      %dma_start3A_825 = arith.constant 256 : i32
      %dma_start3A_826 = tpu.memref_slice %arg13[%dma_start3A_825] : memref<384xf32, #tpu.memory_space<vmem>> -> memref<128xf32, #tpu.memory_space<vmem>>
      %dma_start3A_827 = tpu.memref_slice %arg11[%mul3A_824] : memref<18816xi32, #tpu.memory_space<vmem>> -> memref<128xi32, #tpu.memory_space<vmem>>
      %dma_start3A_828 = arith.constant 0 : i32
      %dma_start3A_829 = tpu.memref_slice %arg2[%dma_start3A_828] : memref<3686400xf32, #tpu.memory_space<hbm>> -> memref<3686400xf32, #tpu.memory_space<hbm>>
      tpu.enqueue_indirect_dma source(%dma_start3A_829 : memref<3686400xf32, #tpu.memory_space<hbm>>) target(%dma_start3A_826 : memref<128xf32, #tpu.memory_space<vmem>>) offsets(%dma_start3A_827 : memref<128xi32, #tpu.memory_space<vmem>>) semaphore(%arg20 : memref<!tpu.dma_semaphore, #tpu.memory_space<semaphore_mem>>)
      %mul3A_830 = arith.constant 3 : i32
      %mul3A_831 = arith.muli %mul3A_830, %scan3A_232 : i32
      %add3A_832 = arith.constant 2 : i32
      %add3A_833 = arith.addi %mul3A_831, %add3A_832 : i32
      %mul3A_834 = arith.constant 128 : i32
      %mul3A_835 = arith.muli %add3A_833, %mul3A_834 : i32
      %dma_start3A_836 = arith.constant 256 : i32
      %dma_start3A_837 = tpu.memref_slice %arg14[%dma_start3A_836] : memref<384xf32, #tpu.memory_space<vmem>> -> memref<128xf32, #tpu.memory_space<vmem>>
      %dma_start3A_838 = tpu.memref_slice %arg12[%mul3A_835] : memref<18816xi32, #tpu.memory_space<vmem>> -> memref<128xi32, #tpu.memory_space<vmem>>
      %dma_start3A_839 = arith.constant 0 : i32
      %dma_start3A_840 = tpu.memref_slice %arg3[%dma_start3A_839] : memref<3686400xf32, #tpu.memory_space<hbm>> -> memref<3686400xf32, #tpu.memory_space<hbm>>
      tpu.enqueue_indirect_dma source(%dma_start3A_840 : memref<3686400xf32, #tpu.memory_space<hbm>>) target(%dma_start3A_837 : memref<128xf32, #tpu.memory_space<vmem>>) offsets(%dma_start3A_838 : memref<128xi32, #tpu.memory_space<vmem>>) semaphore(%arg21 : memref<!tpu.dma_semaphore, #tpu.memory_space<semaphore_mem>>)
      %dma_wait3A = arith.constant 0 : i32
      %dma_wait3A_841 = tpu.memref_slice %arg13[%dma_wait3A] : memref<384xf32, #tpu.memory_space<vmem>> -> memref<128xf32, #tpu.memory_space<vmem>>
      %dma_wait3A_842 = tpu.memref_slice %arg11[%mul3A_781] : memref<18816xi32, #tpu.memory_space<vmem>> -> memref<128xi32, #tpu.memory_space<vmem>>
      %dma_wait3A_843 = arith.constant 0 : i32
      %dma_wait3A_844 = tpu.memref_slice %arg2[%dma_wait3A_843] : memref<3686400xf32, #tpu.memory_space<hbm>> -> memref<3686400xf32, #tpu.memory_space<hbm>>
      tpu.wait_indirect_dma semaphore(%arg20 : memref<!tpu.dma_semaphore, #tpu.memory_space<semaphore_mem>>) src(%dma_wait3A_844 : memref<3686400xf32, #tpu.memory_space<hbm>>) dst(%dma_wait3A_841 : memref<128xf32, #tpu.memory_space<vmem>>)
      %dma_wait3A_845 = arith.constant 0 : i32
      %dma_wait3A_846 = tpu.memref_slice %arg14[%dma_wait3A_845] : memref<384xf32, #tpu.memory_space<vmem>> -> memref<128xf32, #tpu.memory_space<vmem>>
      %dma_wait3A_847 = tpu.memref_slice %arg12[%mul3A_791] : memref<18816xi32, #tpu.memory_space<vmem>> -> memref<128xi32, #tpu.memory_space<vmem>>
      %dma_wait3A_848 = arith.constant 0 : i32
      %dma_wait3A_849 = tpu.memref_slice %arg3[%dma_wait3A_848] : memref<3686400xf32, #tpu.memory_space<hbm>> -> memref<3686400xf32, #tpu.memory_space<hbm>>
      tpu.wait_indirect_dma semaphore(%arg21 : memref<!tpu.dma_semaphore, #tpu.memory_space<semaphore_mem>>) src(%dma_wait3A_849 : memref<3686400xf32, #tpu.memory_space<hbm>>) dst(%dma_wait3A_846 : memref<128xf32, #tpu.memory_space<vmem>>)
      %dma_wait3A_850 = arith.constant 128 : i32
      %dma_wait3A_851 = tpu.memref_slice %arg13[%dma_wait3A_850] : memref<384xf32, #tpu.memory_space<vmem>> -> memref<128xf32, #tpu.memory_space<vmem>>
      %dma_wait3A_852 = tpu.memref_slice %arg11[%mul3A_802] : memref<18816xi32, #tpu.memory_space<vmem>> -> memref<128xi32, #tpu.memory_space<vmem>>
      %dma_wait3A_853 = arith.constant 0 : i32
      %dma_wait3A_854 = tpu.memref_slice %arg2[%dma_wait3A_853] : memref<3686400xf32, #tpu.memory_space<hbm>> -> memref<3686400xf32, #tpu.memory_space<hbm>>
      tpu.wait_indirect_dma semaphore(%arg20 : memref<!tpu.dma_semaphore, #tpu.memory_space<semaphore_mem>>) src(%dma_wait3A_854 : memref<3686400xf32, #tpu.memory_space<hbm>>) dst(%dma_wait3A_851 : memref<128xf32, #tpu.memory_space<vmem>>)
      %dma_wait3A_855 = arith.constant 128 : i32
      %dma_wait3A_856 = tpu.memref_slice %arg14[%dma_wait3A_855] : memref<384xf32, #tpu.memory_space<vmem>> -> memref<128xf32, #tpu.memory_space<vmem>>
      %dma_wait3A_857 = tpu.memref_slice %arg12[%mul3A_813] : memref<18816xi32, #tpu.memory_space<vmem>> -> memref<128xi32, #tpu.memory_space<vmem>>
      %dma_wait3A_858 = arith.constant 0 : i32
      %dma_wait3A_859 = tpu.memref_slice %arg3[%dma_wait3A_858] : memref<3686400xf32, #tpu.memory_space<hbm>> -> memref<3686400xf32, #tpu.memory_space<hbm>>
      tpu.wait_indirect_dma semaphore(%arg21 : memref<!tpu.dma_semaphore, #tpu.memory_space<semaphore_mem>>) src(%dma_wait3A_859 : memref<3686400xf32, #tpu.memory_space<hbm>>) dst(%dma_wait3A_856 : memref<128xf32, #tpu.memory_space<vmem>>)
      %dma_wait3A_860 = arith.constant 256 : i32
      %dma_wait3A_861 = tpu.memref_slice %arg13[%dma_wait3A_860] : memref<384xf32, #tpu.memory_space<vmem>> -> memref<128xf32, #tpu.memory_space<vmem>>
      %dma_wait3A_862 = tpu.memref_slice %arg11[%mul3A_824] : memref<18816xi32, #tpu.memory_space<vmem>> -> memref<128xi32, #tpu.memory_space<vmem>>
      %dma_wait3A_863 = arith.constant 0 : i32
      %dma_wait3A_864 = tpu.memref_slice %arg2[%dma_wait3A_863] : memref<3686400xf32, #tpu.memory_space<hbm>> -> memref<3686400xf32, #tpu.memory_space<hbm>>
      tpu.wait_indirect_dma semaphore(%arg20 : memref<!tpu.dma_semaphore, #tpu.memory_space<semaphore_mem>>) src(%dma_wait3A_864 : memref<3686400xf32, #tpu.memory_space<hbm>>) dst(%dma_wait3A_861 : memref<128xf32, #tpu.memory_space<vmem>>)
      %dma_wait3A_865 = arith.constant 256 : i32
      %dma_wait3A_866 = tpu.memref_slice %arg14[%dma_wait3A_865] : memref<384xf32, #tpu.memory_space<vmem>> -> memref<128xf32, #tpu.memory_space<vmem>>
      %dma_wait3A_867 = tpu.memref_slice %arg12[%mul3A_835] : memref<18816xi32, #tpu.memory_space<vmem>> -> memref<128xi32, #tpu.memory_space<vmem>>
      %dma_wait3A_868 = arith.constant 0 : i32
      %dma_wait3A_869 = tpu.memref_slice %arg3[%dma_wait3A_868] : memref<3686400xf32, #tpu.memory_space<hbm>> -> memref<3686400xf32, #tpu.memory_space<hbm>>
      tpu.wait_indirect_dma semaphore(%arg21 : memref<!tpu.dma_semaphore, #tpu.memory_space<semaphore_mem>>) src(%dma_wait3A_869 : memref<3686400xf32, #tpu.memory_space<hbm>>) dst(%dma_wait3A_866 : memref<128xf32, #tpu.memory_space<vmem>>)
      %add3A_870 = arith.constant 0 : i32
      %add3A_871 = vector.broadcast %add3A_870 : i32 to vector<16xi32>
      %add3A_872 = arith.addi %add3A_871, %iota3A : vector<16xi32>
      %mul3A_873 = arith.constant 3 : i32
      %mul3A_874 = vector.broadcast %mul3A_873 : i32 to vector<16xi32>
      %mul3A_875 = arith.muli %add3A_872, %mul3A_874 : vector<16xi32>
      %gather3A = tpu.vector_load_idx %arg13[%mul3A_875] : memref<384xf32, #tpu.memory_space<vmem>>[vector<16xi32>], vector<16xf32>,
      %gather3A_876 = tpu.vector_load_idx %arg14[%mul3A_875] : memref<384xf32, #tpu.memory_space<vmem>>[vector<16xi32>], vector<16xf32>,
      %sub3A = arith.subf %gather3A, %gather3A_876 : vector<16xf32>
      %add3A_877 = arith.constant 1 : i32
      %add3A_878 = vector.broadcast %add3A_877 : i32 to vector<16xi32>
      %add3A_879 = arith.addi %mul3A_875, %add3A_878 : vector<16xi32>
      %gather3A_880 = tpu.vector_load_idx %arg13[%add3A_879] : memref<384xf32, #tpu.memory_space<vmem>>[vector<16xi32>], vector<16xf32>,
      %add3A_881 = arith.constant 1 : i32
      %add3A_882 = vector.broadcast %add3A_881 : i32 to vector<16xi32>
      %add3A_883 = arith.addi %mul3A_875, %add3A_882 : vector<16xi32>
      %gather3A_884 = tpu.vector_load_idx %arg14[%add3A_883] : memref<384xf32, #tpu.memory_space<vmem>>[vector<16xi32>], vector<16xf32>,
      %sub3A_885 = arith.subf %gather3A_880, %gather3A_884 : vector<16xf32>
      %add3A_886 = arith.constant 2 : i32
      %add3A_887 = vector.broadcast %add3A_886 : i32 to vector<16xi32>
      %add3A_888 = arith.addi %mul3A_875, %add3A_887 : vector<16xi32>
      %gather3A_889 = tpu.vector_load_idx %arg13[%add3A_888] : memref<384xf32, #tpu.memory_space<vmem>>[vector<16xi32>], vector<16xf32>,
      %add3A_890 = arith.constant 2 : i32
      %add3A_891 = vector.broadcast %add3A_890 : i32 to vector<16xi32>
      %add3A_892 = arith.addi %mul3A_875, %add3A_891 : vector<16xi32>
      %gather3A_893 = tpu.vector_load_idx %arg14[%add3A_892] : memref<384xf32, #tpu.memory_space<vmem>>[vector<16xi32>], vector<16xf32>,
      %sub3A_894 = arith.subf %gather3A_889, %gather3A_893 : vector<16xf32>
      %mul3A_895 = arith.mulf %sub3A, %sub3A : vector<16xf32>
      %mul3A_896 = arith.mulf %sub3A_885, %sub3A_885 : vector<16xf32>
      %add3A_897 = arith.addf %mul3A_895, %mul3A_896 : vector<16xf32>
      %mul3A_898 = arith.mulf %sub3A_894, %sub3A_894 : vector<16xf32>
      %add3A_899 = arith.addf %add3A_897, %mul3A_898 : vector<16xf32>
      %bitcast3A = vector.bitcast %add3A_899 : vector<16xf32> to vector<16xi32>
      %shift_right_logical3A = arith.constant 1 : i32
      %shift_right_logical3A_900 = vector.broadcast %shift_right_logical3A : i32 to vector<16xi32>
      %shift_right_logical3A_901 = arith.shrui %bitcast3A, %shift_right_logical3A_900 : vector<16xi32>
      %sub3A_902 = arith.constant 1597463007 : i32
      %sub3A_903 = vector.broadcast %sub3A_902 : i32 to vector<16xi32>
      %sub3A_904 = arith.subi %sub3A_903, %shift_right_logical3A_901 : vector<16xi32>
      %bitcast3A_905 = vector.bitcast %sub3A_904 : vector<16xi32> to vector<16xf32>
      %mul3A_906 = arith.constant 5.000000e-01 : f32
      %mul3A_907 = vector.broadcast %mul3A_906 : f32 to vector<16xf32>
      %mul3A_908 = arith.mulf %mul3A_907, %add3A_899 : vector<16xf32>
      %mul3A_909 = arith.mulf %mul3A_908, %bitcast3A_905 : vector<16xf32>
      %mul3A_910 = arith.mulf %mul3A_909, %bitcast3A_905 : vector<16xf32>
      %sub3A_911 = arith.constant 1.500000e+00 : f32
      %sub3A_912 = vector.broadcast %sub3A_911 : f32 to vector<16xf32>
      %sub3A_913 = arith.subf %sub3A_912, %mul3A_910 : vector<16xf32>
      %mul3A_914 = arith.mulf %bitcast3A_905, %sub3A_913 : vector<16xf32>
      %mul3A_915 = arith.constant 5.000000e-01 : f32
      %mul3A_916 = vector.broadcast %mul3A_915 : f32 to vector<16xf32>
      %mul3A_917 = arith.mulf %mul3A_916, %add3A_899 : vector<16xf32>
      %mul3A_918 = arith.mulf %mul3A_917, %mul3A_914 : vector<16xf32>
      %mul3A_919 = arith.mulf %mul3A_918, %mul3A_914 : vector<16xf32>
      %sub3A_920 = arith.constant 1.500000e+00 : f32
      %sub3A_921 = vector.broadcast %sub3A_920 : f32 to vector<16xf32>
      %sub3A_922 = arith.subf %sub3A_921, %mul3A_919 : vector<16xf32>
      %mul3A_923 = arith.mulf %mul3A_914, %sub3A_922 : vector<16xf32>
      %mul3A_924 = arith.constant 5.000000e-01 : f32
      %mul3A_925 = vector.broadcast %mul3A_924 : f32 to vector<16xf32>
      %mul3A_926 = arith.mulf %mul3A_925, %add3A_899 : vector<16xf32>
      %mul3A_927 = arith.mulf %mul3A_926, %mul3A_923 : vector<16xf32>
      %mul3A_928 = arith.mulf %mul3A_927, %mul3A_923 : vector<16xf32>
      %sub3A_929 = arith.constant 1.500000e+00 : f32
      %sub3A_930 = vector.broadcast %sub3A_929 : f32 to vector<16xf32>
      %sub3A_931 = arith.subf %sub3A_930, %mul3A_928 : vector<16xf32>
      %mul3A_932 = arith.mulf %mul3A_923, %sub3A_931 : vector<16xf32>
      %mul3A_933 = arith.mulf %add3A_899, %mul3A_932 : vector<16xf32>
      %gt3A = arith.constant 0.000000e+00 : f32
      %gt3A_934 = vector.broadcast %gt3A : f32 to vector<16xf32>
      %gt3A_935 = arith.cmpf ogt, %add3A_899, %gt3A_934 : vector<16xf32>
      %jit3A = arith.constant 0.000000e+00 : f32
      %broadcast_in_dim3A_936 = vector.broadcast %jit3A : f32 to vector<16xf32>
      %select_n3A_937 = arith.select %gt3A_935, %mul3A_933, %broadcast_in_dim3A_936 : vector<16xi1>, vector<16xf32>
      %mul3A_938 = arith.constant 128 : i32
      %mul3A_939 = arith.muli %scan3A_232, %mul3A_938 : i32
      %add3A_940 = arith.constant 0 : i32
      %add3A_941 = arith.addi %mul3A_939, %add3A_940 : i32
      %add3A_942 = vector.broadcast %add3A_941 : i32 to vector<16xi32>
      %add3A_943 = arith.addi %add3A_942, %iota3A : vector<16xi32>
      %lt3A_944 = arith.constant 6250 : i32
      %lt3A_945 = vector.broadcast %lt3A_944 : i32 to vector<16xi32>
      %lt3A_946 = arith.cmpi slt, %add3A_943, %lt3A_945 : vector<16xi32>
      %jit3A_947 = arith.constant 1.000000e+30 : f32
      %broadcast_in_dim3A_948 = vector.broadcast %jit3A_947 : f32 to vector<16xf32>
      %select_n3A_949 = arith.select %lt3A_946, %select_n3A_937, %broadcast_in_dim3A_948 : vector<16xi1>, vector<16xf32>
      %mul3A_950 = arith.constant 128 : i32
      %mul3A_951 = arith.muli %scan3A_232, %mul3A_950 : i32
      %add3A_952 = arith.constant 0 : i32
      %add3A_953 = arith.addi %mul3A_951, %add3A_952 : i32
      %swap3A_954 = arith.constant 0 : i32
      %swap3A_955 = arith.index_cast %swap3A_954 : i32 to index
      %swap3A_956 = arith.index_cast %add3A_953 : i32 to index
      %swap3A_957 = tpu.vector_load %arg15[%swap3A_955, %swap3A_956] {strides = array<i32>} : memref<2x6272xf32, #tpu.memory_space<vmem>>, vector<16xf32>,
      tpu.vector_store %arg15[%swap3A_955, %swap3A_956], %select_n3A_949 {strides = array<i32>} : memref<2x6272xf32, #tpu.memory_space<vmem>>, vector<16xf32>,
      %jit3A_958 = arith.constant 0.000000e+00 : f32
      %broadcast_in_dim3A_959 = vector.broadcast %jit3A_958 : f32 to vector<16xf32>
      %select_n3A_960 = arith.select %lt3A_946, %select_n3A_937, %broadcast_in_dim3A_959 : vector<16xi1>, vector<16xf32>
      %add3A_961 = arith.addf %scan3A_233, %select_n3A_960 : vector<16xf32>
      %add3A_962 = arith.constant 16 : i32
      %add3A_963 = vector.broadcast %add3A_962 : i32 to vector<16xi32>
      %add3A_964 = arith.addi %add3A_963, %iota3A : vector<16xi32>
      %mul3A_965 = arith.constant 3 : i32
      %mul3A_966 = vector.broadcast %mul3A_965 : i32 to vector<16xi32>
      %mul3A_967 = arith.muli %add3A_964, %mul3A_966 : vector<16xi32>
      %gather3A_968 = tpu.vector_load_idx %arg13[%mul3A_967] : memref<384xf32, #tpu.memory_space<vmem>>[vector<16xi32>], vector<16xf32>,
      %gather3A_969 = tpu.vector_load_idx %arg14[%mul3A_967] : memref<384xf32, #tpu.memory_space<vmem>>[vector<16xi32>], vector<16xf32>,
      %sub3A_970 = arith.subf %gather3A_968, %gather3A_969 : vector<16xf32>
      %add3A_971 = arith.constant 1 : i32
      %add3A_972 = vector.broadcast %add3A_971 : i32 to vector<16xi32>
      %add3A_973 = arith.addi %mul3A_967, %add3A_972 : vector<16xi32>
      %gather3A_974 = tpu.vector_load_idx %arg13[%add3A_973] : memref<384xf32, #tpu.memory_space<vmem>>[vector<16xi32>], vector<16xf32>,
      %add3A_975 = arith.constant 1 : i32
      %add3A_976 = vector.broadcast %add3A_975 : i32 to vector<16xi32>
      %add3A_977 = arith.addi %mul3A_967, %add3A_976 : vector<16xi32>
      %gather3A_978 = tpu.vector_load_idx %arg14[%add3A_977] : memref<384xf32, #tpu.memory_space<vmem>>[vector<16xi32>], vector<16xf32>,
      %sub3A_979 = arith.subf %gather3A_974, %gather3A_978 : vector<16xf32>
      %add3A_980 = arith.constant 2 : i32
      %add3A_981 = vector.broadcast %add3A_980 : i32 to vector<16xi32>
      %add3A_982 = arith.addi %mul3A_967, %add3A_981 : vector<16xi32>
      %gather3A_983 = tpu.vector_load_idx %arg13[%add3A_982] : memref<384xf32, #tpu.memory_space<vmem>>[vector<16xi32>], vector<16xf32>,
      %add3A_984 = arith.constant 2 : i32
      %add3A_985 = vector.broadcast %add3A_984 : i32 to vector<16xi32>
      %add3A_986 = arith.addi %mul3A_967, %add3A_985 : vector<16xi32>
      %gather3A_987 = tpu.vector_load_idx %arg14[%add3A_986] : memref<384xf32, #tpu.memory_space<vmem>>[vector<16xi32>], vector<16xf32>,
      %sub3A_988 = arith.subf %gather3A_983, %gather3A_987 : vector<16xf32>
      %mul3A_989 = arith.mulf %sub3A_970, %sub3A_970 : vector<16xf32>
      %mul3A_990 = arith.mulf %sub3A_979, %sub3A_979 : vector<16xf32>
      %add3A_991 = arith.addf %mul3A_989, %mul3A_990 : vector<16xf32>
      %mul3A_992 = arith.mulf %sub3A_988, %sub3A_988 : vector<16xf32>
      %add3A_993 = arith.addf %add3A_991, %mul3A_992 : vector<16xf32>
      %bitcast3A_994 = vector.bitcast %add3A_993 : vector<16xf32> to vector<16xi32>
      %shift_right_logical3A_995 = arith.constant 1 : i32
      %shift_right_logical3A_996 = vector.broadcast %shift_right_logical3A_995 : i32 to vector<16xi32>
      %shift_right_logical3A_997 = arith.shrui %bitcast3A_994, %shift_right_logical3A_996 : vector<16xi32>
      %sub3A_998 = arith.constant 1597463007 : i32
      %sub3A_999 = vector.broadcast %sub3A_998 : i32 to vector<16xi32>
      %sub3A_1000 = arith.subi %sub3A_999, %shift_right_logical3A_997 : vector<16xi32>
      %bitcast3A_1001 = vector.bitcast %sub3A_1000 : vector<16xi32> to vector<16xf32>
      %mul3A_1002 = arith.constant 5.000000e-01 : f32
      %mul3A_1003 = vector.broadcast %mul3A_1002 : f32 to vector<16xf32>
      %mul3A_1004 = arith.mulf %mul3A_1003, %add3A_993 : vector<16xf32>
      %mul3A_1005 = arith.mulf %mul3A_1004, %bitcast3A_1001 : vector<16xf32>
      %mul3A_1006 = arith.mulf %mul3A_1005, %bitcast3A_1001 : vector<16xf32>
      %sub3A_1007 = arith.constant 1.500000e+00 : f32
      %sub3A_1008 = vector.broadcast %sub3A_1007 : f32 to vector<16xf32>
      %sub3A_1009 = arith.subf %sub3A_1008, %mul3A_1006 : vector<16xf32>
      %mul3A_1010 = arith.mulf %bitcast3A_1001, %sub3A_1009 : vector<16xf32>
      %mul3A_1011 = arith.constant 5.000000e-01 : f32
      %mul3A_1012 = vector.broadcast %mul3A_1011 : f32 to vector<16xf32>
      %mul3A_1013 = arith.mulf %mul3A_1012, %add3A_993 : vector<16xf32>
      %mul3A_1014 = arith.mulf %mul3A_1013, %mul3A_1010 : vector<16xf32>
      %mul3A_1015 = arith.mulf %mul3A_1014, %mul3A_1010 : vector<16xf32>
      %sub3A_1016 = arith.constant 1.500000e+00 : f32
      %sub3A_1017 = vector.broadcast %sub3A_1016 : f32 to vector<16xf32>
      %sub3A_1018 = arith.subf %sub3A_1017, %mul3A_1015 : vector<16xf32>
      %mul3A_1019 = arith.mulf %mul3A_1010, %sub3A_1018 : vector<16xf32>
      %mul3A_1020 = arith.constant 5.000000e-01 : f32
      %mul3A_1021 = vector.broadcast %mul3A_1020 : f32 to vector<16xf32>
      %mul3A_1022 = arith.mulf %mul3A_1021, %add3A_993 : vector<16xf32>
      %mul3A_1023 = arith.mulf %mul3A_1022, %mul3A_1019 : vector<16xf32>
      %mul3A_1024 = arith.mulf %mul3A_1023, %mul3A_1019 : vector<16xf32>
      %sub3A_1025 = arith.constant 1.500000e+00 : f32
      %sub3A_1026 = vector.broadcast %sub3A_1025 : f32 to vector<16xf32>
      %sub3A_1027 = arith.subf %sub3A_1026, %mul3A_1024 : vector<16xf32>
      %mul3A_1028 = arith.mulf %mul3A_1019, %sub3A_1027 : vector<16xf32>
      %mul3A_1029 = arith.mulf %add3A_993, %mul3A_1028 : vector<16xf32>
      %gt3A_1030 = arith.constant 0.000000e+00 : f32
      %gt3A_1031 = vector.broadcast %gt3A_1030 : f32 to vector<16xf32>
      %gt3A_1032 = arith.cmpf ogt, %add3A_993, %gt3A_1031 : vector<16xf32>
      %jit3A_1033 = arith.constant 0.000000e+00 : f32
      %broadcast_in_dim3A_1034 = vector.broadcast %jit3A_1033 : f32 to vector<16xf32>
      %select_n3A_1035 = arith.select %gt3A_1032, %mul3A_1029, %broadcast_in_dim3A_1034 : vector<16xi1>, vector<16xf32>
      %mul3A_1036 = arith.constant 128 : i32
      %mul3A_1037 = arith.muli %scan3A_232, %mul3A_1036 : i32
      %add3A_1038 = arith.constant 16 : i32
      %add3A_1039 = arith.addi %mul3A_1037, %add3A_1038 : i32
      %add3A_1040 = vector.broadcast %add3A_1039 : i32 to vector<16xi32>
      %add3A_1041 = arith.addi %add3A_1040, %iota3A : vector<16xi32>
      %lt3A_1042 = arith.constant 6250 : i32
      %lt3A_1043 = vector.broadcast %lt3A_1042 : i32 to vector<16xi32>
      %lt3A_1044 = arith.cmpi slt, %add3A_1041, %lt3A_1043 : vector<16xi32>
      %jit3A_1045 = arith.constant 1.000000e+30 : f32
      %broadcast_in_dim3A_1046 = vector.broadcast %jit3A_1045 : f32 to vector<16xf32>
      %select_n3A_1047 = arith.select %lt3A_1044, %select_n3A_1035, %broadcast_in_dim3A_1046 : vector<16xi1>, vector<16xf32>
      %mul3A_1048 = arith.constant 128 : i32
      %mul3A_1049 = arith.muli %scan3A_232, %mul3A_1048 : i32
      %add3A_1050 = arith.constant 16 : i32
      %add3A_1051 = arith.addi %mul3A_1049, %add3A_1050 : i32
      %swap3A_1052 = arith.constant 0 : i32
      %swap3A_1053 = arith.index_cast %swap3A_1052 : i32 to index
      %swap3A_1054 = arith.index_cast %add3A_1051 : i32 to index
      %swap3A_1055 = tpu.vector_load %arg15[%swap3A_1053, %swap3A_1054] {strides = array<i32>} : memref<2x6272xf32, #tpu.memory_space<vmem>>, vector<16xf32>,
      tpu.vector_store %arg15[%swap3A_1053, %swap3A_1054], %select_n3A_1047 {strides = array<i32>} : memref<2x6272xf32, #tpu.memory_space<vmem>>, vector<16xf32>,
      %jit3A_1056 = arith.constant 0.000000e+00 : f32
      %broadcast_in_dim3A_1057 = vector.broadcast %jit3A_1056 : f32 to vector<16xf32>
      %select_n3A_1058 = arith.select %lt3A_1044, %select_n3A_1035, %broadcast_in_dim3A_1057 : vector<16xi1>, vector<16xf32>
      %add3A_1059 = arith.addf %add3A_961, %select_n3A_1058 : vector<16xf32>
      %add3A_1060 = arith.constant 32 : i32
      %add3A_1061 = vector.broadcast %add3A_1060 : i32 to vector<16xi32>
      %add3A_1062 = arith.addi %add3A_1061, %iota3A : vector<16xi32>
      %mul3A_1063 = arith.constant 3 : i32
      %mul3A_1064 = vector.broadcast %mul3A_1063 : i32 to vector<16xi32>
      %mul3A_1065 = arith.muli %add3A_1062, %mul3A_1064 : vector<16xi32>
      %gather3A_1066 = tpu.vector_load_idx %arg13[%mul3A_1065] : memref<384xf32, #tpu.memory_space<vmem>>[vector<16xi32>], vector<16xf32>,
      %gather3A_1067 = tpu.vector_load_idx %arg14[%mul3A_1065] : memref<384xf32, #tpu.memory_space<vmem>>[vector<16xi32>], vector<16xf32>,
      %sub3A_1068 = arith.subf %gather3A_1066, %gather3A_1067 : vector<16xf32>
      %add3A_1069 = arith.constant 1 : i32
      %add3A_1070 = vector.broadcast %add3A_1069 : i32 to vector<16xi32>
      %add3A_1071 = arith.addi %mul3A_1065, %add3A_1070 : vector<16xi32>
      %gather3A_1072 = tpu.vector_load_idx %arg13[%add3A_1071] : memref<384xf32, #tpu.memory_space<vmem>>[vector<16xi32>], vector<16xf32>,
      %add3A_1073 = arith.constant 1 : i32
      %add3A_1074 = vector.broadcast %add3A_1073 : i32 to vector<16xi32>
      %add3A_1075 = arith.addi %mul3A_1065, %add3A_1074 : vector<16xi32>
      %gather3A_1076 = tpu.vector_load_idx %arg14[%add3A_1075] : memref<384xf32, #tpu.memory_space<vmem>>[vector<16xi32>], vector<16xf32>,
      %sub3A_1077 = arith.subf %gather3A_1072, %gather3A_1076 : vector<16xf32>
      %add3A_1078 = arith.constant 2 : i32
      %add3A_1079 = vector.broadcast %add3A_1078 : i32 to vector<16xi32>
      %add3A_1080 = arith.addi %mul3A_1065, %add3A_1079 : vector<16xi32>
      %gather3A_1081 = tpu.vector_load_idx %arg13[%add3A_1080] : memref<384xf32, #tpu.memory_space<vmem>>[vector<16xi32>], vector<16xf32>,
      %add3A_1082 = arith.constant 2 : i32
      %add3A_1083 = vector.broadcast %add3A_1082 : i32 to vector<16xi32>
      %add3A_1084 = arith.addi %mul3A_1065, %add3A_1083 : vector<16xi32>
      %gather3A_1085 = tpu.vector_load_idx %arg14[%add3A_1084] : memref<384xf32, #tpu.memory_space<vmem>>[vector<16xi32>], vector<16xf32>,
      %sub3A_1086 = arith.subf %gather3A_1081, %gather3A_1085 : vector<16xf32>
      %mul3A_1087 = arith.mulf %sub3A_1068, %sub3A_1068 : vector<16xf32>
      %mul3A_1088 = arith.mulf %sub3A_1077, %sub3A_1077 : vector<16xf32>
      %add3A_1089 = arith.addf %mul3A_1087, %mul3A_1088 : vector<16xf32>
      %mul3A_1090 = arith.mulf %sub3A_1086, %sub3A_1086 : vector<16xf32>
      %add3A_1091 = arith.addf %add3A_1089, %mul3A_1090 : vector<16xf32>
      %bitcast3A_1092 = vector.bitcast %add3A_1091 : vector<16xf32> to vector<16xi32>
      %shift_right_logical3A_1093 = arith.constant 1 : i32
      %shift_right_logical3A_1094 = vector.broadcast %shift_right_logical3A_1093 : i32 to vector<16xi32>
      %shift_right_logical3A_1095 = arith.shrui %bitcast3A_1092, %shift_right_logical3A_1094 : vector<16xi32>
      %sub3A_1096 = arith.constant 1597463007 : i32
      %sub3A_1097 = vector.broadcast %sub3A_1096 : i32 to vector<16xi32>
      %sub3A_1098 = arith.subi %sub3A_1097, %shift_right_logical3A_1095 : vector<16xi32>
      %bitcast3A_1099 = vector.bitcast %sub3A_1098 : vector<16xi32> to vector<16xf32>
      %mul3A_1100 = arith.constant 5.000000e-01 : f32
      %mul3A_1101 = vector.broadcast %mul3A_1100 : f32 to vector<16xf32>
      %mul3A_1102 = arith.mulf %mul3A_1101, %add3A_1091 : vector<16xf32>
      %mul3A_1103 = arith.mulf %mul3A_1102, %bitcast3A_1099 : vector<16xf32>
      %mul3A_1104 = arith.mulf %mul3A_1103, %bitcast3A_1099 : vector<16xf32>
      %sub3A_1105 = arith.constant 1.500000e+00 : f32
      %sub3A_1106 = vector.broadcast %sub3A_1105 : f32 to vector<16xf32>
      %sub3A_1107 = arith.subf %sub3A_1106, %mul3A_1104 : vector<16xf32>
      %mul3A_1108 = arith.mulf %bitcast3A_1099, %sub3A_1107 : vector<16xf32>
      %mul3A_1109 = arith.constant 5.000000e-01 : f32
      %mul3A_1110 = vector.broadcast %mul3A_1109 : f32 to vector<16xf32>
      %mul3A_1111 = arith.mulf %mul3A_1110, %add3A_1091 : vector<16xf32>
      %mul3A_1112 = arith.mulf %mul3A_1111, %mul3A_1108 : vector<16xf32>
      %mul3A_1113 = arith.mulf %mul3A_1112, %mul3A_1108 : vector<16xf32>
      %sub3A_1114 = arith.constant 1.500000e+00 : f32
      %sub3A_1115 = vector.broadcast %sub3A_1114 : f32 to vector<16xf32>
      %sub3A_1116 = arith.subf %sub3A_1115, %mul3A_1113 : vector<16xf32>
      %mul3A_1117 = arith.mulf %mul3A_1108, %sub3A_1116 : vector<16xf32>
      %mul3A_1118 = arith.constant 5.000000e-01 : f32
      %mul3A_1119 = vector.broadcast %mul3A_1118 : f32 to vector<16xf32>
      %mul3A_1120 = arith.mulf %mul3A_1119, %add3A_1091 : vector<16xf32>
      %mul3A_1121 = arith.mulf %mul3A_1120, %mul3A_1117 : vector<16xf32>
      %mul3A_1122 = arith.mulf %mul3A_1121, %mul3A_1117 : vector<16xf32>
      %sub3A_1123 = arith.constant 1.500000e+00 : f32
      %sub3A_1124 = vector.broadcast %sub3A_1123 : f32 to vector<16xf32>
      %sub3A_1125 = arith.subf %sub3A_1124, %mul3A_1122 : vector<16xf32>
      %mul3A_1126 = arith.mulf %mul3A_1117, %sub3A_1125 : vector<16xf32>
      %mul3A_1127 = arith.mulf %add3A_1091, %mul3A_1126 : vector<16xf32>
      %gt3A_1128 = arith.constant 0.000000e+00 : f32
      %gt3A_1129 = vector.broadcast %gt3A_1128 : f32 to vector<16xf32>
      %gt3A_1130 = arith.cmpf ogt, %add3A_1091, %gt3A_1129 : vector<16xf32>
      %jit3A_1131 = arith.constant 0.000000e+00 : f32
      %broadcast_in_dim3A_1132 = vector.broadcast %jit3A_1131 : f32 to vector<16xf32>
      %select_n3A_1133 = arith.select %gt3A_1130, %mul3A_1127, %broadcast_in_dim3A_1132 : vector<16xi1>, vector<16xf32>
      %mul3A_1134 = arith.constant 128 : i32
      %mul3A_1135 = arith.muli %scan3A_232, %mul3A_1134 : i32
      %add3A_1136 = arith.constant 32 : i32
      %add3A_1137 = arith.addi %mul3A_1135, %add3A_1136 : i32
      %add3A_1138 = vector.broadcast %add3A_1137 : i32 to vector<16xi32>
      %add3A_1139 = arith.addi %add3A_1138, %iota3A : vector<16xi32>
      %lt3A_1140 = arith.constant 6250 : i32
      %lt3A_1141 = vector.broadcast %lt3A_1140 : i32 to vector<16xi32>
      %lt3A_1142 = arith.cmpi slt, %add3A_1139, %lt3A_1141 : vector<16xi32>
      %jit3A_1143 = arith.constant 1.000000e+30 : f32
      %broadcast_in_dim3A_1144 = vector.broadcast %jit3A_1143 : f32 to vector<16xf32>
      %select_n3A_1145 = arith.select %lt3A_1142, %select_n3A_1133, %broadcast_in_dim3A_1144 : vector<16xi1>, vector<16xf32>
      %mul3A_1146 = arith.constant 128 : i32
      %mul3A_1147 = arith.muli %scan3A_232, %mul3A_1146 : i32
      %add3A_1148 = arith.constant 32 : i32
      %add3A_1149 = arith.addi %mul3A_1147, %add3A_1148 : i32
      %swap3A_1150 = arith.constant 0 : i32
      %swap3A_1151 = arith.index_cast %swap3A_1150 : i32 to index
      %swap3A_1152 = arith.index_cast %add3A_1149 : i32 to index
      %swap3A_1153 = tpu.vector_load %arg15[%swap3A_1151, %swap3A_1152] {strides = array<i32>} : memref<2x6272xf32, #tpu.memory_space<vmem>>, vector<16xf32>,
      tpu.vector_store %arg15[%swap3A_1151, %swap3A_1152], %select_n3A_1145 {strides = array<i32>} : memref<2x6272xf32, #tpu.memory_space<vmem>>, vector<16xf32>,
      %jit3A_1154 = arith.constant 0.000000e+00 : f32
      %broadcast_in_dim3A_1155 = vector.broadcast %jit3A_1154 : f32 to vector<16xf32>
      %select_n3A_1156 = arith.select %lt3A_1142, %select_n3A_1133, %broadcast_in_dim3A_1155 : vector<16xi1>, vector<16xf32>
      %add3A_1157 = arith.addf %add3A_1059, %select_n3A_1156 : vector<16xf32>
      %add3A_1158 = arith.constant 48 : i32
      %add3A_1159 = vector.broadcast %add3A_1158 : i32 to vector<16xi32>
      %add3A_1160 = arith.addi %add3A_1159, %iota3A : vector<16xi32>
      %mul3A_1161 = arith.constant 3 : i32
      %mul3A_1162 = vector.broadcast %mul3A_1161 : i32 to vector<16xi32>
      %mul3A_1163 = arith.muli %add3A_1160, %mul3A_1162 : vector<16xi32>
      %gather3A_1164 = tpu.vector_load_idx %arg13[%mul3A_1163] : memref<384xf32, #tpu.memory_space<vmem>>[vector<16xi32>], vector<16xf32>,
      %gather3A_1165 = tpu.vector_load_idx %arg14[%mul3A_1163] : memref<384xf32, #tpu.memory_space<vmem>>[vector<16xi32>], vector<16xf32>,
      %sub3A_1166 = arith.subf %gather3A_1164, %gather3A_1165 : vector<16xf32>
      %add3A_1167 = arith.constant 1 : i32
      %add3A_1168 = vector.broadcast %add3A_1167 : i32 to vector<16xi32>
      %add3A_1169 = arith.addi %mul3A_1163, %add3A_1168 : vector<16xi32>
      %gather3A_1170 = tpu.vector_load_idx %arg13[%add3A_1169] : memref<384xf32, #tpu.memory_space<vmem>>[vector<16xi32>], vector<16xf32>,
      %add3A_1171 = arith.constant 1 : i32
      %add3A_1172 = vector.broadcast %add3A_1171 : i32 to vector<16xi32>
      %add3A_1173 = arith.addi %mul3A_1163, %add3A_1172 : vector<16xi32>
      %gather3A_1174 = tpu.vector_load_idx %arg14[%add3A_1173] : memref<384xf32, #tpu.memory_space<vmem>>[vector<16xi32>], vector<16xf32>,
      %sub3A_1175 = arith.subf %gather3A_1170, %gather3A_1174 : vector<16xf32>
      %add3A_1176 = arith.constant 2 : i32
      %add3A_1177 = vector.broadcast %add3A_1176 : i32 to vector<16xi32>
      %add3A_1178 = arith.addi %mul3A_1163, %add3A_1177 : vector<16xi32>
      %gather3A_1179 = tpu.vector_load_idx %arg13[%add3A_1178] : memref<384xf32, #tpu.memory_space<vmem>>[vector<16xi32>], vector<16xf32>,
      %add3A_1180 = arith.constant 2 : i32
      %add3A_1181 = vector.broadcast %add3A_1180 : i32 to vector<16xi32>
      %add3A_1182 = arith.addi %mul3A_1163, %add3A_1181 : vector<16xi32>
      %gather3A_1183 = tpu.vector_load_idx %arg14[%add3A_1182] : memref<384xf32, #tpu.memory_space<vmem>>[vector<16xi32>], vector<16xf32>,
      %sub3A_1184 = arith.subf %gather3A_1179, %gather3A_1183 : vector<16xf32>
      %mul3A_1185 = arith.mulf %sub3A_1166, %sub3A_1166 : vector<16xf32>
      %mul3A_1186 = arith.mulf %sub3A_1175, %sub3A_1175 : vector<16xf32>
      %add3A_1187 = arith.addf %mul3A_1185, %mul3A_1186 : vector<16xf32>
      %mul3A_1188 = arith.mulf %sub3A_1184, %sub3A_1184 : vector<16xf32>
      %add3A_1189 = arith.addf %add3A_1187, %mul3A_1188 : vector<16xf32>
      %bitcast3A_1190 = vector.bitcast %add3A_1189 : vector<16xf32> to vector<16xi32>
      %shift_right_logical3A_1191 = arith.constant 1 : i32
      %shift_right_logical3A_1192 = vector.broadcast %shift_right_logical3A_1191 : i32 to vector<16xi32>
      %shift_right_logical3A_1193 = arith.shrui %bitcast3A_1190, %shift_right_logical3A_1192 : vector<16xi32>
      %sub3A_1194 = arith.constant 1597463007 : i32
      %sub3A_1195 = vector.broadcast %sub3A_1194 : i32 to vector<16xi32>
      %sub3A_1196 = arith.subi %sub3A_1195, %shift_right_logical3A_1193 : vector<16xi32>
      %bitcast3A_1197 = vector.bitcast %sub3A_1196 : vector<16xi32> to vector<16xf32>
      %mul3A_1198 = arith.constant 5.000000e-01 : f32
      %mul3A_1199 = vector.broadcast %mul3A_1198 : f32 to vector<16xf32>
      %mul3A_1200 = arith.mulf %mul3A_1199, %add3A_1189 : vector<16xf32>
      %mul3A_1201 = arith.mulf %mul3A_1200, %bitcast3A_1197 : vector<16xf32>
      %mul3A_1202 = arith.mulf %mul3A_1201, %bitcast3A_1197 : vector<16xf32>
      %sub3A_1203 = arith.constant 1.500000e+00 : f32
      %sub3A_1204 = vector.broadcast %sub3A_1203 : f32 to vector<16xf32>
      %sub3A_1205 = arith.subf %sub3A_1204, %mul3A_1202 : vector<16xf32>
      %mul3A_1206 = arith.mulf %bitcast3A_1197, %sub3A_1205 : vector<16xf32>
      %mul3A_1207 = arith.constant 5.000000e-01 : f32
      %mul3A_1208 = vector.broadcast %mul3A_1207 : f32 to vector<16xf32>
      %mul3A_1209 = arith.mulf %mul3A_1208, %add3A_1189 : vector<16xf32>
      %mul3A_1210 = arith.mulf %mul3A_1209, %mul3A_1206 : vector<16xf32>
      %mul3A_1211 = arith.mulf %mul3A_1210, %mul3A_1206 : vector<16xf32>
      %sub3A_1212 = arith.constant 1.500000e+00 : f32
      %sub3A_1213 = vector.broadcast %sub3A_1212 : f32 to vector<16xf32>
      %sub3A_1214 = arith.subf %sub3A_1213, %mul3A_1211 : vector<16xf32>
      %mul3A_1215 = arith.mulf %mul3A_1206, %sub3A_1214 : vector<16xf32>
      %mul3A_1216 = arith.constant 5.000000e-01 : f32
      %mul3A_1217 = vector.broadcast %mul3A_1216 : f32 to vector<16xf32>
      %mul3A_1218 = arith.mulf %mul3A_1217, %add3A_1189 : vector<16xf32>
      %mul3A_1219 = arith.mulf %mul3A_1218, %mul3A_1215 : vector<16xf32>
      %mul3A_1220 = arith.mulf %mul3A_1219, %mul3A_1215 : vector<16xf32>
      %sub3A_1221 = arith.constant 1.500000e+00 : f32
      %sub3A_1222 = vector.broadcast %sub3A_1221 : f32 to vector<16xf32>
      %sub3A_1223 = arith.subf %sub3A_1222, %mul3A_1220 : vector<16xf32>
      %mul3A_1224 = arith.mulf %mul3A_1215, %sub3A_1223 : vector<16xf32>
      %mul3A_1225 = arith.mulf %add3A_1189, %mul3A_1224 : vector<16xf32>
      %gt3A_1226 = arith.constant 0.000000e+00 : f32
      %gt3A_1227 = vector.broadcast %gt3A_1226 : f32 to vector<16xf32>
      %gt3A_1228 = arith.cmpf ogt, %add3A_1189, %gt3A_1227 : vector<16xf32>
      %jit3A_1229 = arith.constant 0.000000e+00 : f32
      %broadcast_in_dim3A_1230 = vector.broadcast %jit3A_1229 : f32 to vector<16xf32>
      %select_n3A_1231 = arith.select %gt3A_1228, %mul3A_1225, %broadcast_in_dim3A_1230 : vector<16xi1>, vector<16xf32>
      %mul3A_1232 = arith.constant 128 : i32
      %mul3A_1233 = arith.muli %scan3A_232, %mul3A_1232 : i32
      %add3A_1234 = arith.constant 48 : i32
      %add3A_1235 = arith.addi %mul3A_1233, %add3A_1234 : i32
      %add3A_1236 = vector.broadcast %add3A_1235 : i32 to vector<16xi32>
      %add3A_1237 = arith.addi %add3A_1236, %iota3A : vector<16xi32>
      %lt3A_1238 = arith.constant 6250 : i32
      %lt3A_1239 = vector.broadcast %lt3A_1238 : i32 to vector<16xi32>
      %lt3A_1240 = arith.cmpi slt, %add3A_1237, %lt3A_1239 : vector<16xi32>
      %jit3A_1241 = arith.constant 1.000000e+30 : f32
      %broadcast_in_dim3A_1242 = vector.broadcast %jit3A_1241 : f32 to vector<16xf32>
      %select_n3A_1243 = arith.select %lt3A_1240, %select_n3A_1231, %broadcast_in_dim3A_1242 : vector<16xi1>, vector<16xf32>
      %mul3A_1244 = arith.constant 128 : i32
      %mul3A_1245 = arith.muli %scan3A_232, %mul3A_1244 : i32
      %add3A_1246 = arith.constant 48 : i32
      %add3A_1247 = arith.addi %mul3A_1245, %add3A_1246 : i32
      %swap3A_1248 = arith.constant 0 : i32
      %swap3A_1249 = arith.index_cast %swap3A_1248 : i32 to index
      %swap3A_1250 = arith.index_cast %add3A_1247 : i32 to index
      %swap3A_1251 = tpu.vector_load %arg15[%swap3A_1249, %swap3A_1250] {strides = array<i32>} : memref<2x6272xf32, #tpu.memory_space<vmem>>, vector<16xf32>,
      tpu.vector_store %arg15[%swap3A_1249, %swap3A_1250], %select_n3A_1243 {strides = array<i32>} : memref<2x6272xf32, #tpu.memory_space<vmem>>, vector<16xf32>,
      %jit3A_1252 = arith.constant 0.000000e+00 : f32
      %broadcast_in_dim3A_1253 = vector.broadcast %jit3A_1252 : f32 to vector<16xf32>
      %select_n3A_1254 = arith.select %lt3A_1240, %select_n3A_1231, %broadcast_in_dim3A_1253 : vector<16xi1>, vector<16xf32>
      %add3A_1255 = arith.addf %add3A_1157, %select_n3A_1254 : vector<16xf32>
      %add3A_1256 = arith.constant 64 : i32
      %add3A_1257 = vector.broadcast %add3A_1256 : i32 to vector<16xi32>
      %add3A_1258 = arith.addi %add3A_1257, %iota3A : vector<16xi32>
      %mul3A_1259 = arith.constant 3 : i32
      %mul3A_1260 = vector.broadcast %mul3A_1259 : i32 to vector<16xi32>
      %mul3A_1261 = arith.muli %add3A_1258, %mul3A_1260 : vector<16xi32>
      %gather3A_1262 = tpu.vector_load_idx %arg13[%mul3A_1261] : memref<384xf32, #tpu.memory_space<vmem>>[vector<16xi32>], vector<16xf32>,
      %gather3A_1263 = tpu.vector_load_idx %arg14[%mul3A_1261] : memref<384xf32, #tpu.memory_space<vmem>>[vector<16xi32>], vector<16xf32>,
      %sub3A_1264 = arith.subf %gather3A_1262, %gather3A_1263 : vector<16xf32>
      %add3A_1265 = arith.constant 1 : i32
      %add3A_1266 = vector.broadcast %add3A_1265 : i32 to vector<16xi32>
      %add3A_1267 = arith.addi %mul3A_1261, %add3A_1266 : vector<16xi32>
      %gather3A_1268 = tpu.vector_load_idx %arg13[%add3A_1267] : memref<384xf32, #tpu.memory_space<vmem>>[vector<16xi32>], vector<16xf32>,
      %add3A_1269 = arith.constant 1 : i32
      %add3A_1270 = vector.broadcast %add3A_1269 : i32 to vector<16xi32>
      %add3A_1271 = arith.addi %mul3A_1261, %add3A_1270 : vector<16xi32>
      %gather3A_1272 = tpu.vector_load_idx %arg14[%add3A_1271] : memref<384xf32, #tpu.memory_space<vmem>>[vector<16xi32>], vector<16xf32>,
      %sub3A_1273 = arith.subf %gather3A_1268, %gather3A_1272 : vector<16xf32>
      %add3A_1274 = arith.constant 2 : i32
      %add3A_1275 = vector.broadcast %add3A_1274 : i32 to vector<16xi32>
      %add3A_1276 = arith.addi %mul3A_1261, %add3A_1275 : vector<16xi32>
      %gather3A_1277 = tpu.vector_load_idx %arg13[%add3A_1276] : memref<384xf32, #tpu.memory_space<vmem>>[vector<16xi32>], vector<16xf32>,
      %add3A_1278 = arith.constant 2 : i32
      %add3A_1279 = vector.broadcast %add3A_1278 : i32 to vector<16xi32>
      %add3A_1280 = arith.addi %mul3A_1261, %add3A_1279 : vector<16xi32>
      %gather3A_1281 = tpu.vector_load_idx %arg14[%add3A_1280] : memref<384xf32, #tpu.memory_space<vmem>>[vector<16xi32>], vector<16xf32>,
      %sub3A_1282 = arith.subf %gather3A_1277, %gather3A_1281 : vector<16xf32>
      %mul3A_1283 = arith.mulf %sub3A_1264, %sub3A_1264 : vector<16xf32>
      %mul3A_1284 = arith.mulf %sub3A_1273, %sub3A_1273 : vector<16xf32>
      %add3A_1285 = arith.addf %mul3A_1283, %mul3A_1284 : vector<16xf32>
      %mul3A_1286 = arith.mulf %sub3A_1282, %sub3A_1282 : vector<16xf32>
      %add3A_1287 = arith.addf %add3A_1285, %mul3A_1286 : vector<16xf32>
      %bitcast3A_1288 = vector.bitcast %add3A_1287 : vector<16xf32> to vector<16xi32>
      %shift_right_logical3A_1289 = arith.constant 1 : i32
      %shift_right_logical3A_1290 = vector.broadcast %shift_right_logical3A_1289 : i32 to vector<16xi32>
      %shift_right_logical3A_1291 = arith.shrui %bitcast3A_1288, %shift_right_logical3A_1290 : vector<16xi32>
      %sub3A_1292 = arith.constant 1597463007 : i32
      %sub3A_1293 = vector.broadcast %sub3A_1292 : i32 to vector<16xi32>
      %sub3A_1294 = arith.subi %sub3A_1293, %shift_right_logical3A_1291 : vector<16xi32>
      %bitcast3A_1295 = vector.bitcast %sub3A_1294 : vector<16xi32> to vector<16xf32>
      %mul3A_1296 = arith.constant 5.000000e-01 : f32
      %mul3A_1297 = vector.broadcast %mul3A_1296 : f32 to vector<16xf32>
      %mul3A_1298 = arith.mulf %mul3A_1297, %add3A_1287 : vector<16xf32>
      %mul3A_1299 = arith.mulf %mul3A_1298, %bitcast3A_1295 : vector<16xf32>
      %mul3A_1300 = arith.mulf %mul3A_1299, %bitcast3A_1295 : vector<16xf32>
      %sub3A_1301 = arith.constant 1.500000e+00 : f32
      %sub3A_1302 = vector.broadcast %sub3A_1301 : f32 to vector<16xf32>
      %sub3A_1303 = arith.subf %sub3A_1302, %mul3A_1300 : vector<16xf32>
      %mul3A_1304 = arith.mulf %bitcast3A_1295, %sub3A_1303 : vector<16xf32>
      %mul3A_1305 = arith.constant 5.000000e-01 : f32
      %mul3A_1306 = vector.broadcast %mul3A_1305 : f32 to vector<16xf32>
      %mul3A_1307 = arith.mulf %mul3A_1306, %add3A_1287 : vector<16xf32>
      %mul3A_1308 = arith.mulf %mul3A_1307, %mul3A_1304 : vector<16xf32>
      %mul3A_1309 = arith.mulf %mul3A_1308, %mul3A_1304 : vector<16xf32>
      %sub3A_1310 = arith.constant 1.500000e+00 : f32
      %sub3A_1311 = vector.broadcast %sub3A_1310 : f32 to vector<16xf32>
      %sub3A_1312 = arith.subf %sub3A_1311, %mul3A_1309 : vector<16xf32>
      %mul3A_1313 = arith.mulf %mul3A_1304, %sub3A_1312 : vector<16xf32>
      %mul3A_1314 = arith.constant 5.000000e-01 : f32
      %mul3A_1315 = vector.broadcast %mul3A_1314 : f32 to vector<16xf32>
      %mul3A_1316 = arith.mulf %mul3A_1315, %add3A_1287 : vector<16xf32>
      %mul3A_1317 = arith.mulf %mul3A_1316, %mul3A_1313 : vector<16xf32>
      %mul3A_1318 = arith.mulf %mul3A_1317, %mul3A_1313 : vector<16xf32>
      %sub3A_1319 = arith.constant 1.500000e+00 : f32
      %sub3A_1320 = vector.broadcast %sub3A_1319 : f32 to vector<16xf32>
      %sub3A_1321 = arith.subf %sub3A_1320, %mul3A_1318 : vector<16xf32>
      %mul3A_1322 = arith.mulf %mul3A_1313, %sub3A_1321 : vector<16xf32>
      %mul3A_1323 = arith.mulf %add3A_1287, %mul3A_1322 : vector<16xf32>
      %gt3A_1324 = arith.constant 0.000000e+00 : f32
      %gt3A_1325 = vector.broadcast %gt3A_1324 : f32 to vector<16xf32>
      %gt3A_1326 = arith.cmpf ogt, %add3A_1287, %gt3A_1325 : vector<16xf32>
      %jit3A_1327 = arith.constant 0.000000e+00 : f32
      %broadcast_in_dim3A_1328 = vector.broadcast %jit3A_1327 : f32 to vector<16xf32>
      %select_n3A_1329 = arith.select %gt3A_1326, %mul3A_1323, %broadcast_in_dim3A_1328 : vector<16xi1>, vector<16xf32>
      %mul3A_1330 = arith.constant 128 : i32
      %mul3A_1331 = arith.muli %scan3A_232, %mul3A_1330 : i32
      %add3A_1332 = arith.constant 64 : i32
      %add3A_1333 = arith.addi %mul3A_1331, %add3A_1332 : i32
      %add3A_1334 = vector.broadcast %add3A_1333 : i32 to vector<16xi32>
      %add3A_1335 = arith.addi %add3A_1334, %iota3A : vector<16xi32>
      %lt3A_1336 = arith.constant 6250 : i32
      %lt3A_1337 = vector.broadcast %lt3A_1336 : i32 to vector<16xi32>
      %lt3A_1338 = arith.cmpi slt, %add3A_1335, %lt3A_1337 : vector<16xi32>
      %jit3A_1339 = arith.constant 1.000000e+30 : f32
      %broadcast_in_dim3A_1340 = vector.broadcast %jit3A_1339 : f32 to vector<16xf32>
      %select_n3A_1341 = arith.select %lt3A_1338, %select_n3A_1329, %broadcast_in_dim3A_1340 : vector<16xi1>, vector<16xf32>
      %mul3A_1342 = arith.constant 128 : i32
      %mul3A_1343 = arith.muli %scan3A_232, %mul3A_1342 : i32
      %add3A_1344 = arith.constant 64 : i32
      %add3A_1345 = arith.addi %mul3A_1343, %add3A_1344 : i32
      %swap3A_1346 = arith.constant 0 : i32
      %swap3A_1347 = arith.index_cast %swap3A_1346 : i32 to index
      %swap3A_1348 = arith.index_cast %add3A_1345 : i32 to index
      %swap3A_1349 = tpu.vector_load %arg15[%swap3A_1347, %swap3A_1348] {strides = array<i32>} : memref<2x6272xf32, #tpu.memory_space<vmem>>, vector<16xf32>,
      tpu.vector_store %arg15[%swap3A_1347, %swap3A_1348], %select_n3A_1341 {strides = array<i32>} : memref<2x6272xf32, #tpu.memory_space<vmem>>, vector<16xf32>,
      %jit3A_1350 = arith.constant 0.000000e+00 : f32
      %broadcast_in_dim3A_1351 = vector.broadcast %jit3A_1350 : f32 to vector<16xf32>
      %select_n3A_1352 = arith.select %lt3A_1338, %select_n3A_1329, %broadcast_in_dim3A_1351 : vector<16xi1>, vector<16xf32>
      %add3A_1353 = arith.addf %add3A_1255, %select_n3A_1352 : vector<16xf32>
      %add3A_1354 = arith.constant 80 : i32
      %add3A_1355 = vector.broadcast %add3A_1354 : i32 to vector<16xi32>
      %add3A_1356 = arith.addi %add3A_1355, %iota3A : vector<16xi32>
      %mul3A_1357 = arith.constant 3 : i32
      %mul3A_1358 = vector.broadcast %mul3A_1357 : i32 to vector<16xi32>
      %mul3A_1359 = arith.muli %add3A_1356, %mul3A_1358 : vector<16xi32>
      %gather3A_1360 = tpu.vector_load_idx %arg13[%mul3A_1359] : memref<384xf32, #tpu.memory_space<vmem>>[vector<16xi32>], vector<16xf32>,
      %gather3A_1361 = tpu.vector_load_idx %arg14[%mul3A_1359] : memref<384xf32, #tpu.memory_space<vmem>>[vector<16xi32>], vector<16xf32>,
      %sub3A_1362 = arith.subf %gather3A_1360, %gather3A_1361 : vector<16xf32>
      %add3A_1363 = arith.constant 1 : i32
      %add3A_1364 = vector.broadcast %add3A_1363 : i32 to vector<16xi32>
      %add3A_1365 = arith.addi %mul3A_1359, %add3A_1364 : vector<16xi32>
      %gather3A_1366 = tpu.vector_load_idx %arg13[%add3A_1365] : memref<384xf32, #tpu.memory_space<vmem>>[vector<16xi32>], vector<16xf32>,
      %add3A_1367 = arith.constant 1 : i32
      %add3A_1368 = vector.broadcast %add3A_1367 : i32 to vector<16xi32>
      %add3A_1369 = arith.addi %mul3A_1359, %add3A_1368 : vector<16xi32>
      %gather3A_1370 = tpu.vector_load_idx %arg14[%add3A_1369] : memref<384xf32, #tpu.memory_space<vmem>>[vector<16xi32>], vector<16xf32>,
      %sub3A_1371 = arith.subf %gather3A_1366, %gather3A_1370 : vector<16xf32>
      %add3A_1372 = arith.constant 2 : i32
      %add3A_1373 = vector.broadcast %add3A_1372 : i32 to vector<16xi32>
      %add3A_1374 = arith.addi %mul3A_1359, %add3A_1373 : vector<16xi32>
      %gather3A_1375 = tpu.vector_load_idx %arg13[%add3A_1374] : memref<384xf32, #tpu.memory_space<vmem>>[vector<16xi32>], vector<16xf32>,
      %add3A_1376 = arith.constant 2 : i32
      %add3A_1377 = vector.broadcast %add3A_1376 : i32 to vector<16xi32>
      %add3A_1378 = arith.addi %mul3A_1359, %add3A_1377 : vector<16xi32>
      %gather3A_1379 = tpu.vector_load_idx %arg14[%add3A_1378] : memref<384xf32, #tpu.memory_space<vmem>>[vector<16xi32>], vector<16xf32>,
      %sub3A_1380 = arith.subf %gather3A_1375, %gather3A_1379 : vector<16xf32>
      %mul3A_1381 = arith.mulf %sub3A_1362, %sub3A_1362 : vector<16xf32>
      %mul3A_1382 = arith.mulf %sub3A_1371, %sub3A_1371 : vector<16xf32>
      %add3A_1383 = arith.addf %mul3A_1381, %mul3A_1382 : vector<16xf32>
      %mul3A_1384 = arith.mulf %sub3A_1380, %sub3A_1380 : vector<16xf32>
      %add3A_1385 = arith.addf %add3A_1383, %mul3A_1384 : vector<16xf32>
      %bitcast3A_1386 = vector.bitcast %add3A_1385 : vector<16xf32> to vector<16xi32>
      %shift_right_logical3A_1387 = arith.constant 1 : i32
      %shift_right_logical3A_1388 = vector.broadcast %shift_right_logical3A_1387 : i32 to vector<16xi32>
      %shift_right_logical3A_1389 = arith.shrui %bitcast3A_1386, %shift_right_logical3A_1388 : vector<16xi32>
      %sub3A_1390 = arith.constant 1597463007 : i32
      %sub3A_1391 = vector.broadcast %sub3A_1390 : i32 to vector<16xi32>
      %sub3A_1392 = arith.subi %sub3A_1391, %shift_right_logical3A_1389 : vector<16xi32>
      %bitcast3A_1393 = vector.bitcast %sub3A_1392 : vector<16xi32> to vector<16xf32>
      %mul3A_1394 = arith.constant 5.000000e-01 : f32
      %mul3A_1395 = vector.broadcast %mul3A_1394 : f32 to vector<16xf32>
      %mul3A_1396 = arith.mulf %mul3A_1395, %add3A_1385 : vector<16xf32>
      %mul3A_1397 = arith.mulf %mul3A_1396, %bitcast3A_1393 : vector<16xf32>
      %mul3A_1398 = arith.mulf %mul3A_1397, %bitcast3A_1393 : vector<16xf32>
      %sub3A_1399 = arith.constant 1.500000e+00 : f32
      %sub3A_1400 = vector.broadcast %sub3A_1399 : f32 to vector<16xf32>
      %sub3A_1401 = arith.subf %sub3A_1400, %mul3A_1398 : vector<16xf32>
      %mul3A_1402 = arith.mulf %bitcast3A_1393, %sub3A_1401 : vector<16xf32>
      %mul3A_1403 = arith.constant 5.000000e-01 : f32
      %mul3A_1404 = vector.broadcast %mul3A_1403 : f32 to vector<16xf32>
      %mul3A_1405 = arith.mulf %mul3A_1404, %add3A_1385 : vector<16xf32>
      %mul3A_1406 = arith.mulf %mul3A_1405, %mul3A_1402 : vector<16xf32>
      %mul3A_1407 = arith.mulf %mul3A_1406, %mul3A_1402 : vector<16xf32>
      %sub3A_1408 = arith.constant 1.500000e+00 : f32
      %sub3A_1409 = vector.broadcast %sub3A_1408 : f32 to vector<16xf32>
      %sub3A_1410 = arith.subf %sub3A_1409, %mul3A_1407 : vector<16xf32>
      %mul3A_1411 = arith.mulf %mul3A_1402, %sub3A_1410 : vector<16xf32>
      %mul3A_1412 = arith.constant 5.000000e-01 : f32
      %mul3A_1413 = vector.broadcast %mul3A_1412 : f32 to vector<16xf32>
      %mul3A_1414 = arith.mulf %mul3A_1413, %add3A_1385 : vector<16xf32>
      %mul3A_1415 = arith.mulf %mul3A_1414, %mul3A_1411 : vector<16xf32>
      %mul3A_1416 = arith.mulf %mul3A_1415, %mul3A_1411 : vector<16xf32>
      %sub3A_1417 = arith.constant 1.500000e+00 : f32
      %sub3A_1418 = vector.broadcast %sub3A_1417 : f32 to vector<16xf32>
      %sub3A_1419 = arith.subf %sub3A_1418, %mul3A_1416 : vector<16xf32>
      %mul3A_1420 = arith.mulf %mul3A_1411, %sub3A_1419 : vector<16xf32>
      %mul3A_1421 = arith.mulf %add3A_1385, %mul3A_1420 : vector<16xf32>
      %gt3A_1422 = arith.constant 0.000000e+00 : f32
      %gt3A_1423 = vector.broadcast %gt3A_1422 : f32 to vector<16xf32>
      %gt3A_1424 = arith.cmpf ogt, %add3A_1385, %gt3A_1423 : vector<16xf32>
      %jit3A_1425 = arith.constant 0.000000e+00 : f32
      %broadcast_in_dim3A_1426 = vector.broadcast %jit3A_1425 : f32 to vector<16xf32>
      %select_n3A_1427 = arith.select %gt3A_1424, %mul3A_1421, %broadcast_in_dim3A_1426 : vector<16xi1>, vector<16xf32>
      %mul3A_1428 = arith.constant 128 : i32
      %mul3A_1429 = arith.muli %scan3A_232, %mul3A_1428 : i32
      %add3A_1430 = arith.constant 80 : i32
      %add3A_1431 = arith.addi %mul3A_1429, %add3A_1430 : i32
      %add3A_1432 = vector.broadcast %add3A_1431 : i32 to vector<16xi32>
      %add3A_1433 = arith.addi %add3A_1432, %iota3A : vector<16xi32>
      %lt3A_1434 = arith.constant 6250 : i32
      %lt3A_1435 = vector.broadcast %lt3A_1434 : i32 to vector<16xi32>
      %lt3A_1436 = arith.cmpi slt, %add3A_1433, %lt3A_1435 : vector<16xi32>
      %jit3A_1437 = arith.constant 1.000000e+30 : f32
      %broadcast_in_dim3A_1438 = vector.broadcast %jit3A_1437 : f32 to vector<16xf32>
      %select_n3A_1439 = arith.select %lt3A_1436, %select_n3A_1427, %broadcast_in_dim3A_1438 : vector<16xi1>, vector<16xf32>
      %mul3A_1440 = arith.constant 128 : i32
      %mul3A_1441 = arith.muli %scan3A_232, %mul3A_1440 : i32
      %add3A_1442 = arith.constant 80 : i32
      %add3A_1443 = arith.addi %mul3A_1441, %add3A_1442 : i32
      %swap3A_1444 = arith.constant 0 : i32
      %swap3A_1445 = arith.index_cast %swap3A_1444 : i32 to index
      %swap3A_1446 = arith.index_cast %add3A_1443 : i32 to index
      %swap3A_1447 = tpu.vector_load %arg15[%swap3A_1445, %swap3A_1446] {strides = array<i32>} : memref<2x6272xf32, #tpu.memory_space<vmem>>, vector<16xf32>,
      tpu.vector_store %arg15[%swap3A_1445, %swap3A_1446], %select_n3A_1439 {strides = array<i32>} : memref<2x6272xf32, #tpu.memory_space<vmem>>, vector<16xf32>,
      %jit3A_1448 = arith.constant 0.000000e+00 : f32
      %broadcast_in_dim3A_1449 = vector.broadcast %jit3A_1448 : f32 to vector<16xf32>
      %select_n3A_1450 = arith.select %lt3A_1436, %select_n3A_1427, %broadcast_in_dim3A_1449 : vector<16xi1>, vector<16xf32>
      %add3A_1451 = arith.addf %add3A_1353, %select_n3A_1450 : vector<16xf32>
      %add3A_1452 = arith.constant 96 : i32
      %add3A_1453 = vector.broadcast %add3A_1452 : i32 to vector<16xi32>
      %add3A_1454 = arith.addi %add3A_1453, %iota3A : vector<16xi32>
      %mul3A_1455 = arith.constant 3 : i32
      %mul3A_1456 = vector.broadcast %mul3A_1455 : i32 to vector<16xi32>
      %mul3A_1457 = arith.muli %add3A_1454, %mul3A_1456 : vector<16xi32>
      %gather3A_1458 = tpu.vector_load_idx %arg13[%mul3A_1457] : memref<384xf32, #tpu.memory_space<vmem>>[vector<16xi32>], vector<16xf32>,
      %gather3A_1459 = tpu.vector_load_idx %arg14[%mul3A_1457] : memref<384xf32, #tpu.memory_space<vmem>>[vector<16xi32>], vector<16xf32>,
      %sub3A_1460 = arith.subf %gather3A_1458, %gather3A_1459 : vector<16xf32>
      %add3A_1461 = arith.constant 1 : i32
      %add3A_1462 = vector.broadcast %add3A_1461 : i32 to vector<16xi32>
      %add3A_1463 = arith.addi %mul3A_1457, %add3A_1462 : vector<16xi32>
      %gather3A_1464 = tpu.vector_load_idx %arg13[%add3A_1463] : memref<384xf32, #tpu.memory_space<vmem>>[vector<16xi32>], vector<16xf32>,
      %add3A_1465 = arith.constant 1 : i32
      %add3A_1466 = vector.broadcast %add3A_1465 : i32 to vector<16xi32>
      %add3A_1467 = arith.addi %mul3A_1457, %add3A_1466 : vector<16xi32>
      %gather3A_1468 = tpu.vector_load_idx %arg14[%add3A_1467] : memref<384xf32, #tpu.memory_space<vmem>>[vector<16xi32>], vector<16xf32>,
      %sub3A_1469 = arith.subf %gather3A_1464, %gather3A_1468 : vector<16xf32>
      %add3A_1470 = arith.constant 2 : i32
      %add3A_1471 = vector.broadcast %add3A_1470 : i32 to vector<16xi32>
      %add3A_1472 = arith.addi %mul3A_1457, %add3A_1471 : vector<16xi32>
      %gather3A_1473 = tpu.vector_load_idx %arg13[%add3A_1472] : memref<384xf32, #tpu.memory_space<vmem>>[vector<16xi32>], vector<16xf32>,
      %add3A_1474 = arith.constant 2 : i32
      %add3A_1475 = vector.broadcast %add3A_1474 : i32 to vector<16xi32>
      %add3A_1476 = arith.addi %mul3A_1457, %add3A_1475 : vector<16xi32>
      %gather3A_1477 = tpu.vector_load_idx %arg14[%add3A_1476] : memref<384xf32, #tpu.memory_space<vmem>>[vector<16xi32>], vector<16xf32>,
      %sub3A_1478 = arith.subf %gather3A_1473, %gather3A_1477 : vector<16xf32>
      %mul3A_1479 = arith.mulf %sub3A_1460, %sub3A_1460 : vector<16xf32>
      %mul3A_1480 = arith.mulf %sub3A_1469, %sub3A_1469 : vector<16xf32>
      %add3A_1481 = arith.addf %mul3A_1479, %mul3A_1480 : vector<16xf32>
      %mul3A_1482 = arith.mulf %sub3A_1478, %sub3A_1478 : vector<16xf32>
      %add3A_1483 = arith.addf %add3A_1481, %mul3A_1482 : vector<16xf32>
      %bitcast3A_1484 = vector.bitcast %add3A_1483 : vector<16xf32> to vector<16xi32>
      %shift_right_logical3A_1485 = arith.constant 1 : i32
      %shift_right_logical3A_1486 = vector.broadcast %shift_right_logical3A_1485 : i32 to vector<16xi32>
      %shift_right_logical3A_1487 = arith.shrui %bitcast3A_1484, %shift_right_logical3A_1486 : vector<16xi32>
      %sub3A_1488 = arith.constant 1597463007 : i32
      %sub3A_1489 = vector.broadcast %sub3A_1488 : i32 to vector<16xi32>
      %sub3A_1490 = arith.subi %sub3A_1489, %shift_right_logical3A_1487 : vector<16xi32>
      %bitcast3A_1491 = vector.bitcast %sub3A_1490 : vector<16xi32> to vector<16xf32>
      %mul3A_1492 = arith.constant 5.000000e-01 : f32
      %mul3A_1493 = vector.broadcast %mul3A_1492 : f32 to vector<16xf32>
      %mul3A_1494 = arith.mulf %mul3A_1493, %add3A_1483 : vector<16xf32>
      %mul3A_1495 = arith.mulf %mul3A_1494, %bitcast3A_1491 : vector<16xf32>
      %mul3A_1496 = arith.mulf %mul3A_1495, %bitcast3A_1491 : vector<16xf32>
      %sub3A_1497 = arith.constant 1.500000e+00 : f32
      %sub3A_1498 = vector.broadcast %sub3A_1497 : f32 to vector<16xf32>
      %sub3A_1499 = arith.subf %sub3A_1498, %mul3A_1496 : vector<16xf32>
      %mul3A_1500 = arith.mulf %bitcast3A_1491, %sub3A_1499 : vector<16xf32>
      %mul3A_1501 = arith.constant 5.000000e-01 : f32
      %mul3A_1502 = vector.broadcast %mul3A_1501 : f32 to vector<16xf32>
      %mul3A_1503 = arith.mulf %mul3A_1502, %add3A_1483 : vector<16xf32>
      %mul3A_1504 = arith.mulf %mul3A_1503, %mul3A_1500 : vector<16xf32>
      %mul3A_1505 = arith.mulf %mul3A_1504, %mul3A_1500 : vector<16xf32>
      %sub3A_1506 = arith.constant 1.500000e+00 : f32
      %sub3A_1507 = vector.broadcast %sub3A_1506 : f32 to vector<16xf32>
      %sub3A_1508 = arith.subf %sub3A_1507, %mul3A_1505 : vector<16xf32>
      %mul3A_1509 = arith.mulf %mul3A_1500, %sub3A_1508 : vector<16xf32>
      %mul3A_1510 = arith.constant 5.000000e-01 : f32
      %mul3A_1511 = vector.broadcast %mul3A_1510 : f32 to vector<16xf32>
      %mul3A_1512 = arith.mulf %mul3A_1511, %add3A_1483 : vector<16xf32>
      %mul3A_1513 = arith.mulf %mul3A_1512, %mul3A_1509 : vector<16xf32>
      %mul3A_1514 = arith.mulf %mul3A_1513, %mul3A_1509 : vector<16xf32>
      %sub3A_1515 = arith.constant 1.500000e+00 : f32
      %sub3A_1516 = vector.broadcast %sub3A_1515 : f32 to vector<16xf32>
      %sub3A_1517 = arith.subf %sub3A_1516, %mul3A_1514 : vector<16xf32>
      %mul3A_1518 = arith.mulf %mul3A_1509, %sub3A_1517 : vector<16xf32>
      %mul3A_1519 = arith.mulf %add3A_1483, %mul3A_1518 : vector<16xf32>
      %gt3A_1520 = arith.constant 0.000000e+00 : f32
      %gt3A_1521 = vector.broadcast %gt3A_1520 : f32 to vector<16xf32>
      %gt3A_1522 = arith.cmpf ogt, %add3A_1483, %gt3A_1521 : vector<16xf32>
      %jit3A_1523 = arith.constant 0.000000e+00 : f32
      %broadcast_in_dim3A_1524 = vector.broadcast %jit3A_1523 : f32 to vector<16xf32>
      %select_n3A_1525 = arith.select %gt3A_1522, %mul3A_1519, %broadcast_in_dim3A_1524 : vector<16xi1>, vector<16xf32>
      %mul3A_1526 = arith.constant 128 : i32
      %mul3A_1527 = arith.muli %scan3A_232, %mul3A_1526 : i32
      %add3A_1528 = arith.constant 96 : i32
      %add3A_1529 = arith.addi %mul3A_1527, %add3A_1528 : i32
      %add3A_1530 = vector.broadcast %add3A_1529 : i32 to vector<16xi32>
      %add3A_1531 = arith.addi %add3A_1530, %iota3A : vector<16xi32>
      %lt3A_1532 = arith.constant 6250 : i32
      %lt3A_1533 = vector.broadcast %lt3A_1532 : i32 to vector<16xi32>
      %lt3A_1534 = arith.cmpi slt, %add3A_1531, %lt3A_1533 : vector<16xi32>
      %jit3A_1535 = arith.constant 1.000000e+30 : f32
      %broadcast_in_dim3A_1536 = vector.broadcast %jit3A_1535 : f32 to vector<16xf32>
      %select_n3A_1537 = arith.select %lt3A_1534, %select_n3A_1525, %broadcast_in_dim3A_1536 : vector<16xi1>, vector<16xf32>
      %mul3A_1538 = arith.constant 128 : i32
      %mul3A_1539 = arith.muli %scan3A_232, %mul3A_1538 : i32
      %add3A_1540 = arith.constant 96 : i32
      %add3A_1541 = arith.addi %mul3A_1539, %add3A_1540 : i32
      %swap3A_1542 = arith.constant 0 : i32
      %swap3A_1543 = arith.index_cast %swap3A_1542 : i32 to index
      %swap3A_1544 = arith.index_cast %add3A_1541 : i32 to index
      %swap3A_1545 = tpu.vector_load %arg15[%swap3A_1543, %swap3A_1544] {strides = array<i32>} : memref<2x6272xf32, #tpu.memory_space<vmem>>, vector<16xf32>,
      tpu.vector_store %arg15[%swap3A_1543, %swap3A_1544], %select_n3A_1537 {strides = array<i32>} : memref<2x6272xf32, #tpu.memory_space<vmem>>, vector<16xf32>,
      %jit3A_1546 = arith.constant 0.000000e+00 : f32
      %broadcast_in_dim3A_1547 = vector.broadcast %jit3A_1546 : f32 to vector<16xf32>
      %select_n3A_1548 = arith.select %lt3A_1534, %select_n3A_1525, %broadcast_in_dim3A_1547 : vector<16xi1>, vector<16xf32>
      %add3A_1549 = arith.addf %add3A_1451, %select_n3A_1548 : vector<16xf32>
      %add3A_1550 = arith.constant 112 : i32
      %add3A_1551 = vector.broadcast %add3A_1550 : i32 to vector<16xi32>
      %add3A_1552 = arith.addi %add3A_1551, %iota3A : vector<16xi32>
      %mul3A_1553 = arith.constant 3 : i32
      %mul3A_1554 = vector.broadcast %mul3A_1553 : i32 to vector<16xi32>
      %mul3A_1555 = arith.muli %add3A_1552, %mul3A_1554 : vector<16xi32>
      %gather3A_1556 = tpu.vector_load_idx %arg13[%mul3A_1555] : memref<384xf32, #tpu.memory_space<vmem>>[vector<16xi32>], vector<16xf32>,
      %gather3A_1557 = tpu.vector_load_idx %arg14[%mul3A_1555] : memref<384xf32, #tpu.memory_space<vmem>>[vector<16xi32>], vector<16xf32>,
      %sub3A_1558 = arith.subf %gather3A_1556, %gather3A_1557 : vector<16xf32>
      %add3A_1559 = arith.constant 1 : i32
      %add3A_1560 = vector.broadcast %add3A_1559 : i32 to vector<16xi32>
      %add3A_1561 = arith.addi %mul3A_1555, %add3A_1560 : vector<16xi32>
      %gather3A_1562 = tpu.vector_load_idx %arg13[%add3A_1561] : memref<384xf32, #tpu.memory_space<vmem>>[vector<16xi32>], vector<16xf32>,
      %add3A_1563 = arith.constant 1 : i32
      %add3A_1564 = vector.broadcast %add3A_1563 : i32 to vector<16xi32>
      %add3A_1565 = arith.addi %mul3A_1555, %add3A_1564 : vector<16xi32>
      %gather3A_1566 = tpu.vector_load_idx %arg14[%add3A_1565] : memref<384xf32, #tpu.memory_space<vmem>>[vector<16xi32>], vector<16xf32>,
      %sub3A_1567 = arith.subf %gather3A_1562, %gather3A_1566 : vector<16xf32>
      %add3A_1568 = arith.constant 2 : i32
      %add3A_1569 = vector.broadcast %add3A_1568 : i32 to vector<16xi32>
      %add3A_1570 = arith.addi %mul3A_1555, %add3A_1569 : vector<16xi32>
      %gather3A_1571 = tpu.vector_load_idx %arg13[%add3A_1570] : memref<384xf32, #tpu.memory_space<vmem>>[vector<16xi32>], vector<16xf32>,
      %add3A_1572 = arith.constant 2 : i32
      %add3A_1573 = vector.broadcast %add3A_1572 : i32 to vector<16xi32>
      %add3A_1574 = arith.addi %mul3A_1555, %add3A_1573 : vector<16xi32>
      %gather3A_1575 = tpu.vector_load_idx %arg14[%add3A_1574] : memref<384xf32, #tpu.memory_space<vmem>>[vector<16xi32>], vector<16xf32>,
      %sub3A_1576 = arith.subf %gather3A_1571, %gather3A_1575 : vector<16xf32>
      %mul3A_1577 = arith.mulf %sub3A_1558, %sub3A_1558 : vector<16xf32>
      %mul3A_1578 = arith.mulf %sub3A_1567, %sub3A_1567 : vector<16xf32>
      %add3A_1579 = arith.addf %mul3A_1577, %mul3A_1578 : vector<16xf32>
      %mul3A_1580 = arith.mulf %sub3A_1576, %sub3A_1576 : vector<16xf32>
      %add3A_1581 = arith.addf %add3A_1579, %mul3A_1580 : vector<16xf32>
      %bitcast3A_1582 = vector.bitcast %add3A_1581 : vector<16xf32> to vector<16xi32>
      %shift_right_logical3A_1583 = arith.constant 1 : i32
      %shift_right_logical3A_1584 = vector.broadcast %shift_right_logical3A_1583 : i32 to vector<16xi32>
      %shift_right_logical3A_1585 = arith.shrui %bitcast3A_1582, %shift_right_logical3A_1584 : vector<16xi32>
      %sub3A_1586 = arith.constant 1597463007 : i32
      %sub3A_1587 = vector.broadcast %sub3A_1586 : i32 to vector<16xi32>
      %sub3A_1588 = arith.subi %sub3A_1587, %shift_right_logical3A_1585 : vector<16xi32>
      %bitcast3A_1589 = vector.bitcast %sub3A_1588 : vector<16xi32> to vector<16xf32>
      %mul3A_1590 = arith.constant 5.000000e-01 : f32
      %mul3A_1591 = vector.broadcast %mul3A_1590 : f32 to vector<16xf32>
      %mul3A_1592 = arith.mulf %mul3A_1591, %add3A_1581 : vector<16xf32>
      %mul3A_1593 = arith.mulf %mul3A_1592, %bitcast3A_1589 : vector<16xf32>
      %mul3A_1594 = arith.mulf %mul3A_1593, %bitcast3A_1589 : vector<16xf32>
      %sub3A_1595 = arith.constant 1.500000e+00 : f32
      %sub3A_1596 = vector.broadcast %sub3A_1595 : f32 to vector<16xf32>
      %sub3A_1597 = arith.subf %sub3A_1596, %mul3A_1594 : vector<16xf32>
      %mul3A_1598 = arith.mulf %bitcast3A_1589, %sub3A_1597 : vector<16xf32>
      %mul3A_1599 = arith.constant 5.000000e-01 : f32
      %mul3A_1600 = vector.broadcast %mul3A_1599 : f32 to vector<16xf32>
      %mul3A_1601 = arith.mulf %mul3A_1600, %add3A_1581 : vector<16xf32>
      %mul3A_1602 = arith.mulf %mul3A_1601, %mul3A_1598 : vector<16xf32>
      %mul3A_1603 = arith.mulf %mul3A_1602, %mul3A_1598 : vector<16xf32>
      %sub3A_1604 = arith.constant 1.500000e+00 : f32
      %sub3A_1605 = vector.broadcast %sub3A_1604 : f32 to vector<16xf32>
      %sub3A_1606 = arith.subf %sub3A_1605, %mul3A_1603 : vector<16xf32>
      %mul3A_1607 = arith.mulf %mul3A_1598, %sub3A_1606 : vector<16xf32>
      %mul3A_1608 = arith.constant 5.000000e-01 : f32
      %mul3A_1609 = vector.broadcast %mul3A_1608 : f32 to vector<16xf32>
      %mul3A_1610 = arith.mulf %mul3A_1609, %add3A_1581 : vector<16xf32>
      %mul3A_1611 = arith.mulf %mul3A_1610, %mul3A_1607 : vector<16xf32>
      %mul3A_1612 = arith.mulf %mul3A_1611, %mul3A_1607 : vector<16xf32>
      %sub3A_1613 = arith.constant 1.500000e+00 : f32
      %sub3A_1614 = vector.broadcast %sub3A_1613 : f32 to vector<16xf32>
      %sub3A_1615 = arith.subf %sub3A_1614, %mul3A_1612 : vector<16xf32>
      %mul3A_1616 = arith.mulf %mul3A_1607, %sub3A_1615 : vector<16xf32>
      %mul3A_1617 = arith.mulf %add3A_1581, %mul3A_1616 : vector<16xf32>
      %gt3A_1618 = arith.constant 0.000000e+00 : f32
      %gt3A_1619 = vector.broadcast %gt3A_1618 : f32 to vector<16xf32>
      %gt3A_1620 = arith.cmpf ogt, %add3A_1581, %gt3A_1619 : vector<16xf32>
      %jit3A_1621 = arith.constant 0.000000e+00 : f32
      %broadcast_in_dim3A_1622 = vector.broadcast %jit3A_1621 : f32 to vector<16xf32>
      %select_n3A_1623 = arith.select %gt3A_1620, %mul3A_1617, %broadcast_in_dim3A_1622 : vector<16xi1>, vector<16xf32>
      %mul3A_1624 = arith.constant 128 : i32
      %mul3A_1625 = arith.muli %scan3A_232, %mul3A_1624 : i32
      %add3A_1626 = arith.constant 112 : i32
      %add3A_1627 = arith.addi %mul3A_1625, %add3A_1626 : i32
      %add3A_1628 = vector.broadcast %add3A_1627 : i32 to vector<16xi32>
      %add3A_1629 = arith.addi %add3A_1628, %iota3A : vector<16xi32>
      %lt3A_1630 = arith.constant 6250 : i32
      %lt3A_1631 = vector.broadcast %lt3A_1630 : i32 to vector<16xi32>
      %lt3A_1632 = arith.cmpi slt, %add3A_1629, %lt3A_1631 : vector<16xi32>
      %jit3A_1633 = arith.constant 1.000000e+30 : f32
      %broadcast_in_dim3A_1634 = vector.broadcast %jit3A_1633 : f32 to vector<16xf32>
      %select_n3A_1635 = arith.select %lt3A_1632, %select_n3A_1623, %broadcast_in_dim3A_1634 : vector<16xi1>, vector<16xf32>
      %mul3A_1636 = arith.constant 128 : i32
      %mul3A_1637 = arith.muli %scan3A_232, %mul3A_1636 : i32
      %add3A_1638 = arith.constant 112 : i32
      %add3A_1639 = arith.addi %mul3A_1637, %add3A_1638 : i32
      %swap3A_1640 = arith.constant 0 : i32
      %swap3A_1641 = arith.index_cast %swap3A_1640 : i32 to index
      %swap3A_1642 = arith.index_cast %add3A_1639 : i32 to index
      %swap3A_1643 = tpu.vector_load %arg15[%swap3A_1641, %swap3A_1642] {strides = array<i32>} : memref<2x6272xf32, #tpu.memory_space<vmem>>, vector<16xf32>,
      tpu.vector_store %arg15[%swap3A_1641, %swap3A_1642], %select_n3A_1635 {strides = array<i32>} : memref<2x6272xf32, #tpu.memory_space<vmem>>, vector<16xf32>,
      %jit3A_1644 = arith.constant 0.000000e+00 : f32
      %broadcast_in_dim3A_1645 = vector.broadcast %jit3A_1644 : f32 to vector<16xf32>
      %select_n3A_1646 = arith.select %lt3A_1632, %select_n3A_1623, %broadcast_in_dim3A_1645 : vector<16xi1>, vector<16xf32>
      %add3A_1647 = arith.addf %add3A_1549, %select_n3A_1646 : vector<16xf32>
      scf.yield %add3A_1647 : vector<16xf32>
    }
    %scan3A_25 = arith.constant 49 : i32
    %swap3A_26 = arith.constant 0 : index
    %swap3A_27 = tpu.vector_load %arg16[%swap3A_26] {strides = array<i32>} : memref<32xf32, #tpu.memory_space<vmem>>, vector<16xf32>,
    tpu.vector_store %arg16[%swap3A_26], %scan3A_24 {strides = array<i32>} : memref<32xf32, #tpu.memory_space<vmem>>, vector<16xf32>,
    %mul3A_28 = arith.constant 2 : i32
    %mul3A_29 = arith.muli %mul3A_28, %arg0 : i32
    %add3A_30 = arith.constant 1 : i32
    %add3A_31 = arith.addi %mul3A_29, %add3A_30 : i32
    "tpu.region"() ({
      %run_scoped3A = tpu.sem_alloc : memref<!tpu.dma_semaphore, #tpu.memory_space<semaphore_mem>>
      %dma_start3A = arith.constant 0 : i32
      %dma_start3A_232 = tpu.memref_slice %arg9[%dma_start3A] : memref<6272xi32, #tpu.memory_space<vmem>> -> memref<6272xi32, #tpu.memory_space<vmem>>
      %dma_start3A_233 = arith.constant 0 : i32
      %dma_start3A_234 = tpu.memref_slice %arg6[%add3A_31, %arg1, %dma_start3A_233] : memref<4x16x6272xi32, #tpu.memory_space<hbm>> -> memref<1x1x6272xi32, #tpu.memory_space<hbm>>
      %dma_start3A_235 = tpu.memref_squeeze %dma_start3A_234 : memref<1x1x6272xi32, #tpu.memory_space<hbm>> -> memref<6272xi32, #tpu.memory_space<hbm>>
      %dma_start3A_236 = arith.constant 0 : i32
      %dma_start3A_237 = tpu.memref_slice %arg9[%dma_start3A_236] : memref<6272xi32, #tpu.memory_space<vmem>> -> memref<6272xi32, #tpu.memory_space<vmem>>
      %dma_start3A_238 = arith.constant 0 : i32
      %dma_start3A_239 = tpu.memref_slice %arg6[%add3A_31, %arg1, %dma_start3A_238] : memref<4x16x6272xi32, #tpu.memory_space<hbm>> -> memref<1x1x6272xi32, #tpu.memory_space<hbm>>
      %dma_start3A_240 = tpu.memref_squeeze %dma_start3A_239 : memref<1x1x6272xi32, #tpu.memory_space<hbm>> -> memref<6272xi32, #tpu.memory_space<hbm>>
      tpu.enqueue_dma source(%dma_start3A_240 : memref<6272xi32, #tpu.memory_space<hbm>>) target(%dma_start3A_237 : memref<6272xi32, #tpu.memory_space<vmem>>) target_semaphore(%run_scoped3A : memref<!tpu.dma_semaphore, #tpu.memory_space<semaphore_mem>>)
      %dma_wait3A = arith.constant 0 : i32
      %dma_wait3A_241 = tpu.memref_slice %arg9[%dma_wait3A] : memref<6272xi32, #tpu.memory_space<vmem>> -> memref<6272xi32, #tpu.memory_space<vmem>>
      %dma_wait3A_242 = arith.constant 0 : i32
      %dma_wait3A_243 = tpu.memref_slice %arg6[%add3A_31, %arg1, %dma_wait3A_242] : memref<4x16x6272xi32, #tpu.memory_space<hbm>> -> memref<1x1x6272xi32, #tpu.memory_space<hbm>>
      %dma_wait3A_244 = tpu.memref_squeeze %dma_wait3A_243 : memref<1x1x6272xi32, #tpu.memory_space<hbm>> -> memref<6272xi32, #tpu.memory_space<hbm>>
      %dma_wait3A_245 = arith.constant 0 : i32
      %dma_wait3A_246 = tpu.memref_slice %arg9[%dma_wait3A_245] : memref<6272xi32, #tpu.memory_space<vmem>> -> memref<6272xi32, #tpu.memory_space<vmem>>
      %dma_wait3A_247 = arith.constant 0 : i32
      %dma_wait3A_248 = tpu.memref_slice %arg6[%add3A_31, %arg1, %dma_wait3A_247] : memref<4x16x6272xi32, #tpu.memory_space<hbm>> -> memref<1x1x6272xi32, #tpu.memory_space<hbm>>
      %dma_wait3A_249 = tpu.memref_squeeze %dma_wait3A_248 : memref<1x1x6272xi32, #tpu.memory_space<hbm>> -> memref<6272xi32, #tpu.memory_space<hbm>>
      tpu.wait_dma2 semaphore(%run_scoped3A : memref<!tpu.dma_semaphore, #tpu.memory_space<semaphore_mem>>) src(%dma_wait3A_249 : memref<6272xi32, #tpu.memory_space<hbm>>) dst(%dma_wait3A_246 : memref<6272xi32, #tpu.memory_space<vmem>>)
      tpu.yield
    }) : () -> ()
    "tpu.region"() ({
      %run_scoped3A = tpu.sem_alloc : memref<!tpu.dma_semaphore, #tpu.memory_space<semaphore_mem>>
      %dma_start3A = arith.constant 0 : i32
      %dma_start3A_232 = tpu.memref_slice %arg10[%dma_start3A] : memref<6272xi32, #tpu.memory_space<vmem>> -> memref<6272xi32, #tpu.memory_space<vmem>>
      %dma_start3A_233 = arith.constant 0 : i32
      %dma_start3A_234 = tpu.memref_slice %arg7[%add3A_31, %arg1, %dma_start3A_233] : memref<4x16x6272xi32, #tpu.memory_space<hbm>> -> memref<1x1x6272xi32, #tpu.memory_space<hbm>>
      %dma_start3A_235 = tpu.memref_squeeze %dma_start3A_234 : memref<1x1x6272xi32, #tpu.memory_space<hbm>> -> memref<6272xi32, #tpu.memory_space<hbm>>
      %dma_start3A_236 = arith.constant 0 : i32
      %dma_start3A_237 = tpu.memref_slice %arg10[%dma_start3A_236] : memref<6272xi32, #tpu.memory_space<vmem>> -> memref<6272xi32, #tpu.memory_space<vmem>>
      %dma_start3A_238 = arith.constant 0 : i32
      %dma_start3A_239 = tpu.memref_slice %arg7[%add3A_31, %arg1, %dma_start3A_238] : memref<4x16x6272xi32, #tpu.memory_space<hbm>> -> memref<1x1x6272xi32, #tpu.memory_space<hbm>>
      %dma_start3A_240 = tpu.memref_squeeze %dma_start3A_239 : memref<1x1x6272xi32, #tpu.memory_space<hbm>> -> memref<6272xi32, #tpu.memory_space<hbm>>
      tpu.enqueue_dma source(%dma_start3A_240 : memref<6272xi32, #tpu.memory_space<hbm>>) target(%dma_start3A_237 : memref<6272xi32, #tpu.memory_space<vmem>>) target_semaphore(%run_scoped3A : memref<!tpu.dma_semaphore, #tpu.memory_space<semaphore_mem>>)
      %dma_wait3A = arith.constant 0 : i32
      %dma_wait3A_241 = tpu.memref_slice %arg10[%dma_wait3A] : memref<6272xi32, #tpu.memory_space<vmem>> -> memref<6272xi32, #tpu.memory_space<vmem>>
      %dma_wait3A_242 = arith.constant 0 : i32
      %dma_wait3A_243 = tpu.memref_slice %arg7[%add3A_31, %arg1, %dma_wait3A_242] : memref<4x16x6272xi32, #tpu.memory_space<hbm>> -> memref<1x1x6272xi32, #tpu.memory_space<hbm>>
      %dma_wait3A_244 = tpu.memref_squeeze %dma_wait3A_243 : memref<1x1x6272xi32, #tpu.memory_space<hbm>> -> memref<6272xi32, #tpu.memory_space<hbm>>
      %dma_wait3A_245 = arith.constant 0 : i32
      %dma_wait3A_246 = tpu.memref_slice %arg10[%dma_wait3A_245] : memref<6272xi32, #tpu.memory_space<vmem>> -> memref<6272xi32, #tpu.memory_space<vmem>>
      %dma_wait3A_247 = arith.constant 0 : i32
      %dma_wait3A_248 = tpu.memref_slice %arg7[%add3A_31, %arg1, %dma_wait3A_247] : memref<4x16x6272xi32, #tpu.memory_space<hbm>> -> memref<1x1x6272xi32, #tpu.memory_space<hbm>>
      %dma_wait3A_249 = tpu.memref_squeeze %dma_wait3A_248 : memref<1x1x6272xi32, #tpu.memory_space<hbm>> -> memref<6272xi32, #tpu.memory_space<hbm>>
      tpu.wait_dma2 semaphore(%run_scoped3A : memref<!tpu.dma_semaphore, #tpu.memory_space<semaphore_mem>>) src(%dma_wait3A_249 : memref<6272xi32, #tpu.memory_space<hbm>>) dst(%dma_wait3A_246 : memref<6272xi32, #tpu.memory_space<vmem>>)
      tpu.yield
    }) : () -> ()
    %scan3A_32 = arith.constant 0 : i32
    %scan3A_33 = arith.constant 49 : i32
    %scan3A_34 = arith.addi %scan3A_32, %scan3A_33 : i32
    %scan3A_35 = arith.constant 1 : i32
    %scan3A_36 = scf.for %scan3A_232 = %scan3A_32 to %scan3A_34 step %scan3A_35 iter_args(%scan3A_233 = %broadcast_in_dim3A_1) -> (vector<16xf32>)  : i32 {
      %mul3A_234 = arith.constant 128 : i32
      %mul3A_235 = arith.muli %scan3A_232, %mul3A_234 : i32
      %add3A_236 = arith.constant 0 : i32
      %add3A_237 = arith.addi %mul3A_235, %add3A_236 : i32
      %add3A_238 = vector.broadcast %add3A_237 : i32 to vector<16xi32>
      %add3A_239 = arith.addi %add3A_238, %iota3A : vector<16xi32>
      %lt3A = arith.constant 6250 : i32
      %lt3A_240 = vector.broadcast %lt3A : i32 to vector<16xi32>
      %lt3A_241 = arith.cmpi slt, %add3A_239, %lt3A_240 : vector<16xi32>
      %mul3A_242 = arith.constant 3 : i32
      %mul3A_243 = vector.broadcast %mul3A_242 : i32 to vector<16xi32>
      %mul3A_244 = arith.muli %add3A_239, %mul3A_243 : vector<16xi32>
      %mul3A_245 = arith.constant 128 : i32
      %mul3A_246 = arith.muli %scan3A_232, %mul3A_245 : i32
      %add3A_247 = arith.constant 0 : i32
      %add3A_248 = arith.addi %mul3A_246, %add3A_247 : i32
      %get3A_249 = arith.index_cast %add3A_248 : i32 to index
      %get3A_250 = tpu.vector_load %arg9[%get3A_249] {strides = array<i32>} : memref<6272xi32, #tpu.memory_space<vmem>>, vector<16xi32>,
      %add3A_251 = arith.constant 0 : i32
      %add3A_252 = vector.broadcast %add3A_251 : i32 to vector<16xi32>
      %add3A_253 = arith.addi %get3A_250, %add3A_252 : vector<16xi32>
      %mul3A_254 = arith.constant 128 : i32
      %mul3A_255 = arith.muli %scan3A_232, %mul3A_254 : i32
      %add3A_256 = arith.constant 0 : i32
      %add3A_257 = arith.addi %mul3A_255, %add3A_256 : i32
      %get3A_258 = arith.index_cast %add3A_257 : i32 to index
      %get3A_259 = tpu.vector_load %arg10[%get3A_258] {strides = array<i32>} : memref<6272xi32, #tpu.memory_space<vmem>>, vector<16xi32>,
      %add3A_260 = arith.constant 0 : i32
      %add3A_261 = vector.broadcast %add3A_260 : i32 to vector<16xi32>
      %add3A_262 = arith.addi %get3A_259, %add3A_261 : vector<16xi32>
      %select_n3A = arith.select %lt3A_241, %add3A_253, %broadcast_in_dim3A_3 : vector<16xi1>, vector<16xi32>
      %select_n3A_263 = arith.select %lt3A_241, %add3A_262, %broadcast_in_dim3A_3 : vector<16xi1>, vector<16xi32>
      %add3A_264 = arith.constant 0 : i32
      %add3A_265 = vector.broadcast %add3A_264 : i32 to vector<16xi32>
      %add3A_266 = arith.addi %mul3A_244, %add3A_265 : vector<16xi32>
      %add3A_267 = arith.constant 0 : i32
      %add3A_268 = vector.broadcast %add3A_267 : i32 to vector<16xi32>
      %add3A_269 = arith.addi %select_n3A, %add3A_268 : vector<16xi32>
      tpu.vector_store_idx %arg11[%add3A_266], %add3A_269 : memref<18816xi32, #tpu.memory_space<vmem>>[vector<16xi32>], vector<16xi32>,
      %add3A_270 = arith.constant 0 : i32
      %add3A_271 = vector.broadcast %add3A_270 : i32 to vector<16xi32>
      %add3A_272 = arith.addi %mul3A_244, %add3A_271 : vector<16xi32>
      %add3A_273 = arith.constant 0 : i32
      %add3A_274 = vector.broadcast %add3A_273 : i32 to vector<16xi32>
      %add3A_275 = arith.addi %select_n3A_263, %add3A_274 : vector<16xi32>
      tpu.vector_store_idx %arg12[%add3A_272], %add3A_275 : memref<18816xi32, #tpu.memory_space<vmem>>[vector<16xi32>], vector<16xi32>,
      %add3A_276 = arith.constant 1 : i32
      %add3A_277 = vector.broadcast %add3A_276 : i32 to vector<16xi32>
      %add3A_278 = arith.addi %mul3A_244, %add3A_277 : vector<16xi32>
      %add3A_279 = arith.constant 1228800 : i32
      %add3A_280 = vector.broadcast %add3A_279 : i32 to vector<16xi32>
      %add3A_281 = arith.addi %select_n3A, %add3A_280 : vector<16xi32>
      tpu.vector_store_idx %arg11[%add3A_278], %add3A_281 : memref<18816xi32, #tpu.memory_space<vmem>>[vector<16xi32>], vector<16xi32>,
      %add3A_282 = arith.constant 1 : i32
      %add3A_283 = vector.broadcast %add3A_282 : i32 to vector<16xi32>
      %add3A_284 = arith.addi %mul3A_244, %add3A_283 : vector<16xi32>
      %add3A_285 = arith.constant 1228800 : i32
      %add3A_286 = vector.broadcast %add3A_285 : i32 to vector<16xi32>
      %add3A_287 = arith.addi %select_n3A_263, %add3A_286 : vector<16xi32>
      tpu.vector_store_idx %arg12[%add3A_284], %add3A_287 : memref<18816xi32, #tpu.memory_space<vmem>>[vector<16xi32>], vector<16xi32>,
      %add3A_288 = arith.constant 2 : i32
      %add3A_289 = vector.broadcast %add3A_288 : i32 to vector<16xi32>
      %add3A_290 = arith.addi %mul3A_244, %add3A_289 : vector<16xi32>
      %add3A_291 = arith.constant 2457600 : i32
      %add3A_292 = vector.broadcast %add3A_291 : i32 to vector<16xi32>
      %add3A_293 = arith.addi %select_n3A, %add3A_292 : vector<16xi32>
      tpu.vector_store_idx %arg11[%add3A_290], %add3A_293 : memref<18816xi32, #tpu.memory_space<vmem>>[vector<16xi32>], vector<16xi32>,
      %add3A_294 = arith.constant 2 : i32
      %add3A_295 = vector.broadcast %add3A_294 : i32 to vector<16xi32>
      %add3A_296 = arith.addi %mul3A_244, %add3A_295 : vector<16xi32>
      %add3A_297 = arith.constant 2457600 : i32
      %add3A_298 = vector.broadcast %add3A_297 : i32 to vector<16xi32>
      %add3A_299 = arith.addi %select_n3A_263, %add3A_298 : vector<16xi32>
      tpu.vector_store_idx %arg12[%add3A_296], %add3A_299 : memref<18816xi32, #tpu.memory_space<vmem>>[vector<16xi32>], vector<16xi32>,
      %mul3A_300 = arith.constant 128 : i32
      %mul3A_301 = arith.muli %scan3A_232, %mul3A_300 : i32
      %add3A_302 = arith.constant 16 : i32
      %add3A_303 = arith.addi %mul3A_301, %add3A_302 : i32
      %add3A_304 = vector.broadcast %add3A_303 : i32 to vector<16xi32>
      %add3A_305 = arith.addi %add3A_304, %iota3A : vector<16xi32>
      %lt3A_306 = arith.constant 6250 : i32
      %lt3A_307 = vector.broadcast %lt3A_306 : i32 to vector<16xi32>
      %lt3A_308 = arith.cmpi slt, %add3A_305, %lt3A_307 : vector<16xi32>
      %mul3A_309 = arith.constant 3 : i32
      %mul3A_310 = vector.broadcast %mul3A_309 : i32 to vector<16xi32>
      %mul3A_311 = arith.muli %add3A_305, %mul3A_310 : vector<16xi32>
      %mul3A_312 = arith.constant 128 : i32
      %mul3A_313 = arith.muli %scan3A_232, %mul3A_312 : i32
      %add3A_314 = arith.constant 16 : i32
      %add3A_315 = arith.addi %mul3A_313, %add3A_314 : i32
      %get3A_316 = arith.index_cast %add3A_315 : i32 to index
      %get3A_317 = tpu.vector_load %arg9[%get3A_316] {strides = array<i32>} : memref<6272xi32, #tpu.memory_space<vmem>>, vector<16xi32>,
      %add3A_318 = arith.constant 0 : i32
      %add3A_319 = vector.broadcast %add3A_318 : i32 to vector<16xi32>
      %add3A_320 = arith.addi %get3A_317, %add3A_319 : vector<16xi32>
      %mul3A_321 = arith.constant 128 : i32
      %mul3A_322 = arith.muli %scan3A_232, %mul3A_321 : i32
      %add3A_323 = arith.constant 16 : i32
      %add3A_324 = arith.addi %mul3A_322, %add3A_323 : i32
      %get3A_325 = arith.index_cast %add3A_324 : i32 to index
      %get3A_326 = tpu.vector_load %arg10[%get3A_325] {strides = array<i32>} : memref<6272xi32, #tpu.memory_space<vmem>>, vector<16xi32>,
      %add3A_327 = arith.constant 0 : i32
      %add3A_328 = vector.broadcast %add3A_327 : i32 to vector<16xi32>
      %add3A_329 = arith.addi %get3A_326, %add3A_328 : vector<16xi32>
      %select_n3A_330 = arith.select %lt3A_308, %add3A_320, %broadcast_in_dim3A_3 : vector<16xi1>, vector<16xi32>
      %select_n3A_331 = arith.select %lt3A_308, %add3A_329, %broadcast_in_dim3A_3 : vector<16xi1>, vector<16xi32>
      %add3A_332 = arith.constant 0 : i32
      %add3A_333 = vector.broadcast %add3A_332 : i32 to vector<16xi32>
      %add3A_334 = arith.addi %mul3A_311, %add3A_333 : vector<16xi32>
      %add3A_335 = arith.constant 0 : i32
      %add3A_336 = vector.broadcast %add3A_335 : i32 to vector<16xi32>
      %add3A_337 = arith.addi %select_n3A_330, %add3A_336 : vector<16xi32>
      tpu.vector_store_idx %arg11[%add3A_334], %add3A_337 : memref<18816xi32, #tpu.memory_space<vmem>>[vector<16xi32>], vector<16xi32>,
      %add3A_338 = arith.constant 0 : i32
      %add3A_339 = vector.broadcast %add3A_338 : i32 to vector<16xi32>
      %add3A_340 = arith.addi %mul3A_311, %add3A_339 : vector<16xi32>
      %add3A_341 = arith.constant 0 : i32
      %add3A_342 = vector.broadcast %add3A_341 : i32 to vector<16xi32>
      %add3A_343 = arith.addi %select_n3A_331, %add3A_342 : vector<16xi32>
      tpu.vector_store_idx %arg12[%add3A_340], %add3A_343 : memref<18816xi32, #tpu.memory_space<vmem>>[vector<16xi32>], vector<16xi32>,
      %add3A_344 = arith.constant 1 : i32
      %add3A_345 = vector.broadcast %add3A_344 : i32 to vector<16xi32>
      %add3A_346 = arith.addi %mul3A_311, %add3A_345 : vector<16xi32>
      %add3A_347 = arith.constant 1228800 : i32
      %add3A_348 = vector.broadcast %add3A_347 : i32 to vector<16xi32>
      %add3A_349 = arith.addi %select_n3A_330, %add3A_348 : vector<16xi32>
      tpu.vector_store_idx %arg11[%add3A_346], %add3A_349 : memref<18816xi32, #tpu.memory_space<vmem>>[vector<16xi32>], vector<16xi32>,
      %add3A_350 = arith.constant 1 : i32
      %add3A_351 = vector.broadcast %add3A_350 : i32 to vector<16xi32>
      %add3A_352 = arith.addi %mul3A_311, %add3A_351 : vector<16xi32>
      %add3A_353 = arith.constant 1228800 : i32
      %add3A_354 = vector.broadcast %add3A_353 : i32 to vector<16xi32>
      %add3A_355 = arith.addi %select_n3A_331, %add3A_354 : vector<16xi32>
      tpu.vector_store_idx %arg12[%add3A_352], %add3A_355 : memref<18816xi32, #tpu.memory_space<vmem>>[vector<16xi32>], vector<16xi32>,
      %add3A_356 = arith.constant 2 : i32
      %add3A_357 = vector.broadcast %add3A_356 : i32 to vector<16xi32>
      %add3A_358 = arith.addi %mul3A_311, %add3A_357 : vector<16xi32>
      %add3A_359 = arith.constant 2457600 : i32
      %add3A_360 = vector.broadcast %add3A_359 : i32 to vector<16xi32>
      %add3A_361 = arith.addi %select_n3A_330, %add3A_360 : vector<16xi32>
      tpu.vector_store_idx %arg11[%add3A_358], %add3A_361 : memref<18816xi32, #tpu.memory_space<vmem>>[vector<16xi32>], vector<16xi32>,
      %add3A_362 = arith.constant 2 : i32
      %add3A_363 = vector.broadcast %add3A_362 : i32 to vector<16xi32>
      %add3A_364 = arith.addi %mul3A_311, %add3A_363 : vector<16xi32>
      %add3A_365 = arith.constant 2457600 : i32
      %add3A_366 = vector.broadcast %add3A_365 : i32 to vector<16xi32>
      %add3A_367 = arith.addi %select_n3A_331, %add3A_366 : vector<16xi32>
      tpu.vector_store_idx %arg12[%add3A_364], %add3A_367 : memref<18816xi32, #tpu.memory_space<vmem>>[vector<16xi32>], vector<16xi32>,
      %mul3A_368 = arith.constant 128 : i32
      %mul3A_369 = arith.muli %scan3A_232, %mul3A_368 : i32
      %add3A_370 = arith.constant 32 : i32
      %add3A_371 = arith.addi %mul3A_369, %add3A_370 : i32
      %add3A_372 = vector.broadcast %add3A_371 : i32 to vector<16xi32>
      %add3A_373 = arith.addi %add3A_372, %iota3A : vector<16xi32>
      %lt3A_374 = arith.constant 6250 : i32
      %lt3A_375 = vector.broadcast %lt3A_374 : i32 to vector<16xi32>
      %lt3A_376 = arith.cmpi slt, %add3A_373, %lt3A_375 : vector<16xi32>
      %mul3A_377 = arith.constant 3 : i32
      %mul3A_378 = vector.broadcast %mul3A_377 : i32 to vector<16xi32>
      %mul3A_379 = arith.muli %add3A_373, %mul3A_378 : vector<16xi32>
      %mul3A_380 = arith.constant 128 : i32
      %mul3A_381 = arith.muli %scan3A_232, %mul3A_380 : i32
      %add3A_382 = arith.constant 32 : i32
      %add3A_383 = arith.addi %mul3A_381, %add3A_382 : i32
      %get3A_384 = arith.index_cast %add3A_383 : i32 to index
      %get3A_385 = tpu.vector_load %arg9[%get3A_384] {strides = array<i32>} : memref<6272xi32, #tpu.memory_space<vmem>>, vector<16xi32>,
      %add3A_386 = arith.constant 0 : i32
      %add3A_387 = vector.broadcast %add3A_386 : i32 to vector<16xi32>
      %add3A_388 = arith.addi %get3A_385, %add3A_387 : vector<16xi32>
      %mul3A_389 = arith.constant 128 : i32
      %mul3A_390 = arith.muli %scan3A_232, %mul3A_389 : i32
      %add3A_391 = arith.constant 32 : i32
      %add3A_392 = arith.addi %mul3A_390, %add3A_391 : i32
      %get3A_393 = arith.index_cast %add3A_392 : i32 to index
      %get3A_394 = tpu.vector_load %arg10[%get3A_393] {strides = array<i32>} : memref<6272xi32, #tpu.memory_space<vmem>>, vector<16xi32>,
      %add3A_395 = arith.constant 0 : i32
      %add3A_396 = vector.broadcast %add3A_395 : i32 to vector<16xi32>
      %add3A_397 = arith.addi %get3A_394, %add3A_396 : vector<16xi32>
      %select_n3A_398 = arith.select %lt3A_376, %add3A_388, %broadcast_in_dim3A_3 : vector<16xi1>, vector<16xi32>
      %select_n3A_399 = arith.select %lt3A_376, %add3A_397, %broadcast_in_dim3A_3 : vector<16xi1>, vector<16xi32>
      %add3A_400 = arith.constant 0 : i32
      %add3A_401 = vector.broadcast %add3A_400 : i32 to vector<16xi32>
      %add3A_402 = arith.addi %mul3A_379, %add3A_401 : vector<16xi32>
      %add3A_403 = arith.constant 0 : i32
      %add3A_404 = vector.broadcast %add3A_403 : i32 to vector<16xi32>
      %add3A_405 = arith.addi %select_n3A_398, %add3A_404 : vector<16xi32>
      tpu.vector_store_idx %arg11[%add3A_402], %add3A_405 : memref<18816xi32, #tpu.memory_space<vmem>>[vector<16xi32>], vector<16xi32>,
      %add3A_406 = arith.constant 0 : i32
      %add3A_407 = vector.broadcast %add3A_406 : i32 to vector<16xi32>
      %add3A_408 = arith.addi %mul3A_379, %add3A_407 : vector<16xi32>
      %add3A_409 = arith.constant 0 : i32
      %add3A_410 = vector.broadcast %add3A_409 : i32 to vector<16xi32>
      %add3A_411 = arith.addi %select_n3A_399, %add3A_410 : vector<16xi32>
      tpu.vector_store_idx %arg12[%add3A_408], %add3A_411 : memref<18816xi32, #tpu.memory_space<vmem>>[vector<16xi32>], vector<16xi32>,
      %add3A_412 = arith.constant 1 : i32
      %add3A_413 = vector.broadcast %add3A_412 : i32 to vector<16xi32>
      %add3A_414 = arith.addi %mul3A_379, %add3A_413 : vector<16xi32>
      %add3A_415 = arith.constant 1228800 : i32
      %add3A_416 = vector.broadcast %add3A_415 : i32 to vector<16xi32>
      %add3A_417 = arith.addi %select_n3A_398, %add3A_416 : vector<16xi32>
      tpu.vector_store_idx %arg11[%add3A_414], %add3A_417 : memref<18816xi32, #tpu.memory_space<vmem>>[vector<16xi32>], vector<16xi32>,
      %add3A_418 = arith.constant 1 : i32
      %add3A_419 = vector.broadcast %add3A_418 : i32 to vector<16xi32>
      %add3A_420 = arith.addi %mul3A_379, %add3A_419 : vector<16xi32>
      %add3A_421 = arith.constant 1228800 : i32
      %add3A_422 = vector.broadcast %add3A_421 : i32 to vector<16xi32>
      %add3A_423 = arith.addi %select_n3A_399, %add3A_422 : vector<16xi32>
      tpu.vector_store_idx %arg12[%add3A_420], %add3A_423 : memref<18816xi32, #tpu.memory_space<vmem>>[vector<16xi32>], vector<16xi32>,
      %add3A_424 = arith.constant 2 : i32
      %add3A_425 = vector.broadcast %add3A_424 : i32 to vector<16xi32>
      %add3A_426 = arith.addi %mul3A_379, %add3A_425 : vector<16xi32>
      %add3A_427 = arith.constant 2457600 : i32
      %add3A_428 = vector.broadcast %add3A_427 : i32 to vector<16xi32>
      %add3A_429 = arith.addi %select_n3A_398, %add3A_428 : vector<16xi32>
      tpu.vector_store_idx %arg11[%add3A_426], %add3A_429 : memref<18816xi32, #tpu.memory_space<vmem>>[vector<16xi32>], vector<16xi32>,
      %add3A_430 = arith.constant 2 : i32
      %add3A_431 = vector.broadcast %add3A_430 : i32 to vector<16xi32>
      %add3A_432 = arith.addi %mul3A_379, %add3A_431 : vector<16xi32>
      %add3A_433 = arith.constant 2457600 : i32
      %add3A_434 = vector.broadcast %add3A_433 : i32 to vector<16xi32>
      %add3A_435 = arith.addi %select_n3A_399, %add3A_434 : vector<16xi32>
      tpu.vector_store_idx %arg12[%add3A_432], %add3A_435 : memref<18816xi32, #tpu.memory_space<vmem>>[vector<16xi32>], vector<16xi32>,
      %mul3A_436 = arith.constant 128 : i32
      %mul3A_437 = arith.muli %scan3A_232, %mul3A_436 : i32
      %add3A_438 = arith.constant 48 : i32
      %add3A_439 = arith.addi %mul3A_437, %add3A_438 : i32
      %add3A_440 = vector.broadcast %add3A_439 : i32 to vector<16xi32>
      %add3A_441 = arith.addi %add3A_440, %iota3A : vector<16xi32>
      %lt3A_442 = arith.constant 6250 : i32
      %lt3A_443 = vector.broadcast %lt3A_442 : i32 to vector<16xi32>
      %lt3A_444 = arith.cmpi slt, %add3A_441, %lt3A_443 : vector<16xi32>
      %mul3A_445 = arith.constant 3 : i32
      %mul3A_446 = vector.broadcast %mul3A_445 : i32 to vector<16xi32>
      %mul3A_447 = arith.muli %add3A_441, %mul3A_446 : vector<16xi32>
      %mul3A_448 = arith.constant 128 : i32
      %mul3A_449 = arith.muli %scan3A_232, %mul3A_448 : i32
      %add3A_450 = arith.constant 48 : i32
      %add3A_451 = arith.addi %mul3A_449, %add3A_450 : i32
      %get3A_452 = arith.index_cast %add3A_451 : i32 to index
      %get3A_453 = tpu.vector_load %arg9[%get3A_452] {strides = array<i32>} : memref<6272xi32, #tpu.memory_space<vmem>>, vector<16xi32>,
      %add3A_454 = arith.constant 0 : i32
      %add3A_455 = vector.broadcast %add3A_454 : i32 to vector<16xi32>
      %add3A_456 = arith.addi %get3A_453, %add3A_455 : vector<16xi32>
      %mul3A_457 = arith.constant 128 : i32
      %mul3A_458 = arith.muli %scan3A_232, %mul3A_457 : i32
      %add3A_459 = arith.constant 48 : i32
      %add3A_460 = arith.addi %mul3A_458, %add3A_459 : i32
      %get3A_461 = arith.index_cast %add3A_460 : i32 to index
      %get3A_462 = tpu.vector_load %arg10[%get3A_461] {strides = array<i32>} : memref<6272xi32, #tpu.memory_space<vmem>>, vector<16xi32>,
      %add3A_463 = arith.constant 0 : i32
      %add3A_464 = vector.broadcast %add3A_463 : i32 to vector<16xi32>
      %add3A_465 = arith.addi %get3A_462, %add3A_464 : vector<16xi32>
      %select_n3A_466 = arith.select %lt3A_444, %add3A_456, %broadcast_in_dim3A_3 : vector<16xi1>, vector<16xi32>
      %select_n3A_467 = arith.select %lt3A_444, %add3A_465, %broadcast_in_dim3A_3 : vector<16xi1>, vector<16xi32>
      %add3A_468 = arith.constant 0 : i32
      %add3A_469 = vector.broadcast %add3A_468 : i32 to vector<16xi32>
      %add3A_470 = arith.addi %mul3A_447, %add3A_469 : vector<16xi32>
      %add3A_471 = arith.constant 0 : i32
      %add3A_472 = vector.broadcast %add3A_471 : i32 to vector<16xi32>
      %add3A_473 = arith.addi %select_n3A_466, %add3A_472 : vector<16xi32>
      tpu.vector_store_idx %arg11[%add3A_470], %add3A_473 : memref<18816xi32, #tpu.memory_space<vmem>>[vector<16xi32>], vector<16xi32>,
      %add3A_474 = arith.constant 0 : i32
      %add3A_475 = vector.broadcast %add3A_474 : i32 to vector<16xi32>
      %add3A_476 = arith.addi %mul3A_447, %add3A_475 : vector<16xi32>
      %add3A_477 = arith.constant 0 : i32
      %add3A_478 = vector.broadcast %add3A_477 : i32 to vector<16xi32>
      %add3A_479 = arith.addi %select_n3A_467, %add3A_478 : vector<16xi32>
      tpu.vector_store_idx %arg12[%add3A_476], %add3A_479 : memref<18816xi32, #tpu.memory_space<vmem>>[vector<16xi32>], vector<16xi32>,
      %add3A_480 = arith.constant 1 : i32
      %add3A_481 = vector.broadcast %add3A_480 : i32 to vector<16xi32>
      %add3A_482 = arith.addi %mul3A_447, %add3A_481 : vector<16xi32>
      %add3A_483 = arith.constant 1228800 : i32
      %add3A_484 = vector.broadcast %add3A_483 : i32 to vector<16xi32>
      %add3A_485 = arith.addi %select_n3A_466, %add3A_484 : vector<16xi32>
      tpu.vector_store_idx %arg11[%add3A_482], %add3A_485 : memref<18816xi32, #tpu.memory_space<vmem>>[vector<16xi32>], vector<16xi32>,
      %add3A_486 = arith.constant 1 : i32
      %add3A_487 = vector.broadcast %add3A_486 : i32 to vector<16xi32>
      %add3A_488 = arith.addi %mul3A_447, %add3A_487 : vector<16xi32>
      %add3A_489 = arith.constant 1228800 : i32
      %add3A_490 = vector.broadcast %add3A_489 : i32 to vector<16xi32>
      %add3A_491 = arith.addi %select_n3A_467, %add3A_490 : vector<16xi32>
      tpu.vector_store_idx %arg12[%add3A_488], %add3A_491 : memref<18816xi32, #tpu.memory_space<vmem>>[vector<16xi32>], vector<16xi32>,
      %add3A_492 = arith.constant 2 : i32
      %add3A_493 = vector.broadcast %add3A_492 : i32 to vector<16xi32>
      %add3A_494 = arith.addi %mul3A_447, %add3A_493 : vector<16xi32>
      %add3A_495 = arith.constant 2457600 : i32
      %add3A_496 = vector.broadcast %add3A_495 : i32 to vector<16xi32>
      %add3A_497 = arith.addi %select_n3A_466, %add3A_496 : vector<16xi32>
      tpu.vector_store_idx %arg11[%add3A_494], %add3A_497 : memref<18816xi32, #tpu.memory_space<vmem>>[vector<16xi32>], vector<16xi32>,
      %add3A_498 = arith.constant 2 : i32
      %add3A_499 = vector.broadcast %add3A_498 : i32 to vector<16xi32>
      %add3A_500 = arith.addi %mul3A_447, %add3A_499 : vector<16xi32>
      %add3A_501 = arith.constant 2457600 : i32
      %add3A_502 = vector.broadcast %add3A_501 : i32 to vector<16xi32>
      %add3A_503 = arith.addi %select_n3A_467, %add3A_502 : vector<16xi32>
      tpu.vector_store_idx %arg12[%add3A_500], %add3A_503 : memref<18816xi32, #tpu.memory_space<vmem>>[vector<16xi32>], vector<16xi32>,
      %mul3A_504 = arith.constant 128 : i32
      %mul3A_505 = arith.muli %scan3A_232, %mul3A_504 : i32
      %add3A_506 = arith.constant 64 : i32
      %add3A_507 = arith.addi %mul3A_505, %add3A_506 : i32
      %add3A_508 = vector.broadcast %add3A_507 : i32 to vector<16xi32>
      %add3A_509 = arith.addi %add3A_508, %iota3A : vector<16xi32>
      %lt3A_510 = arith.constant 6250 : i32
      %lt3A_511 = vector.broadcast %lt3A_510 : i32 to vector<16xi32>
      %lt3A_512 = arith.cmpi slt, %add3A_509, %lt3A_511 : vector<16xi32>
      %mul3A_513 = arith.constant 3 : i32
      %mul3A_514 = vector.broadcast %mul3A_513 : i32 to vector<16xi32>
      %mul3A_515 = arith.muli %add3A_509, %mul3A_514 : vector<16xi32>
      %mul3A_516 = arith.constant 128 : i32
      %mul3A_517 = arith.muli %scan3A_232, %mul3A_516 : i32
      %add3A_518 = arith.constant 64 : i32
      %add3A_519 = arith.addi %mul3A_517, %add3A_518 : i32
      %get3A_520 = arith.index_cast %add3A_519 : i32 to index
      %get3A_521 = tpu.vector_load %arg9[%get3A_520] {strides = array<i32>} : memref<6272xi32, #tpu.memory_space<vmem>>, vector<16xi32>,
      %add3A_522 = arith.constant 0 : i32
      %add3A_523 = vector.broadcast %add3A_522 : i32 to vector<16xi32>
      %add3A_524 = arith.addi %get3A_521, %add3A_523 : vector<16xi32>
      %mul3A_525 = arith.constant 128 : i32
      %mul3A_526 = arith.muli %scan3A_232, %mul3A_525 : i32
      %add3A_527 = arith.constant 64 : i32
      %add3A_528 = arith.addi %mul3A_526, %add3A_527 : i32
      %get3A_529 = arith.index_cast %add3A_528 : i32 to index
      %get3A_530 = tpu.vector_load %arg10[%get3A_529] {strides = array<i32>} : memref<6272xi32, #tpu.memory_space<vmem>>, vector<16xi32>,
      %add3A_531 = arith.constant 0 : i32
      %add3A_532 = vector.broadcast %add3A_531 : i32 to vector<16xi32>
      %add3A_533 = arith.addi %get3A_530, %add3A_532 : vector<16xi32>
      %select_n3A_534 = arith.select %lt3A_512, %add3A_524, %broadcast_in_dim3A_3 : vector<16xi1>, vector<16xi32>
      %select_n3A_535 = arith.select %lt3A_512, %add3A_533, %broadcast_in_dim3A_3 : vector<16xi1>, vector<16xi32>
      %add3A_536 = arith.constant 0 : i32
      %add3A_537 = vector.broadcast %add3A_536 : i32 to vector<16xi32>
      %add3A_538 = arith.addi %mul3A_515, %add3A_537 : vector<16xi32>
      %add3A_539 = arith.constant 0 : i32
      %add3A_540 = vector.broadcast %add3A_539 : i32 to vector<16xi32>
      %add3A_541 = arith.addi %select_n3A_534, %add3A_540 : vector<16xi32>
      tpu.vector_store_idx %arg11[%add3A_538], %add3A_541 : memref<18816xi32, #tpu.memory_space<vmem>>[vector<16xi32>], vector<16xi32>,
      %add3A_542 = arith.constant 0 : i32
      %add3A_543 = vector.broadcast %add3A_542 : i32 to vector<16xi32>
      %add3A_544 = arith.addi %mul3A_515, %add3A_543 : vector<16xi32>
      %add3A_545 = arith.constant 0 : i32
      %add3A_546 = vector.broadcast %add3A_545 : i32 to vector<16xi32>
      %add3A_547 = arith.addi %select_n3A_535, %add3A_546 : vector<16xi32>
      tpu.vector_store_idx %arg12[%add3A_544], %add3A_547 : memref<18816xi32, #tpu.memory_space<vmem>>[vector<16xi32>], vector<16xi32>,
      %add3A_548 = arith.constant 1 : i32
      %add3A_549 = vector.broadcast %add3A_548 : i32 to vector<16xi32>
      %add3A_550 = arith.addi %mul3A_515, %add3A_549 : vector<16xi32>
      %add3A_551 = arith.constant 1228800 : i32
      %add3A_552 = vector.broadcast %add3A_551 : i32 to vector<16xi32>
      %add3A_553 = arith.addi %select_n3A_534, %add3A_552 : vector<16xi32>
      tpu.vector_store_idx %arg11[%add3A_550], %add3A_553 : memref<18816xi32, #tpu.memory_space<vmem>>[vector<16xi32>], vector<16xi32>,
      %add3A_554 = arith.constant 1 : i32
      %add3A_555 = vector.broadcast %add3A_554 : i32 to vector<16xi32>
      %add3A_556 = arith.addi %mul3A_515, %add3A_555 : vector<16xi32>
      %add3A_557 = arith.constant 1228800 : i32
      %add3A_558 = vector.broadcast %add3A_557 : i32 to vector<16xi32>
      %add3A_559 = arith.addi %select_n3A_535, %add3A_558 : vector<16xi32>
      tpu.vector_store_idx %arg12[%add3A_556], %add3A_559 : memref<18816xi32, #tpu.memory_space<vmem>>[vector<16xi32>], vector<16xi32>,
      %add3A_560 = arith.constant 2 : i32
      %add3A_561 = vector.broadcast %add3A_560 : i32 to vector<16xi32>
      %add3A_562 = arith.addi %mul3A_515, %add3A_561 : vector<16xi32>
      %add3A_563 = arith.constant 2457600 : i32
      %add3A_564 = vector.broadcast %add3A_563 : i32 to vector<16xi32>
      %add3A_565 = arith.addi %select_n3A_534, %add3A_564 : vector<16xi32>
      tpu.vector_store_idx %arg11[%add3A_562], %add3A_565 : memref<18816xi32, #tpu.memory_space<vmem>>[vector<16xi32>], vector<16xi32>,
      %add3A_566 = arith.constant 2 : i32
      %add3A_567 = vector.broadcast %add3A_566 : i32 to vector<16xi32>
      %add3A_568 = arith.addi %mul3A_515, %add3A_567 : vector<16xi32>
      %add3A_569 = arith.constant 2457600 : i32
      %add3A_570 = vector.broadcast %add3A_569 : i32 to vector<16xi32>
      %add3A_571 = arith.addi %select_n3A_535, %add3A_570 : vector<16xi32>
      tpu.vector_store_idx %arg12[%add3A_568], %add3A_571 : memref<18816xi32, #tpu.memory_space<vmem>>[vector<16xi32>], vector<16xi32>,
      %mul3A_572 = arith.constant 128 : i32
      %mul3A_573 = arith.muli %scan3A_232, %mul3A_572 : i32
      %add3A_574 = arith.constant 80 : i32
      %add3A_575 = arith.addi %mul3A_573, %add3A_574 : i32
      %add3A_576 = vector.broadcast %add3A_575 : i32 to vector<16xi32>
      %add3A_577 = arith.addi %add3A_576, %iota3A : vector<16xi32>
      %lt3A_578 = arith.constant 6250 : i32
      %lt3A_579 = vector.broadcast %lt3A_578 : i32 to vector<16xi32>
      %lt3A_580 = arith.cmpi slt, %add3A_577, %lt3A_579 : vector<16xi32>
      %mul3A_581 = arith.constant 3 : i32
      %mul3A_582 = vector.broadcast %mul3A_581 : i32 to vector<16xi32>
      %mul3A_583 = arith.muli %add3A_577, %mul3A_582 : vector<16xi32>
      %mul3A_584 = arith.constant 128 : i32
      %mul3A_585 = arith.muli %scan3A_232, %mul3A_584 : i32
      %add3A_586 = arith.constant 80 : i32
      %add3A_587 = arith.addi %mul3A_585, %add3A_586 : i32
      %get3A_588 = arith.index_cast %add3A_587 : i32 to index
      %get3A_589 = tpu.vector_load %arg9[%get3A_588] {strides = array<i32>} : memref<6272xi32, #tpu.memory_space<vmem>>, vector<16xi32>,
      %add3A_590 = arith.constant 0 : i32
      %add3A_591 = vector.broadcast %add3A_590 : i32 to vector<16xi32>
      %add3A_592 = arith.addi %get3A_589, %add3A_591 : vector<16xi32>
      %mul3A_593 = arith.constant 128 : i32
      %mul3A_594 = arith.muli %scan3A_232, %mul3A_593 : i32
      %add3A_595 = arith.constant 80 : i32
      %add3A_596 = arith.addi %mul3A_594, %add3A_595 : i32
      %get3A_597 = arith.index_cast %add3A_596 : i32 to index
      %get3A_598 = tpu.vector_load %arg10[%get3A_597] {strides = array<i32>} : memref<6272xi32, #tpu.memory_space<vmem>>, vector<16xi32>,
      %add3A_599 = arith.constant 0 : i32
      %add3A_600 = vector.broadcast %add3A_599 : i32 to vector<16xi32>
      %add3A_601 = arith.addi %get3A_598, %add3A_600 : vector<16xi32>
      %select_n3A_602 = arith.select %lt3A_580, %add3A_592, %broadcast_in_dim3A_3 : vector<16xi1>, vector<16xi32>
      %select_n3A_603 = arith.select %lt3A_580, %add3A_601, %broadcast_in_dim3A_3 : vector<16xi1>, vector<16xi32>
      %add3A_604 = arith.constant 0 : i32
      %add3A_605 = vector.broadcast %add3A_604 : i32 to vector<16xi32>
      %add3A_606 = arith.addi %mul3A_583, %add3A_605 : vector<16xi32>
      %add3A_607 = arith.constant 0 : i32
      %add3A_608 = vector.broadcast %add3A_607 : i32 to vector<16xi32>
      %add3A_609 = arith.addi %select_n3A_602, %add3A_608 : vector<16xi32>
      tpu.vector_store_idx %arg11[%add3A_606], %add3A_609 : memref<18816xi32, #tpu.memory_space<vmem>>[vector<16xi32>], vector<16xi32>,
      %add3A_610 = arith.constant 0 : i32
      %add3A_611 = vector.broadcast %add3A_610 : i32 to vector<16xi32>
      %add3A_612 = arith.addi %mul3A_583, %add3A_611 : vector<16xi32>
      %add3A_613 = arith.constant 0 : i32
      %add3A_614 = vector.broadcast %add3A_613 : i32 to vector<16xi32>
      %add3A_615 = arith.addi %select_n3A_603, %add3A_614 : vector<16xi32>
      tpu.vector_store_idx %arg12[%add3A_612], %add3A_615 : memref<18816xi32, #tpu.memory_space<vmem>>[vector<16xi32>], vector<16xi32>,
      %add3A_616 = arith.constant 1 : i32
      %add3A_617 = vector.broadcast %add3A_616 : i32 to vector<16xi32>
      %add3A_618 = arith.addi %mul3A_583, %add3A_617 : vector<16xi32>
      %add3A_619 = arith.constant 1228800 : i32
      %add3A_620 = vector.broadcast %add3A_619 : i32 to vector<16xi32>
      %add3A_621 = arith.addi %select_n3A_602, %add3A_620 : vector<16xi32>
      tpu.vector_store_idx %arg11[%add3A_618], %add3A_621 : memref<18816xi32, #tpu.memory_space<vmem>>[vector<16xi32>], vector<16xi32>,
      %add3A_622 = arith.constant 1 : i32
      %add3A_623 = vector.broadcast %add3A_622 : i32 to vector<16xi32>
      %add3A_624 = arith.addi %mul3A_583, %add3A_623 : vector<16xi32>
      %add3A_625 = arith.constant 1228800 : i32
      %add3A_626 = vector.broadcast %add3A_625 : i32 to vector<16xi32>
      %add3A_627 = arith.addi %select_n3A_603, %add3A_626 : vector<16xi32>
      tpu.vector_store_idx %arg12[%add3A_624], %add3A_627 : memref<18816xi32, #tpu.memory_space<vmem>>[vector<16xi32>], vector<16xi32>,
      %add3A_628 = arith.constant 2 : i32
      %add3A_629 = vector.broadcast %add3A_628 : i32 to vector<16xi32>
      %add3A_630 = arith.addi %mul3A_583, %add3A_629 : vector<16xi32>
      %add3A_631 = arith.constant 2457600 : i32
      %add3A_632 = vector.broadcast %add3A_631 : i32 to vector<16xi32>
      %add3A_633 = arith.addi %select_n3A_602, %add3A_632 : vector<16xi32>
      tpu.vector_store_idx %arg11[%add3A_630], %add3A_633 : memref<18816xi32, #tpu.memory_space<vmem>>[vector<16xi32>], vector<16xi32>,
      %add3A_634 = arith.constant 2 : i32
      %add3A_635 = vector.broadcast %add3A_634 : i32 to vector<16xi32>
      %add3A_636 = arith.addi %mul3A_583, %add3A_635 : vector<16xi32>
      %add3A_637 = arith.constant 2457600 : i32
      %add3A_638 = vector.broadcast %add3A_637 : i32 to vector<16xi32>
      %add3A_639 = arith.addi %select_n3A_603, %add3A_638 : vector<16xi32>
      tpu.vector_store_idx %arg12[%add3A_636], %add3A_639 : memref<18816xi32, #tpu.memory_space<vmem>>[vector<16xi32>], vector<16xi32>,
      %mul3A_640 = arith.constant 128 : i32
      %mul3A_641 = arith.muli %scan3A_232, %mul3A_640 : i32
      %add3A_642 = arith.constant 96 : i32
      %add3A_643 = arith.addi %mul3A_641, %add3A_642 : i32
      %add3A_644 = vector.broadcast %add3A_643 : i32 to vector<16xi32>
      %add3A_645 = arith.addi %add3A_644, %iota3A : vector<16xi32>
      %lt3A_646 = arith.constant 6250 : i32
      %lt3A_647 = vector.broadcast %lt3A_646 : i32 to vector<16xi32>
      %lt3A_648 = arith.cmpi slt, %add3A_645, %lt3A_647 : vector<16xi32>
      %mul3A_649 = arith.constant 3 : i32
      %mul3A_650 = vector.broadcast %mul3A_649 : i32 to vector<16xi32>
      %mul3A_651 = arith.muli %add3A_645, %mul3A_650 : vector<16xi32>
      %mul3A_652 = arith.constant 128 : i32
      %mul3A_653 = arith.muli %scan3A_232, %mul3A_652 : i32
      %add3A_654 = arith.constant 96 : i32
      %add3A_655 = arith.addi %mul3A_653, %add3A_654 : i32
      %get3A_656 = arith.index_cast %add3A_655 : i32 to index
      %get3A_657 = tpu.vector_load %arg9[%get3A_656] {strides = array<i32>} : memref<6272xi32, #tpu.memory_space<vmem>>, vector<16xi32>,
      %add3A_658 = arith.constant 0 : i32
      %add3A_659 = vector.broadcast %add3A_658 : i32 to vector<16xi32>
      %add3A_660 = arith.addi %get3A_657, %add3A_659 : vector<16xi32>
      %mul3A_661 = arith.constant 128 : i32
      %mul3A_662 = arith.muli %scan3A_232, %mul3A_661 : i32
      %add3A_663 = arith.constant 96 : i32
      %add3A_664 = arith.addi %mul3A_662, %add3A_663 : i32
      %get3A_665 = arith.index_cast %add3A_664 : i32 to index
      %get3A_666 = tpu.vector_load %arg10[%get3A_665] {strides = array<i32>} : memref<6272xi32, #tpu.memory_space<vmem>>, vector<16xi32>,
      %add3A_667 = arith.constant 0 : i32
      %add3A_668 = vector.broadcast %add3A_667 : i32 to vector<16xi32>
      %add3A_669 = arith.addi %get3A_666, %add3A_668 : vector<16xi32>
      %select_n3A_670 = arith.select %lt3A_648, %add3A_660, %broadcast_in_dim3A_3 : vector<16xi1>, vector<16xi32>
      %select_n3A_671 = arith.select %lt3A_648, %add3A_669, %broadcast_in_dim3A_3 : vector<16xi1>, vector<16xi32>
      %add3A_672 = arith.constant 0 : i32
      %add3A_673 = vector.broadcast %add3A_672 : i32 to vector<16xi32>
      %add3A_674 = arith.addi %mul3A_651, %add3A_673 : vector<16xi32>
      %add3A_675 = arith.constant 0 : i32
      %add3A_676 = vector.broadcast %add3A_675 : i32 to vector<16xi32>
      %add3A_677 = arith.addi %select_n3A_670, %add3A_676 : vector<16xi32>
      tpu.vector_store_idx %arg11[%add3A_674], %add3A_677 : memref<18816xi32, #tpu.memory_space<vmem>>[vector<16xi32>], vector<16xi32>,
      %add3A_678 = arith.constant 0 : i32
      %add3A_679 = vector.broadcast %add3A_678 : i32 to vector<16xi32>
      %add3A_680 = arith.addi %mul3A_651, %add3A_679 : vector<16xi32>
      %add3A_681 = arith.constant 0 : i32
      %add3A_682 = vector.broadcast %add3A_681 : i32 to vector<16xi32>
      %add3A_683 = arith.addi %select_n3A_671, %add3A_682 : vector<16xi32>
      tpu.vector_store_idx %arg12[%add3A_680], %add3A_683 : memref<18816xi32, #tpu.memory_space<vmem>>[vector<16xi32>], vector<16xi32>,
      %add3A_684 = arith.constant 1 : i32
      %add3A_685 = vector.broadcast %add3A_684 : i32 to vector<16xi32>
      %add3A_686 = arith.addi %mul3A_651, %add3A_685 : vector<16xi32>
      %add3A_687 = arith.constant 1228800 : i32
      %add3A_688 = vector.broadcast %add3A_687 : i32 to vector<16xi32>
      %add3A_689 = arith.addi %select_n3A_670, %add3A_688 : vector<16xi32>
      tpu.vector_store_idx %arg11[%add3A_686], %add3A_689 : memref<18816xi32, #tpu.memory_space<vmem>>[vector<16xi32>], vector<16xi32>,
      %add3A_690 = arith.constant 1 : i32
      %add3A_691 = vector.broadcast %add3A_690 : i32 to vector<16xi32>
      %add3A_692 = arith.addi %mul3A_651, %add3A_691 : vector<16xi32>
      %add3A_693 = arith.constant 1228800 : i32
      %add3A_694 = vector.broadcast %add3A_693 : i32 to vector<16xi32>
      %add3A_695 = arith.addi %select_n3A_671, %add3A_694 : vector<16xi32>
      tpu.vector_store_idx %arg12[%add3A_692], %add3A_695 : memref<18816xi32, #tpu.memory_space<vmem>>[vector<16xi32>], vector<16xi32>,
      %add3A_696 = arith.constant 2 : i32
      %add3A_697 = vector.broadcast %add3A_696 : i32 to vector<16xi32>
      %add3A_698 = arith.addi %mul3A_651, %add3A_697 : vector<16xi32>
      %add3A_699 = arith.constant 2457600 : i32
      %add3A_700 = vector.broadcast %add3A_699 : i32 to vector<16xi32>
      %add3A_701 = arith.addi %select_n3A_670, %add3A_700 : vector<16xi32>
      tpu.vector_store_idx %arg11[%add3A_698], %add3A_701 : memref<18816xi32, #tpu.memory_space<vmem>>[vector<16xi32>], vector<16xi32>,
      %add3A_702 = arith.constant 2 : i32
      %add3A_703 = vector.broadcast %add3A_702 : i32 to vector<16xi32>
      %add3A_704 = arith.addi %mul3A_651, %add3A_703 : vector<16xi32>
      %add3A_705 = arith.constant 2457600 : i32
      %add3A_706 = vector.broadcast %add3A_705 : i32 to vector<16xi32>
      %add3A_707 = arith.addi %select_n3A_671, %add3A_706 : vector<16xi32>
      tpu.vector_store_idx %arg12[%add3A_704], %add3A_707 : memref<18816xi32, #tpu.memory_space<vmem>>[vector<16xi32>], vector<16xi32>,
      %mul3A_708 = arith.constant 128 : i32
      %mul3A_709 = arith.muli %scan3A_232, %mul3A_708 : i32
      %add3A_710 = arith.constant 112 : i32
      %add3A_711 = arith.addi %mul3A_709, %add3A_710 : i32
      %add3A_712 = vector.broadcast %add3A_711 : i32 to vector<16xi32>
      %add3A_713 = arith.addi %add3A_712, %iota3A : vector<16xi32>
      %lt3A_714 = arith.constant 6250 : i32
      %lt3A_715 = vector.broadcast %lt3A_714 : i32 to vector<16xi32>
      %lt3A_716 = arith.cmpi slt, %add3A_713, %lt3A_715 : vector<16xi32>
      %mul3A_717 = arith.constant 3 : i32
      %mul3A_718 = vector.broadcast %mul3A_717 : i32 to vector<16xi32>
      %mul3A_719 = arith.muli %add3A_713, %mul3A_718 : vector<16xi32>
      %mul3A_720 = arith.constant 128 : i32
      %mul3A_721 = arith.muli %scan3A_232, %mul3A_720 : i32
      %add3A_722 = arith.constant 112 : i32
      %add3A_723 = arith.addi %mul3A_721, %add3A_722 : i32
      %get3A_724 = arith.index_cast %add3A_723 : i32 to index
      %get3A_725 = tpu.vector_load %arg9[%get3A_724] {strides = array<i32>} : memref<6272xi32, #tpu.memory_space<vmem>>, vector<16xi32>,
      %add3A_726 = arith.constant 0 : i32
      %add3A_727 = vector.broadcast %add3A_726 : i32 to vector<16xi32>
      %add3A_728 = arith.addi %get3A_725, %add3A_727 : vector<16xi32>
      %mul3A_729 = arith.constant 128 : i32
      %mul3A_730 = arith.muli %scan3A_232, %mul3A_729 : i32
      %add3A_731 = arith.constant 112 : i32
      %add3A_732 = arith.addi %mul3A_730, %add3A_731 : i32
      %get3A_733 = arith.index_cast %add3A_732 : i32 to index
      %get3A_734 = tpu.vector_load %arg10[%get3A_733] {strides = array<i32>} : memref<6272xi32, #tpu.memory_space<vmem>>, vector<16xi32>,
      %add3A_735 = arith.constant 0 : i32
      %add3A_736 = vector.broadcast %add3A_735 : i32 to vector<16xi32>
      %add3A_737 = arith.addi %get3A_734, %add3A_736 : vector<16xi32>
      %select_n3A_738 = arith.select %lt3A_716, %add3A_728, %broadcast_in_dim3A_3 : vector<16xi1>, vector<16xi32>
      %select_n3A_739 = arith.select %lt3A_716, %add3A_737, %broadcast_in_dim3A_3 : vector<16xi1>, vector<16xi32>
      %add3A_740 = arith.constant 0 : i32
      %add3A_741 = vector.broadcast %add3A_740 : i32 to vector<16xi32>
      %add3A_742 = arith.addi %mul3A_719, %add3A_741 : vector<16xi32>
      %add3A_743 = arith.constant 0 : i32
      %add3A_744 = vector.broadcast %add3A_743 : i32 to vector<16xi32>
      %add3A_745 = arith.addi %select_n3A_738, %add3A_744 : vector<16xi32>
      tpu.vector_store_idx %arg11[%add3A_742], %add3A_745 : memref<18816xi32, #tpu.memory_space<vmem>>[vector<16xi32>], vector<16xi32>,
      %add3A_746 = arith.constant 0 : i32
      %add3A_747 = vector.broadcast %add3A_746 : i32 to vector<16xi32>
      %add3A_748 = arith.addi %mul3A_719, %add3A_747 : vector<16xi32>
      %add3A_749 = arith.constant 0 : i32
      %add3A_750 = vector.broadcast %add3A_749 : i32 to vector<16xi32>
      %add3A_751 = arith.addi %select_n3A_739, %add3A_750 : vector<16xi32>
      tpu.vector_store_idx %arg12[%add3A_748], %add3A_751 : memref<18816xi32, #tpu.memory_space<vmem>>[vector<16xi32>], vector<16xi32>,
      %add3A_752 = arith.constant 1 : i32
      %add3A_753 = vector.broadcast %add3A_752 : i32 to vector<16xi32>
      %add3A_754 = arith.addi %mul3A_719, %add3A_753 : vector<16xi32>
      %add3A_755 = arith.constant 1228800 : i32
      %add3A_756 = vector.broadcast %add3A_755 : i32 to vector<16xi32>
      %add3A_757 = arith.addi %select_n3A_738, %add3A_756 : vector<16xi32>
      tpu.vector_store_idx %arg11[%add3A_754], %add3A_757 : memref<18816xi32, #tpu.memory_space<vmem>>[vector<16xi32>], vector<16xi32>,
      %add3A_758 = arith.constant 1 : i32
      %add3A_759 = vector.broadcast %add3A_758 : i32 to vector<16xi32>
      %add3A_760 = arith.addi %mul3A_719, %add3A_759 : vector<16xi32>
      %add3A_761 = arith.constant 1228800 : i32
      %add3A_762 = vector.broadcast %add3A_761 : i32 to vector<16xi32>
      %add3A_763 = arith.addi %select_n3A_739, %add3A_762 : vector<16xi32>
      tpu.vector_store_idx %arg12[%add3A_760], %add3A_763 : memref<18816xi32, #tpu.memory_space<vmem>>[vector<16xi32>], vector<16xi32>,
      %add3A_764 = arith.constant 2 : i32
      %add3A_765 = vector.broadcast %add3A_764 : i32 to vector<16xi32>
      %add3A_766 = arith.addi %mul3A_719, %add3A_765 : vector<16xi32>
      %add3A_767 = arith.constant 2457600 : i32
      %add3A_768 = vector.broadcast %add3A_767 : i32 to vector<16xi32>
      %add3A_769 = arith.addi %select_n3A_738, %add3A_768 : vector<16xi32>
      tpu.vector_store_idx %arg11[%add3A_766], %add3A_769 : memref<18816xi32, #tpu.memory_space<vmem>>[vector<16xi32>], vector<16xi32>,
      %add3A_770 = arith.constant 2 : i32
      %add3A_771 = vector.broadcast %add3A_770 : i32 to vector<16xi32>
      %add3A_772 = arith.addi %mul3A_719, %add3A_771 : vector<16xi32>
      %add3A_773 = arith.constant 2457600 : i32
      %add3A_774 = vector.broadcast %add3A_773 : i32 to vector<16xi32>
      %add3A_775 = arith.addi %select_n3A_739, %add3A_774 : vector<16xi32>
      tpu.vector_store_idx %arg12[%add3A_772], %add3A_775 : memref<18816xi32, #tpu.memory_space<vmem>>[vector<16xi32>], vector<16xi32>,
      %mul3A_776 = arith.constant 3 : i32
      %mul3A_777 = arith.muli %mul3A_776, %scan3A_232 : i32
      %add3A_778 = arith.constant 0 : i32
      %add3A_779 = arith.addi %mul3A_777, %add3A_778 : i32
      %mul3A_780 = arith.constant 128 : i32
      %mul3A_781 = arith.muli %add3A_779, %mul3A_780 : i32
      %dma_start3A = arith.constant 0 : i32
      %dma_start3A_782 = tpu.memref_slice %arg13[%dma_start3A] : memref<384xf32, #tpu.memory_space<vmem>> -> memref<128xf32, #tpu.memory_space<vmem>>
      %dma_start3A_783 = tpu.memref_slice %arg11[%mul3A_781] : memref<18816xi32, #tpu.memory_space<vmem>> -> memref<128xi32, #tpu.memory_space<vmem>>
      %dma_start3A_784 = arith.constant 0 : i32
      %dma_start3A_785 = tpu.memref_slice %arg2[%dma_start3A_784] : memref<3686400xf32, #tpu.memory_space<hbm>> -> memref<3686400xf32, #tpu.memory_space<hbm>>
      tpu.enqueue_indirect_dma source(%dma_start3A_785 : memref<3686400xf32, #tpu.memory_space<hbm>>) target(%dma_start3A_782 : memref<128xf32, #tpu.memory_space<vmem>>) offsets(%dma_start3A_783 : memref<128xi32, #tpu.memory_space<vmem>>) semaphore(%arg20 : memref<!tpu.dma_semaphore, #tpu.memory_space<semaphore_mem>>)
      %mul3A_786 = arith.constant 3 : i32
      %mul3A_787 = arith.muli %mul3A_786, %scan3A_232 : i32
      %add3A_788 = arith.constant 0 : i32
      %add3A_789 = arith.addi %mul3A_787, %add3A_788 : i32
      %mul3A_790 = arith.constant 128 : i32
      %mul3A_791 = arith.muli %add3A_789, %mul3A_790 : i32
      %dma_start3A_792 = arith.constant 0 : i32
      %dma_start3A_793 = tpu.memref_slice %arg14[%dma_start3A_792] : memref<384xf32, #tpu.memory_space<vmem>> -> memref<128xf32, #tpu.memory_space<vmem>>
      %dma_start3A_794 = tpu.memref_slice %arg12[%mul3A_791] : memref<18816xi32, #tpu.memory_space<vmem>> -> memref<128xi32, #tpu.memory_space<vmem>>
      %dma_start3A_795 = arith.constant 0 : i32
      %dma_start3A_796 = tpu.memref_slice %arg3[%dma_start3A_795] : memref<3686400xf32, #tpu.memory_space<hbm>> -> memref<3686400xf32, #tpu.memory_space<hbm>>
      tpu.enqueue_indirect_dma source(%dma_start3A_796 : memref<3686400xf32, #tpu.memory_space<hbm>>) target(%dma_start3A_793 : memref<128xf32, #tpu.memory_space<vmem>>) offsets(%dma_start3A_794 : memref<128xi32, #tpu.memory_space<vmem>>) semaphore(%arg21 : memref<!tpu.dma_semaphore, #tpu.memory_space<semaphore_mem>>)
      %mul3A_797 = arith.constant 3 : i32
      %mul3A_798 = arith.muli %mul3A_797, %scan3A_232 : i32
      %add3A_799 = arith.constant 1 : i32
      %add3A_800 = arith.addi %mul3A_798, %add3A_799 : i32
      %mul3A_801 = arith.constant 128 : i32
      %mul3A_802 = arith.muli %add3A_800, %mul3A_801 : i32
      %dma_start3A_803 = arith.constant 128 : i32
      %dma_start3A_804 = tpu.memref_slice %arg13[%dma_start3A_803] : memref<384xf32, #tpu.memory_space<vmem>> -> memref<128xf32, #tpu.memory_space<vmem>>
      %dma_start3A_805 = tpu.memref_slice %arg11[%mul3A_802] : memref<18816xi32, #tpu.memory_space<vmem>> -> memref<128xi32, #tpu.memory_space<vmem>>
      %dma_start3A_806 = arith.constant 0 : i32
      %dma_start3A_807 = tpu.memref_slice %arg2[%dma_start3A_806] : memref<3686400xf32, #tpu.memory_space<hbm>> -> memref<3686400xf32, #tpu.memory_space<hbm>>
      tpu.enqueue_indirect_dma source(%dma_start3A_807 : memref<3686400xf32, #tpu.memory_space<hbm>>) target(%dma_start3A_804 : memref<128xf32, #tpu.memory_space<vmem>>) offsets(%dma_start3A_805 : memref<128xi32, #tpu.memory_space<vmem>>) semaphore(%arg20 : memref<!tpu.dma_semaphore, #tpu.memory_space<semaphore_mem>>)
      %mul3A_808 = arith.constant 3 : i32
      %mul3A_809 = arith.muli %mul3A_808, %scan3A_232 : i32
      %add3A_810 = arith.constant 1 : i32
      %add3A_811 = arith.addi %mul3A_809, %add3A_810 : i32
      %mul3A_812 = arith.constant 128 : i32
      %mul3A_813 = arith.muli %add3A_811, %mul3A_812 : i32
      %dma_start3A_814 = arith.constant 128 : i32
      %dma_start3A_815 = tpu.memref_slice %arg14[%dma_start3A_814] : memref<384xf32, #tpu.memory_space<vmem>> -> memref<128xf32, #tpu.memory_space<vmem>>
      %dma_start3A_816 = tpu.memref_slice %arg12[%mul3A_813] : memref<18816xi32, #tpu.memory_space<vmem>> -> memref<128xi32, #tpu.memory_space<vmem>>
      %dma_start3A_817 = arith.constant 0 : i32
      %dma_start3A_818 = tpu.memref_slice %arg3[%dma_start3A_817] : memref<3686400xf32, #tpu.memory_space<hbm>> -> memref<3686400xf32, #tpu.memory_space<hbm>>
      tpu.enqueue_indirect_dma source(%dma_start3A_818 : memref<3686400xf32, #tpu.memory_space<hbm>>) target(%dma_start3A_815 : memref<128xf32, #tpu.memory_space<vmem>>) offsets(%dma_start3A_816 : memref<128xi32, #tpu.memory_space<vmem>>) semaphore(%arg21 : memref<!tpu.dma_semaphore, #tpu.memory_space<semaphore_mem>>)
      %mul3A_819 = arith.constant 3 : i32
      %mul3A_820 = arith.muli %mul3A_819, %scan3A_232 : i32
      %add3A_821 = arith.constant 2 : i32
      %add3A_822 = arith.addi %mul3A_820, %add3A_821 : i32
      %mul3A_823 = arith.constant 128 : i32
      %mul3A_824 = arith.muli %add3A_822, %mul3A_823 : i32
      %dma_start3A_825 = arith.constant 256 : i32
      %dma_start3A_826 = tpu.memref_slice %arg13[%dma_start3A_825] : memref<384xf32, #tpu.memory_space<vmem>> -> memref<128xf32, #tpu.memory_space<vmem>>
      %dma_start3A_827 = tpu.memref_slice %arg11[%mul3A_824] : memref<18816xi32, #tpu.memory_space<vmem>> -> memref<128xi32, #tpu.memory_space<vmem>>
      %dma_start3A_828 = arith.constant 0 : i32
      %dma_start3A_829 = tpu.memref_slice %arg2[%dma_start3A_828] : memref<3686400xf32, #tpu.memory_space<hbm>> -> memref<3686400xf32, #tpu.memory_space<hbm>>
      tpu.enqueue_indirect_dma source(%dma_start3A_829 : memref<3686400xf32, #tpu.memory_space<hbm>>) target(%dma_start3A_826 : memref<128xf32, #tpu.memory_space<vmem>>) offsets(%dma_start3A_827 : memref<128xi32, #tpu.memory_space<vmem>>) semaphore(%arg20 : memref<!tpu.dma_semaphore, #tpu.memory_space<semaphore_mem>>)
      %mul3A_830 = arith.constant 3 : i32
      %mul3A_831 = arith.muli %mul3A_830, %scan3A_232 : i32
      %add3A_832 = arith.constant 2 : i32
      %add3A_833 = arith.addi %mul3A_831, %add3A_832 : i32
      %mul3A_834 = arith.constant 128 : i32
      %mul3A_835 = arith.muli %add3A_833, %mul3A_834 : i32
      %dma_start3A_836 = arith.constant 256 : i32
      %dma_start3A_837 = tpu.memref_slice %arg14[%dma_start3A_836] : memref<384xf32, #tpu.memory_space<vmem>> -> memref<128xf32, #tpu.memory_space<vmem>>
      %dma_start3A_838 = tpu.memref_slice %arg12[%mul3A_835] : memref<18816xi32, #tpu.memory_space<vmem>> -> memref<128xi32, #tpu.memory_space<vmem>>
      %dma_start3A_839 = arith.constant 0 : i32
      %dma_start3A_840 = tpu.memref_slice %arg3[%dma_start3A_839] : memref<3686400xf32, #tpu.memory_space<hbm>> -> memref<3686400xf32, #tpu.memory_space<hbm>>
      tpu.enqueue_indirect_dma source(%dma_start3A_840 : memref<3686400xf32, #tpu.memory_space<hbm>>) target(%dma_start3A_837 : memref<128xf32, #tpu.memory_space<vmem>>) offsets(%dma_start3A_838 : memref<128xi32, #tpu.memory_space<vmem>>) semaphore(%arg21 : memref<!tpu.dma_semaphore, #tpu.memory_space<semaphore_mem>>)
      %dma_wait3A = arith.constant 0 : i32
      %dma_wait3A_841 = tpu.memref_slice %arg13[%dma_wait3A] : memref<384xf32, #tpu.memory_space<vmem>> -> memref<128xf32, #tpu.memory_space<vmem>>
      %dma_wait3A_842 = tpu.memref_slice %arg11[%mul3A_781] : memref<18816xi32, #tpu.memory_space<vmem>> -> memref<128xi32, #tpu.memory_space<vmem>>
      %dma_wait3A_843 = arith.constant 0 : i32
      %dma_wait3A_844 = tpu.memref_slice %arg2[%dma_wait3A_843] : memref<3686400xf32, #tpu.memory_space<hbm>> -> memref<3686400xf32, #tpu.memory_space<hbm>>
      tpu.wait_indirect_dma semaphore(%arg20 : memref<!tpu.dma_semaphore, #tpu.memory_space<semaphore_mem>>) src(%dma_wait3A_844 : memref<3686400xf32, #tpu.memory_space<hbm>>) dst(%dma_wait3A_841 : memref<128xf32, #tpu.memory_space<vmem>>)
      %dma_wait3A_845 = arith.constant 0 : i32
      %dma_wait3A_846 = tpu.memref_slice %arg14[%dma_wait3A_845] : memref<384xf32, #tpu.memory_space<vmem>> -> memref<128xf32, #tpu.memory_space<vmem>>
      %dma_wait3A_847 = tpu.memref_slice %arg12[%mul3A_791] : memref<18816xi32, #tpu.memory_space<vmem>> -> memref<128xi32, #tpu.memory_space<vmem>>
      %dma_wait3A_848 = arith.constant 0 : i32
      %dma_wait3A_849 = tpu.memref_slice %arg3[%dma_wait3A_848] : memref<3686400xf32, #tpu.memory_space<hbm>> -> memref<3686400xf32, #tpu.memory_space<hbm>>
      tpu.wait_indirect_dma semaphore(%arg21 : memref<!tpu.dma_semaphore, #tpu.memory_space<semaphore_mem>>) src(%dma_wait3A_849 : memref<3686400xf32, #tpu.memory_space<hbm>>) dst(%dma_wait3A_846 : memref<128xf32, #tpu.memory_space<vmem>>)
      %dma_wait3A_850 = arith.constant 128 : i32
      %dma_wait3A_851 = tpu.memref_slice %arg13[%dma_wait3A_850] : memref<384xf32, #tpu.memory_space<vmem>> -> memref<128xf32, #tpu.memory_space<vmem>>
      %dma_wait3A_852 = tpu.memref_slice %arg11[%mul3A_802] : memref<18816xi32, #tpu.memory_space<vmem>> -> memref<128xi32, #tpu.memory_space<vmem>>
      %dma_wait3A_853 = arith.constant 0 : i32
      %dma_wait3A_854 = tpu.memref_slice %arg2[%dma_wait3A_853] : memref<3686400xf32, #tpu.memory_space<hbm>> -> memref<3686400xf32, #tpu.memory_space<hbm>>
      tpu.wait_indirect_dma semaphore(%arg20 : memref<!tpu.dma_semaphore, #tpu.memory_space<semaphore_mem>>) src(%dma_wait3A_854 : memref<3686400xf32, #tpu.memory_space<hbm>>) dst(%dma_wait3A_851 : memref<128xf32, #tpu.memory_space<vmem>>)
      %dma_wait3A_855 = arith.constant 128 : i32
      %dma_wait3A_856 = tpu.memref_slice %arg14[%dma_wait3A_855] : memref<384xf32, #tpu.memory_space<vmem>> -> memref<128xf32, #tpu.memory_space<vmem>>
      %dma_wait3A_857 = tpu.memref_slice %arg12[%mul3A_813] : memref<18816xi32, #tpu.memory_space<vmem>> -> memref<128xi32, #tpu.memory_space<vmem>>
      %dma_wait3A_858 = arith.constant 0 : i32
      %dma_wait3A_859 = tpu.memref_slice %arg3[%dma_wait3A_858] : memref<3686400xf32, #tpu.memory_space<hbm>> -> memref<3686400xf32, #tpu.memory_space<hbm>>
      tpu.wait_indirect_dma semaphore(%arg21 : memref<!tpu.dma_semaphore, #tpu.memory_space<semaphore_mem>>) src(%dma_wait3A_859 : memref<3686400xf32, #tpu.memory_space<hbm>>) dst(%dma_wait3A_856 : memref<128xf32, #tpu.memory_space<vmem>>)
      %dma_wait3A_860 = arith.constant 256 : i32
      %dma_wait3A_861 = tpu.memref_slice %arg13[%dma_wait3A_860] : memref<384xf32, #tpu.memory_space<vmem>> -> memref<128xf32, #tpu.memory_space<vmem>>
      %dma_wait3A_862 = tpu.memref_slice %arg11[%mul3A_824] : memref<18816xi32, #tpu.memory_space<vmem>> -> memref<128xi32, #tpu.memory_space<vmem>>
      %dma_wait3A_863 = arith.constant 0 : i32
      %dma_wait3A_864 = tpu.memref_slice %arg2[%dma_wait3A_863] : memref<3686400xf32, #tpu.memory_space<hbm>> -> memref<3686400xf32, #tpu.memory_space<hbm>>
      tpu.wait_indirect_dma semaphore(%arg20 : memref<!tpu.dma_semaphore, #tpu.memory_space<semaphore_mem>>) src(%dma_wait3A_864 : memref<3686400xf32, #tpu.memory_space<hbm>>) dst(%dma_wait3A_861 : memref<128xf32, #tpu.memory_space<vmem>>)
      %dma_wait3A_865 = arith.constant 256 : i32
      %dma_wait3A_866 = tpu.memref_slice %arg14[%dma_wait3A_865] : memref<384xf32, #tpu.memory_space<vmem>> -> memref<128xf32, #tpu.memory_space<vmem>>
      %dma_wait3A_867 = tpu.memref_slice %arg12[%mul3A_835] : memref<18816xi32, #tpu.memory_space<vmem>> -> memref<128xi32, #tpu.memory_space<vmem>>
      %dma_wait3A_868 = arith.constant 0 : i32
      %dma_wait3A_869 = tpu.memref_slice %arg3[%dma_wait3A_868] : memref<3686400xf32, #tpu.memory_space<hbm>> -> memref<3686400xf32, #tpu.memory_space<hbm>>
      tpu.wait_indirect_dma semaphore(%arg21 : memref<!tpu.dma_semaphore, #tpu.memory_space<semaphore_mem>>) src(%dma_wait3A_869 : memref<3686400xf32, #tpu.memory_space<hbm>>) dst(%dma_wait3A_866 : memref<128xf32, #tpu.memory_space<vmem>>)
      %add3A_870 = arith.constant 0 : i32
      %add3A_871 = vector.broadcast %add3A_870 : i32 to vector<16xi32>
      %add3A_872 = arith.addi %add3A_871, %iota3A : vector<16xi32>
      %mul3A_873 = arith.constant 3 : i32
      %mul3A_874 = vector.broadcast %mul3A_873 : i32 to vector<16xi32>
      %mul3A_875 = arith.muli %add3A_872, %mul3A_874 : vector<16xi32>
      %gather3A = tpu.vector_load_idx %arg13[%mul3A_875] : memref<384xf32, #tpu.memory_space<vmem>>[vector<16xi32>], vector<16xf32>,
      %gather3A_876 = tpu.vector_load_idx %arg14[%mul3A_875] : memref<384xf32, #tpu.memory_space<vmem>>[vector<16xi32>], vector<16xf32>,
      %sub3A = arith.subf %gather3A, %gather3A_876 : vector<16xf32>
      %add3A_877 = arith.constant 1 : i32
      %add3A_878 = vector.broadcast %add3A_877 : i32 to vector<16xi32>
      %add3A_879 = arith.addi %mul3A_875, %add3A_878 : vector<16xi32>
      %gather3A_880 = tpu.vector_load_idx %arg13[%add3A_879] : memref<384xf32, #tpu.memory_space<vmem>>[vector<16xi32>], vector<16xf32>,
      %add3A_881 = arith.constant 1 : i32
      %add3A_882 = vector.broadcast %add3A_881 : i32 to vector<16xi32>
      %add3A_883 = arith.addi %mul3A_875, %add3A_882 : vector<16xi32>
      %gather3A_884 = tpu.vector_load_idx %arg14[%add3A_883] : memref<384xf32, #tpu.memory_space<vmem>>[vector<16xi32>], vector<16xf32>,
      %sub3A_885 = arith.subf %gather3A_880, %gather3A_884 : vector<16xf32>
      %add3A_886 = arith.constant 2 : i32
      %add3A_887 = vector.broadcast %add3A_886 : i32 to vector<16xi32>
      %add3A_888 = arith.addi %mul3A_875, %add3A_887 : vector<16xi32>
      %gather3A_889 = tpu.vector_load_idx %arg13[%add3A_888] : memref<384xf32, #tpu.memory_space<vmem>>[vector<16xi32>], vector<16xf32>,
      %add3A_890 = arith.constant 2 : i32
      %add3A_891 = vector.broadcast %add3A_890 : i32 to vector<16xi32>
      %add3A_892 = arith.addi %mul3A_875, %add3A_891 : vector<16xi32>
      %gather3A_893 = tpu.vector_load_idx %arg14[%add3A_892] : memref<384xf32, #tpu.memory_space<vmem>>[vector<16xi32>], vector<16xf32>,
      %sub3A_894 = arith.subf %gather3A_889, %gather3A_893 : vector<16xf32>
      %mul3A_895 = arith.mulf %sub3A, %sub3A : vector<16xf32>
      %mul3A_896 = arith.mulf %sub3A_885, %sub3A_885 : vector<16xf32>
      %add3A_897 = arith.addf %mul3A_895, %mul3A_896 : vector<16xf32>
      %mul3A_898 = arith.mulf %sub3A_894, %sub3A_894 : vector<16xf32>
      %add3A_899 = arith.addf %add3A_897, %mul3A_898 : vector<16xf32>
      %bitcast3A = vector.bitcast %add3A_899 : vector<16xf32> to vector<16xi32>
      %shift_right_logical3A = arith.constant 1 : i32
      %shift_right_logical3A_900 = vector.broadcast %shift_right_logical3A : i32 to vector<16xi32>
      %shift_right_logical3A_901 = arith.shrui %bitcast3A, %shift_right_logical3A_900 : vector<16xi32>
      %sub3A_902 = arith.constant 1597463007 : i32
      %sub3A_903 = vector.broadcast %sub3A_902 : i32 to vector<16xi32>
      %sub3A_904 = arith.subi %sub3A_903, %shift_right_logical3A_901 : vector<16xi32>
      %bitcast3A_905 = vector.bitcast %sub3A_904 : vector<16xi32> to vector<16xf32>
      %mul3A_906 = arith.constant 5.000000e-01 : f32
      %mul3A_907 = vector.broadcast %mul3A_906 : f32 to vector<16xf32>
      %mul3A_908 = arith.mulf %mul3A_907, %add3A_899 : vector<16xf32>
      %mul3A_909 = arith.mulf %mul3A_908, %bitcast3A_905 : vector<16xf32>
      %mul3A_910 = arith.mulf %mul3A_909, %bitcast3A_905 : vector<16xf32>
      %sub3A_911 = arith.constant 1.500000e+00 : f32
      %sub3A_912 = vector.broadcast %sub3A_911 : f32 to vector<16xf32>
      %sub3A_913 = arith.subf %sub3A_912, %mul3A_910 : vector<16xf32>
      %mul3A_914 = arith.mulf %bitcast3A_905, %sub3A_913 : vector<16xf32>
      %mul3A_915 = arith.constant 5.000000e-01 : f32
      %mul3A_916 = vector.broadcast %mul3A_915 : f32 to vector<16xf32>
      %mul3A_917 = arith.mulf %mul3A_916, %add3A_899 : vector<16xf32>
      %mul3A_918 = arith.mulf %mul3A_917, %mul3A_914 : vector<16xf32>
      %mul3A_919 = arith.mulf %mul3A_918, %mul3A_914 : vector<16xf32>
      %sub3A_920 = arith.constant 1.500000e+00 : f32
      %sub3A_921 = vector.broadcast %sub3A_920 : f32 to vector<16xf32>
      %sub3A_922 = arith.subf %sub3A_921, %mul3A_919 : vector<16xf32>
      %mul3A_923 = arith.mulf %mul3A_914, %sub3A_922 : vector<16xf32>
      %mul3A_924 = arith.constant 5.000000e-01 : f32
      %mul3A_925 = vector.broadcast %mul3A_924 : f32 to vector<16xf32>
      %mul3A_926 = arith.mulf %mul3A_925, %add3A_899 : vector<16xf32>
      %mul3A_927 = arith.mulf %mul3A_926, %mul3A_923 : vector<16xf32>
      %mul3A_928 = arith.mulf %mul3A_927, %mul3A_923 : vector<16xf32>
      %sub3A_929 = arith.constant 1.500000e+00 : f32
      %sub3A_930 = vector.broadcast %sub3A_929 : f32 to vector<16xf32>
      %sub3A_931 = arith.subf %sub3A_930, %mul3A_928 : vector<16xf32>
      %mul3A_932 = arith.mulf %mul3A_923, %sub3A_931 : vector<16xf32>
      %mul3A_933 = arith.mulf %add3A_899, %mul3A_932 : vector<16xf32>
      %gt3A = arith.constant 0.000000e+00 : f32
      %gt3A_934 = vector.broadcast %gt3A : f32 to vector<16xf32>
      %gt3A_935 = arith.cmpf ogt, %add3A_899, %gt3A_934 : vector<16xf32>
      %jit3A = arith.constant 0.000000e+00 : f32
      %broadcast_in_dim3A_936 = vector.broadcast %jit3A : f32 to vector<16xf32>
      %select_n3A_937 = arith.select %gt3A_935, %mul3A_933, %broadcast_in_dim3A_936 : vector<16xi1>, vector<16xf32>
      %mul3A_938 = arith.constant 128 : i32
      %mul3A_939 = arith.muli %scan3A_232, %mul3A_938 : i32
      %add3A_940 = arith.constant 0 : i32
      %add3A_941 = arith.addi %mul3A_939, %add3A_940 : i32
      %add3A_942 = vector.broadcast %add3A_941 : i32 to vector<16xi32>
      %add3A_943 = arith.addi %add3A_942, %iota3A : vector<16xi32>
      %lt3A_944 = arith.constant 6250 : i32
      %lt3A_945 = vector.broadcast %lt3A_944 : i32 to vector<16xi32>
      %lt3A_946 = arith.cmpi slt, %add3A_943, %lt3A_945 : vector<16xi32>
      %jit3A_947 = arith.constant 1.000000e+30 : f32
      %broadcast_in_dim3A_948 = vector.broadcast %jit3A_947 : f32 to vector<16xf32>
      %select_n3A_949 = arith.select %lt3A_946, %select_n3A_937, %broadcast_in_dim3A_948 : vector<16xi1>, vector<16xf32>
      %mul3A_950 = arith.constant 128 : i32
      %mul3A_951 = arith.muli %scan3A_232, %mul3A_950 : i32
      %add3A_952 = arith.constant 0 : i32
      %add3A_953 = arith.addi %mul3A_951, %add3A_952 : i32
      %swap3A_954 = arith.constant 1 : i32
      %swap3A_955 = arith.index_cast %swap3A_954 : i32 to index
      %swap3A_956 = arith.index_cast %add3A_953 : i32 to index
      %swap3A_957 = tpu.vector_load %arg15[%swap3A_955, %swap3A_956] {strides = array<i32>} : memref<2x6272xf32, #tpu.memory_space<vmem>>, vector<16xf32>,
      tpu.vector_store %arg15[%swap3A_955, %swap3A_956], %select_n3A_949 {strides = array<i32>} : memref<2x6272xf32, #tpu.memory_space<vmem>>, vector<16xf32>,
      %jit3A_958 = arith.constant 0.000000e+00 : f32
      %broadcast_in_dim3A_959 = vector.broadcast %jit3A_958 : f32 to vector<16xf32>
      %select_n3A_960 = arith.select %lt3A_946, %select_n3A_937, %broadcast_in_dim3A_959 : vector<16xi1>, vector<16xf32>
      %add3A_961 = arith.addf %scan3A_233, %select_n3A_960 : vector<16xf32>
      %add3A_962 = arith.constant 16 : i32
      %add3A_963 = vector.broadcast %add3A_962 : i32 to vector<16xi32>
      %add3A_964 = arith.addi %add3A_963, %iota3A : vector<16xi32>
      %mul3A_965 = arith.constant 3 : i32
      %mul3A_966 = vector.broadcast %mul3A_965 : i32 to vector<16xi32>
      %mul3A_967 = arith.muli %add3A_964, %mul3A_966 : vector<16xi32>
      %gather3A_968 = tpu.vector_load_idx %arg13[%mul3A_967] : memref<384xf32, #tpu.memory_space<vmem>>[vector<16xi32>], vector<16xf32>,
      %gather3A_969 = tpu.vector_load_idx %arg14[%mul3A_967] : memref<384xf32, #tpu.memory_space<vmem>>[vector<16xi32>], vector<16xf32>,
      %sub3A_970 = arith.subf %gather3A_968, %gather3A_969 : vector<16xf32>
      %add3A_971 = arith.constant 1 : i32
      %add3A_972 = vector.broadcast %add3A_971 : i32 to vector<16xi32>
      %add3A_973 = arith.addi %mul3A_967, %add3A_972 : vector<16xi32>
      %gather3A_974 = tpu.vector_load_idx %arg13[%add3A_973] : memref<384xf32, #tpu.memory_space<vmem>>[vector<16xi32>], vector<16xf32>,
      %add3A_975 = arith.constant 1 : i32
      %add3A_976 = vector.broadcast %add3A_975 : i32 to vector<16xi32>
      %add3A_977 = arith.addi %mul3A_967, %add3A_976 : vector<16xi32>
      %gather3A_978 = tpu.vector_load_idx %arg14[%add3A_977] : memref<384xf32, #tpu.memory_space<vmem>>[vector<16xi32>], vector<16xf32>,
      %sub3A_979 = arith.subf %gather3A_974, %gather3A_978 : vector<16xf32>
      %add3A_980 = arith.constant 2 : i32
      %add3A_981 = vector.broadcast %add3A_980 : i32 to vector<16xi32>
      %add3A_982 = arith.addi %mul3A_967, %add3A_981 : vector<16xi32>
      %gather3A_983 = tpu.vector_load_idx %arg13[%add3A_982] : memref<384xf32, #tpu.memory_space<vmem>>[vector<16xi32>], vector<16xf32>,
      %add3A_984 = arith.constant 2 : i32
      %add3A_985 = vector.broadcast %add3A_984 : i32 to vector<16xi32>
      %add3A_986 = arith.addi %mul3A_967, %add3A_985 : vector<16xi32>
      %gather3A_987 = tpu.vector_load_idx %arg14[%add3A_986] : memref<384xf32, #tpu.memory_space<vmem>>[vector<16xi32>], vector<16xf32>,
      %sub3A_988 = arith.subf %gather3A_983, %gather3A_987 : vector<16xf32>
      %mul3A_989 = arith.mulf %sub3A_970, %sub3A_970 : vector<16xf32>
      %mul3A_990 = arith.mulf %sub3A_979, %sub3A_979 : vector<16xf32>
      %add3A_991 = arith.addf %mul3A_989, %mul3A_990 : vector<16xf32>
      %mul3A_992 = arith.mulf %sub3A_988, %sub3A_988 : vector<16xf32>
      %add3A_993 = arith.addf %add3A_991, %mul3A_992 : vector<16xf32>
      %bitcast3A_994 = vector.bitcast %add3A_993 : vector<16xf32> to vector<16xi32>
      %shift_right_logical3A_995 = arith.constant 1 : i32
      %shift_right_logical3A_996 = vector.broadcast %shift_right_logical3A_995 : i32 to vector<16xi32>
      %shift_right_logical3A_997 = arith.shrui %bitcast3A_994, %shift_right_logical3A_996 : vector<16xi32>
      %sub3A_998 = arith.constant 1597463007 : i32
      %sub3A_999 = vector.broadcast %sub3A_998 : i32 to vector<16xi32>
      %sub3A_1000 = arith.subi %sub3A_999, %shift_right_logical3A_997 : vector<16xi32>
      %bitcast3A_1001 = vector.bitcast %sub3A_1000 : vector<16xi32> to vector<16xf32>
      %mul3A_1002 = arith.constant 5.000000e-01 : f32
      %mul3A_1003 = vector.broadcast %mul3A_1002 : f32 to vector<16xf32>
      %mul3A_1004 = arith.mulf %mul3A_1003, %add3A_993 : vector<16xf32>
      %mul3A_1005 = arith.mulf %mul3A_1004, %bitcast3A_1001 : vector<16xf32>
      %mul3A_1006 = arith.mulf %mul3A_1005, %bitcast3A_1001 : vector<16xf32>
      %sub3A_1007 = arith.constant 1.500000e+00 : f32
      %sub3A_1008 = vector.broadcast %sub3A_1007 : f32 to vector<16xf32>
      %sub3A_1009 = arith.subf %sub3A_1008, %mul3A_1006 : vector<16xf32>
      %mul3A_1010 = arith.mulf %bitcast3A_1001, %sub3A_1009 : vector<16xf32>
      %mul3A_1011 = arith.constant 5.000000e-01 : f32
      %mul3A_1012 = vector.broadcast %mul3A_1011 : f32 to vector<16xf32>
      %mul3A_1013 = arith.mulf %mul3A_1012, %add3A_993 : vector<16xf32>
      %mul3A_1014 = arith.mulf %mul3A_1013, %mul3A_1010 : vector<16xf32>
      %mul3A_1015 = arith.mulf %mul3A_1014, %mul3A_1010 : vector<16xf32>
      %sub3A_1016 = arith.constant 1.500000e+00 : f32
      %sub3A_1017 = vector.broadcast %sub3A_1016 : f32 to vector<16xf32>
      %sub3A_1018 = arith.subf %sub3A_1017, %mul3A_1015 : vector<16xf32>
      %mul3A_1019 = arith.mulf %mul3A_1010, %sub3A_1018 : vector<16xf32>
      %mul3A_1020 = arith.constant 5.000000e-01 : f32
      %mul3A_1021 = vector.broadcast %mul3A_1020 : f32 to vector<16xf32>
      %mul3A_1022 = arith.mulf %mul3A_1021, %add3A_993 : vector<16xf32>
      %mul3A_1023 = arith.mulf %mul3A_1022, %mul3A_1019 : vector<16xf32>
      %mul3A_1024 = arith.mulf %mul3A_1023, %mul3A_1019 : vector<16xf32>
      %sub3A_1025 = arith.constant 1.500000e+00 : f32
      %sub3A_1026 = vector.broadcast %sub3A_1025 : f32 to vector<16xf32>
      %sub3A_1027 = arith.subf %sub3A_1026, %mul3A_1024 : vector<16xf32>
      %mul3A_1028 = arith.mulf %mul3A_1019, %sub3A_1027 : vector<16xf32>
      %mul3A_1029 = arith.mulf %add3A_993, %mul3A_1028 : vector<16xf32>
      %gt3A_1030 = arith.constant 0.000000e+00 : f32
      %gt3A_1031 = vector.broadcast %gt3A_1030 : f32 to vector<16xf32>
      %gt3A_1032 = arith.cmpf ogt, %add3A_993, %gt3A_1031 : vector<16xf32>
      %jit3A_1033 = arith.constant 0.000000e+00 : f32
      %broadcast_in_dim3A_1034 = vector.broadcast %jit3A_1033 : f32 to vector<16xf32>
      %select_n3A_1035 = arith.select %gt3A_1032, %mul3A_1029, %broadcast_in_dim3A_1034 : vector<16xi1>, vector<16xf32>
      %mul3A_1036 = arith.constant 128 : i32
      %mul3A_1037 = arith.muli %scan3A_232, %mul3A_1036 : i32
      %add3A_1038 = arith.constant 16 : i32
      %add3A_1039 = arith.addi %mul3A_1037, %add3A_1038 : i32
      %add3A_1040 = vector.broadcast %add3A_1039 : i32 to vector<16xi32>
      %add3A_1041 = arith.addi %add3A_1040, %iota3A : vector<16xi32>
      %lt3A_1042 = arith.constant 6250 : i32
      %lt3A_1043 = vector.broadcast %lt3A_1042 : i32 to vector<16xi32>
      %lt3A_1044 = arith.cmpi slt, %add3A_1041, %lt3A_1043 : vector<16xi32>
      %jit3A_1045 = arith.constant 1.000000e+30 : f32
      %broadcast_in_dim3A_1046 = vector.broadcast %jit3A_1045 : f32 to vector<16xf32>
      %select_n3A_1047 = arith.select %lt3A_1044, %select_n3A_1035, %broadcast_in_dim3A_1046 : vector<16xi1>, vector<16xf32>
      %mul3A_1048 = arith.constant 128 : i32
      %mul3A_1049 = arith.muli %scan3A_232, %mul3A_1048 : i32
      %add3A_1050 = arith.constant 16 : i32
      %add3A_1051 = arith.addi %mul3A_1049, %add3A_1050 : i32
      %swap3A_1052 = arith.constant 1 : i32
      %swap3A_1053 = arith.index_cast %swap3A_1052 : i32 to index
      %swap3A_1054 = arith.index_cast %add3A_1051 : i32 to index
      %swap3A_1055 = tpu.vector_load %arg15[%swap3A_1053, %swap3A_1054] {strides = array<i32>} : memref<2x6272xf32, #tpu.memory_space<vmem>>, vector<16xf32>,
      tpu.vector_store %arg15[%swap3A_1053, %swap3A_1054], %select_n3A_1047 {strides = array<i32>} : memref<2x6272xf32, #tpu.memory_space<vmem>>, vector<16xf32>,
      %jit3A_1056 = arith.constant 0.000000e+00 : f32
      %broadcast_in_dim3A_1057 = vector.broadcast %jit3A_1056 : f32 to vector<16xf32>
      %select_n3A_1058 = arith.select %lt3A_1044, %select_n3A_1035, %broadcast_in_dim3A_1057 : vector<16xi1>, vector<16xf32>
      %add3A_1059 = arith.addf %add3A_961, %select_n3A_1058 : vector<16xf32>
      %add3A_1060 = arith.constant 32 : i32
      %add3A_1061 = vector.broadcast %add3A_1060 : i32 to vector<16xi32>
      %add3A_1062 = arith.addi %add3A_1061, %iota3A : vector<16xi32>
      %mul3A_1063 = arith.constant 3 : i32
      %mul3A_1064 = vector.broadcast %mul3A_1063 : i32 to vector<16xi32>
      %mul3A_1065 = arith.muli %add3A_1062, %mul3A_1064 : vector<16xi32>
      %gather3A_1066 = tpu.vector_load_idx %arg13[%mul3A_1065] : memref<384xf32, #tpu.memory_space<vmem>>[vector<16xi32>], vector<16xf32>,
      %gather3A_1067 = tpu.vector_load_idx %arg14[%mul3A_1065] : memref<384xf32, #tpu.memory_space<vmem>>[vector<16xi32>], vector<16xf32>,
      %sub3A_1068 = arith.subf %gather3A_1066, %gather3A_1067 : vector<16xf32>
      %add3A_1069 = arith.constant 1 : i32
      %add3A_1070 = vector.broadcast %add3A_1069 : i32 to vector<16xi32>
      %add3A_1071 = arith.addi %mul3A_1065, %add3A_1070 : vector<16xi32>
      %gather3A_1072 = tpu.vector_load_idx %arg13[%add3A_1071] : memref<384xf32, #tpu.memory_space<vmem>>[vector<16xi32>], vector<16xf32>,
      %add3A_1073 = arith.constant 1 : i32
      %add3A_1074 = vector.broadcast %add3A_1073 : i32 to vector<16xi32>
      %add3A_1075 = arith.addi %mul3A_1065, %add3A_1074 : vector<16xi32>
      %gather3A_1076 = tpu.vector_load_idx %arg14[%add3A_1075] : memref<384xf32, #tpu.memory_space<vmem>>[vector<16xi32>], vector<16xf32>,
      %sub3A_1077 = arith.subf %gather3A_1072, %gather3A_1076 : vector<16xf32>
      %add3A_1078 = arith.constant 2 : i32
      %add3A_1079 = vector.broadcast %add3A_1078 : i32 to vector<16xi32>
      %add3A_1080 = arith.addi %mul3A_1065, %add3A_1079 : vector<16xi32>
      %gather3A_1081 = tpu.vector_load_idx %arg13[%add3A_1080] : memref<384xf32, #tpu.memory_space<vmem>>[vector<16xi32>], vector<16xf32>,
      %add3A_1082 = arith.constant 2 : i32
      %add3A_1083 = vector.broadcast %add3A_1082 : i32 to vector<16xi32>
      %add3A_1084 = arith.addi %mul3A_1065, %add3A_1083 : vector<16xi32>
      %gather3A_1085 = tpu.vector_load_idx %arg14[%add3A_1084] : memref<384xf32, #tpu.memory_space<vmem>>[vector<16xi32>], vector<16xf32>,
      %sub3A_1086 = arith.subf %gather3A_1081, %gather3A_1085 : vector<16xf32>
      %mul3A_1087 = arith.mulf %sub3A_1068, %sub3A_1068 : vector<16xf32>
      %mul3A_1088 = arith.mulf %sub3A_1077, %sub3A_1077 : vector<16xf32>
      %add3A_1089 = arith.addf %mul3A_1087, %mul3A_1088 : vector<16xf32>
      %mul3A_1090 = arith.mulf %sub3A_1086, %sub3A_1086 : vector<16xf32>
      %add3A_1091 = arith.addf %add3A_1089, %mul3A_1090 : vector<16xf32>
      %bitcast3A_1092 = vector.bitcast %add3A_1091 : vector<16xf32> to vector<16xi32>
      %shift_right_logical3A_1093 = arith.constant 1 : i32
      %shift_right_logical3A_1094 = vector.broadcast %shift_right_logical3A_1093 : i32 to vector<16xi32>
      %shift_right_logical3A_1095 = arith.shrui %bitcast3A_1092, %shift_right_logical3A_1094 : vector<16xi32>
      %sub3A_1096 = arith.constant 1597463007 : i32
      %sub3A_1097 = vector.broadcast %sub3A_1096 : i32 to vector<16xi32>
      %sub3A_1098 = arith.subi %sub3A_1097, %shift_right_logical3A_1095 : vector<16xi32>
      %bitcast3A_1099 = vector.bitcast %sub3A_1098 : vector<16xi32> to vector<16xf32>
      %mul3A_1100 = arith.constant 5.000000e-01 : f32
      %mul3A_1101 = vector.broadcast %mul3A_1100 : f32 to vector<16xf32>
      %mul3A_1102 = arith.mulf %mul3A_1101, %add3A_1091 : vector<16xf32>
      %mul3A_1103 = arith.mulf %mul3A_1102, %bitcast3A_1099 : vector<16xf32>
      %mul3A_1104 = arith.mulf %mul3A_1103, %bitcast3A_1099 : vector<16xf32>
      %sub3A_1105 = arith.constant 1.500000e+00 : f32
      %sub3A_1106 = vector.broadcast %sub3A_1105 : f32 to vector<16xf32>
      %sub3A_1107 = arith.subf %sub3A_1106, %mul3A_1104 : vector<16xf32>
      %mul3A_1108 = arith.mulf %bitcast3A_1099, %sub3A_1107 : vector<16xf32>
      %mul3A_1109 = arith.constant 5.000000e-01 : f32
      %mul3A_1110 = vector.broadcast %mul3A_1109 : f32 to vector<16xf32>
      %mul3A_1111 = arith.mulf %mul3A_1110, %add3A_1091 : vector<16xf32>
      %mul3A_1112 = arith.mulf %mul3A_1111, %mul3A_1108 : vector<16xf32>
      %mul3A_1113 = arith.mulf %mul3A_1112, %mul3A_1108 : vector<16xf32>
      %sub3A_1114 = arith.constant 1.500000e+00 : f32
      %sub3A_1115 = vector.broadcast %sub3A_1114 : f32 to vector<16xf32>
      %sub3A_1116 = arith.subf %sub3A_1115, %mul3A_1113 : vector<16xf32>
      %mul3A_1117 = arith.mulf %mul3A_1108, %sub3A_1116 : vector<16xf32>
      %mul3A_1118 = arith.constant 5.000000e-01 : f32
      %mul3A_1119 = vector.broadcast %mul3A_1118 : f32 to vector<16xf32>
      %mul3A_1120 = arith.mulf %mul3A_1119, %add3A_1091 : vector<16xf32>
      %mul3A_1121 = arith.mulf %mul3A_1120, %mul3A_1117 : vector<16xf32>
      %mul3A_1122 = arith.mulf %mul3A_1121, %mul3A_1117 : vector<16xf32>
      %sub3A_1123 = arith.constant 1.500000e+00 : f32
      %sub3A_1124 = vector.broadcast %sub3A_1123 : f32 to vector<16xf32>
      %sub3A_1125 = arith.subf %sub3A_1124, %mul3A_1122 : vector<16xf32>
      %mul3A_1126 = arith.mulf %mul3A_1117, %sub3A_1125 : vector<16xf32>
      %mul3A_1127 = arith.mulf %add3A_1091, %mul3A_1126 : vector<16xf32>
      %gt3A_1128 = arith.constant 0.000000e+00 : f32
      %gt3A_1129 = vector.broadcast %gt3A_1128 : f32 to vector<16xf32>
      %gt3A_1130 = arith.cmpf ogt, %add3A_1091, %gt3A_1129 : vector<16xf32>
      %jit3A_1131 = arith.constant 0.000000e+00 : f32
      %broadcast_in_dim3A_1132 = vector.broadcast %jit3A_1131 : f32 to vector<16xf32>
      %select_n3A_1133 = arith.select %gt3A_1130, %mul3A_1127, %broadcast_in_dim3A_1132 : vector<16xi1>, vector<16xf32>
      %mul3A_1134 = arith.constant 128 : i32
      %mul3A_1135 = arith.muli %scan3A_232, %mul3A_1134 : i32
      %add3A_1136 = arith.constant 32 : i32
      %add3A_1137 = arith.addi %mul3A_1135, %add3A_1136 : i32
      %add3A_1138 = vector.broadcast %add3A_1137 : i32 to vector<16xi32>
      %add3A_1139 = arith.addi %add3A_1138, %iota3A : vector<16xi32>
      %lt3A_1140 = arith.constant 6250 : i32
      %lt3A_1141 = vector.broadcast %lt3A_1140 : i32 to vector<16xi32>
      %lt3A_1142 = arith.cmpi slt, %add3A_1139, %lt3A_1141 : vector<16xi32>
      %jit3A_1143 = arith.constant 1.000000e+30 : f32
      %broadcast_in_dim3A_1144 = vector.broadcast %jit3A_1143 : f32 to vector<16xf32>
      %select_n3A_1145 = arith.select %lt3A_1142, %select_n3A_1133, %broadcast_in_dim3A_1144 : vector<16xi1>, vector<16xf32>
      %mul3A_1146 = arith.constant 128 : i32
      %mul3A_1147 = arith.muli %scan3A_232, %mul3A_1146 : i32
      %add3A_1148 = arith.constant 32 : i32
      %add3A_1149 = arith.addi %mul3A_1147, %add3A_1148 : i32
      %swap3A_1150 = arith.constant 1 : i32
      %swap3A_1151 = arith.index_cast %swap3A_1150 : i32 to index
      %swap3A_1152 = arith.index_cast %add3A_1149 : i32 to index
      %swap3A_1153 = tpu.vector_load %arg15[%swap3A_1151, %swap3A_1152] {strides = array<i32>} : memref<2x6272xf32, #tpu.memory_space<vmem>>, vector<16xf32>,
      tpu.vector_store %arg15[%swap3A_1151, %swap3A_1152], %select_n3A_1145 {strides = array<i32>} : memref<2x6272xf32, #tpu.memory_space<vmem>>, vector<16xf32>,
      %jit3A_1154 = arith.constant 0.000000e+00 : f32
      %broadcast_in_dim3A_1155 = vector.broadcast %jit3A_1154 : f32 to vector<16xf32>
      %select_n3A_1156 = arith.select %lt3A_1142, %select_n3A_1133, %broadcast_in_dim3A_1155 : vector<16xi1>, vector<16xf32>
      %add3A_1157 = arith.addf %add3A_1059, %select_n3A_1156 : vector<16xf32>
      %add3A_1158 = arith.constant 48 : i32
      %add3A_1159 = vector.broadcast %add3A_1158 : i32 to vector<16xi32>
      %add3A_1160 = arith.addi %add3A_1159, %iota3A : vector<16xi32>
      %mul3A_1161 = arith.constant 3 : i32
      %mul3A_1162 = vector.broadcast %mul3A_1161 : i32 to vector<16xi32>
      %mul3A_1163 = arith.muli %add3A_1160, %mul3A_1162 : vector<16xi32>
      %gather3A_1164 = tpu.vector_load_idx %arg13[%mul3A_1163] : memref<384xf32, #tpu.memory_space<vmem>>[vector<16xi32>], vector<16xf32>,
      %gather3A_1165 = tpu.vector_load_idx %arg14[%mul3A_1163] : memref<384xf32, #tpu.memory_space<vmem>>[vector<16xi32>], vector<16xf32>,
      %sub3A_1166 = arith.subf %gather3A_1164, %gather3A_1165 : vector<16xf32>
      %add3A_1167 = arith.constant 1 : i32
      %add3A_1168 = vector.broadcast %add3A_1167 : i32 to vector<16xi32>
      %add3A_1169 = arith.addi %mul3A_1163, %add3A_1168 : vector<16xi32>
      %gather3A_1170 = tpu.vector_load_idx %arg13[%add3A_1169] : memref<384xf32, #tpu.memory_space<vmem>>[vector<16xi32>], vector<16xf32>,
      %add3A_1171 = arith.constant 1 : i32
      %add3A_1172 = vector.broadcast %add3A_1171 : i32 to vector<16xi32>
      %add3A_1173 = arith.addi %mul3A_1163, %add3A_1172 : vector<16xi32>
      %gather3A_1174 = tpu.vector_load_idx %arg14[%add3A_1173] : memref<384xf32, #tpu.memory_space<vmem>>[vector<16xi32>], vector<16xf32>,
      %sub3A_1175 = arith.subf %gather3A_1170, %gather3A_1174 : vector<16xf32>
      %add3A_1176 = arith.constant 2 : i32
      %add3A_1177 = vector.broadcast %add3A_1176 : i32 to vector<16xi32>
      %add3A_1178 = arith.addi %mul3A_1163, %add3A_1177 : vector<16xi32>
      %gather3A_1179 = tpu.vector_load_idx %arg13[%add3A_1178] : memref<384xf32, #tpu.memory_space<vmem>>[vector<16xi32>], vector<16xf32>,
      %add3A_1180 = arith.constant 2 : i32
      %add3A_1181 = vector.broadcast %add3A_1180 : i32 to vector<16xi32>
      %add3A_1182 = arith.addi %mul3A_1163, %add3A_1181 : vector<16xi32>
      %gather3A_1183 = tpu.vector_load_idx %arg14[%add3A_1182] : memref<384xf32, #tpu.memory_space<vmem>>[vector<16xi32>], vector<16xf32>,
      %sub3A_1184 = arith.subf %gather3A_1179, %gather3A_1183 : vector<16xf32>
      %mul3A_1185 = arith.mulf %sub3A_1166, %sub3A_1166 : vector<16xf32>
      %mul3A_1186 = arith.mulf %sub3A_1175, %sub3A_1175 : vector<16xf32>
      %add3A_1187 = arith.addf %mul3A_1185, %mul3A_1186 : vector<16xf32>
      %mul3A_1188 = arith.mulf %sub3A_1184, %sub3A_1184 : vector<16xf32>
      %add3A_1189 = arith.addf %add3A_1187, %mul3A_1188 : vector<16xf32>
      %bitcast3A_1190 = vector.bitcast %add3A_1189 : vector<16xf32> to vector<16xi32>
      %shift_right_logical3A_1191 = arith.constant 1 : i32
      %shift_right_logical3A_1192 = vector.broadcast %shift_right_logical3A_1191 : i32 to vector<16xi32>
      %shift_right_logical3A_1193 = arith.shrui %bitcast3A_1190, %shift_right_logical3A_1192 : vector<16xi32>
      %sub3A_1194 = arith.constant 1597463007 : i32
      %sub3A_1195 = vector.broadcast %sub3A_1194 : i32 to vector<16xi32>
      %sub3A_1196 = arith.subi %sub3A_1195, %shift_right_logical3A_1193 : vector<16xi32>
      %bitcast3A_1197 = vector.bitcast %sub3A_1196 : vector<16xi32> to vector<16xf32>
      %mul3A_1198 = arith.constant 5.000000e-01 : f32
      %mul3A_1199 = vector.broadcast %mul3A_1198 : f32 to vector<16xf32>
      %mul3A_1200 = arith.mulf %mul3A_1199, %add3A_1189 : vector<16xf32>
      %mul3A_1201 = arith.mulf %mul3A_1200, %bitcast3A_1197 : vector<16xf32>
      %mul3A_1202 = arith.mulf %mul3A_1201, %bitcast3A_1197 : vector<16xf32>
      %sub3A_1203 = arith.constant 1.500000e+00 : f32
      %sub3A_1204 = vector.broadcast %sub3A_1203 : f32 to vector<16xf32>
      %sub3A_1205 = arith.subf %sub3A_1204, %mul3A_1202 : vector<16xf32>
      %mul3A_1206 = arith.mulf %bitcast3A_1197, %sub3A_1205 : vector<16xf32>
      %mul3A_1207 = arith.constant 5.000000e-01 : f32
      %mul3A_1208 = vector.broadcast %mul3A_1207 : f32 to vector<16xf32>
      %mul3A_1209 = arith.mulf %mul3A_1208, %add3A_1189 : vector<16xf32>
      %mul3A_1210 = arith.mulf %mul3A_1209, %mul3A_1206 : vector<16xf32>
      %mul3A_1211 = arith.mulf %mul3A_1210, %mul3A_1206 : vector<16xf32>
      %sub3A_1212 = arith.constant 1.500000e+00 : f32
      %sub3A_1213 = vector.broadcast %sub3A_1212 : f32 to vector<16xf32>
      %sub3A_1214 = arith.subf %sub3A_1213, %mul3A_1211 : vector<16xf32>
      %mul3A_1215 = arith.mulf %mul3A_1206, %sub3A_1214 : vector<16xf32>
      %mul3A_1216 = arith.constant 5.000000e-01 : f32
      %mul3A_1217 = vector.broadcast %mul3A_1216 : f32 to vector<16xf32>
      %mul3A_1218 = arith.mulf %mul3A_1217, %add3A_1189 : vector<16xf32>
      %mul3A_1219 = arith.mulf %mul3A_1218, %mul3A_1215 : vector<16xf32>
      %mul3A_1220 = arith.mulf %mul3A_1219, %mul3A_1215 : vector<16xf32>
      %sub3A_1221 = arith.constant 1.500000e+00 : f32
      %sub3A_1222 = vector.broadcast %sub3A_1221 : f32 to vector<16xf32>
      %sub3A_1223 = arith.subf %sub3A_1222, %mul3A_1220 : vector<16xf32>
      %mul3A_1224 = arith.mulf %mul3A_1215, %sub3A_1223 : vector<16xf32>
      %mul3A_1225 = arith.mulf %add3A_1189, %mul3A_1224 : vector<16xf32>
      %gt3A_1226 = arith.constant 0.000000e+00 : f32
      %gt3A_1227 = vector.broadcast %gt3A_1226 : f32 to vector<16xf32>
      %gt3A_1228 = arith.cmpf ogt, %add3A_1189, %gt3A_1227 : vector<16xf32>
      %jit3A_1229 = arith.constant 0.000000e+00 : f32
      %broadcast_in_dim3A_1230 = vector.broadcast %jit3A_1229 : f32 to vector<16xf32>
      %select_n3A_1231 = arith.select %gt3A_1228, %mul3A_1225, %broadcast_in_dim3A_1230 : vector<16xi1>, vector<16xf32>
      %mul3A_1232 = arith.constant 128 : i32
      %mul3A_1233 = arith.muli %scan3A_232, %mul3A_1232 : i32
      %add3A_1234 = arith.constant 48 : i32
      %add3A_1235 = arith.addi %mul3A_1233, %add3A_1234 : i32
      %add3A_1236 = vector.broadcast %add3A_1235 : i32 to vector<16xi32>
      %add3A_1237 = arith.addi %add3A_1236, %iota3A : vector<16xi32>
      %lt3A_1238 = arith.constant 6250 : i32
      %lt3A_1239 = vector.broadcast %lt3A_1238 : i32 to vector<16xi32>
      %lt3A_1240 = arith.cmpi slt, %add3A_1237, %lt3A_1239 : vector<16xi32>
      %jit3A_1241 = arith.constant 1.000000e+30 : f32
      %broadcast_in_dim3A_1242 = vector.broadcast %jit3A_1241 : f32 to vector<16xf32>
      %select_n3A_1243 = arith.select %lt3A_1240, %select_n3A_1231, %broadcast_in_dim3A_1242 : vector<16xi1>, vector<16xf32>
      %mul3A_1244 = arith.constant 128 : i32
      %mul3A_1245 = arith.muli %scan3A_232, %mul3A_1244 : i32
      %add3A_1246 = arith.constant 48 : i32
      %add3A_1247 = arith.addi %mul3A_1245, %add3A_1246 : i32
      %swap3A_1248 = arith.constant 1 : i32
      %swap3A_1249 = arith.index_cast %swap3A_1248 : i32 to index
      %swap3A_1250 = arith.index_cast %add3A_1247 : i32 to index
      %swap3A_1251 = tpu.vector_load %arg15[%swap3A_1249, %swap3A_1250] {strides = array<i32>} : memref<2x6272xf32, #tpu.memory_space<vmem>>, vector<16xf32>,
      tpu.vector_store %arg15[%swap3A_1249, %swap3A_1250], %select_n3A_1243 {strides = array<i32>} : memref<2x6272xf32, #tpu.memory_space<vmem>>, vector<16xf32>,
      %jit3A_1252 = arith.constant 0.000000e+00 : f32
      %broadcast_in_dim3A_1253 = vector.broadcast %jit3A_1252 : f32 to vector<16xf32>
      %select_n3A_1254 = arith.select %lt3A_1240, %select_n3A_1231, %broadcast_in_dim3A_1253 : vector<16xi1>, vector<16xf32>
      %add3A_1255 = arith.addf %add3A_1157, %select_n3A_1254 : vector<16xf32>
      %add3A_1256 = arith.constant 64 : i32
      %add3A_1257 = vector.broadcast %add3A_1256 : i32 to vector<16xi32>
      %add3A_1258 = arith.addi %add3A_1257, %iota3A : vector<16xi32>
      %mul3A_1259 = arith.constant 3 : i32
      %mul3A_1260 = vector.broadcast %mul3A_1259 : i32 to vector<16xi32>
      %mul3A_1261 = arith.muli %add3A_1258, %mul3A_1260 : vector<16xi32>
      %gather3A_1262 = tpu.vector_load_idx %arg13[%mul3A_1261] : memref<384xf32, #tpu.memory_space<vmem>>[vector<16xi32>], vector<16xf32>,
      %gather3A_1263 = tpu.vector_load_idx %arg14[%mul3A_1261] : memref<384xf32, #tpu.memory_space<vmem>>[vector<16xi32>], vector<16xf32>,
      %sub3A_1264 = arith.subf %gather3A_1262, %gather3A_1263 : vector<16xf32>
      %add3A_1265 = arith.constant 1 : i32
      %add3A_1266 = vector.broadcast %add3A_1265 : i32 to vector<16xi32>
      %add3A_1267 = arith.addi %mul3A_1261, %add3A_1266 : vector<16xi32>
      %gather3A_1268 = tpu.vector_load_idx %arg13[%add3A_1267] : memref<384xf32, #tpu.memory_space<vmem>>[vector<16xi32>], vector<16xf32>,
      %add3A_1269 = arith.constant 1 : i32
      %add3A_1270 = vector.broadcast %add3A_1269 : i32 to vector<16xi32>
      %add3A_1271 = arith.addi %mul3A_1261, %add3A_1270 : vector<16xi32>
      %gather3A_1272 = tpu.vector_load_idx %arg14[%add3A_1271] : memref<384xf32, #tpu.memory_space<vmem>>[vector<16xi32>], vector<16xf32>,
      %sub3A_1273 = arith.subf %gather3A_1268, %gather3A_1272 : vector<16xf32>
      %add3A_1274 = arith.constant 2 : i32
      %add3A_1275 = vector.broadcast %add3A_1274 : i32 to vector<16xi32>
      %add3A_1276 = arith.addi %mul3A_1261, %add3A_1275 : vector<16xi32>
      %gather3A_1277 = tpu.vector_load_idx %arg13[%add3A_1276] : memref<384xf32, #tpu.memory_space<vmem>>[vector<16xi32>], vector<16xf32>,
      %add3A_1278 = arith.constant 2 : i32
      %add3A_1279 = vector.broadcast %add3A_1278 : i32 to vector<16xi32>
      %add3A_1280 = arith.addi %mul3A_1261, %add3A_1279 : vector<16xi32>
      %gather3A_1281 = tpu.vector_load_idx %arg14[%add3A_1280] : memref<384xf32, #tpu.memory_space<vmem>>[vector<16xi32>], vector<16xf32>,
      %sub3A_1282 = arith.subf %gather3A_1277, %gather3A_1281 : vector<16xf32>
      %mul3A_1283 = arith.mulf %sub3A_1264, %sub3A_1264 : vector<16xf32>
      %mul3A_1284 = arith.mulf %sub3A_1273, %sub3A_1273 : vector<16xf32>
      %add3A_1285 = arith.addf %mul3A_1283, %mul3A_1284 : vector<16xf32>
      %mul3A_1286 = arith.mulf %sub3A_1282, %sub3A_1282 : vector<16xf32>
      %add3A_1287 = arith.addf %add3A_1285, %mul3A_1286 : vector<16xf32>
      %bitcast3A_1288 = vector.bitcast %add3A_1287 : vector<16xf32> to vector<16xi32>
      %shift_right_logical3A_1289 = arith.constant 1 : i32
      %shift_right_logical3A_1290 = vector.broadcast %shift_right_logical3A_1289 : i32 to vector<16xi32>
      %shift_right_logical3A_1291 = arith.shrui %bitcast3A_1288, %shift_right_logical3A_1290 : vector<16xi32>
      %sub3A_1292 = arith.constant 1597463007 : i32
      %sub3A_1293 = vector.broadcast %sub3A_1292 : i32 to vector<16xi32>
      %sub3A_1294 = arith.subi %sub3A_1293, %shift_right_logical3A_1291 : vector<16xi32>
      %bitcast3A_1295 = vector.bitcast %sub3A_1294 : vector<16xi32> to vector<16xf32>
      %mul3A_1296 = arith.constant 5.000000e-01 : f32
      %mul3A_1297 = vector.broadcast %mul3A_1296 : f32 to vector<16xf32>
      %mul3A_1298 = arith.mulf %mul3A_1297, %add3A_1287 : vector<16xf32>
      %mul3A_1299 = arith.mulf %mul3A_1298, %bitcast3A_1295 : vector<16xf32>
      %mul3A_1300 = arith.mulf %mul3A_1299, %bitcast3A_1295 : vector<16xf32>
      %sub3A_1301 = arith.constant 1.500000e+00 : f32
      %sub3A_1302 = vector.broadcast %sub3A_1301 : f32 to vector<16xf32>
      %sub3A_1303 = arith.subf %sub3A_1302, %mul3A_1300 : vector<16xf32>
      %mul3A_1304 = arith.mulf %bitcast3A_1295, %sub3A_1303 : vector<16xf32>
      %mul3A_1305 = arith.constant 5.000000e-01 : f32
      %mul3A_1306 = vector.broadcast %mul3A_1305 : f32 to vector<16xf32>
      %mul3A_1307 = arith.mulf %mul3A_1306, %add3A_1287 : vector<16xf32>
      %mul3A_1308 = arith.mulf %mul3A_1307, %mul3A_1304 : vector<16xf32>
      %mul3A_1309 = arith.mulf %mul3A_1308, %mul3A_1304 : vector<16xf32>
      %sub3A_1310 = arith.constant 1.500000e+00 : f32
      %sub3A_1311 = vector.broadcast %sub3A_1310 : f32 to vector<16xf32>
      %sub3A_1312 = arith.subf %sub3A_1311, %mul3A_1309 : vector<16xf32>
      %mul3A_1313 = arith.mulf %mul3A_1304, %sub3A_1312 : vector<16xf32>
      %mul3A_1314 = arith.constant 5.000000e-01 : f32
      %mul3A_1315 = vector.broadcast %mul3A_1314 : f32 to vector<16xf32>
      %mul3A_1316 = arith.mulf %mul3A_1315, %add3A_1287 : vector<16xf32>
      %mul3A_1317 = arith.mulf %mul3A_1316, %mul3A_1313 : vector<16xf32>
      %mul3A_1318 = arith.mulf %mul3A_1317, %mul3A_1313 : vector<16xf32>
      %sub3A_1319 = arith.constant 1.500000e+00 : f32
      %sub3A_1320 = vector.broadcast %sub3A_1319 : f32 to vector<16xf32>
      %sub3A_1321 = arith.subf %sub3A_1320, %mul3A_1318 : vector<16xf32>
      %mul3A_1322 = arith.mulf %mul3A_1313, %sub3A_1321 : vector<16xf32>
      %mul3A_1323 = arith.mulf %add3A_1287, %mul3A_1322 : vector<16xf32>
      %gt3A_1324 = arith.constant 0.000000e+00 : f32
      %gt3A_1325 = vector.broadcast %gt3A_1324 : f32 to vector<16xf32>
      %gt3A_1326 = arith.cmpf ogt, %add3A_1287, %gt3A_1325 : vector<16xf32>
      %jit3A_1327 = arith.constant 0.000000e+00 : f32
      %broadcast_in_dim3A_1328 = vector.broadcast %jit3A_1327 : f32 to vector<16xf32>
      %select_n3A_1329 = arith.select %gt3A_1326, %mul3A_1323, %broadcast_in_dim3A_1328 : vector<16xi1>, vector<16xf32>
      %mul3A_1330 = arith.constant 128 : i32
      %mul3A_1331 = arith.muli %scan3A_232, %mul3A_1330 : i32
      %add3A_1332 = arith.constant 64 : i32
      %add3A_1333 = arith.addi %mul3A_1331, %add3A_1332 : i32
      %add3A_1334 = vector.broadcast %add3A_1333 : i32 to vector<16xi32>
      %add3A_1335 = arith.addi %add3A_1334, %iota3A : vector<16xi32>
      %lt3A_1336 = arith.constant 6250 : i32
      %lt3A_1337 = vector.broadcast %lt3A_1336 : i32 to vector<16xi32>
      %lt3A_1338 = arith.cmpi slt, %add3A_1335, %lt3A_1337 : vector<16xi32>
      %jit3A_1339 = arith.constant 1.000000e+30 : f32
      %broadcast_in_dim3A_1340 = vector.broadcast %jit3A_1339 : f32 to vector<16xf32>
      %select_n3A_1341 = arith.select %lt3A_1338, %select_n3A_1329, %broadcast_in_dim3A_1340 : vector<16xi1>, vector<16xf32>
      %mul3A_1342 = arith.constant 128 : i32
      %mul3A_1343 = arith.muli %scan3A_232, %mul3A_1342 : i32
      %add3A_1344 = arith.constant 64 : i32
      %add3A_1345 = arith.addi %mul3A_1343, %add3A_1344 : i32
      %swap3A_1346 = arith.constant 1 : i32
      %swap3A_1347 = arith.index_cast %swap3A_1346 : i32 to index
      %swap3A_1348 = arith.index_cast %add3A_1345 : i32 to index
      %swap3A_1349 = tpu.vector_load %arg15[%swap3A_1347, %swap3A_1348] {strides = array<i32>} : memref<2x6272xf32, #tpu.memory_space<vmem>>, vector<16xf32>,
      tpu.vector_store %arg15[%swap3A_1347, %swap3A_1348], %select_n3A_1341 {strides = array<i32>} : memref<2x6272xf32, #tpu.memory_space<vmem>>, vector<16xf32>,
      %jit3A_1350 = arith.constant 0.000000e+00 : f32
      %broadcast_in_dim3A_1351 = vector.broadcast %jit3A_1350 : f32 to vector<16xf32>
      %select_n3A_1352 = arith.select %lt3A_1338, %select_n3A_1329, %broadcast_in_dim3A_1351 : vector<16xi1>, vector<16xf32>
      %add3A_1353 = arith.addf %add3A_1255, %select_n3A_1352 : vector<16xf32>
      %add3A_1354 = arith.constant 80 : i32
      %add3A_1355 = vector.broadcast %add3A_1354 : i32 to vector<16xi32>
      %add3A_1356 = arith.addi %add3A_1355, %iota3A : vector<16xi32>
      %mul3A_1357 = arith.constant 3 : i32
      %mul3A_1358 = vector.broadcast %mul3A_1357 : i32 to vector<16xi32>
      %mul3A_1359 = arith.muli %add3A_1356, %mul3A_1358 : vector<16xi32>
      %gather3A_1360 = tpu.vector_load_idx %arg13[%mul3A_1359] : memref<384xf32, #tpu.memory_space<vmem>>[vector<16xi32>], vector<16xf32>,
      %gather3A_1361 = tpu.vector_load_idx %arg14[%mul3A_1359] : memref<384xf32, #tpu.memory_space<vmem>>[vector<16xi32>], vector<16xf32>,
      %sub3A_1362 = arith.subf %gather3A_1360, %gather3A_1361 : vector<16xf32>
      %add3A_1363 = arith.constant 1 : i32
      %add3A_1364 = vector.broadcast %add3A_1363 : i32 to vector<16xi32>
      %add3A_1365 = arith.addi %mul3A_1359, %add3A_1364 : vector<16xi32>
      %gather3A_1366 = tpu.vector_load_idx %arg13[%add3A_1365] : memref<384xf32, #tpu.memory_space<vmem>>[vector<16xi32>], vector<16xf32>,
      %add3A_1367 = arith.constant 1 : i32
      %add3A_1368 = vector.broadcast %add3A_1367 : i32 to vector<16xi32>
      %add3A_1369 = arith.addi %mul3A_1359, %add3A_1368 : vector<16xi32>
      %gather3A_1370 = tpu.vector_load_idx %arg14[%add3A_1369] : memref<384xf32, #tpu.memory_space<vmem>>[vector<16xi32>], vector<16xf32>,
      %sub3A_1371 = arith.subf %gather3A_1366, %gather3A_1370 : vector<16xf32>
      %add3A_1372 = arith.constant 2 : i32
      %add3A_1373 = vector.broadcast %add3A_1372 : i32 to vector<16xi32>
      %add3A_1374 = arith.addi %mul3A_1359, %add3A_1373 : vector<16xi32>
      %gather3A_1375 = tpu.vector_load_idx %arg13[%add3A_1374] : memref<384xf32, #tpu.memory_space<vmem>>[vector<16xi32>], vector<16xf32>,
      %add3A_1376 = arith.constant 2 : i32
      %add3A_1377 = vector.broadcast %add3A_1376 : i32 to vector<16xi32>
      %add3A_1378 = arith.addi %mul3A_1359, %add3A_1377 : vector<16xi32>
      %gather3A_1379 = tpu.vector_load_idx %arg14[%add3A_1378] : memref<384xf32, #tpu.memory_space<vmem>>[vector<16xi32>], vector<16xf32>,
      %sub3A_1380 = arith.subf %gather3A_1375, %gather3A_1379 : vector<16xf32>
      %mul3A_1381 = arith.mulf %sub3A_1362, %sub3A_1362 : vector<16xf32>
      %mul3A_1382 = arith.mulf %sub3A_1371, %sub3A_1371 : vector<16xf32>
      %add3A_1383 = arith.addf %mul3A_1381, %mul3A_1382 : vector<16xf32>
      %mul3A_1384 = arith.mulf %sub3A_1380, %sub3A_1380 : vector<16xf32>
      %add3A_1385 = arith.addf %add3A_1383, %mul3A_1384 : vector<16xf32>
      %bitcast3A_1386 = vector.bitcast %add3A_1385 : vector<16xf32> to vector<16xi32>
      %shift_right_logical3A_1387 = arith.constant 1 : i32
      %shift_right_logical3A_1388 = vector.broadcast %shift_right_logical3A_1387 : i32 to vector<16xi32>
      %shift_right_logical3A_1389 = arith.shrui %bitcast3A_1386, %shift_right_logical3A_1388 : vector<16xi32>
      %sub3A_1390 = arith.constant 1597463007 : i32
      %sub3A_1391 = vector.broadcast %sub3A_1390 : i32 to vector<16xi32>
      %sub3A_1392 = arith.subi %sub3A_1391, %shift_right_logical3A_1389 : vector<16xi32>
      %bitcast3A_1393 = vector.bitcast %sub3A_1392 : vector<16xi32> to vector<16xf32>
      %mul3A_1394 = arith.constant 5.000000e-01 : f32
      %mul3A_1395 = vector.broadcast %mul3A_1394 : f32 to vector<16xf32>
      %mul3A_1396 = arith.mulf %mul3A_1395, %add3A_1385 : vector<16xf32>
      %mul3A_1397 = arith.mulf %mul3A_1396, %bitcast3A_1393 : vector<16xf32>
      %mul3A_1398 = arith.mulf %mul3A_1397, %bitcast3A_1393 : vector<16xf32>
      %sub3A_1399 = arith.constant 1.500000e+00 : f32
      %sub3A_1400 = vector.broadcast %sub3A_1399 : f32 to vector<16xf32>
      %sub3A_1401 = arith.subf %sub3A_1400, %mul3A_1398 : vector<16xf32>
      %mul3A_1402 = arith.mulf %bitcast3A_1393, %sub3A_1401 : vector<16xf32>
      %mul3A_1403 = arith.constant 5.000000e-01 : f32
      %mul3A_1404 = vector.broadcast %mul3A_1403 : f32 to vector<16xf32>
      %mul3A_1405 = arith.mulf %mul3A_1404, %add3A_1385 : vector<16xf32>
      %mul3A_1406 = arith.mulf %mul3A_1405, %mul3A_1402 : vector<16xf32>
      %mul3A_1407 = arith.mulf %mul3A_1406, %mul3A_1402 : vector<16xf32>
      %sub3A_1408 = arith.constant 1.500000e+00 : f32
      %sub3A_1409 = vector.broadcast %sub3A_1408 : f32 to vector<16xf32>
      %sub3A_1410 = arith.subf %sub3A_1409, %mul3A_1407 : vector<16xf32>
      %mul3A_1411 = arith.mulf %mul3A_1402, %sub3A_1410 : vector<16xf32>
      %mul3A_1412 = arith.constant 5.000000e-01 : f32
      %mul3A_1413 = vector.broadcast %mul3A_1412 : f32 to vector<16xf32>
      %mul3A_1414 = arith.mulf %mul3A_1413, %add3A_1385 : vector<16xf32>
      %mul3A_1415 = arith.mulf %mul3A_1414, %mul3A_1411 : vector<16xf32>
      %mul3A_1416 = arith.mulf %mul3A_1415, %mul3A_1411 : vector<16xf32>
      %sub3A_1417 = arith.constant 1.500000e+00 : f32
      %sub3A_1418 = vector.broadcast %sub3A_1417 : f32 to vector<16xf32>
      %sub3A_1419 = arith.subf %sub3A_1418, %mul3A_1416 : vector<16xf32>
      %mul3A_1420 = arith.mulf %mul3A_1411, %sub3A_1419 : vector<16xf32>
      %mul3A_1421 = arith.mulf %add3A_1385, %mul3A_1420 : vector<16xf32>
      %gt3A_1422 = arith.constant 0.000000e+00 : f32
      %gt3A_1423 = vector.broadcast %gt3A_1422 : f32 to vector<16xf32>
      %gt3A_1424 = arith.cmpf ogt, %add3A_1385, %gt3A_1423 : vector<16xf32>
      %jit3A_1425 = arith.constant 0.000000e+00 : f32
      %broadcast_in_dim3A_1426 = vector.broadcast %jit3A_1425 : f32 to vector<16xf32>
      %select_n3A_1427 = arith.select %gt3A_1424, %mul3A_1421, %broadcast_in_dim3A_1426 : vector<16xi1>, vector<16xf32>
      %mul3A_1428 = arith.constant 128 : i32
      %mul3A_1429 = arith.muli %scan3A_232, %mul3A_1428 : i32
      %add3A_1430 = arith.constant 80 : i32
      %add3A_1431 = arith.addi %mul3A_1429, %add3A_1430 : i32
      %add3A_1432 = vector.broadcast %add3A_1431 : i32 to vector<16xi32>
      %add3A_1433 = arith.addi %add3A_1432, %iota3A : vector<16xi32>
      %lt3A_1434 = arith.constant 6250 : i32
      %lt3A_1435 = vector.broadcast %lt3A_1434 : i32 to vector<16xi32>
      %lt3A_1436 = arith.cmpi slt, %add3A_1433, %lt3A_1435 : vector<16xi32>
      %jit3A_1437 = arith.constant 1.000000e+30 : f32
      %broadcast_in_dim3A_1438 = vector.broadcast %jit3A_1437 : f32 to vector<16xf32>
      %select_n3A_1439 = arith.select %lt3A_1436, %select_n3A_1427, %broadcast_in_dim3A_1438 : vector<16xi1>, vector<16xf32>
      %mul3A_1440 = arith.constant 128 : i32
      %mul3A_1441 = arith.muli %scan3A_232, %mul3A_1440 : i32
      %add3A_1442 = arith.constant 80 : i32
      %add3A_1443 = arith.addi %mul3A_1441, %add3A_1442 : i32
      %swap3A_1444 = arith.constant 1 : i32
      %swap3A_1445 = arith.index_cast %swap3A_1444 : i32 to index
      %swap3A_1446 = arith.index_cast %add3A_1443 : i32 to index
      %swap3A_1447 = tpu.vector_load %arg15[%swap3A_1445, %swap3A_1446] {strides = array<i32>} : memref<2x6272xf32, #tpu.memory_space<vmem>>, vector<16xf32>,
      tpu.vector_store %arg15[%swap3A_1445, %swap3A_1446], %select_n3A_1439 {strides = array<i32>} : memref<2x6272xf32, #tpu.memory_space<vmem>>, vector<16xf32>,
      %jit3A_1448 = arith.constant 0.000000e+00 : f32
      %broadcast_in_dim3A_1449 = vector.broadcast %jit3A_1448 : f32 to vector<16xf32>
      %select_n3A_1450 = arith.select %lt3A_1436, %select_n3A_1427, %broadcast_in_dim3A_1449 : vector<16xi1>, vector<16xf32>
      %add3A_1451 = arith.addf %add3A_1353, %select_n3A_1450 : vector<16xf32>
      %add3A_1452 = arith.constant 96 : i32
      %add3A_1453 = vector.broadcast %add3A_1452 : i32 to vector<16xi32>
      %add3A_1454 = arith.addi %add3A_1453, %iota3A : vector<16xi32>
      %mul3A_1455 = arith.constant 3 : i32
      %mul3A_1456 = vector.broadcast %mul3A_1455 : i32 to vector<16xi32>
      %mul3A_1457 = arith.muli %add3A_1454, %mul3A_1456 : vector<16xi32>
      %gather3A_1458 = tpu.vector_load_idx %arg13[%mul3A_1457] : memref<384xf32, #tpu.memory_space<vmem>>[vector<16xi32>], vector<16xf32>,
      %gather3A_1459 = tpu.vector_load_idx %arg14[%mul3A_1457] : memref<384xf32, #tpu.memory_space<vmem>>[vector<16xi32>], vector<16xf32>,
      %sub3A_1460 = arith.subf %gather3A_1458, %gather3A_1459 : vector<16xf32>
      %add3A_1461 = arith.constant 1 : i32
      %add3A_1462 = vector.broadcast %add3A_1461 : i32 to vector<16xi32>
      %add3A_1463 = arith.addi %mul3A_1457, %add3A_1462 : vector<16xi32>
      %gather3A_1464 = tpu.vector_load_idx %arg13[%add3A_1463] : memref<384xf32, #tpu.memory_space<vmem>>[vector<16xi32>], vector<16xf32>,
      %add3A_1465 = arith.constant 1 : i32
      %add3A_1466 = vector.broadcast %add3A_1465 : i32 to vector<16xi32>
      %add3A_1467 = arith.addi %mul3A_1457, %add3A_1466 : vector<16xi32>
      %gather3A_1468 = tpu.vector_load_idx %arg14[%add3A_1467] : memref<384xf32, #tpu.memory_space<vmem>>[vector<16xi32>], vector<16xf32>,
      %sub3A_1469 = arith.subf %gather3A_1464, %gather3A_1468 : vector<16xf32>
      %add3A_1470 = arith.constant 2 : i32
      %add3A_1471 = vector.broadcast %add3A_1470 : i32 to vector<16xi32>
      %add3A_1472 = arith.addi %mul3A_1457, %add3A_1471 : vector<16xi32>
      %gather3A_1473 = tpu.vector_load_idx %arg13[%add3A_1472] : memref<384xf32, #tpu.memory_space<vmem>>[vector<16xi32>], vector<16xf32>,
      %add3A_1474 = arith.constant 2 : i32
      %add3A_1475 = vector.broadcast %add3A_1474 : i32 to vector<16xi32>
      %add3A_1476 = arith.addi %mul3A_1457, %add3A_1475 : vector<16xi32>
      %gather3A_1477 = tpu.vector_load_idx %arg14[%add3A_1476] : memref<384xf32, #tpu.memory_space<vmem>>[vector<16xi32>], vector<16xf32>,
      %sub3A_1478 = arith.subf %gather3A_1473, %gather3A_1477 : vector<16xf32>
      %mul3A_1479 = arith.mulf %sub3A_1460, %sub3A_1460 : vector<16xf32>
      %mul3A_1480 = arith.mulf %sub3A_1469, %sub3A_1469 : vector<16xf32>
      %add3A_1481 = arith.addf %mul3A_1479, %mul3A_1480 : vector<16xf32>
      %mul3A_1482 = arith.mulf %sub3A_1478, %sub3A_1478 : vector<16xf32>
      %add3A_1483 = arith.addf %add3A_1481, %mul3A_1482 : vector<16xf32>
      %bitcast3A_1484 = vector.bitcast %add3A_1483 : vector<16xf32> to vector<16xi32>
      %shift_right_logical3A_1485 = arith.constant 1 : i32
      %shift_right_logical3A_1486 = vector.broadcast %shift_right_logical3A_1485 : i32 to vector<16xi32>
      %shift_right_logical3A_1487 = arith.shrui %bitcast3A_1484, %shift_right_logical3A_1486 : vector<16xi32>
      %sub3A_1488 = arith.constant 1597463007 : i32
      %sub3A_1489 = vector.broadcast %sub3A_1488 : i32 to vector<16xi32>
      %sub3A_1490 = arith.subi %sub3A_1489, %shift_right_logical3A_1487 : vector<16xi32>
      %bitcast3A_1491 = vector.bitcast %sub3A_1490 : vector<16xi32> to vector<16xf32>
      %mul3A_1492 = arith.constant 5.000000e-01 : f32
      %mul3A_1493 = vector.broadcast %mul3A_1492 : f32 to vector<16xf32>
      %mul3A_1494 = arith.mulf %mul3A_1493, %add3A_1483 : vector<16xf32>
      %mul3A_1495 = arith.mulf %mul3A_1494, %bitcast3A_1491 : vector<16xf32>
      %mul3A_1496 = arith.mulf %mul3A_1495, %bitcast3A_1491 : vector<16xf32>
      %sub3A_1497 = arith.constant 1.500000e+00 : f32
      %sub3A_1498 = vector.broadcast %sub3A_1497 : f32 to vector<16xf32>
      %sub3A_1499 = arith.subf %sub3A_1498, %mul3A_1496 : vector<16xf32>
      %mul3A_1500 = arith.mulf %bitcast3A_1491, %sub3A_1499 : vector<16xf32>
      %mul3A_1501 = arith.constant 5.000000e-01 : f32
      %mul3A_1502 = vector.broadcast %mul3A_1501 : f32 to vector<16xf32>
      %mul3A_1503 = arith.mulf %mul3A_1502, %add3A_1483 : vector<16xf32>
      %mul3A_1504 = arith.mulf %mul3A_1503, %mul3A_1500 : vector<16xf32>
      %mul3A_1505 = arith.mulf %mul3A_1504, %mul3A_1500 : vector<16xf32>
      %sub3A_1506 = arith.constant 1.500000e+00 : f32
      %sub3A_1507 = vector.broadcast %sub3A_1506 : f32 to vector<16xf32>
      %sub3A_1508 = arith.subf %sub3A_1507, %mul3A_1505 : vector<16xf32>
      %mul3A_1509 = arith.mulf %mul3A_1500, %sub3A_1508 : vector<16xf32>
      %mul3A_1510 = arith.constant 5.000000e-01 : f32
      %mul3A_1511 = vector.broadcast %mul3A_1510 : f32 to vector<16xf32>
      %mul3A_1512 = arith.mulf %mul3A_1511, %add3A_1483 : vector<16xf32>
      %mul3A_1513 = arith.mulf %mul3A_1512, %mul3A_1509 : vector<16xf32>
      %mul3A_1514 = arith.mulf %mul3A_1513, %mul3A_1509 : vector<16xf32>
      %sub3A_1515 = arith.constant 1.500000e+00 : f32
      %sub3A_1516 = vector.broadcast %sub3A_1515 : f32 to vector<16xf32>
      %sub3A_1517 = arith.subf %sub3A_1516, %mul3A_1514 : vector<16xf32>
      %mul3A_1518 = arith.mulf %mul3A_1509, %sub3A_1517 : vector<16xf32>
      %mul3A_1519 = arith.mulf %add3A_1483, %mul3A_1518 : vector<16xf32>
      %gt3A_1520 = arith.constant 0.000000e+00 : f32
      %gt3A_1521 = vector.broadcast %gt3A_1520 : f32 to vector<16xf32>
      %gt3A_1522 = arith.cmpf ogt, %add3A_1483, %gt3A_1521 : vector<16xf32>
      %jit3A_1523 = arith.constant 0.000000e+00 : f32
      %broadcast_in_dim3A_1524 = vector.broadcast %jit3A_1523 : f32 to vector<16xf32>
      %select_n3A_1525 = arith.select %gt3A_1522, %mul3A_1519, %broadcast_in_dim3A_1524 : vector<16xi1>, vector<16xf32>
      %mul3A_1526 = arith.constant 128 : i32
      %mul3A_1527 = arith.muli %scan3A_232, %mul3A_1526 : i32
      %add3A_1528 = arith.constant 96 : i32
      %add3A_1529 = arith.addi %mul3A_1527, %add3A_1528 : i32
      %add3A_1530 = vector.broadcast %add3A_1529 : i32 to vector<16xi32>
      %add3A_1531 = arith.addi %add3A_1530, %iota3A : vector<16xi32>
      %lt3A_1532 = arith.constant 6250 : i32
      %lt3A_1533 = vector.broadcast %lt3A_1532 : i32 to vector<16xi32>
      %lt3A_1534 = arith.cmpi slt, %add3A_1531, %lt3A_1533 : vector<16xi32>
      %jit3A_1535 = arith.constant 1.000000e+30 : f32
      %broadcast_in_dim3A_1536 = vector.broadcast %jit3A_1535 : f32 to vector<16xf32>
      %select_n3A_1537 = arith.select %lt3A_1534, %select_n3A_1525, %broadcast_in_dim3A_1536 : vector<16xi1>, vector<16xf32>
      %mul3A_1538 = arith.constant 128 : i32
      %mul3A_1539 = arith.muli %scan3A_232, %mul3A_1538 : i32
      %add3A_1540 = arith.constant 96 : i32
      %add3A_1541 = arith.addi %mul3A_1539, %add3A_1540 : i32
      %swap3A_1542 = arith.constant 1 : i32
      %swap3A_1543 = arith.index_cast %swap3A_1542 : i32 to index
      %swap3A_1544 = arith.index_cast %add3A_1541 : i32 to index
      %swap3A_1545 = tpu.vector_load %arg15[%swap3A_1543, %swap3A_1544] {strides = array<i32>} : memref<2x6272xf32, #tpu.memory_space<vmem>>, vector<16xf32>,
      tpu.vector_store %arg15[%swap3A_1543, %swap3A_1544], %select_n3A_1537 {strides = array<i32>} : memref<2x6272xf32, #tpu.memory_space<vmem>>, vector<16xf32>,
      %jit3A_1546 = arith.constant 0.000000e+00 : f32
      %broadcast_in_dim3A_1547 = vector.broadcast %jit3A_1546 : f32 to vector<16xf32>
      %select_n3A_1548 = arith.select %lt3A_1534, %select_n3A_1525, %broadcast_in_dim3A_1547 : vector<16xi1>, vector<16xf32>
      %add3A_1549 = arith.addf %add3A_1451, %select_n3A_1548 : vector<16xf32>
      %add3A_1550 = arith.constant 112 : i32
      %add3A_1551 = vector.broadcast %add3A_1550 : i32 to vector<16xi32>
      %add3A_1552 = arith.addi %add3A_1551, %iota3A : vector<16xi32>
      %mul3A_1553 = arith.constant 3 : i32
      %mul3A_1554 = vector.broadcast %mul3A_1553 : i32 to vector<16xi32>
      %mul3A_1555 = arith.muli %add3A_1552, %mul3A_1554 : vector<16xi32>
      %gather3A_1556 = tpu.vector_load_idx %arg13[%mul3A_1555] : memref<384xf32, #tpu.memory_space<vmem>>[vector<16xi32>], vector<16xf32>,
      %gather3A_1557 = tpu.vector_load_idx %arg14[%mul3A_1555] : memref<384xf32, #tpu.memory_space<vmem>>[vector<16xi32>], vector<16xf32>,
      %sub3A_1558 = arith.subf %gather3A_1556, %gather3A_1557 : vector<16xf32>
      %add3A_1559 = arith.constant 1 : i32
      %add3A_1560 = vector.broadcast %add3A_1559 : i32 to vector<16xi32>
      %add3A_1561 = arith.addi %mul3A_1555, %add3A_1560 : vector<16xi32>
      %gather3A_1562 = tpu.vector_load_idx %arg13[%add3A_1561] : memref<384xf32, #tpu.memory_space<vmem>>[vector<16xi32>], vector<16xf32>,
      %add3A_1563 = arith.constant 1 : i32
      %add3A_1564 = vector.broadcast %add3A_1563 : i32 to vector<16xi32>
      %add3A_1565 = arith.addi %mul3A_1555, %add3A_1564 : vector<16xi32>
      %gather3A_1566 = tpu.vector_load_idx %arg14[%add3A_1565] : memref<384xf32, #tpu.memory_space<vmem>>[vector<16xi32>], vector<16xf32>,
      %sub3A_1567 = arith.subf %gather3A_1562, %gather3A_1566 : vector<16xf32>
      %add3A_1568 = arith.constant 2 : i32
      %add3A_1569 = vector.broadcast %add3A_1568 : i32 to vector<16xi32>
      %add3A_1570 = arith.addi %mul3A_1555, %add3A_1569 : vector<16xi32>
      %gather3A_1571 = tpu.vector_load_idx %arg13[%add3A_1570] : memref<384xf32, #tpu.memory_space<vmem>>[vector<16xi32>], vector<16xf32>,
      %add3A_1572 = arith.constant 2 : i32
      %add3A_1573 = vector.broadcast %add3A_1572 : i32 to vector<16xi32>
      %add3A_1574 = arith.addi %mul3A_1555, %add3A_1573 : vector<16xi32>
      %gather3A_1575 = tpu.vector_load_idx %arg14[%add3A_1574] : memref<384xf32, #tpu.memory_space<vmem>>[vector<16xi32>], vector<16xf32>,
      %sub3A_1576 = arith.subf %gather3A_1571, %gather3A_1575 : vector<16xf32>
      %mul3A_1577 = arith.mulf %sub3A_1558, %sub3A_1558 : vector<16xf32>
      %mul3A_1578 = arith.mulf %sub3A_1567, %sub3A_1567 : vector<16xf32>
      %add3A_1579 = arith.addf %mul3A_1577, %mul3A_1578 : vector<16xf32>
      %mul3A_1580 = arith.mulf %sub3A_1576, %sub3A_1576 : vector<16xf32>
      %add3A_1581 = arith.addf %add3A_1579, %mul3A_1580 : vector<16xf32>
      %bitcast3A_1582 = vector.bitcast %add3A_1581 : vector<16xf32> to vector<16xi32>
      %shift_right_logical3A_1583 = arith.constant 1 : i32
      %shift_right_logical3A_1584 = vector.broadcast %shift_right_logical3A_1583 : i32 to vector<16xi32>
      %shift_right_logical3A_1585 = arith.shrui %bitcast3A_1582, %shift_right_logical3A_1584 : vector<16xi32>
      %sub3A_1586 = arith.constant 1597463007 : i32
      %sub3A_1587 = vector.broadcast %sub3A_1586 : i32 to vector<16xi32>
      %sub3A_1588 = arith.subi %sub3A_1587, %shift_right_logical3A_1585 : vector<16xi32>
      %bitcast3A_1589 = vector.bitcast %sub3A_1588 : vector<16xi32> to vector<16xf32>
      %mul3A_1590 = arith.constant 5.000000e-01 : f32
      %mul3A_1591 = vector.broadcast %mul3A_1590 : f32 to vector<16xf32>
      %mul3A_1592 = arith.mulf %mul3A_1591, %add3A_1581 : vector<16xf32>
      %mul3A_1593 = arith.mulf %mul3A_1592, %bitcast3A_1589 : vector<16xf32>
      %mul3A_1594 = arith.mulf %mul3A_1593, %bitcast3A_1589 : vector<16xf32>
      %sub3A_1595 = arith.constant 1.500000e+00 : f32
      %sub3A_1596 = vector.broadcast %sub3A_1595 : f32 to vector<16xf32>
      %sub3A_1597 = arith.subf %sub3A_1596, %mul3A_1594 : vector<16xf32>
      %mul3A_1598 = arith.mulf %bitcast3A_1589, %sub3A_1597 : vector<16xf32>
      %mul3A_1599 = arith.constant 5.000000e-01 : f32
      %mul3A_1600 = vector.broadcast %mul3A_1599 : f32 to vector<16xf32>
      %mul3A_1601 = arith.mulf %mul3A_1600, %add3A_1581 : vector<16xf32>
      %mul3A_1602 = arith.mulf %mul3A_1601, %mul3A_1598 : vector<16xf32>
      %mul3A_1603 = arith.mulf %mul3A_1602, %mul3A_1598 : vector<16xf32>
      %sub3A_1604 = arith.constant 1.500000e+00 : f32
      %sub3A_1605 = vector.broadcast %sub3A_1604 : f32 to vector<16xf32>
      %sub3A_1606 = arith.subf %sub3A_1605, %mul3A_1603 : vector<16xf32>
      %mul3A_1607 = arith.mulf %mul3A_1598, %sub3A_1606 : vector<16xf32>
      %mul3A_1608 = arith.constant 5.000000e-01 : f32
      %mul3A_1609 = vector.broadcast %mul3A_1608 : f32 to vector<16xf32>
      %mul3A_1610 = arith.mulf %mul3A_1609, %add3A_1581 : vector<16xf32>
      %mul3A_1611 = arith.mulf %mul3A_1610, %mul3A_1607 : vector<16xf32>
      %mul3A_1612 = arith.mulf %mul3A_1611, %mul3A_1607 : vector<16xf32>
      %sub3A_1613 = arith.constant 1.500000e+00 : f32
      %sub3A_1614 = vector.broadcast %sub3A_1613 : f32 to vector<16xf32>
      %sub3A_1615 = arith.subf %sub3A_1614, %mul3A_1612 : vector<16xf32>
      %mul3A_1616 = arith.mulf %mul3A_1607, %sub3A_1615 : vector<16xf32>
      %mul3A_1617 = arith.mulf %add3A_1581, %mul3A_1616 : vector<16xf32>
      %gt3A_1618 = arith.constant 0.000000e+00 : f32
      %gt3A_1619 = vector.broadcast %gt3A_1618 : f32 to vector<16xf32>
      %gt3A_1620 = arith.cmpf ogt, %add3A_1581, %gt3A_1619 : vector<16xf32>
      %jit3A_1621 = arith.constant 0.000000e+00 : f32
      %broadcast_in_dim3A_1622 = vector.broadcast %jit3A_1621 : f32 to vector<16xf32>
      %select_n3A_1623 = arith.select %gt3A_1620, %mul3A_1617, %broadcast_in_dim3A_1622 : vector<16xi1>, vector<16xf32>
      %mul3A_1624 = arith.constant 128 : i32
      %mul3A_1625 = arith.muli %scan3A_232, %mul3A_1624 : i32
      %add3A_1626 = arith.constant 112 : i32
      %add3A_1627 = arith.addi %mul3A_1625, %add3A_1626 : i32
      %add3A_1628 = vector.broadcast %add3A_1627 : i32 to vector<16xi32>
      %add3A_1629 = arith.addi %add3A_1628, %iota3A : vector<16xi32>
      %lt3A_1630 = arith.constant 6250 : i32
      %lt3A_1631 = vector.broadcast %lt3A_1630 : i32 to vector<16xi32>
      %lt3A_1632 = arith.cmpi slt, %add3A_1629, %lt3A_1631 : vector<16xi32>
      %jit3A_1633 = arith.constant 1.000000e+30 : f32
      %broadcast_in_dim3A_1634 = vector.broadcast %jit3A_1633 : f32 to vector<16xf32>
      %select_n3A_1635 = arith.select %lt3A_1632, %select_n3A_1623, %broadcast_in_dim3A_1634 : vector<16xi1>, vector<16xf32>
      %mul3A_1636 = arith.constant 128 : i32
      %mul3A_1637 = arith.muli %scan3A_232, %mul3A_1636 : i32
      %add3A_1638 = arith.constant 112 : i32
      %add3A_1639 = arith.addi %mul3A_1637, %add3A_1638 : i32
      %swap3A_1640 = arith.constant 1 : i32
      %swap3A_1641 = arith.index_cast %swap3A_1640 : i32 to index
      %swap3A_1642 = arith.index_cast %add3A_1639 : i32 to index
      %swap3A_1643 = tpu.vector_load %arg15[%swap3A_1641, %swap3A_1642] {strides = array<i32>} : memref<2x6272xf32, #tpu.memory_space<vmem>>, vector<16xf32>,
      tpu.vector_store %arg15[%swap3A_1641, %swap3A_1642], %select_n3A_1635 {strides = array<i32>} : memref<2x6272xf32, #tpu.memory_space<vmem>>, vector<16xf32>,
      %jit3A_1644 = arith.constant 0.000000e+00 : f32
      %broadcast_in_dim3A_1645 = vector.broadcast %jit3A_1644 : f32 to vector<16xf32>
      %select_n3A_1646 = arith.select %lt3A_1632, %select_n3A_1623, %broadcast_in_dim3A_1645 : vector<16xi1>, vector<16xf32>
      %add3A_1647 = arith.addf %add3A_1549, %select_n3A_1646 : vector<16xf32>
      scf.yield %add3A_1647 : vector<16xf32>
    }
    %scan3A_37 = arith.constant 49 : i32
    %swap3A_38 = arith.constant 16 : index
    %swap3A_39 = tpu.vector_load %arg16[%swap3A_38] {strides = array<i32>} : memref<32xf32, #tpu.memory_space<vmem>>, vector<16xf32>,
    tpu.vector_store %arg16[%swap3A_38], %scan3A_36 {strides = array<i32>} : memref<32xf32, #tpu.memory_space<vmem>>, vector<16xf32>,
    "tpu.region"() ({
      %run_scoped3A = tpu.sem_alloc : memref<!tpu.dma_semaphore, #tpu.memory_space<semaphore_mem>>
      %dma_start3A = arith.constant 0 : i32
      %dma_start3A_232 = tpu.memref_slice %arg19[%arg1, %dma_start3A] : memref<16x32xf32, #tpu.memory_space<vmem_shared>> -> memref<1x32xf32, #tpu.memory_space<vmem_shared>>
      %dma_start3A_233 = tpu.memref_squeeze %dma_start3A_232 : memref<1x32xf32, #tpu.memory_space<vmem_shared>> -> memref<32xf32, #tpu.memory_space<vmem_shared>>
      %dma_start3A_234 = arith.constant 0 : i32
      %dma_start3A_235 = tpu.memref_slice %arg19[%arg1, %dma_start3A_234] : memref<16x32xf32, #tpu.memory_space<vmem_shared>> -> memref<1x32xf32, #tpu.memory_space<vmem_shared>>
      %dma_start3A_236 = tpu.memref_squeeze %dma_start3A_235 : memref<1x32xf32, #tpu.memory_space<vmem_shared>> -> memref<32xf32, #tpu.memory_space<vmem_shared>>
      tpu.enqueue_dma source(%arg16 : memref<32xf32, #tpu.memory_space<vmem>>) target(%dma_start3A_236 : memref<32xf32, #tpu.memory_space<vmem_shared>>) target_semaphore(%run_scoped3A : memref<!tpu.dma_semaphore, #tpu.memory_space<semaphore_mem>>)
      %dma_wait3A = arith.constant 0 : i32
      %dma_wait3A_237 = tpu.memref_slice %arg19[%arg1, %dma_wait3A] : memref<16x32xf32, #tpu.memory_space<vmem_shared>> -> memref<1x32xf32, #tpu.memory_space<vmem_shared>>
      %dma_wait3A_238 = tpu.memref_squeeze %dma_wait3A_237 : memref<1x32xf32, #tpu.memory_space<vmem_shared>> -> memref<32xf32, #tpu.memory_space<vmem_shared>>
      %dma_wait3A_239 = arith.constant 0 : i32
      %dma_wait3A_240 = tpu.memref_slice %arg19[%arg1, %dma_wait3A_239] : memref<16x32xf32, #tpu.memory_space<vmem_shared>> -> memref<1x32xf32, #tpu.memory_space<vmem_shared>>
      %dma_wait3A_241 = tpu.memref_squeeze %dma_wait3A_240 : memref<1x32xf32, #tpu.memory_space<vmem_shared>> -> memref<32xf32, #tpu.memory_space<vmem_shared>>
      tpu.wait_dma2 semaphore(%run_scoped3A : memref<!tpu.dma_semaphore, #tpu.memory_space<semaphore_mem>>) src(%arg16 : memref<32xf32, #tpu.memory_space<vmem>>) dst(%dma_wait3A_241 : memref<32xf32, #tpu.memory_space<vmem_shared>>)
      tpu.yield
    }) : () -> ()
    %barrier3A = arith.constant 0 : index
    tpu.barrier barrier_id(%barrier3A)
    "tpu.region"() ({
      %run_scoped3A = tpu.sem_alloc : memref<!tpu.dma_semaphore, #tpu.memory_space<semaphore_mem>>
      tpu.enqueue_dma source(%arg19 : memref<16x32xf32, #tpu.memory_space<vmem_shared>>) target(%arg17 : memref<16x32xf32, #tpu.memory_space<vmem>>) target_semaphore(%run_scoped3A : memref<!tpu.dma_semaphore, #tpu.memory_space<semaphore_mem>>)
      tpu.wait_dma2 semaphore(%run_scoped3A : memref<!tpu.dma_semaphore, #tpu.memory_space<semaphore_mem>>) src(%arg19 : memref<16x32xf32, #tpu.memory_space<vmem_shared>>) dst(%arg17 : memref<16x32xf32, #tpu.memory_space<vmem>>)
      tpu.yield
    }) : () -> ()
    %get3A = arith.constant 0 : i32
    %get3A_40 = arith.index_cast %get3A : i32 to index
    %get3A_41 = arith.constant 0 : index
    %get3A_42 = tpu.vector_load %arg17[%get3A_40, %get3A_41] {strides = array<i32>} : memref<16x32xf32, #tpu.memory_space<vmem>>, vector<16xf32>,
    %add3A_43 = arith.addf %broadcast_in_dim3A_1, %get3A_42 : vector<16xf32>
    %get3A_44 = arith.constant 1 : i32
    %get3A_45 = arith.index_cast %get3A_44 : i32 to index
    %get3A_46 = arith.constant 0 : index
    %get3A_47 = tpu.vector_load %arg17[%get3A_45, %get3A_46] {strides = array<i32>} : memref<16x32xf32, #tpu.memory_space<vmem>>, vector<16xf32>,
    %add3A_48 = arith.addf %add3A_43, %get3A_47 : vector<16xf32>
    %get3A_49 = arith.constant 2 : i32
    %get3A_50 = arith.index_cast %get3A_49 : i32 to index
    %get3A_51 = arith.constant 0 : index
    %get3A_52 = tpu.vector_load %arg17[%get3A_50, %get3A_51] {strides = array<i32>} : memref<16x32xf32, #tpu.memory_space<vmem>>, vector<16xf32>,
    %add3A_53 = arith.addf %add3A_48, %get3A_52 : vector<16xf32>
    %get3A_54 = arith.constant 3 : i32
    %get3A_55 = arith.index_cast %get3A_54 : i32 to index
    %get3A_56 = arith.constant 0 : index
    %get3A_57 = tpu.vector_load %arg17[%get3A_55, %get3A_56] {strides = array<i32>} : memref<16x32xf32, #tpu.memory_space<vmem>>, vector<16xf32>,
    %add3A_58 = arith.addf %add3A_53, %get3A_57 : vector<16xf32>
    %get3A_59 = arith.constant 4 : i32
    %get3A_60 = arith.index_cast %get3A_59 : i32 to index
    %get3A_61 = arith.constant 0 : index
    %get3A_62 = tpu.vector_load %arg17[%get3A_60, %get3A_61] {strides = array<i32>} : memref<16x32xf32, #tpu.memory_space<vmem>>, vector<16xf32>,
    %add3A_63 = arith.addf %add3A_58, %get3A_62 : vector<16xf32>
    %get3A_64 = arith.constant 5 : i32
    %get3A_65 = arith.index_cast %get3A_64 : i32 to index
    %get3A_66 = arith.constant 0 : index
    %get3A_67 = tpu.vector_load %arg17[%get3A_65, %get3A_66] {strides = array<i32>} : memref<16x32xf32, #tpu.memory_space<vmem>>, vector<16xf32>,
    %add3A_68 = arith.addf %add3A_63, %get3A_67 : vector<16xf32>
    %get3A_69 = arith.constant 6 : i32
    %get3A_70 = arith.index_cast %get3A_69 : i32 to index
    %get3A_71 = arith.constant 0 : index
    %get3A_72 = tpu.vector_load %arg17[%get3A_70, %get3A_71] {strides = array<i32>} : memref<16x32xf32, #tpu.memory_space<vmem>>, vector<16xf32>,
    %add3A_73 = arith.addf %add3A_68, %get3A_72 : vector<16xf32>
    %get3A_74 = arith.constant 7 : i32
    %get3A_75 = arith.index_cast %get3A_74 : i32 to index
    %get3A_76 = arith.constant 0 : index
    %get3A_77 = tpu.vector_load %arg17[%get3A_75, %get3A_76] {strides = array<i32>} : memref<16x32xf32, #tpu.memory_space<vmem>>, vector<16xf32>,
    %add3A_78 = arith.addf %add3A_73, %get3A_77 : vector<16xf32>
    %get3A_79 = arith.constant 8 : i32
    %get3A_80 = arith.index_cast %get3A_79 : i32 to index
    %get3A_81 = arith.constant 0 : index
    %get3A_82 = tpu.vector_load %arg17[%get3A_80, %get3A_81] {strides = array<i32>} : memref<16x32xf32, #tpu.memory_space<vmem>>, vector<16xf32>,
    %add3A_83 = arith.addf %add3A_78, %get3A_82 : vector<16xf32>
    %get3A_84 = arith.constant 9 : i32
    %get3A_85 = arith.index_cast %get3A_84 : i32 to index
    %get3A_86 = arith.constant 0 : index
    %get3A_87 = tpu.vector_load %arg17[%get3A_85, %get3A_86] {strides = array<i32>} : memref<16x32xf32, #tpu.memory_space<vmem>>, vector<16xf32>,
    %add3A_88 = arith.addf %add3A_83, %get3A_87 : vector<16xf32>
    %get3A_89 = arith.constant 10 : i32
    %get3A_90 = arith.index_cast %get3A_89 : i32 to index
    %get3A_91 = arith.constant 0 : index
    %get3A_92 = tpu.vector_load %arg17[%get3A_90, %get3A_91] {strides = array<i32>} : memref<16x32xf32, #tpu.memory_space<vmem>>, vector<16xf32>,
    %add3A_93 = arith.addf %add3A_88, %get3A_92 : vector<16xf32>
    %get3A_94 = arith.constant 11 : i32
    %get3A_95 = arith.index_cast %get3A_94 : i32 to index
    %get3A_96 = arith.constant 0 : index
    %get3A_97 = tpu.vector_load %arg17[%get3A_95, %get3A_96] {strides = array<i32>} : memref<16x32xf32, #tpu.memory_space<vmem>>, vector<16xf32>,
    %add3A_98 = arith.addf %add3A_93, %get3A_97 : vector<16xf32>
    %get3A_99 = arith.constant 12 : i32
    %get3A_100 = arith.index_cast %get3A_99 : i32 to index
    %get3A_101 = arith.constant 0 : index
    %get3A_102 = tpu.vector_load %arg17[%get3A_100, %get3A_101] {strides = array<i32>} : memref<16x32xf32, #tpu.memory_space<vmem>>, vector<16xf32>,
    %add3A_103 = arith.addf %add3A_98, %get3A_102 : vector<16xf32>
    %get3A_104 = arith.constant 13 : i32
    %get3A_105 = arith.index_cast %get3A_104 : i32 to index
    %get3A_106 = arith.constant 0 : index
    %get3A_107 = tpu.vector_load %arg17[%get3A_105, %get3A_106] {strides = array<i32>} : memref<16x32xf32, #tpu.memory_space<vmem>>, vector<16xf32>,
    %add3A_108 = arith.addf %add3A_103, %get3A_107 : vector<16xf32>
    %get3A_109 = arith.constant 14 : i32
    %get3A_110 = arith.index_cast %get3A_109 : i32 to index
    %get3A_111 = arith.constant 0 : index
    %get3A_112 = tpu.vector_load %arg17[%get3A_110, %get3A_111] {strides = array<i32>} : memref<16x32xf32, #tpu.memory_space<vmem>>, vector<16xf32>,
    %add3A_113 = arith.addf %add3A_108, %get3A_112 : vector<16xf32>
    %get3A_114 = arith.constant 15 : i32
    %get3A_115 = arith.index_cast %get3A_114 : i32 to index
    %get3A_116 = arith.constant 0 : index
    %get3A_117 = tpu.vector_load %arg17[%get3A_115, %get3A_116] {strides = array<i32>} : memref<16x32xf32, #tpu.memory_space<vmem>>, vector<16xf32>,
    %add3A_118 = arith.addf %add3A_113, %get3A_117 : vector<16xf32>
    %reduce_sum3A = arith.constant true
    %reduce_sum3A_119 = vector.broadcast %reduce_sum3A : i1 to vector<16xi1>
    %reduce_sum3A_120 = tpu.scan <sum>, %add3A_118 masked %reduce_sum3A_119 : vector<16xf32>, vector<16xi1> -> vector<16xf32>
    %reduce_sum3A_121 = vector.extract %reduce_sum3A_120[15] : f32 from vector<16xf32>
    %mul3A_122 = arith.constant 9.99999974E-6 : f32
    %mul3A_123 = arith.mulf %reduce_sum3A_121, %mul3A_122 : f32
    %broadcast_in_dim3A_124 = vector.broadcast %mul3A_123 : f32 to vector<16xf32>
    %scan3A_125 = arith.constant 0 : i32
    %scan3A_126 = arith.constant 392 : i32
    %scan3A_127 = arith.addi %scan3A_125, %scan3A_126 : i32
    %scan3A_128 = arith.constant 1 : i32
    %scan3A_129:2 = scf.for %scan3A_232 = %scan3A_125 to %scan3A_127 step %scan3A_128 iter_args(%scan3A_233 = %broadcast_in_dim3A_1, %scan3A_234 = %broadcast_in_dim3A_1) -> (vector<16xf32>, vector<16xf32>)  : i32 {
      %mul3A_235 = arith.constant 16 : i32
      %mul3A_236 = arith.muli %scan3A_232, %mul3A_235 : i32
      %get3A_237 = arith.constant 0 : i32
      %get3A_238 = arith.index_cast %get3A_237 : i32 to index
      %get3A_239 = arith.index_cast %mul3A_236 : i32 to index
      %get3A_240 = tpu.vector_load %arg15[%get3A_238, %get3A_239] {strides = array<i32>} : memref<2x6272xf32, #tpu.memory_space<vmem>>, vector<16xf32>,
      %sub3A = arith.subf %broadcast_in_dim3A_124, %get3A_240 : vector<16xf32>
      %max3A = arith.constant 0.000000e+00 : f32
      %max3A_241 = vector.broadcast %max3A : f32 to vector<16xf32>
      %max3A_242 = arith.maximumf %sub3A, %max3A_241 : vector<16xf32>
      %mul3A_243 = arith.mulf %max3A_242, %max3A_242 : vector<16xf32>
      %add3A_244 = arith.addf %scan3A_233, %mul3A_243 : vector<16xf32>
      %gt3A = arith.constant 0.000000e+00 : f32
      %gt3A_245 = vector.broadcast %gt3A : f32 to vector<16xf32>
      %gt3A_246 = arith.cmpf ogt, %mul3A_243, %gt3A_245 : vector<16xf32>
      %jit3A = arith.constant 1.000000e+00 : f32
      %jit3A_247 = arith.constant 0.000000e+00 : f32
      %broadcast_in_dim3A_248 = vector.broadcast %jit3A : f32 to vector<16xf32>
      %broadcast_in_dim3A_249 = vector.broadcast %jit3A_247 : f32 to vector<16xf32>
      %select_n3A = arith.select %gt3A_246, %broadcast_in_dim3A_248, %broadcast_in_dim3A_249 : vector<16xi1>, vector<16xf32>
      %add3A_250 = arith.addf %scan3A_234, %select_n3A : vector<16xf32>
      scf.yield %add3A_244, %add3A_250 : vector<16xf32>, vector<16xf32>
    }
    %scan3A_130 = arith.constant 392 : i32
    %swap3A_131 = arith.constant 16 : index
    %swap3A_132 = tpu.vector_load %arg18[%swap3A_131] {strides = array<i32>} : memref<128xf32, #tpu.memory_space<vmem>>, vector<16xf32>,
    tpu.vector_store %arg18[%swap3A_131], %scan3A_129#0 {strides = array<i32>} : memref<128xf32, #tpu.memory_space<vmem>>, vector<16xf32>,
    %swap3A_133 = arith.constant 48 : index
    %swap3A_134 = tpu.vector_load %arg18[%swap3A_133] {strides = array<i32>} : memref<128xf32, #tpu.memory_space<vmem>>, vector<16xf32>,
    tpu.vector_store %arg18[%swap3A_133], %scan3A_129#1 {strides = array<i32>} : memref<128xf32, #tpu.memory_space<vmem>>, vector<16xf32>,
    %get3A_135 = arith.constant 0 : i32
    %get3A_136 = arith.index_cast %get3A_135 : i32 to index
    %get3A_137 = arith.constant 16 : index
    %get3A_138 = tpu.vector_load %arg17[%get3A_136, %get3A_137] {strides = array<i32>} : memref<16x32xf32, #tpu.memory_space<vmem>>, vector<16xf32>,
    %add3A_139 = arith.addf %broadcast_in_dim3A_1, %get3A_138 : vector<16xf32>
    %get3A_140 = arith.constant 1 : i32
    %get3A_141 = arith.index_cast %get3A_140 : i32 to index
    %get3A_142 = arith.constant 16 : index
    %get3A_143 = tpu.vector_load %arg17[%get3A_141, %get3A_142] {strides = array<i32>} : memref<16x32xf32, #tpu.memory_space<vmem>>, vector<16xf32>,
    %add3A_144 = arith.addf %add3A_139, %get3A_143 : vector<16xf32>
    %get3A_145 = arith.constant 2 : i32
    %get3A_146 = arith.index_cast %get3A_145 : i32 to index
    %get3A_147 = arith.constant 16 : index
    %get3A_148 = tpu.vector_load %arg17[%get3A_146, %get3A_147] {strides = array<i32>} : memref<16x32xf32, #tpu.memory_space<vmem>>, vector<16xf32>,
    %add3A_149 = arith.addf %add3A_144, %get3A_148 : vector<16xf32>
    %get3A_150 = arith.constant 3 : i32
    %get3A_151 = arith.index_cast %get3A_150 : i32 to index
    %get3A_152 = arith.constant 16 : index
    %get3A_153 = tpu.vector_load %arg17[%get3A_151, %get3A_152] {strides = array<i32>} : memref<16x32xf32, #tpu.memory_space<vmem>>, vector<16xf32>,
    %add3A_154 = arith.addf %add3A_149, %get3A_153 : vector<16xf32>
    %get3A_155 = arith.constant 4 : i32
    %get3A_156 = arith.index_cast %get3A_155 : i32 to index
    %get3A_157 = arith.constant 16 : index
    %get3A_158 = tpu.vector_load %arg17[%get3A_156, %get3A_157] {strides = array<i32>} : memref<16x32xf32, #tpu.memory_space<vmem>>, vector<16xf32>,
    %add3A_159 = arith.addf %add3A_154, %get3A_158 : vector<16xf32>
    %get3A_160 = arith.constant 5 : i32
    %get3A_161 = arith.index_cast %get3A_160 : i32 to index
    %get3A_162 = arith.constant 16 : index
    %get3A_163 = tpu.vector_load %arg17[%get3A_161, %get3A_162] {strides = array<i32>} : memref<16x32xf32, #tpu.memory_space<vmem>>, vector<16xf32>,
    %add3A_164 = arith.addf %add3A_159, %get3A_163 : vector<16xf32>
    %get3A_165 = arith.constant 6 : i32
    %get3A_166 = arith.index_cast %get3A_165 : i32 to index
    %get3A_167 = arith.constant 16 : index
    %get3A_168 = tpu.vector_load %arg17[%get3A_166, %get3A_167] {strides = array<i32>} : memref<16x32xf32, #tpu.memory_space<vmem>>, vector<16xf32>,
    %add3A_169 = arith.addf %add3A_164, %get3A_168 : vector<16xf32>
    %get3A_170 = arith.constant 7 : i32
    %get3A_171 = arith.index_cast %get3A_170 : i32 to index
    %get3A_172 = arith.constant 16 : index
    %get3A_173 = tpu.vector_load %arg17[%get3A_171, %get3A_172] {strides = array<i32>} : memref<16x32xf32, #tpu.memory_space<vmem>>, vector<16xf32>,
    %add3A_174 = arith.addf %add3A_169, %get3A_173 : vector<16xf32>
    %get3A_175 = arith.constant 8 : i32
    %get3A_176 = arith.index_cast %get3A_175 : i32 to index
    %get3A_177 = arith.constant 16 : index
    %get3A_178 = tpu.vector_load %arg17[%get3A_176, %get3A_177] {strides = array<i32>} : memref<16x32xf32, #tpu.memory_space<vmem>>, vector<16xf32>,
    %add3A_179 = arith.addf %add3A_174, %get3A_178 : vector<16xf32>
    %get3A_180 = arith.constant 9 : i32
    %get3A_181 = arith.index_cast %get3A_180 : i32 to index
    %get3A_182 = arith.constant 16 : index
    %get3A_183 = tpu.vector_load %arg17[%get3A_181, %get3A_182] {strides = array<i32>} : memref<16x32xf32, #tpu.memory_space<vmem>>, vector<16xf32>,
    %add3A_184 = arith.addf %add3A_179, %get3A_183 : vector<16xf32>
    %get3A_185 = arith.constant 10 : i32
    %get3A_186 = arith.index_cast %get3A_185 : i32 to index
    %get3A_187 = arith.constant 16 : index
    %get3A_188 = tpu.vector_load %arg17[%get3A_186, %get3A_187] {strides = array<i32>} : memref<16x32xf32, #tpu.memory_space<vmem>>, vector<16xf32>,
    %add3A_189 = arith.addf %add3A_184, %get3A_188 : vector<16xf32>
    %get3A_190 = arith.constant 11 : i32
    %get3A_191 = arith.index_cast %get3A_190 : i32 to index
    %get3A_192 = arith.constant 16 : index
    %get3A_193 = tpu.vector_load %arg17[%get3A_191, %get3A_192] {strides = array<i32>} : memref<16x32xf32, #tpu.memory_space<vmem>>, vector<16xf32>,
    %add3A_194 = arith.addf %add3A_189, %get3A_193 : vector<16xf32>
    %get3A_195 = arith.constant 12 : i32
    %get3A_196 = arith.index_cast %get3A_195 : i32 to index
    %get3A_197 = arith.constant 16 : index
    %get3A_198 = tpu.vector_load %arg17[%get3A_196, %get3A_197] {strides = array<i32>} : memref<16x32xf32, #tpu.memory_space<vmem>>, vector<16xf32>,
    %add3A_199 = arith.addf %add3A_194, %get3A_198 : vector<16xf32>
    %get3A_200 = arith.constant 13 : i32
    %get3A_201 = arith.index_cast %get3A_200 : i32 to index
    %get3A_202 = arith.constant 16 : index
    %get3A_203 = tpu.vector_load %arg17[%get3A_201, %get3A_202] {strides = array<i32>} : memref<16x32xf32, #tpu.memory_space<vmem>>, vector<16xf32>,
    %add3A_204 = arith.addf %add3A_199, %get3A_203 : vector<16xf32>
    %get3A_205 = arith.constant 14 : i32
    %get3A_206 = arith.index_cast %get3A_205 : i32 to index
    %get3A_207 = arith.constant 16 : index
    %get3A_208 = tpu.vector_load %arg17[%get3A_206, %get3A_207] {strides = array<i32>} : memref<16x32xf32, #tpu.memory_space<vmem>>, vector<16xf32>,
    %add3A_209 = arith.addf %add3A_204, %get3A_208 : vector<16xf32>
    %get3A_210 = arith.constant 15 : i32
    %get3A_211 = arith.index_cast %get3A_210 : i32 to index
    %get3A_212 = arith.constant 16 : index
    %get3A_213 = tpu.vector_load %arg17[%get3A_211, %get3A_212] {strides = array<i32>} : memref<16x32xf32, #tpu.memory_space<vmem>>, vector<16xf32>,
    %add3A_214 = arith.addf %add3A_209, %get3A_213 : vector<16xf32>
    %reduce_sum3A_215 = arith.constant true
    %reduce_sum3A_216 = vector.broadcast %reduce_sum3A_215 : i1 to vector<16xi1>
    %reduce_sum3A_217 = tpu.scan <sum>, %add3A_214 masked %reduce_sum3A_216 : vector<16xf32>, vector<16xi1> -> vector<16xf32>
    %reduce_sum3A_218 = vector.extract %reduce_sum3A_217[15] : f32 from vector<16xf32>
    %mul3A_219 = arith.constant 9.99999974E-6 : f32
    %mul3A_220 = arith.mulf %reduce_sum3A_218, %mul3A_219 : f32
    %broadcast_in_dim3A_221 = vector.broadcast %mul3A_220 : f32 to vector<16xf32>
    %scan3A_222 = arith.constant 0 : i32
    %scan3A_223 = arith.constant 392 : i32
    %scan3A_224 = arith.addi %scan3A_222, %scan3A_223 : i32
    %scan3A_225 = arith.constant 1 : i32
    %scan3A_226:2 = scf.for %scan3A_232 = %scan3A_222 to %scan3A_224 step %scan3A_225 iter_args(%scan3A_233 = %broadcast_in_dim3A_1, %scan3A_234 = %broadcast_in_dim3A_1) -> (vector<16xf32>, vector<16xf32>)  : i32 {
      %mul3A_235 = arith.constant 16 : i32
      %mul3A_236 = arith.muli %scan3A_232, %mul3A_235 : i32
      %get3A_237 = arith.constant 1 : i32
      %get3A_238 = arith.index_cast %get3A_237 : i32 to index
      %get3A_239 = arith.index_cast %mul3A_236 : i32 to index
      %get3A_240 = tpu.vector_load %arg15[%get3A_238, %get3A_239] {strides = array<i32>} : memref<2x6272xf32, #tpu.memory_space<vmem>>, vector<16xf32>,
      %sub3A = arith.subf %broadcast_in_dim3A_221, %get3A_240 : vector<16xf32>
      %max3A = arith.constant 0.000000e+00 : f32
      %max3A_241 = vector.broadcast %max3A : f32 to vector<16xf32>
      %max3A_242 = arith.maximumf %sub3A, %max3A_241 : vector<16xf32>
      %mul3A_243 = arith.mulf %max3A_242, %max3A_242 : vector<16xf32>
      %add3A_244 = arith.addf %scan3A_233, %mul3A_243 : vector<16xf32>
      %gt3A = arith.constant 0.000000e+00 : f32
      %gt3A_245 = vector.broadcast %gt3A : f32 to vector<16xf32>
      %gt3A_246 = arith.cmpf ogt, %mul3A_243, %gt3A_245 : vector<16xf32>
      %jit3A = arith.constant 1.000000e+00 : f32
      %jit3A_247 = arith.constant 0.000000e+00 : f32
      %broadcast_in_dim3A_248 = vector.broadcast %jit3A : f32 to vector<16xf32>
      %broadcast_in_dim3A_249 = vector.broadcast %jit3A_247 : f32 to vector<16xf32>
      %select_n3A = arith.select %gt3A_246, %broadcast_in_dim3A_248, %broadcast_in_dim3A_249 : vector<16xi1>, vector<16xf32>
      %add3A_250 = arith.addf %scan3A_234, %select_n3A : vector<16xf32>
      scf.yield %add3A_244, %add3A_250 : vector<16xf32>, vector<16xf32>
    }
    %scan3A_227 = arith.constant 392 : i32
    %swap3A_228 = arith.constant 32 : index
    %swap3A_229 = tpu.vector_load %arg18[%swap3A_228] {strides = array<i32>} : memref<128xf32, #tpu.memory_space<vmem>>, vector<16xf32>,
    tpu.vector_store %arg18[%swap3A_228], %scan3A_226#0 {strides = array<i32>} : memref<128xf32, #tpu.memory_space<vmem>>, vector<16xf32>,
    %swap3A_230 = arith.constant 64 : index
    %swap3A_231 = tpu.vector_load %arg18[%swap3A_230] {strides = array<i32>} : memref<128xf32, #tpu.memory_space<vmem>>, vector<16xf32>,
    tpu.vector_store %arg18[%swap3A_230], %scan3A_226#1 {strides = array<i32>} : memref<128xf32, #tpu.memory_space<vmem>>, vector<16xf32>,
    "tpu.region"() ({
      %run_scoped3A = tpu.sem_alloc : memref<!tpu.dma_semaphore, #tpu.memory_space<semaphore_mem>>
      %dma_start3A = arith.constant 0 : i32
      %dma_start3A_232 = tpu.memref_slice %arg8[%add3A, %dma_start3A] : memref<32x128xf32, #tpu.memory_space<hbm>> -> memref<1x128xf32, #tpu.memory_space<hbm>>
      %dma_start3A_233 = tpu.memref_squeeze %dma_start3A_232 : memref<1x128xf32, #tpu.memory_space<hbm>> -> memref<128xf32, #tpu.memory_space<hbm>>
      %dma_start3A_234 = arith.constant 0 : i32
      %dma_start3A_235 = tpu.memref_slice %arg8[%add3A, %dma_start3A_234] : memref<32x128xf32, #tpu.memory_space<hbm>> -> memref<1x128xf32, #tpu.memory_space<hbm>>
      %dma_start3A_236 = tpu.memref_squeeze %dma_start3A_235 : memref<1x128xf32, #tpu.memory_space<hbm>> -> memref<128xf32, #tpu.memory_space<hbm>>
      tpu.enqueue_dma source(%arg18 : memref<128xf32, #tpu.memory_space<vmem>>) target(%dma_start3A_236 : memref<128xf32, #tpu.memory_space<hbm>>) target_semaphore(%run_scoped3A : memref<!tpu.dma_semaphore, #tpu.memory_space<semaphore_mem>>)
      %dma_wait3A = arith.constant 0 : i32
      %dma_wait3A_237 = tpu.memref_slice %arg8[%add3A, %dma_wait3A] : memref<32x128xf32, #tpu.memory_space<hbm>> -> memref<1x128xf32, #tpu.memory_space<hbm>>
      %dma_wait3A_238 = tpu.memref_squeeze %dma_wait3A_237 : memref<1x128xf32, #tpu.memory_space<hbm>> -> memref<128xf32, #tpu.memory_space<hbm>>
      %dma_wait3A_239 = arith.constant 0 : i32
      %dma_wait3A_240 = tpu.memref_slice %arg8[%add3A, %dma_wait3A_239] : memref<32x128xf32, #tpu.memory_space<hbm>> -> memref<1x128xf32, #tpu.memory_space<hbm>>
      %dma_wait3A_241 = tpu.memref_squeeze %dma_wait3A_240 : memref<1x128xf32, #tpu.memory_space<hbm>> -> memref<128xf32, #tpu.memory_space<hbm>>
      tpu.wait_dma2 semaphore(%run_scoped3A : memref<!tpu.dma_semaphore, #tpu.memory_space<semaphore_mem>>) src(%arg18 : memref<128xf32, #tpu.memory_space<vmem>>) dst(%dma_wait3A_241 : memref<128xf32, #tpu.memory_space<hbm>>)
      tpu.yield
    }) : () -> ()
    return
  }
}

</mosaic_0001>

<sc_bundles>
// kernel: kernel.3.cloned.1.call-start
scs
__scs_entry_jumppad:
0x0: {  	(pc) =	sbr.rel $0x88, $3  }
0x1: {  	(tag) =	ssettag $0x0;
	lr =	simm.s32 $0x1  }
0x2: {  	[smem:$0x3F9A] =	sst lr;
	_ =	strace $0xD0000000  }
0x3: {  	_ = 	snop  }
0x4: {  	_ = 	snop  }
0x5: {  	_ = 	snop  }
0x6: {  	_ = 	snop  }
0x7: {  	_ = 	snop  }
__scs_overlays_trampoline_lowered:
0x8: {  	[smem:$0x3FA9] =	sst s0  }
0x9: {  	[smem:$0x3FAA] =	sst s1  }
0xa: {  	[smem:$0x3FAB] =	sst s2  }
0xb: {  	[smem:$0x3FAC] =	sst s3  }
0xc: {  	[smem:$0x3FAD] =	sst s4  }
0xd: {  	[smem:$0x3FAE] =	sst s5  }
0xe: {  	[smem:$0x3FAF] =	sst s6  }
0xf: {  	[smem:$0x3FB0] =	sst s7  }
0x10: {  	[smem:$0x3FB1] =	sst s8  }
0x11: {  	[smem:$0x3FB2] =	sst s9;
	s0 =	simm.s32 @!p0 $0x0  }
0x12: {  	s1 =	sld [smem:$0x3F98];
	s0 =	simm.s32 @p0 $0x1  }
0x13: {  	[smem:$0x3FB3] =	sst s0;
	s0 =	simm.s32 @!p1 $0x0  }
0x14: {  	s2 =	sld [smem:$0x3F97];
	s0 =	simm.s32 @p1 $0x1  }
0x15: {  	[smem:$0x3FB4] =	sst s0;
	s0 =	simm.s32 @!p2 $0x0  }
0x16: {  	s3 =	sld [smem:$0x3FDB];
	s0 =	simm.s32 @p2 $0x1  }
0x17: {  	s4 =	simm.s32 $0x1BF5;
	[smem:$0x3FB6] =	sst s0  }
0x18: {  	s0 =	sld [smem:$0x3F99];
	_ =	swait.ge [sflag:s4], $0x0  }
0x19: {  	s7 =	sld [smem:$0x3F9A]  }
0x1a: {  	s8 =	sadd.s32 $0xFFFFE003, lr  }
0x1b: {  	s9 =	sadd.s32 $0xFFFFFEF7, lr;
	s5 =	simm.s32 $0xFFFFFFFF;
	p2 =	slt.u32 s8, $0xFFFFF086  }
0x1c: {  	p1 =	slt.u32 s9, $0xF7A;
	s5 =	simm.s32 @!p2 $0x0  }
0x1d: {  	s5 =	simm.s32 @p1 $0x1;
	p0 =	seq.s32 s7, s2  }
0x1e: {  	s7 =	smul.u32 @!p0 $0xF7A, s2;
	p2 =	seq.s32 @!p0 s5, $0x0  }
0x1f: {  	s9 =	smul.u32 $0xF7A, s1;
	s8 =	simm.s32 @!p0 $0x1BF5;
	p2 =	por !p2, p0  }
0x20: {  	[sflag:s8] =	ssyncset.s32 @!p0 $0xFFFFF086;
	s6 =	sadd.s32 @!p0 s3, s7;
	s7 =	simm.s32 @!p0 $0x108  }
0x21: {  	s3 =	sadd.s32 s3, s9;
	s6 =	sadd.s32 @!p0 $0x88, s6;
	s7 =	simm.s32 @p2 $0x1082  }
0x22: {  	[simem:s7], [sflag:s8] =	dma.local @!p0 [hbm:s6], $0xF7A  }
0x23: {  	s9 =	sor.u32 $0xD0000000, s2;
	s6 =	simm.s32 $0x108;
	_ =	swait.ge @!p0 [sflag:s8], $0x0  }
0x24: {  	s3 =	sadd.s32 $0x88, s3;
	s6 =	simm.s32 @!p1 $0x1082;
	[sflag:s4] =	ssyncset.s32 $0xFFFFF086  }
0x25: {  	[simem:s6], [sflag:s4] =	dma.local [hbm:s3], $0xF7A  }
0x26: {  	[smem:$0x3F9A] =	sst s1;
	(tag) =	ssettag s2;
	_ =	strace s9  }
0x27: {  	s1 =	sld [smem:$0x3FAA]  }
0x28: {  	s2 =	sld [smem:$0x3FAB]  }
0x29: {  	s4 =	sld [smem:$0x3FAD]  }
0x2a: {  	p0 =	seq.s32 s5, $0x0;
	s5 =	sld [smem:$0x3FAE]  }
0x2b: {  	s6 =	sld [smem:$0x3FAF]  }
0x2c: {  	s7 =	sld [smem:$0x3FB0]  }
0x2d: {  	s3 =	simm.s32 $0x108;
	s8 =	sld [smem:$0x3FB1]  }
0x2e: {  	s3 =	simm.s32 @!p0 $0x1082;
	s9 =	sld [smem:$0x3FB2]  }
0x2f: {  	lr =	sadd.s32 s0, s3;
	s0 =	sld [smem:$0x3FA9]  }
0x30: {  	s3 =	sld [smem:$0x3FAC]  }
0x31: {  	[smem:$0x3FB5] =	sst s10  }
0x32: {  	s10 =	sld [smem:$0x3FB3];
	_ =	sdelay $0x3  }
0x33: {  	p0 =	seq.s32 s10, $0x1;
	s10 =	sld [smem:$0x3FB5];
	_ =	sdelay $0x3  }
0x34: {  	[smem:$0x3FB5] =	sst s10  }
0x35: {  	s10 =	sld [smem:$0x3FB4];
	_ =	sdelay $0x3  }
0x36: {  	p1 =	seq.s32 s10, $0x1;
	s10 =	sld [smem:$0x3FB5];
	_ =	sdelay $0x3  }
0x37: {  	[smem:$0x3FB5] =	sst s10  }
0x38: {  	s10 =	sld [smem:$0x3FB6]  }
0x39: {  	_ = 	snop;
	(pc) =	sbr.ind lr, $3  }
0x3a: {  	_ = 	snop  }
0x3b: {  	_ = 	snop  }
0x3c: {  	p2 =	seq.s32 s10, $0x1;
	s10 =	sld [smem:$0x3FB5]  }
0x3d: {  	_ =	shalt  }
0x3e: {  	_ =	shalt  }
0x3f: {  	_ =	shalt  }
0x40: {  	_ =	shalt  }
0x41: {  	_ =	shalt  }
0x42: {  	_ =	shalt  }
0x43: {  	_ =	shalt  }
0x44: {  	_ =	shalt  }
0x45: {  	_ =	shalt  }
0x46: {  	_ =	shalt  }
0x47: {  	_ =	shalt  }
0x48: {  	_ =	shalt  }
0x49: {  	_ =	shalt  }
0x4a: {  	_ =	shalt  }
0x4b: {  	_ =	shalt  }
0x4c: {  	_ =	shalt  }
0x4d: {  	_ =	shalt  }
0x4e: {  	_ =	shalt  }
0x4f: {  	_ =	shalt  }
0x50: {  	_ =	shalt  }
0x51: {  	_ =	shalt  }
0x52: {  	_ =	shalt  }
0x53: {  	_ =	shalt  }
0x54: {  	_ =	shalt  }
0x55: {  	_ =	shalt  }
0x56: {  	_ =	shalt  }
0x57: {  	_ =	shalt  }
0x58: {  	_ =	shalt  }
0x59: {  	_ =	shalt  }
0x5a: {  	_ =	shalt  }
0x5b: {  	_ =	shalt  }
0x5c: {  	_ =	shalt  }
0x5d: {  	_ =	shalt  }
0x5e: {  	_ =	shalt  }
0x5f: {  	_ =	shalt  }
0x60: {  	_ =	shalt  }
0x61: {  	_ =	shalt  }
0x62: {  	_ =	shalt  }
0x63: {  	_ =	shalt  }
0x64: {  	_ =	shalt  }
0x65: {  	_ =	shalt  }
0x66: {  	_ =	shalt  }
0x67: {  	_ =	shalt  }
0x68: {  	_ =	shalt  }
0x69: {  	_ =	shalt  }
0x6a: {  	_ =	shalt  }
0x6b: {  	_ =	shalt  }
0x6c: {  	_ =	shalt  }
0x6d: {  	_ =	shalt  }
0x6e: {  	_ =	shalt  }
0x6f: {  	_ =	shalt  }
0x70: {  	_ =	shalt  }
0x71: {  	_ =	shalt  }
0x72: {  	_ =	shalt  }
0x73: {  	_ =	shalt  }
0x74: {  	_ =	shalt  }
0x75: {  	_ =	shalt  }
0x76: {  	_ =	shalt  }
0x77: {  	_ =	shalt  }
0x78: {  	_ =	shalt  }
0x79: {  	_ =	shalt  }
0x7a: {  	_ =	shalt  }
0x7b: {  	_ =	shalt  }
0x7c: {  	_ =	shalt  }
0x7d: {  	_ =	shalt  }
0x7e: {  	_ =	shalt  }
0x7f: {  	_ =	shalt  }
0x80: {  	_ =	shalt  }
0x81: {  	_ =	shalt  }
0x82: {  	_ =	shalt  }
0x83: {  	_ =	shalt  }
0x84: {  	_ =	shalt  }
0x85: {  	_ =	shalt  }
0x86: {  	_ =	shalt  }
0x87: {  	_ =	shalt  }
.Lfunc_end0:
.L_simem_size_0:
called_computation_lowered:
.L_overlay_start_0:
0x88: {  	s2 =	sld [smem:$0x3FD9]  }
0x89: {  	s3 =	sld [smem:$0x3FFE];
	_ =	sdelay $0x1  }
0x8a: {  	s1 =	srdreg.scid  }
0x8b: {  	s0 =	sand.u32 $0x1, s1  }
0x8c: {  	s16 =	sshll.u32 s0, $0xA;
	s2 =	sadd.s32 s3, s2  }
0x8d: {  	s2 =	sadd.s32 s2, s16  }
0x8e: {  	[smem:$0x3FC1] =	sst s2  }
0x8f: {  	_ = 	snop  }
0x90: {  	(tm) =	ssettm $0x1  }
0x91: {  	s17 =	sld [smem:$0x3FFB];
	_ =	sdelay $0x3  }
0x92: {  	_ =	strace s17  }
0x93: {  	s2 =	sld [smem:$0x3FFC];
	_ =	sdelay $0x3  }
0x94: {  	_ =	strace s2  }
0x95: {  	s2 =	sld [smem:$0x3FFD];
	_ =	sdelay $0x3  }
0x96: {  	_ =	strace s2  }
0x97: {  	_ =	strace $0x8FFFFFFF  }
0x98: {  	s18 =	sld [smem:$0x3FDB];
	_ =	sdelay $0x1  }
0x99: {  	s19 =	simm.s32 $_scs_section_size  }
0x9a: {  	s4 =	simm.s32 $_size__tile_overlayer_lowered;
	s5 =	simm.s32 $_tile_overlayer_lowered  }
0x9b: {  	s22 =	simm.s32 $0x1BFF;
	s21 =	sshll.u32 s5, $0x1;
	s2 =	sadd.s32 s19, s18  }
0x9c: {  	s6 =	simm.s32 $0x0;
	s20 =	sshll.u32 s4, $0x1;
	s4 =	sadd.s32 s21, s2  }
0x9d: {  	[timem:s6], [sflag:s22] =	dma.local [hbm:s4], s20  }
0x9e: {  	_ =	swait.ge [sflag:s22], s20  }
0x9f: {  	s3 =	ssub.s32 $0x0, s20;
	[sflag:s22] =	ssyncset.done $0x0  }
0xa0: {  	[sflag:s22] =	ssyncadd.s32 s3;
	_ =	sdelay $0x1  }
0xa1: {  	s23 =	simm.s32 $0x1B8B  }
0xa2: {  	_ =	swait.ge [sflag:s23], $0x1  }
0xa3: {  	[sflag:s23] =	ssyncset.done $0x0  }
0xa4: {  	s25 =	simm.s32 $0x1B8E;
	s24 =	sld [smem:$0x3FFE];
	[sflag:s23] =	ssyncadd.s32 $0xFFFFFFFF  }
0xa5: {  	s26 =	simm.s32 $execute0_lowered;
	[smem:$0x3FD2] =	sst s25  }
0xa6: {  	s4 =	sshll.u32 s26, $0x1;
	_ =	strace $0x80000046;
	[dreg:$0x1] =	wrdreg $0xFFFFFFFF  }
0xa7: {  	s28 =	simm.s32 $_size_execute0_lowered;
	s2 =	sadd.s32 s2, s4;
	[dreg:$0x0] =	wrdreg $0x0  }
0xa8: {  	s4 =	sshll.u32 s28, $0x1;
	[dreg:$0x2] =	wrdreg s2  }
0xa9: {  	[dreg:$0x3] =	wrdreg s4  }
0xaa: {  	[dreg:$0x4] =	wrdreg $0xC0  }
0xab: {  	_ =	task [dreg:s6], $0x5FFFF  }
0xac: {  	[dreg:$0x1] =	wrdreg $0xFFFFFFFF  }
0xad: {  	[dreg:$0x0] =	wrdreg $0x60  }
0xae: {  	[dreg:$0x2] =	wrdreg s24  }
0xaf: {  	[dreg:$0x3] =	wrdreg $0xFAA00  }
0xb0: {  	[dreg:$0x4] =	wrdreg $0x9  }
0xb1: {  	_ =	task.clear_ibuf [dreg:s6], $0x5FFFF;
	_ =	strace $0x90000046  }
0xb2: {  	s29 =	simm.s32 $0x9;
	_ =	strace $0x80000048  }
0xb3: {  	_ =	swait.ge [sflag:s29], $0x1  }
0xb4: {  	[sflag:s29] =	ssyncadd.s32 $0xFFFFFFFF  }
0xb5: {  	_ =	strace $0x90000048  }
0xb6: {  	_ =	sfence  }
0xb7: {  	s30 =	sld [smem:$0x0];
	_ =	sdelay $0x2  }
0xb8: {  	s31 =	sshll.u32 s1, $0xD;
	s1 =	sshrl.u32 s1, $0x2  }
0xb9: {  	s3 =	sand.u32 $0x4000, s31;
	s1 =	sadd.s32 s1, s30  }
0xba: {  	s0 =	sor.u32 s3, s0;
	s1 =	sshll.u32 s1, $0x11  }
0xbb: {  	s0 =	sor.u32 s1, s0  }
0xbc: {  	s0 =	sadd.s32 $0x8F2B, s0  }
0xbd: {  	[sflag:s0] =	ssyncadd.remote.s32 $0x1  }
0xbe: {  	_ =	sfence.sel $0xFFFF  }
0xbf: {  	[dreg:$0x0] =	wrdreg $0xFFFFFFFF;
	(pc) =	sbr.abs _section_cstart, $3  }
0xc0: {  	[dreg:$0x1] =	wrdreg $0xFFFFFFFF  }
0xc1: {  	_ =	task.clear_ibuf [dreg:s6], $0x2FFFF;
	_ =	strace $0x9FFFFFFF  }
0xc2: {  	(tm) =	ssettm $0x7FFFFFFF  }
0xc3: {  	_ =	shalt  }
tec
execute0_lowered:
.L_overlay_start_1:
0x0: {  	(tag) =	ssettag $0x1  }
0x1: {  	s1 =	rddreg [dreg:$0x0]  }
0x2: {  	s0 =	srdreg.scid;
	s13 =	rddreg [dreg:$0x1]  }
0x3: {  	s12 =	stileid.u32;
	s3 =	simm.s32 $0x0;
	s15 =	simm.s32 $0x3  }
0x4: {  	s16 =	simm.s32 $0x1880;
	s17 =	simm.s32 $0x3100;
	s18 =	simm.s32 $0x7A80  }
0x5: {  	s19 =	simm.s32 $0x80;
	s20 =	simm.s32 $0xC400;
	s21 =	simm.s32 $0xC580  }
0x6: {  	s22 =	simm.s32 $0xC480;
	s23 =	simm.s32 $0xC600;
	s24 =	simm.s32 $0xC500  }
0x7: {  	s25 =	simm.s32 $0xC680;
	s28 =	simm.s32 $0x2;
	s0 =	sand.u32 $0x1, s0  }
0x8: {  	v0 =	vlaneseq.u32;
	[smem:$0x7FF] =	sst s3;
	s4 =	sadd.s32 $0x8B800, s1;
	s7 =	smul.u32 $0x1880, s12  }
0x9: {  	s5 =	sadd.s32 $0x1B000, s1;
	s10 =	sadd.s32 $0xC400, s1;
	v1 =	vmul.u32 $0x3, v0;
	s2 =	sshll.u32 s0, $0x4  }
0xa: {  	_ =	strace $0x80000047;
	s26 =	smul.u32 $0x31000, s0;
	s0 =	ssub.s32 $0x2, s0  }
0xb: {  	v25 =	vimm.f32 $0.0e+00;
	s2 =	sor.u32 s12, s2;
	s9 =	sshrl.u32 s0, $0x1;
	s12 =	sshll.u32 s12, $0x5;
	v2 =	vadd.s32 $0x1, v1;
	v3 =	vadd.s32 $0x2, v1  }
0xc: {  	v4 =	vadd.s32 $0x30, v1;
	v5 =	vadd.s32 $0x31, v1;
	v6 =	vadd.s32 $0x32, v1;
	s6 =	smul.u32 $0xA0, s2;
	s2 =	sshll.u32 s2, $0x4;
	s7 =	sadd.s32 s7, s26  }
0xd: {  	v7 =	vadd.s32 $0x60, v1;
	v8 =	vadd.s32 $0x61, v1;
	v9 =	vadd.s32 $0x62, v1;
	s0 =	ssub.s32 s0, s9;
	s12 =	sadd.s32 s12, s13;
	s26 =	simm.s32 $0x1  }
0xe: {  	v10 =	vadd.s32 $0x90, v1;
	v11 =	vadd.s32 $0x91, v1;
	v12 =	vadd.s32 $0x92, v1;
	s2 =	sadd.s32 s2, s1;
	s30 =	sshrl.u32 s7, $0x3;
	s14 =	smax.u32 s0, $0x1  }
0xf: {  	v13 =	vor.u32 $0xC0, v1;
	v14 =	vadd.s32 $0xC1, v1;
	v15 =	vadd.s32 $0xC2, v1;
	s0 =	simm.s32 $0x0;
	s8 =	sadd.s32 s6, s1;
	s11 =	sadd.s32 $0x3100, s30  }
0x10: {  	v16 =	vadd.s32 $0xF0, v1;
	v17 =	vadd.s32 $0xF1, v1;
	v18 =	vadd.s32 $0xF2, v1;
	s9 =	sadd.s32 s1, s30;
	s13 =	sadd.s32 $0xFC000, s2;
	s29 =	sadd.s32 $0x19C00, s8  }
0x11: {  	v19 =	vadd.s32 $0x120, v1;
	v20 =	vadd.s32 $0x121, v1;
	v21 =	vadd.s32 $0x122, v1;
	s31 =	sadd.s32 $0x18800, s8;
	s8 =	sadd.s32 s10, s30;
	[dreg:$0x3] =	wrdreg s29  }
0x12: {  	v22 =	vadd.s32 $0x150, v1;
	v23 =	vadd.s32 $0x151, v1;
	v24 =	vadd.s32 $0x152, v1;
	s10 =	sadd.s32 s10, s11;
	s11 =	sadd.s32 s1, s11;
	[dreg:$0x4] =	wrdreg s31  }
.LBB2_1:
0x13: {  	s1 =	rddreg [dreg:$0x3]  }
0x14: {  	[tilespmem:s3], [sflag:$0x3] =	stream.linear.gather [hbm4b:s1+s3], $0x500, $0x38;
	[tilespmem:$0xFAC0] =	vst v63  }
0x15: {  	_ =	swait.ge [sflag:s15], $0x500  }
0x16: {  	[sflag:s15] =	ssyncset.done $0x0  }
0x17: {  	s31 =	rddreg [dreg:$0x4];
	[sflag:s15] =	ssyncadd.s32 $0xFFFFFB00  }
0x18: {  	[tilespmem:s16], [sflag:$0x3] =	stream.linear.gather [hbm4b:s31+s3], $0x500, $0x38;
	[tilespmem:$0xFAC0] =	vst v63  }
0x19: {  	_ =	swait.ge [sflag:s15], $0x500  }
0x1a: {  	s2 =	simm.s32 $0x18C0;
	s29 =	simm.s32 $0x40;
	[sflag:s15] =	ssyncset.done $0x0  }
0x1b: {  	s30 =	simm.s32 $0x0;
	v26 =	vimm.f32 $0.0e+00;
	s1 =	simm.s32 $0x70;
	[sflag:s15] =	ssyncadd.s32 $0xFFFFFB00  }
.LBB2_2:
0x1c: {  	s31 =	sadd.s32 $0xFFFFFF90, s1  }
0x1d: {  	v27 =	vor.u32 s31, v0  }
0x1e: {  	v29 =	vld [tilespmem:s29+$0xFFFFFFC0];
	v28 =	vmul.u32 $0x3, v27  }
0x1f: {  	v30 =	vld [tilespmem:s2+$0xFFFFFFC0];
	_ =	sdelay $0x1  }
0x20: {  	v31 =	vadd.s32 $0x1, v28  }
0x21: {  	vm1 =	vlt.u32 v27, $0x4E2  }
0x22: {  	v39 =	vadd.s32 $0x2, v28;
	v27 =	vnsel vm1, $0x0, v29  }
0x23: {  	v30 =	vnsel vm1, $0x0, v30;
	[tilespmem:v28+s17+$0x0] =	vst.idx.msk $0xffff, v27  }
0x24: {  	v40 =	vadd.s32 $0x12C000, v27;
	[tilespmem:v28+s18+$0x0] =	vst.idx.msk $0xffff, v30  }
0x25: {  	v41 =	vadd.s32 $0x12C000, v30;
	[tilespmem:v31+s17+$0x0] =	vst.idx.msk $0xffff, v40  }
0x26: {  	v27 =	vadd.s32 $0x258000, v27;
	[tilespmem:v31+s18+$0x0] =	vst.idx.msk $0xffff, v41  }
0x27: {  	s7 =	sadd.s32 $0xFFFFFFA0, s1;
	[tilespmem:v39+s17+$0x0] =	vst.idx.msk $0xffff, v27;
	v27 =	vadd.s32 $0x258000, v30  }
0x28: {  	[tilespmem:v39+s18+$0x0] =	vst.idx.msk $0xffff, v27;
	v27 =	vor.u32 s7, v0  }
0x29: {  	v42 =	vmul.u32 $0x3, v27;
	v29 =	vld [tilespmem:s29+$0xFFFFFFD0]  }
0x2a: {  	v43 =	vld [tilespmem:s2+$0xFFFFFFD0];
	_ =	sdelay $0x1  }
0x2b: {  	v44 =	vadd.s32 $0x1, v42  }
0x2c: {  	vm0 =	vlt.u32 v27, $0x4E2  }
0x2d: {  	v45 =	vadd.s32 $0x2, v42;
	v27 =	vnsel vm0, $0x0, v29  }
0x2e: {  	v30 =	vnsel vm0, $0x0, v43;
	[tilespmem:v42+s17+$0x0] =	vst.idx.msk $0xffff, v27  }
0x2f: {  	v46 =	vadd.s32 $0x12C000, v27;
	[tilespmem:v42+s18+$0x0] =	vst.idx.msk $0xffff, v30  }
0x30: {  	v47 =	vadd.s32 $0x12C000, v30;
	[tilespmem:v44+s17+$0x0] =	vst.idx.msk $0xffff, v46  }
0x31: {  	v27 =	vadd.s32 $0x258000, v27;
	[tilespmem:v44+s18+$0x0] =	vst.idx.msk $0xffff, v47  }
0x32: {  	s6 =	sadd.s32 $0xFFFFFFB0, s1;
	[tilespmem:v45+s17+$0x0] =	vst.idx.msk $0xffff, v27;
	v27 =	vadd.s32 $0x258000, v30  }
0x33: {  	[tilespmem:v45+s18+$0x0] =	vst.idx.msk $0xffff, v27;
	v27 =	vor.u32 s6, v0  }
0x34: {  	v48 =	vmul.u32 $0x3, v27;
	v29 =	vld [tilespmem:s29+$0xFFFFFFE0]  }
0x35: {  	v49 =	vld [tilespmem:s2+$0xFFFFFFE0];
	_ =	sdelay $0x1  }
0x36: {  	v50 =	vadd.s32 $0x1, v48  }
0x37: {  	vm2 =	vlt.u32 v27, $0x4E2  }
0x38: {  	v51 =	vadd.s32 $0x2, v48;
	v27 =	vnsel vm2, $0x0, v29  }
0x39: {  	v30 =	vnsel vm2, $0x0, v49;
	[tilespmem:v48+s17+$0x0] =	vst.idx.msk $0xffff, v27  }
0x3a: {  	v52 =	vadd.s32 $0x12C000, v27;
	[tilespmem:v48+s18+$0x0] =	vst.idx.msk $0xffff, v30  }
0x3b: {  	v53 =	vadd.s32 $0x12C000, v30;
	[tilespmem:v50+s17+$0x0] =	vst.idx.msk $0xffff, v52  }
0x3c: {  	v27 =	vadd.s32 $0x258000, v27;
	[tilespmem:v50+s18+$0x0] =	vst.idx.msk $0xffff, v53  }
0x3d: {  	s7 =	sadd.s32 $0xFFFFFFC0, s1;
	[tilespmem:v51+s17+$0x0] =	vst.idx.msk $0xffff, v27;
	v27 =	vadd.s32 $0x258000, v30  }
0x3e: {  	[tilespmem:v51+s18+$0x0] =	vst.idx.msk $0xffff, v27;
	v27 =	vor.u32 s7, v0  }
0x3f: {  	v54 =	vmul.u32 $0x3, v27;
	v29 =	vld [tilespmem:s29+$0xFFFFFFF0]  }
0x40: {  	v55 =	vld [tilespmem:s2+$0xFFFFFFF0];
	_ =	sdelay $0x1  }
0x41: {  	v56 =	vadd.s32 $0x1, v54  }
0x42: {  	vm4 =	vlt.u32 v27, $0x4E2  }
0x43: {  	v57 =	vadd.s32 $0x2, v54;
	v27 =	vnsel vm4, $0x0, v29  }
0x44: {  	v30 =	vnsel vm4, $0x0, v55;
	[tilespmem:v54+s17+$0x0] =	vst.idx.msk $0xffff, v27  }
0x45: {  	v58 =	vadd.s32 $0x12C000, v27;
	[tilespmem:v54+s18+$0x0] =	vst.idx.msk $0xffff, v30  }
0x46: {  	v59 =	vadd.s32 $0x12C000, v30;
	[tilespmem:v56+s17+$0x0] =	vst.idx.msk $0xffff, v58  }
0x47: {  	v27 =	vadd.s32 $0x258000, v27;
	[tilespmem:v56+s18+$0x0] =	vst.idx.msk $0xffff, v59  }
0x48: {  	s6 =	sadd.s32 $0xFFFFFFD0, s1;
	[tilespmem:v57+s17+$0x0] =	vst.idx.msk $0xffff, v27;
	v27 =	vadd.s32 $0x258000, v30  }
0x49: {  	[tilespmem:v57+s18+$0x0] =	vst.idx.msk $0xffff, v27;
	v27 =	vor.u32 s6, v0  }
0x4a: {  	v60 =	vmul.u32 $0x3, v27;
	v29 =	vld [tilespmem:s29+$0x0]  }
0x4b: {  	v61 =	vld [tilespmem:s2+$0x0];
	_ =	sdelay $0x1  }
0x4c: {  	v62 =	vadd.s32 $0x1, v60  }
0x4d: {  	vm3 =	vlt.u32 v27, $0x4E2  }
0x4e: {  	v63 =	vadd.s32 $0x2, v60;
	v27 =	vnsel vm3, $0x0, v29  }
0x4f: {  	v30 =	vnsel vm3, $0x0, v61;
	[tilespmem:v60+s17+$0x0] =	vst.idx.msk $0xffff, v27  }
0x50: {  	v33 =	vadd.s32 $0x12C000, v27;
	[tilespmem:v60+s18+$0x0] =	vst.idx.msk $0xffff, v30  }
0x51: {  	v34 =	vadd.s32 $0x12C000, v30;
	[tilespmem:v62+s17+$0x0] =	vst.idx.msk $0xffff, v33  }
0x52: {  	v27 =	vadd.s32 $0x258000, v27;
	[tilespmem:v62+s18+$0x0] =	vst.idx.msk $0xffff, v34  }
0x53: {  	s7 =	sadd.s32 $0xFFFFFFE0, s1;
	[tilespmem:v63+s17+$0x0] =	vst.idx.msk $0xffff, v27;
	v27 =	vadd.s32 $0x258000, v30  }
0x54: {  	[tilespmem:v63+s18+$0x0] =	vst.idx.msk $0xffff, v27;
	v27 =	vor.u32 s7, v0  }
0x55: {  	v35 =	vmul.u32 $0x3, v27;
	v29 =	vld [tilespmem:s29+$0x10]  }
0x56: {  	v36 =	vld [tilespmem:s2+$0x10];
	_ =	sdelay $0x1  }
0x57: {  	v37 =	vadd.s32 $0x1, v35  }
0x58: {  	vm5 =	vlt.u32 v27, $0x4E2  }
0x59: {  	v38 =	vadd.s32 $0x2, v35;
	v27 =	vnsel vm5, $0x0, v29  }
0x5a: {  	v30 =	vnsel vm5, $0x0, v36;
	[tilespmem:v35+s17+$0x0] =	vst.idx.msk $0xffff, v27  }
0x5b: {  	v39 =	vadd.s32 $0x12C000, v27;
	[tilespmem:v35+s18+$0x0] =	vst.idx.msk $0xffff, v30  }
0x5c: {  	v40 =	vadd.s32 $0x12C000, v30;
	[tilespmem:v37+s17+$0x0] =	vst.idx.msk $0xffff, v39  }
0x5d: {  	v27 =	vadd.s32 $0x258000, v27;
	[tilespmem:v37+s18+$0x0] =	vst.idx.msk $0xffff, v40  }
0x5e: {  	s6 =	sadd.s32 $0xFFFFFFF0, s1;
	[tilespmem:v38+s17+$0x0] =	vst.idx.msk $0xffff, v27;
	v27 =	vadd.s32 $0x258000, v30  }
0x5f: {  	[tilespmem:v38+s18+$0x0] =	vst.idx.msk $0xffff, v27;
	v27 =	vor.u32 s6, v0  }
0x60: {  	v41 =	vmul.u32 $0x3, v27;
	v29 =	vld [tilespmem:s29+$0x20]  }
0x61: {  	v42 =	vld [tilespmem:s2+$0x20];
	_ =	sdelay $0x1  }
0x62: {  	v43 =	vadd.s32 $0x1, v41  }
0x63: {  	vm6 =	vlt.u32 v27, $0x4E2  }
0x64: {  	v44 =	vadd.s32 $0x2, v41;
	v27 =	vnsel vm6, $0x0, v29  }
0x65: {  	v30 =	vnsel vm6, $0x0, v42;
	[tilespmem:v41+s17+$0x0] =	vst.idx.msk $0xffff, v27  }
0x66: {  	v45 =	vadd.s32 $0x12C000, v27;
	[tilespmem:v41+s18+$0x0] =	vst.idx.msk $0xffff, v30  }
0x67: {  	v46 =	vadd.s32 $0x12C000, v30;
	[tilespmem:v43+s17+$0x0] =	vst.idx.msk $0xffff, v45  }
0x68: {  	v27 =	vadd.s32 $0x258000, v27;
	[tilespmem:v43+s18+$0x0] =	vst.idx.msk $0xffff, v46  }
0x69: {  	[tilespmem:v44+s17+$0x0] =	vst.idx.msk $0xffff, v27;
	v27 =	vadd.s32 $0x258000, v30  }
0x6a: {  	[tilespmem:v44+s18+$0x0] =	vst.idx.msk $0xffff, v27;
	v27 =	vor.u32 s1, v0  }
0x6b: {  	v47 =	vmul.u32 $0x3, v27;
	v29 =	vld [tilespmem:s29+$0x30]  }
0x6c: {  	v48 =	vld [tilespmem:s2+$0x30];
	_ =	sdelay $0x1  }
0x6d: {  	v49 =	vadd.s32 $0x1, v47  }
0x6e: {  	vm7 =	vlt.u32 v27, $0x4E2  }
0x6f: {  	v50 =	vadd.s32 $0x2, v47;
	v27 =	vnsel vm7, $0x0, v29  }
0x70: {  	v30 =	vnsel vm7, $0x0, v48;
	[tilespmem:v47+s17+$0x0] =	vst.idx.msk $0xffff, v27  }
0x71: {  	v51 =	vadd.s32 $0x12C000, v27;
	[tilespmem:v47+s18+$0x0] =	vst.idx.msk $0xffff, v30  }
0x72: {  	v52 =	vadd.s32 $0x12C000, v30;
	[tilespmem:v49+s17+$0x0] =	vst.idx.msk $0xffff, v51  }
0x73: {  	v27 =	vadd.s32 $0x258000, v27;
	[tilespmem:v49+s18+$0x0] =	vst.idx.msk $0xffff, v52  }
0x74: {  	s31 =	sshra.s32 s30, $0x2;
	[tilespmem:v50+s17+$0x0] =	vst.idx.msk $0xffff, v27;
	v27 =	vadd.s32 $0x258000, v30  }
0x75: {  	s6 =	sadd.s32 $0x3100, s31;
	[tilespmem:v50+s18+$0x0] =	vst.idx.msk $0xffff, v27  }
0x76: {  	[tilespmem:s20], [sflag:$0x1] =	stream.indirect.gather [hbm4b:s4+s19], $0x1, s6, s19, $0xb8;
	[tilespmem:$0xFAC0] =	vst v63  }
0x77: {  	s7 =	sadd.s32 $0x7A80, s31  }
0x78: {  	[tilespmem:s21], [sflag:$0x2] =	stream.indirect.gather [hbm4b:s5+s19], $0x1, s7, s19, $0xb8;
	[tilespmem:$0xFAC0] =	vst v63  }
0x79: {  	s7 =	sadd.s32 $0x3180, s31  }
0x7a: {  	[tilespmem:s22], [sflag:$0x1] =	stream.indirect.gather [hbm4b:s4+s19], $0x1, s7, s19, $0xb8;
	[tilespmem:$0xFAC0] =	vst v63  }
0x7b: {  	s7 =	sadd.s32 $0x7B00, s31  }
0x7c: {  	[tilespmem:s23], [sflag:$0x2] =	stream.indirect.gather [hbm4b:s5+s19], $0x1, s7, s19, $0xb8;
	[tilespmem:$0xFAC0] =	vst v63  }
0x7d: {  	s7 =	sadd.s32 $0x3200, s31  }
0x7e: {  	[tilespmem:s24], [sflag:$0x1] =	stream.indirect.gather [hbm4b:s4+s19], $0x1, s7, s19, $0xb8;
	[tilespmem:$0xFAC0] =	vst v63  }
0x7f: {  	s31 =	sadd.s32 $0x7B80, s31  }
0x80: {  	[tilespmem:s25], [sflag:$0x2] =	stream.indirect.gather [hbm4b:s5+s19], $0x1, s31, s19, $0xb8;
	[tilespmem:$0xFAC0] =	vst v63  }
0x81: {  	_ =	swait.ge [sflag:s26], $0x80  }
0x82: {  	[sflag:s26] =	ssyncset.done $0x0  }
0x83: {  	[sflag:s26] =	ssyncadd.s32 $0xFFFFFF80  }
0x84: {  	_ =	swait.ge [sflag:s28], $0x80  }
0x85: {  	[sflag:s28] =	ssyncset.done $0x0  }
0x86: {  	[sflag:s28] =	ssyncadd.s32 $0xFFFFFF80  }
0x87: {  	_ =	swait.ge [sflag:s26], $0x80  }
0x88: {  	[sflag:s26] =	ssyncset.done $0x0  }
0x89: {  	[sflag:s26] =	ssyncadd.s32 $0xFFFFFF80  }
0x8a: {  	_ =	swait.ge [sflag:s28], $0x80  }
0x8b: {  	[sflag:s28] =	ssyncset.done $0x0  }
0x8c: {  	[sflag:s28] =	ssyncadd.s32 $0xFFFFFF80  }
0x8d: {  	_ =	swait.ge [sflag:s26], $0x80  }
0x8e: {  	[sflag:s26] =	ssyncset.done $0x0  }
0x8f: {  	[sflag:s26] =	ssyncadd.s32 $0xFFFFFF80  }
0x90: {  	_ =	swait.ge [sflag:s28], $0x80  }
0x91: {  	[sflag:s28] =	ssyncset.done $0x0  }
0x92: {  	[sflag:s28] =	ssyncadd.s32 $0xFFFFFF80  }
0x93: {  	v27 =	vld.idx.msk [tilespmem:v1+s20+$0x0], $0xffff  }
0x94: {  	v53 =	vld.idx.msk [tilespmem:v1+s21+$0x0], $0xffff  }
0x95: {  	v54 =	vld.idx.msk [tilespmem:v2+s20+$0x0], $0xffff  }
0x96: {  	v55 =	vld.idx.msk [tilespmem:v2+s21+$0x0], $0xffff  }
0x97: {  	v56 =	vld.idx.msk [tilespmem:v3+s20+$0x0], $0xffff  }
0x98: {  	v32 =	vld.idx.msk [tilespmem:v3+s21+$0x0], $0xffff  }
0x99: {  	v33 =	vld.idx.msk [tilespmem:v4+s20+$0x0], $0xffff  }
0x9a: {  	v34 =	vld.idx.msk [tilespmem:v4+s21+$0x0], $0xffff  }
0x9b: {  	v35 =	vld.idx.msk [tilespmem:v5+s20+$0x0], $0xffff  }
0x9c: {  	v36 =	vld.idx.msk [tilespmem:v5+s21+$0x0], $0xffff  }
0x9d: {  	v37 =	vld.idx.msk [tilespmem:v6+s20+$0x0], $0xffff  }
0x9e: {  	v38 =	vld.idx.msk [tilespmem:v6+s21+$0x0], $0xffff  }
0x9f: {  	v39 =	vld.idx.msk [tilespmem:v7+s20+$0x0], $0xffff  }
0xa0: {  	v40 =	vld.idx.msk [tilespmem:v7+s21+$0x0], $0xffff  }
0xa1: {  	v41 =	vld.idx.msk [tilespmem:v8+s20+$0x0], $0xffff  }
0xa2: {  	v42 =	vld.idx.msk [tilespmem:v8+s21+$0x0], $0xffff  }
0xa3: {  	v43 =	vld.idx.msk [tilespmem:v9+s20+$0x0], $0xffff  }
0xa4: {  	v44 =	vld.idx.msk [tilespmem:v9+s21+$0x0], $0xffff  }
0xa5: {  	v45 =	vld.idx.msk [tilespmem:v10+s20+$0x0], $0xffff  }
0xa6: {  	v46 =	vld.idx.msk [tilespmem:v10+s21+$0x0], $0xffff  }
0xa7: {  	v47 =	vld.idx.msk [tilespmem:v11+s20+$0x0], $0xffff  }
0xa8: {  	v48 =	vld.idx.msk [tilespmem:v11+s21+$0x0], $0xffff  }
0xa9: {  	v49 =	vld.idx.msk [tilespmem:v12+s20+$0x0], $0xffff  }
0xaa: {  	v50 =	vld.idx.msk [tilespmem:v12+s21+$0x0], $0xffff  }
0xab: {  	v29 =	vld.idx.msk [tilespmem:v13+s20+$0x0], $0xffff  }
0xac: {  	v30 =	vld.idx.msk [tilespmem:v13+s21+$0x0], $0xffff  }
0xad: {  	v51 =	vld.idx.msk [tilespmem:v14+s21+$0x0], $0xffff  }
0xae: {  	v52 =	vld.idx.msk [tilespmem:v17+s21+$0x0], $0xffff  }
0xaf: {  	v31 =	vsub.f32 v56, v32;
	v32 =	vld.idx.msk [tilespmem:v14+s20+$0x0], $0xffff  }
0xb0: {  	v27 =	vsub.f32 v27, v53;
	v59 =	vsub.f32 v35, v36;
	v35 =	vld.idx.msk [tilespmem:v15+s21+$0x0], $0xffff  }
0xb1: {  	v57 =	vsub.f32 v54, v55;
	v60 =	vsub.f32 v37, v38;
	v37 =	vld.idx.msk [tilespmem:v16+s21+$0x0], $0xffff  }
0xb2: {  	v61 =	vsub.f32 v39, v40;
	v40 =	vld.idx.msk [tilespmem:v17+s20+$0x0], $0xffff  }
0xb3: {  	v54 =	vld.idx.msk [tilespmem:v18+s20+$0x0], $0xffff;
	v27 =	vmul.f32 v27, v27;
	v28 =	vmul.f32 v57, v57  }
0xb4: {  	v58 =	vmul.f32 v31, v31;
	v31 =	vld.idx.msk [tilespmem:v15+s20+$0x0], $0xffff  }
0xb5: {  	v33 =	vsub.f32 v33, v34;
	v34 =	vmul.f32 v59, v59;
	v59 =	vld.idx.msk [tilespmem:v19+s20+$0x0], $0xffff;
	v27 =	vadd.f32 v28, v27  }
0xb6: {  	v62 =	vsub.f32 v41, v42;
	v53 =	vsub.f32 v43, v44;
	v38 =	vmul.f32 v61, v61;
	v61 =	vld.idx.msk [tilespmem:v19+s21+$0x0], $0xffff  }
0xb7: {  	v63 =	vmul.f32 v60, v60;
	v60 =	vsub.f32 v49, v50;
	v49 =	vld.idx.msk [tilespmem:v22+s20+$0x0], $0xffff;
	v27 =	vadd.f32 v58, v27  }
0xb8: {  	v55 =	vsub.f32 v45, v46;
	v56 =	vsub.f32 v47, v48;
	v33 =	vmul.f32 v33, v33;
	v50 =	vld.idx.msk [tilespmem:v22+s21+$0x0], $0xffff  }
0xb9: {  	v29 =	vsub.f32 v29, v30;
	v39 =	vmul.f32 v62, v62;
	v28 =	vld.idx.msk [tilespmem:v16+s20+$0x0], $0xffff;
	v27 =	vnsel vm1, $0x0, v27  }
0xba: {  	v46 =	vld.idx.msk [tilespmem:v21+s20+$0x0], $0xffff;
	v36 =	vmul.f32 v53, v53;
	v26 =	vadd.f32 v27, v26;
	v27 =	vadd.f32 v34, v33  }
0xbb: {  	v57 =	vld.idx.msk [tilespmem:v18+s21+$0x0], $0xffff;
	v42 =	vmul.f32 v55, v55;
	v48 =	vsub.f32 v32, v51;
	v58 =	vadd.f32 v39, v38  }
0xbc: {  	v47 =	vld.idx.msk [tilespmem:v21+s21+$0x0], $0xffff;
	v43 =	vmul.f32 v56, v56;
	v31 =	vsub.f32 v31, v35;
	v27 =	vadd.f32 v63, v27  }
0xbd: {  	v62 =	vld.idx.msk [tilespmem:v20+s20+$0x0], $0xffff;
	v29 =	vmul.f32 v29, v29;
	v38 =	vsub.f32 v59, v61;
	v32 =	vsub.f32 v49, v50  }
0xbe: {  	v33 =	vadd.f32 v36, v58;
	v28 =	vsub.f32 v28, v37;
	v63 =	vld.idx.msk [tilespmem:v20+s21+$0x0], $0xffff;
	v27 =	vnsel vm0, $0x0, v27  }
0xbf: {  	v53 =	vld.idx.msk [tilespmem:v23+s21+$0x0], $0xffff;
	v39 =	vmul.f32 v60, v60;
	v26 =	vadd.f32 v27, v26;
	v27 =	vadd.f32 v43, v42  }
0xc0: {  	v51 =	vld.idx.msk [tilespmem:v23+s20+$0x0], $0xffff;
	v30 =	vmul.f32 v48, v48;
	v34 =	vsub.f32 v40, v52;
	v52 =	vsub.f32 v54, v57  }
0xc1: {  	v54 =	vld.idx.msk [tilespmem:v24+s20+$0x0], $0xffff;
	v55 =	vmul.f32 v31, v31;
	v33 =	vnsel vm2, $0x0, v33;
	v27 =	vadd.f32 v39, v27  }
0xc2: {  	v57 =	vld.idx.msk [tilespmem:v24+s21+$0x0], $0xffff;
	v58 =	vsub.f32 v46, v47;
	v28 =	vmul.f32 v28, v28;
	v26 =	vadd.f32 v33, v26  }
0xc3: {  	v34 =	vmul.f32 v34, v34;
	v36 =	vsub.f32 v62, v63;
	v27 =	vnsel vm4, $0x0, v27  }
0xc4: {  	v59 =	vmul.f32 v38, v38;
	v26 =	vadd.f32 v27, v26;
	v27 =	vadd.f32 v30, v29  }
0xc5: {  	v35 =	vsub.f32 v51, v53;
	v56 =	vmul.f32 v52, v52;
	v28 =	vadd.f32 v34, v28  }
0xc6: {  	v32 =	vmul.f32 v32, v32;
	v60 =	vmul.f32 v36, v36;
	v27 =	vadd.f32 v55, v27  }
0xc7: {  	v61 =	vmul.f32 v35, v35;
	v28 =	vadd.f32 v56, v28;
	v29 =	vsub.f32 v54, v57  }
0xc8: {  	v30 =	vmul.f32 v58, v58;
	v31 =	vadd.f32 v60, v59;
	v27 =	vnsel vm3, $0x0, v27  }
0xc9: {  	v62 =	vadd.f32 v61, v32;
	v26 =	vadd.f32 v27, v26  }
0xca: {  	p0 =	sne.s32 s1, $0x4F0;
	v28 =	vnsel vm5, $0x0, v28;
	v29 =	vmul.f32 v29, v29;
	v27 =	vadd.f32 v30, v31  }
.Ltmp0:
0xcb: {  	v26 =	vadd.f32 v28, v26;
	(pc) =	sbr.rel @p0 .LBB2_2-.Ltmp0, $4  }
0xcc: {  	v63 =	vadd.f32 v29, v62;
	v27 =	vnsel vm6, $0x0, v27  }
0xcd: {  	v26 =	vadd.f32 v27, v26  }
0xce: {  	s30 =	sadd.s32 $0x600, s30;
	v27 =	vnsel vm7, $0x0, v63  }
0xcf: {  	s1 =	sadd.s32 $0x80, s1;
	s2 =	sadd.s32 $0x80, s2;
	s29 =	sadd.s32 $0x80, s29;
	v26 =	vadd.f32 v27, v26  }
0xd0: {  	_ = 	snop  }
0xd1: {  	[tilespmem:$0xFA20] =	vst v26;
	v26 =	vimm.f32 $0.0e+00  }
0xd2: {  	[tilespmem:$0xFA70] =	vst v26  }
0xd3: {  	[tilespmem:$0xFA80] =	vst v26  }
0xd4: {  	s1 =	simm.s32 $0x0;
	[tilespmem:$0xFA90] =	vst v26  }
0xd5: {  	[tilespmem:s1], [sflag:$0x3] =	stream.linear.gather [hbm4b:s8+s1], $0x1880, $0x38;
	[tilespmem:$0xFAC0] =	vst v63  }
0xd6: {  	_ =	swait.ge [sflag:s15], $0x1880  }
0xd7: {  	[sflag:s15] =	ssyncset.done $0x0  }
0xd8: {  	[sflag:s15] =	ssyncadd.s32 $0xFFFFE780  }
0xd9: {  	[tilespmem:s16], [sflag:$0x3] =	stream.linear.gather [hbm4b:s9+s1], $0x1880, $0x38;
	[tilespmem:$0xFAC0] =	vst v63  }
0xda: {  	_ =	swait.ge [sflag:s15], $0x1880  }
0xdb: {  	s2 =	simm.s32 $0x70;
	s29 =	simm.s32 $0xC740;
	[sflag:s15] =	ssyncset.done $0x0  }
0xdc: {  	s30 =	simm.s32 $0x18C0;
	s31 =	simm.s32 $0x40;
	[sflag:s15] =	ssyncadd.s32 $0xFFFFE780  }
.LBB2_4:
0xdd: {  	s6 =	sadd.s32 $0xFFFFFF90, s2  }
0xde: {  	v27 =	vor.u32 s6, v0  }
0xdf: {  	v29 =	vld [tilespmem:s31+$0xFFFFFFC0];
	v28 =	vmul.u32 $0x3, v27  }
0xe0: {  	v30 =	vld [tilespmem:s30+$0xFFFFFFC0];
	_ =	sdelay $0x1  }
0xe1: {  	v31 =	vadd.s32 $0x1, v28  }
0xe2: {  	vm0 =	vlt.u32 v27, $0x186A  }
0xe3: {  	v59 =	vadd.s32 $0x2, v28;
	v27 =	vnsel vm0, $0x0, v29  }
0xe4: {  	v30 =	vnsel vm0, $0x0, v30;
	[tilespmem:v28+s17+$0x0] =	vst.idx.msk $0xffff, v27  }
0xe5: {  	v60 =	vadd.s32 $0x12C000, v27;
	[tilespmem:v28+s18+$0x0] =	vst.idx.msk $0xffff, v30  }
0xe6: {  	v61 =	vadd.s32 $0x12C000, v30;
	[tilespmem:v31+s17+$0x0] =	vst.idx.msk $0xffff, v60  }
0xe7: {  	v27 =	vadd.s32 $0x258000, v27;
	[tilespmem:v31+s18+$0x0] =	vst.idx.msk $0xffff, v61  }
0xe8: {  	s7 =	sadd.s32 $0xFFFFFFA0, s2;
	[tilespmem:v59+s17+$0x0] =	vst.idx.msk $0xffff, v27;
	v27 =	vadd.s32 $0x258000, v30  }
0xe9: {  	[tilespmem:v59+s18+$0x0] =	vst.idx.msk $0xffff, v27;
	v27 =	vor.u32 s7, v0  }
0xea: {  	v62 =	vmul.u32 $0x3, v27;
	v29 =	vld [tilespmem:s31+$0xFFFFFFD0]  }
0xeb: {  	v63 =	vld [tilespmem:s30+$0xFFFFFFD0];
	_ =	sdelay $0x1  }
0xec: {  	v33 =	vadd.s32 $0x1, v62  }
0xed: {  	vm1 =	vlt.u32 v27, $0x186A  }
0xee: {  	v34 =	vadd.s32 $0x2, v62;
	v27 =	vnsel vm1, $0x0, v29  }
0xef: {  	v30 =	vnsel vm1, $0x0, v63;
	[tilespmem:v62+s17+$0x0] =	vst.idx.msk $0xffff, v27  }
0xf0: {  	v35 =	vadd.s32 $0x12C000, v27;
	[tilespmem:v62+s18+$0x0] =	vst.idx.msk $0xffff, v30  }
0xf1: {  	v36 =	vadd.s32 $0x12C000, v30;
	[tilespmem:v33+s17+$0x0] =	vst.idx.msk $0xffff, v35  }
0xf2: {  	v27 =	vadd.s32 $0x258000, v27;
	[tilespmem:v33+s18+$0x0] =	vst.idx.msk $0xffff, v36  }
0xf3: {  	s7 =	sadd.s32 $0xFFFFFFB0, s2;
	[tilespmem:v34+s17+$0x0] =	vst.idx.msk $0xffff, v27;
	v27 =	vadd.s32 $0x258000, v30  }
0xf4: {  	[tilespmem:v34+s18+$0x0] =	vst.idx.msk $0xffff, v27;
	v27 =	vor.u32 s7, v0  }
0xf5: {  	v37 =	vmul.u32 $0x3, v27;
	v29 =	vld [tilespmem:s31+$0xFFFFFFE0]  }
0xf6: {  	v38 =	vld [tilespmem:s30+$0xFFFFFFE0];
	_ =	sdelay $0x1  }
0xf7: {  	v39 =	vadd.s32 $0x1, v37  }
0xf8: {  	vm2 =	vlt.u32 v27, $0x186A  }
0xf9: {  	v40 =	vadd.s32 $0x2, v37;
	v27 =	vnsel vm2, $0x0, v29  }
0xfa: {  	v30 =	vnsel vm2, $0x0, v38;
	[tilespmem:v37+s17+$0x0] =	vst.idx.msk $0xffff, v27  }
0xfb: {  	v41 =	vadd.s32 $0x12C000, v27;
	[tilespmem:v37+s18+$0x0] =	vst.idx.msk $0xffff, v30  }
0xfc: {  	v42 =	vadd.s32 $0x12C000, v30;
	[tilespmem:v39+s17+$0x0] =	vst.idx.msk $0xffff, v41  }
0xfd: {  	v27 =	vadd.s32 $0x258000, v27;
	[tilespmem:v39+s18+$0x0] =	vst.idx.msk $0xffff, v42  }
0xfe: {  	s7 =	sadd.s32 $0xFFFFFFC0, s2;
	[tilespmem:v40+s17+$0x0] =	vst.idx.msk $0xffff, v27;
	v27 =	vadd.s32 $0x258000, v30  }
0xff: {  	[tilespmem:v40+s18+$0x0] =	vst.idx.msk $0xffff, v27;
	v27 =	vor.u32 s7, v0  }
0x100: {  	v43 =	vmul.u32 $0x3, v27;
	v29 =	vld [tilespmem:s31+$0xFFFFFFF0]  }
0x101: {  	v44 =	vld [tilespmem:s30+$0xFFFFFFF0];
	_ =	sdelay $0x1  }
0x102: {  	v45 =	vadd.s32 $0x1, v43  }
0x103: {  	vm3 =	vlt.u32 v27, $0x186A  }
0x104: {  	v46 =	vadd.s32 $0x2, v43;
	v27 =	vnsel vm3, $0x0, v29  }
0x105: {  	v30 =	vnsel vm3, $0x0, v44;
	[tilespmem:v43+s17+$0x0] =	vst.idx.msk $0xffff, v27  }
0x106: {  	v47 =	vadd.s32 $0x12C000, v27;
	[tilespmem:v43+s18+$0x0] =	vst.idx.msk $0xffff, v30  }
0x107: {  	v48 =	vadd.s32 $0x12C000, v30;
	[tilespmem:v45+s17+$0x0] =	vst.idx.msk $0xffff, v47  }
0x108: {  	v27 =	vadd.s32 $0x258000, v27;
	[tilespmem:v45+s18+$0x0] =	vst.idx.msk $0xffff, v48  }
0x109: {  	s7 =	sadd.s32 $0xFFFFFFD0, s2;
	[tilespmem:v46+s17+$0x0] =	vst.idx.msk $0xffff, v27;
	v27 =	vadd.s32 $0x258000, v30  }
0x10a: {  	[tilespmem:v46+s18+$0x0] =	vst.idx.msk $0xffff, v27;
	v27 =	vor.u32 s7, v0  }
0x10b: {  	v49 =	vmul.u32 $0x3, v27;
	v29 =	vld [tilespmem:s31+$0x0]  }
0x10c: {  	v50 =	vld [tilespmem:s30+$0x0];
	_ =	sdelay $0x1  }
0x10d: {  	v51 =	vadd.s32 $0x1, v49  }
0x10e: {  	vm4 =	vlt.u32 v27, $0x186A  }
0x10f: {  	v52 =	vadd.s32 $0x2, v49;
	v27 =	vnsel vm4, $0x0, v29  }
0x110: {  	v30 =	vnsel vm4, $0x0, v50;
	[tilespmem:v49+s17+$0x0] =	vst.idx.msk $0xffff, v27  }
0x111: {  	v53 =	vadd.s32 $0x12C000, v27;
	[tilespmem:v49+s18+$0x0] =	vst.idx.msk $0xffff, v30  }
0x112: {  	v54 =	vadd.s32 $0x12C000, v30;
	[tilespmem:v51+s17+$0x0] =	vst.idx.msk $0xffff, v53  }
0x113: {  	v27 =	vadd.s32 $0x258000, v27;
	[tilespmem:v51+s18+$0x0] =	vst.idx.msk $0xffff, v54  }
0x114: {  	s7 =	sadd.s32 $0xFFFFFFE0, s2;
	[tilespmem:v52+s17+$0x0] =	vst.idx.msk $0xffff, v27;
	v27 =	vadd.s32 $0x258000, v30  }
0x115: {  	[tilespmem:v52+s18+$0x0] =	vst.idx.msk $0xffff, v27;
	v27 =	vor.u32 s7, v0  }
0x116: {  	v55 =	vmul.u32 $0x3, v27;
	v29 =	vld [tilespmem:s31+$0x10]  }
0x117: {  	v56 =	vld [tilespmem:s30+$0x10];
	_ =	sdelay $0x1  }
0x118: {  	v57 =	vadd.s32 $0x1, v55  }
0x119: {  	vm5 =	vlt.u32 v27, $0x186A  }
0x11a: {  	v58 =	vadd.s32 $0x2, v55;
	v27 =	vnsel vm5, $0x0, v29  }
0x11b: {  	v30 =	vnsel vm5, $0x0, v56;
	[tilespmem:v55+s17+$0x0] =	vst.idx.msk $0xffff, v27  }
0x11c: {  	v59 =	vadd.s32 $0x12C000, v27;
	[tilespmem:v55+s18+$0x0] =	vst.idx.msk $0xffff, v30  }
0x11d: {  	v60 =	vadd.s32 $0x12C000, v30;
	[tilespmem:v57+s17+$0x0] =	vst.idx.msk $0xffff, v59  }
0x11e: {  	v27 =	vadd.s32 $0x258000, v27;
	[tilespmem:v57+s18+$0x0] =	vst.idx.msk $0xffff, v60  }
0x11f: {  	s7 =	sadd.s32 $0xFFFFFFF0, s2;
	[tilespmem:v58+s17+$0x0] =	vst.idx.msk $0xffff, v27;
	v27 =	vadd.s32 $0x258000, v30  }
0x120: {  	[tilespmem:v58+s18+$0x0] =	vst.idx.msk $0xffff, v27;
	v27 =	vor.u32 s7, v0  }
0x121: {  	v61 =	vmul.u32 $0x3, v27;
	v29 =	vld [tilespmem:s31+$0x20]  }
0x122: {  	v62 =	vld [tilespmem:s30+$0x20];
	_ =	sdelay $0x1  }
0x123: {  	v63 =	vadd.s32 $0x1, v61  }
0x124: {  	vm6 =	vlt.u32 v27, $0x186A  }
0x125: {  	v33 =	vadd.s32 $0x2, v61;
	v27 =	vnsel vm6, $0x0, v29  }
0x126: {  	v30 =	vnsel vm6, $0x0, v62;
	[tilespmem:v61+s17+$0x0] =	vst.idx.msk $0xffff, v27  }
0x127: {  	v34 =	vadd.s32 $0x12C000, v27;
	[tilespmem:v61+s18+$0x0] =	vst.idx.msk $0xffff, v30  }
0x128: {  	v35 =	vadd.s32 $0x12C000, v30;
	[tilespmem:v63+s17+$0x0] =	vst.idx.msk $0xffff, v34  }
0x129: {  	v27 =	vadd.s32 $0x258000, v27;
	[tilespmem:v63+s18+$0x0] =	vst.idx.msk $0xffff, v35  }
0x12a: {  	[tilespmem:v33+s17+$0x0] =	vst.idx.msk $0xffff, v27;
	v27 =	vadd.s32 $0x258000, v30  }
0x12b: {  	[tilespmem:v33+s18+$0x0] =	vst.idx.msk $0xffff, v27;
	v27 =	vor.u32 s2, v0  }
0x12c: {  	v36 =	vmul.u32 $0x3, v27;
	v29 =	vld [tilespmem:s31+$0x30]  }
0x12d: {  	v37 =	vld [tilespmem:s30+$0x30];
	_ =	sdelay $0x1  }
0x12e: {  	v38 =	vadd.s32 $0x1, v36  }
0x12f: {  	vm7 =	vlt.u32 v27, $0x186A  }
0x130: {  	v39 =	vadd.s32 $0x2, v36;
	v27 =	vnsel vm7, $0x0, v29  }
0x131: {  	v30 =	vnsel vm7, $0x0, v37;
	[tilespmem:v36+s17+$0x0] =	vst.idx.msk $0xffff, v27  }
0x132: {  	v40 =	vadd.s32 $0x12C000, v27;
	[tilespmem:v36+s18+$0x0] =	vst.idx.msk $0xffff, v30  }
0x133: {  	v41 =	vadd.s32 $0x12C000, v30;
	[tilespmem:v38+s17+$0x0] =	vst.idx.msk $0xffff, v40  }
0x134: {  	v27 =	vadd.s32 $0x258000, v27;
	[tilespmem:v38+s18+$0x0] =	vst.idx.msk $0xffff, v41  }
0x135: {  	s6 =	sshra.s32 s1, $0x2;
	[tilespmem:v39+s17+$0x0] =	vst.idx.msk $0xffff, v27;
	v27 =	vadd.s32 $0x258000, v30  }
0x136: {  	s7 =	sadd.s32 $0x3100, s6;
	[tilespmem:v39+s18+$0x0] =	vst.idx.msk $0xffff, v27  }
0x137: {  	[tilespmem:s20], [sflag:$0x1] =	stream.indirect.gather [hbm4b:s4+s19], $0x1, s7, s19, $0xb8;
	[tilespmem:$0xFAC0] =	vst v63  }
0x138: {  	s7 =	sadd.s32 $0x7A80, s6  }
0x139: {  	[tilespmem:s21], [sflag:$0x2] =	stream.indirect.gather [hbm4b:s5+s19], $0x1, s7, s19, $0xb8;
	[tilespmem:$0xFAC0] =	vst v63  }
0x13a: {  	s7 =	sadd.s32 $0x3180, s6  }
0x13b: {  	[tilespmem:s22], [sflag:$0x1] =	stream.indirect.gather [hbm4b:s4+s19], $0x1, s7, s19, $0xb8;
	[tilespmem:$0xFAC0] =	vst v63  }
0x13c: {  	s7 =	sadd.s32 $0x7B00, s6  }
0x13d: {  	[tilespmem:s23], [sflag:$0x2] =	stream.indirect.gather [hbm4b:s5+s19], $0x1, s7, s19, $0xb8;
	[tilespmem:$0xFAC0] =	vst v63  }
0x13e: {  	s7 =	sadd.s32 $0x3200, s6  }
0x13f: {  	[tilespmem:s24], [sflag:$0x1] =	stream.indirect.gather [hbm4b:s4+s19], $0x1, s7, s19, $0xb8;
	[tilespmem:$0xFAC0] =	vst v63  }
0x140: {  	s6 =	sadd.s32 $0x7B80, s6  }
0x141: {  	[tilespmem:s25], [sflag:$0x2] =	stream.indirect.gather [hbm4b:s5+s19], $0x1, s6, s19, $0xb8;
	[tilespmem:$0xFAC0] =	vst v63  }
0x142: {  	_ =	swait.ge [sflag:s26], $0x80  }
0x143: {  	[sflag:s26] =	ssyncset.done $0x0  }
0x144: {  	[sflag:s26] =	ssyncadd.s32 $0xFFFFFF80  }
0x145: {  	_ =	swait.ge [sflag:s28], $0x80  }
0x146: {  	[sflag:s28] =	ssyncset.done $0x0  }
0x147: {  	[sflag:s28] =	ssyncadd.s32 $0xFFFFFF80  }
0x148: {  	_ =	swait.ge [sflag:s26], $0x80  }
0x149: {  	[sflag:s26] =	ssyncset.done $0x0  }
0x14a: {  	[sflag:s26] =	ssyncadd.s32 $0xFFFFFF80  }
0x14b: {  	_ =	swait.ge [sflag:s28], $0x80  }
0x14c: {  	[sflag:s28] =	ssyncset.done $0x0  }
0x14d: {  	[sflag:s28] =	ssyncadd.s32 $0xFFFFFF80  }
0x14e: {  	_ =	swait.ge [sflag:s26], $0x80  }
0x14f: {  	[sflag:s26] =	ssyncset.done $0x0  }
0x150: {  	[sflag:s26] =	ssyncadd.s32 $0xFFFFFF80  }
0x151: {  	_ =	swait.ge [sflag:s28], $0x80  }
0x152: {  	[sflag:s28] =	ssyncset.done $0x0  }
0x153: {  	[sflag:s28] =	ssyncadd.s32 $0xFFFFFF80  }
0x154: {  	v27 =	vld.idx.msk [tilespmem:v1+s20+$0x0], $0xffff  }
0x155: {  	v42 =	vld.idx.msk [tilespmem:v1+s21+$0x0], $0xffff  }
0x156: {  	v43 =	vld.idx.msk [tilespmem:v2+s20+$0x0], $0xffff  }
0x157: {  	v44 =	vld.idx.msk [tilespmem:v2+s21+$0x0], $0xffff  }
0x158: {  	v45 =	vld.idx.msk [tilespmem:v3+s20+$0x0], $0xffff  }
0x159: {  	v32 =	vld.idx.msk [tilespmem:v3+s21+$0x0], $0xffff;
	_ =	sdelay $0x2  }
0x15a: {  	v27 =	vsub.f32 v27, v42;
	v46 =	vsub.f32 v43, v44;
	_ =	sdelay $0x1  }
0x15b: {  	v47 =	vsub.f32 v45, v32;
	v27 =	vmul.f32 v27, v27;
	v28 =	vmul.f32 v46, v46;
	_ =	sdelay $0x1  }
0x15c: {  	v48 =	vmul.f32 v47, v47;
	v27 =	vadd.f32 v28, v27;
	_ =	sdelay $0x1  }
0x15d: {  	v27 =	vadd.f32 v48, v27;
	_ =	sdelay $0x1  }
0x15e: {  	v28 =	vshrl.u32 v27, $0x1;
	v49 =	vmul.f32 $5.000000000e-01, v27  }
0x15f: {  	v28 =	vsub.s32 $0x5F3759DF, v28  }
0x160: {  	v50 =	vmul.f32 v28, v49;
	_ =	sdelay $0x1  }
0x161: {  	v30 =	vmul.f32 v28, v50;
	_ =	sdelay $0x1  }
0x162: {  	v30 =	vsub.f32 $1.500000000e+00, v30;
	_ =	sdelay $0x1  }
0x163: {  	v28 =	vmul.f32 v28, v30;
	_ =	sdelay $0x1  }
0x164: {  	v30 =	vmul.f32 v28, v49;
	_ =	sdelay $0x1  }
0x165: {  	v30 =	vmul.f32 v30, v28;
	_ =	sdelay $0x1  }
0x166: {  	v30 =	vsub.f32 $1.500000000e+00, v30;
	_ =	sdelay $0x1  }
0x167: {  	v28 =	vmul.f32 v30, v28;
	_ =	sdelay $0x1  }
0x168: {  	v29 =	vmul.f32 v28, v49;
	_ =	sdelay $0x1  }
0x169: {  	v29 =	vmul.f32 v29, v28;
	_ =	sdelay $0x1  }
0x16a: {  	v29 =	vsub.f32 $1.500000000e+00, v29;
	_ =	sdelay $0x1  }
0x16b: {  	v28 =	vmul.f32 v29, v28;
	_ =	sdelay $0x1  }
0x16c: {  	v28 =	vmul.f32 v28, v27  }
0x16d: {  	vm8 =	vgt.f32 v27, $0.0e+00  }
0x16e: {  	v27 =	vnsel vm8, $0x0, v28  }
0x16f: {  	v28 =	vnsel vm0, $0x7149F2CA, v27  }
0x170: {  	[tilespmem:s29+$0xFFFFFFC0] =	vst v28  }
0x171: {  	v28 =	vld.idx.msk [tilespmem:v4+s20+$0x0], $0xffff  }
0x172: {  	v51 =	vld.idx.msk [tilespmem:v4+s21+$0x0], $0xffff  }
0x173: {  	v52 =	vld.idx.msk [tilespmem:v5+s20+$0x0], $0xffff  }
0x174: {  	v53 =	vld.idx.msk [tilespmem:v5+s21+$0x0], $0xffff  }
0x175: {  	v54 =	vld.idx.msk [tilespmem:v6+s20+$0x0], $0xffff  }
0x176: {  	v33 =	vld.idx.msk [tilespmem:v6+s21+$0x0], $0xffff;
	_ =	sdelay $0x2  }
0x177: {  	v28 =	vsub.f32 v28, v51;
	v55 =	vsub.f32 v52, v53;
	_ =	sdelay $0x1  }
0x178: {  	v56 =	vsub.f32 v54, v33;
	v28 =	vmul.f32 v28, v28;
	v29 =	vmul.f32 v55, v55;
	_ =	sdelay $0x1  }
0x179: {  	v57 =	vmul.f32 v56, v56;
	v28 =	vadd.f32 v29, v28;
	_ =	sdelay $0x1  }
0x17a: {  	v28 =	vadd.f32 v57, v28;
	_ =	sdelay $0x1  }
0x17b: {  	v29 =	vshrl.u32 v28, $0x1;
	v58 =	vmul.f32 $5.000000000e-01, v28  }
0x17c: {  	v29 =	vsub.s32 $0x5F3759DF, v29  }
0x17d: {  	v59 =	vmul.f32 v29, v58;
	_ =	sdelay $0x1  }
0x17e: {  	v31 =	vmul.f32 v29, v59;
	_ =	sdelay $0x1  }
0x17f: {  	v31 =	vsub.f32 $1.500000000e+00, v31;
	_ =	sdelay $0x1  }
0x180: {  	v29 =	vmul.f32 v29, v31;
	_ =	sdelay $0x1  }
0x181: {  	v31 =	vmul.f32 v29, v58;
	_ =	sdelay $0x1  }
0x182: {  	v31 =	vmul.f32 v31, v29;
	_ =	sdelay $0x1  }
0x183: {  	v31 =	vsub.f32 $1.500000000e+00, v31;
	_ =	sdelay $0x1  }
0x184: {  	v29 =	vmul.f32 v31, v29;
	_ =	sdelay $0x1  }
0x185: {  	v30 =	vmul.f32 v29, v58;
	_ =	sdelay $0x1  }
0x186: {  	v30 =	vmul.f32 v30, v29;
	_ =	sdelay $0x1  }
0x187: {  	v30 =	vsub.f32 $1.500000000e+00, v30;
	_ =	sdelay $0x1  }
0x188: {  	v29 =	vmul.f32 v30, v29;
	_ =	sdelay $0x1  }
0x189: {  	v29 =	vmul.f32 v29, v28  }
0x18a: {  	vm13 =	vgt.f32 v28, $0.0e+00  }
0x18b: {  	v28 =	vnsel vm13, $0x0, v29  }
0x18c: {  	v29 =	vnsel vm1, $0x7149F2CA, v28  }
0x18d: {  	[tilespmem:s29+$0xFFFFFFD0] =	vst v29  }
0x18e: {  	v29 =	vld.idx.msk [tilespmem:v7+s20+$0x0], $0xffff  }
0x18f: {  	v60 =	vld.idx.msk [tilespmem:v7+s21+$0x0], $0xffff  }
0x190: {  	v61 =	vld.idx.msk [tilespmem:v8+s20+$0x0], $0xffff  }
0x191: {  	v62 =	vld.idx.msk [tilespmem:v8+s21+$0x0], $0xffff  }
0x192: {  	v63 =	vld.idx.msk [tilespmem:v9+s20+$0x0], $0xffff  }
0x193: {  	v34 =	vld.idx.msk [tilespmem:v9+s21+$0x0], $0xffff;
	_ =	sdelay $0x2  }
0x194: {  	v29 =	vsub.f32 v29, v60;
	v36 =	vsub.f32 v61, v62;
	_ =	sdelay $0x1  }
0x195: {  	v37 =	vsub.f32 v63, v34;
	v29 =	vmul.f32 v29, v29;
	v30 =	vmul.f32 v36, v36;
	_ =	sdelay $0x1  }
0x196: {  	v38 =	vmul.f32 v37, v37;
	v29 =	vadd.f32 v30, v29;
	_ =	sdelay $0x1  }
0x197: {  	v29 =	vadd.f32 v38, v29;
	_ =	sdelay $0x1  }
0x198: {  	v30 =	vshrl.u32 v29, $0x1;
	v39 =	vmul.f32 $5.000000000e-01, v29  }
0x199: {  	v30 =	vsub.s32 $0x5F3759DF, v30  }
0x19a: {  	v40 =	vmul.f32 v30, v39;
	_ =	sdelay $0x1  }
0x19b: {  	v32 =	vmul.f32 v30, v40;
	_ =	sdelay $0x1  }
0x19c: {  	v32 =	vsub.f32 $1.500000000e+00, v32;
	_ =	sdelay $0x1  }
0x19d: {  	v30 =	vmul.f32 v30, v32;
	_ =	sdelay $0x1  }
0x19e: {  	v32 =	vmul.f32 v30, v39;
	_ =	sdelay $0x1  }
0x19f: {  	v32 =	vmul.f32 v32, v30;
	_ =	sdelay $0x1  }
0x1a0: {  	v32 =	vsub.f32 $1.500000000e+00, v32;
	_ =	sdelay $0x1  }
0x1a1: {  	v30 =	vmul.f32 v32, v30;
	_ =	sdelay $0x1  }
0x1a2: {  	v31 =	vmul.f32 v30, v39;
	_ =	sdelay $0x1  }
0x1a3: {  	v31 =	vmul.f32 v31, v30;
	_ =	sdelay $0x1  }
0x1a4: {  	v31 =	vsub.f32 $1.500000000e+00, v31;
	_ =	sdelay $0x1  }
0x1a5: {  	v30 =	vmul.f32 v31, v30;
	_ =	sdelay $0x1  }
0x1a6: {  	v30 =	vmul.f32 v30, v29  }
0x1a7: {  	vm14 =	vgt.f32 v29, $0.0e+00  }
0x1a8: {  	v29 =	vnsel vm14, $0x0, v30  }
0x1a9: {  	v30 =	vnsel vm2, $0x7149F2CA, v29  }
0x1aa: {  	[tilespmem:s29+$0xFFFFFFE0] =	vst v30  }
0x1ab: {  	v30 =	vld.idx.msk [tilespmem:v10+s20+$0x0], $0xffff  }
0x1ac: {  	v41 =	vld.idx.msk [tilespmem:v10+s21+$0x0], $0xffff  }
0x1ad: {  	v42 =	vld.idx.msk [tilespmem:v11+s20+$0x0], $0xffff  }
0x1ae: {  	v43 =	vld.idx.msk [tilespmem:v11+s21+$0x0], $0xffff  }
0x1af: {  	v44 =	vld.idx.msk [tilespmem:v12+s20+$0x0], $0xffff  }
0x1b0: {  	v35 =	vld.idx.msk [tilespmem:v12+s21+$0x0], $0xffff;
	_ =	sdelay $0x2  }
0x1b1: {  	v30 =	vsub.f32 v30, v41;
	v45 =	vsub.f32 v42, v43;
	_ =	sdelay $0x1  }
0x1b2: {  	v46 =	vsub.f32 v44, v35;
	v30 =	vmul.f32 v30, v30;
	v31 =	vmul.f32 v45, v45;
	_ =	sdelay $0x1  }
0x1b3: {  	v47 =	vmul.f32 v46, v46;
	v30 =	vadd.f32 v31, v30;
	_ =	sdelay $0x1  }
0x1b4: {  	v30 =	vadd.f32 v47, v30;
	_ =	sdelay $0x1  }
0x1b5: {  	v31 =	vshrl.u32 v30, $0x1;
	v48 =	vmul.f32 $5.000000000e-01, v30  }
0x1b6: {  	v31 =	vsub.s32 $0x5F3759DF, v31  }
0x1b7: {  	v49 =	vmul.f32 v31, v48;
	_ =	sdelay $0x1  }
0x1b8: {  	v33 =	vmul.f32 v31, v49;
	_ =	sdelay $0x1  }
0x1b9: {  	v33 =	vsub.f32 $1.500000000e+00, v33;
	_ =	sdelay $0x1  }
0x1ba: {  	v31 =	vmul.f32 v31, v33;
	_ =	sdelay $0x1  }
0x1bb: {  	v33 =	vmul.f32 v31, v48;
	_ =	sdelay $0x1  }
0x1bc: {  	v33 =	vmul.f32 v33, v31;
	_ =	sdelay $0x1  }
0x1bd: {  	v33 =	vsub.f32 $1.500000000e+00, v33;
	_ =	sdelay $0x1  }
0x1be: {  	v31 =	vmul.f32 v33, v31;
	_ =	sdelay $0x1  }
0x1bf: {  	v32 =	vmul.f32 v31, v48;
	_ =	sdelay $0x1  }
0x1c0: {  	v32 =	vmul.f32 v32, v31;
	_ =	sdelay $0x1  }
0x1c1: {  	v32 =	vsub.f32 $1.500000000e+00, v32;
	_ =	sdelay $0x1  }
0x1c2: {  	v31 =	vmul.f32 v32, v31;
	_ =	sdelay $0x1  }
0x1c3: {  	v31 =	vmul.f32 v31, v30  }
0x1c4: {  	vm15 =	vgt.f32 v30, $0.0e+00  }
0x1c5: {  	v30 =	vnsel vm15, $0x0, v31  }
0x1c6: {  	v31 =	vnsel vm3, $0x7149F2CA, v30  }
0x1c7: {  	[tilespmem:s29+$0xFFFFFFF0] =	vst v31  }
0x1c8: {  	v31 =	vld.idx.msk [tilespmem:v13+s20+$0x0], $0xffff  }
0x1c9: {  	v50 =	vld.idx.msk [tilespmem:v13+s21+$0x0], $0xffff  }
0x1ca: {  	v51 =	vld.idx.msk [tilespmem:v14+s20+$0x0], $0xffff  }
0x1cb: {  	v52 =	vld.idx.msk [tilespmem:v14+s21+$0x0], $0xffff  }
0x1cc: {  	v53 =	vld.idx.msk [tilespmem:v15+s20+$0x0], $0xffff  }
0x1cd: {  	v36 =	vld.idx.msk [tilespmem:v15+s21+$0x0], $0xffff;
	_ =	sdelay $0x2  }
0x1ce: {  	v31 =	vsub.f32 v31, v50;
	v54 =	vsub.f32 v51, v52;
	_ =	sdelay $0x1  }
0x1cf: {  	v55 =	vsub.f32 v53, v36;
	v31 =	vmul.f32 v31, v31;
	v32 =	vmul.f32 v54, v54;
	_ =	sdelay $0x1  }
0x1d0: {  	v56 =	vmul.f32 v55, v55;
	v31 =	vadd.f32 v32, v31;
	_ =	sdelay $0x1  }
0x1d1: {  	v31 =	vadd.f32 v56, v31;
	_ =	sdelay $0x1  }
0x1d2: {  	v32 =	vshrl.u32 v31, $0x1;
	v57 =	vmul.f32 $5.000000000e-01, v31  }
0x1d3: {  	v32 =	vsub.s32 $0x5F3759DF, v32  }
0x1d4: {  	v58 =	vmul.f32 v32, v57;
	_ =	sdelay $0x1  }
0x1d5: {  	v34 =	vmul.f32 v32, v58;
	_ =	sdelay $0x1  }
0x1d6: {  	v34 =	vsub.f32 $1.500000000e+00, v34;
	_ =	sdelay $0x1  }
0x1d7: {  	v32 =	vmul.f32 v32, v34;
	_ =	sdelay $0x1  }
0x1d8: {  	v34 =	vmul.f32 v32, v57;
	_ =	sdelay $0x1  }
0x1d9: {  	v34 =	vmul.f32 v34, v32;
	_ =	sdelay $0x1  }
0x1da: {  	v34 =	vsub.f32 $1.500000000e+00, v34;
	_ =	sdelay $0x1  }
0x1db: {  	v32 =	vmul.f32 v34, v32;
	_ =	sdelay $0x1  }
0x1dc: {  	v33 =	vmul.f32 v32, v57;
	_ =	sdelay $0x1  }
0x1dd: {  	v33 =	vmul.f32 v33, v32;
	_ =	sdelay $0x1  }
0x1de: {  	v33 =	vsub.f32 $1.500000000e+00, v33;
	_ =	sdelay $0x1  }
0x1df: {  	v32 =	vmul.f32 v33, v32;
	_ =	sdelay $0x1  }
0x1e0: {  	v32 =	vmul.f32 v32, v31  }
0x1e1: {  	vm12 =	vgt.f32 v31, $0.0e+00  }
0x1e2: {  	v31 =	vnsel vm12, $0x0, v32  }
0x1e3: {  	v32 =	vnsel vm4, $0x7149F2CA, v31  }
0x1e4: {  	[tilespmem:s29+$0x0] =	vst v32  }
0x1e5: {  	v32 =	vld.idx.msk [tilespmem:v16+s20+$0x0], $0xffff  }
0x1e6: {  	v59 =	vld.idx.msk [tilespmem:v16+s21+$0x0], $0xffff  }
0x1e7: {  	v60 =	vld.idx.msk [tilespmem:v17+s20+$0x0], $0xffff  }
0x1e8: {  	v61 =	vld.idx.msk [tilespmem:v17+s21+$0x0], $0xffff  }
0x1e9: {  	v62 =	vld.idx.msk [tilespmem:v18+s20+$0x0], $0xffff  }
0x1ea: {  	v37 =	vld.idx.msk [tilespmem:v18+s21+$0x0], $0xffff;
	_ =	sdelay $0x2  }
0x1eb: {  	v32 =	vsub.f32 v32, v59;
	v63 =	vsub.f32 v60, v61;
	_ =	sdelay $0x1  }
0x1ec: {  	v36 =	vsub.f32 v62, v37;
	v32 =	vmul.f32 v32, v32;
	v33 =	vmul.f32 v63, v63;
	_ =	sdelay $0x1  }
0x1ed: {  	v37 =	vmul.f32 v36, v36;
	v32 =	vadd.f32 v33, v32;
	_ =	sdelay $0x1  }
0x1ee: {  	v32 =	vadd.f32 v37, v32;
	_ =	sdelay $0x1  }
0x1ef: {  	v33 =	vshrl.u32 v32, $0x1;
	v38 =	vmul.f32 $5.000000000e-01, v32  }
0x1f0: {  	v33 =	vsub.s32 $0x5F3759DF, v33  }
0x1f1: {  	v39 =	vmul.f32 v33, v38;
	_ =	sdelay $0x1  }
0x1f2: {  	v35 =	vmul.f32 v33, v39;
	_ =	sdelay $0x1  }
0x1f3: {  	v35 =	vsub.f32 $1.500000000e+00, v35;
	_ =	sdelay $0x1  }
0x1f4: {  	v33 =	vmul.f32 v33, v35;
	_ =	sdelay $0x1  }
0x1f5: {  	v35 =	vmul.f32 v33, v38;
	_ =	sdelay $0x1  }
0x1f6: {  	v35 =	vmul.f32 v35, v33;
	_ =	sdelay $0x1  }
0x1f7: {  	v35 =	vsub.f32 $1.500000000e+00, v35;
	_ =	sdelay $0x1  }
0x1f8: {  	v33 =	vmul.f32 v35, v33;
	_ =	sdelay $0x1  }
0x1f9: {  	v34 =	vmul.f32 v33, v38;
	_ =	sdelay $0x1  }
0x1fa: {  	v34 =	vmul.f32 v34, v33;
	_ =	sdelay $0x1  }
0x1fb: {  	v34 =	vsub.f32 $1.500000000e+00, v34;
	_ =	sdelay $0x1  }
0x1fc: {  	v33 =	vmul.f32 v34, v33;
	_ =	sdelay $0x1  }
0x1fd: {  	v33 =	vmul.f32 v33, v32  }
0x1fe: {  	vm13 =	vgt.f32 v32, $0.0e+00  }
0x1ff: {  	v32 =	vnsel vm13, $0x0, v33  }
0x200: {  	v33 =	vnsel vm5, $0x7149F2CA, v32  }
0x201: {  	[tilespmem:s29+$0x10] =	vst v33  }
0x202: {  	v33 =	vld.idx.msk [tilespmem:v19+s20+$0x0], $0xffff  }
0x203: {  	v40 =	vld.idx.msk [tilespmem:v19+s21+$0x0], $0xffff  }
0x204: {  	v41 =	vld.idx.msk [tilespmem:v20+s20+$0x0], $0xffff  }
0x205: {  	v42 =	vld.idx.msk [tilespmem:v20+s21+$0x0], $0xffff  }
0x206: {  	v43 =	vld.idx.msk [tilespmem:v21+s20+$0x0], $0xffff  }
0x207: {  	v38 =	vld.idx.msk [tilespmem:v21+s21+$0x0], $0xffff;
	_ =	sdelay $0x2  }
0x208: {  	v33 =	vsub.f32 v33, v40;
	v44 =	vsub.f32 v41, v42;
	_ =	sdelay $0x1  }
0x209: {  	v45 =	vsub.f32 v43, v38;
	v33 =	vmul.f32 v33, v33;
	v34 =	vmul.f32 v44, v44;
	_ =	sdelay $0x1  }
0x20a: {  	v46 =	vmul.f32 v45, v45;
	v33 =	vadd.f32 v34, v33;
	_ =	sdelay $0x1  }
0x20b: {  	v33 =	vadd.f32 v46, v33;
	_ =	sdelay $0x1  }
0x20c: {  	v34 =	vshrl.u32 v33, $0x1;
	v47 =	vmul.f32 $5.000000000e-01, v33  }
0x20d: {  	v34 =	vsub.s32 $0x5F3759DF, v34  }
0x20e: {  	v48 =	vmul.f32 v34, v47;
	_ =	sdelay $0x1  }
0x20f: {  	v36 =	vmul.f32 v34, v48;
	_ =	sdelay $0x1  }
0x210: {  	v36 =	vsub.f32 $1.500000000e+00, v36;
	_ =	sdelay $0x1  }
0x211: {  	v34 =	vmul.f32 v34, v36;
	_ =	sdelay $0x1  }
0x212: {  	v36 =	vmul.f32 v34, v47;
	_ =	sdelay $0x1  }
0x213: {  	v36 =	vmul.f32 v36, v34;
	_ =	sdelay $0x1  }
0x214: {  	v36 =	vsub.f32 $1.500000000e+00, v36;
	_ =	sdelay $0x1  }
0x215: {  	v34 =	vmul.f32 v36, v34;
	_ =	sdelay $0x1  }
0x216: {  	v35 =	vmul.f32 v34, v47;
	_ =	sdelay $0x1  }
0x217: {  	v35 =	vmul.f32 v35, v34;
	_ =	sdelay $0x1  }
0x218: {  	v35 =	vsub.f32 $1.500000000e+00, v35;
	_ =	sdelay $0x1  }
0x219: {  	v34 =	vmul.f32 v35, v34;
	_ =	sdelay $0x1  }
0x21a: {  	v34 =	vmul.f32 v34, v33  }
0x21b: {  	vm14 =	vgt.f32 v33, $0.0e+00  }
0x21c: {  	v33 =	vnsel vm14, $0x0, v34  }
0x21d: {  	v34 =	vnsel vm6, $0x7149F2CA, v33  }
0x21e: {  	[tilespmem:s29+$0x20] =	vst v34  }
0x21f: {  	v34 =	vld.idx.msk [tilespmem:v22+s20+$0x0], $0xffff  }
0x220: {  	v49 =	vld.idx.msk [tilespmem:v22+s21+$0x0], $0xffff  }
0x221: {  	v50 =	vld.idx.msk [tilespmem:v23+s20+$0x0], $0xffff  }
0x222: {  	v51 =	vld.idx.msk [tilespmem:v23+s21+$0x0], $0xffff  }
0x223: {  	v52 =	vld.idx.msk [tilespmem:v24+s20+$0x0], $0xffff  }
0x224: {  	v39 =	vld.idx.msk [tilespmem:v24+s21+$0x0], $0xffff;
	_ =	sdelay $0x2  }
0x225: {  	v34 =	vsub.f32 v34, v49;
	v53 =	vsub.f32 v50, v51;
	_ =	sdelay $0x1  }
0x226: {  	v54 =	vsub.f32 v52, v39;
	v34 =	vmul.f32 v34, v34;
	v35 =	vmul.f32 v53, v53;
	_ =	sdelay $0x1  }
0x227: {  	v55 =	vmul.f32 v54, v54;
	v34 =	vadd.f32 v35, v34;
	_ =	sdelay $0x1  }
0x228: {  	v34 =	vadd.f32 v55, v34;
	_ =	sdelay $0x1  }
0x229: {  	v35 =	vshrl.u32 v34, $0x1;
	v56 =	vmul.f32 $5.000000000e-01, v34  }
0x22a: {  	v35 =	vsub.s32 $0x5F3759DF, v35  }
0x22b: {  	v57 =	vmul.f32 v35, v56;
	_ =	sdelay $0x1  }
0x22c: {  	v37 =	vmul.f32 v35, v57;
	_ =	sdelay $0x1  }
0x22d: {  	v37 =	vsub.f32 $1.500000000e+00, v37;
	_ =	sdelay $0x1  }
0x22e: {  	v35 =	vmul.f32 v35, v37;
	_ =	sdelay $0x1  }
0x22f: {  	v37 =	vmul.f32 v35, v56;
	_ =	sdelay $0x1  }
0x230: {  	v37 =	vmul.f32 v37, v35;
	_ =	sdelay $0x1  }
0x231: {  	v37 =	vsub.f32 $1.500000000e+00, v37  }
0x232: {  	v27 =	vnsel vm0, $0x0, v27  }
0x233: {  	v26 =	vadd.f32 v27, v26;
	v35 =	vmul.f32 v37, v35  }
0x234: {  	v28 =	vnsel vm1, $0x0, v28  }
0x235: {  	v26 =	vadd.f32 v28, v26;
	v27 =	vmul.f32 v35, v56  }
0x236: {  	v58 =	vnsel vm2, $0x0, v29  }
0x237: {  	v26 =	vadd.f32 v58, v26;
	v27 =	vmul.f32 v27, v35  }
0x238: {  	v59 =	vnsel vm3, $0x0, v30  }
0x239: {  	v26 =	vadd.f32 v59, v26;
	v27 =	vsub.f32 $1.500000000e+00, v27  }
0x23a: {  	v60 =	vnsel vm4, $0x0, v31  }
0x23b: {  	v26 =	vadd.f32 v60, v26;
	v27 =	vmul.f32 v27, v35  }
0x23c: {  	p0 =	sne.s32 s2, $0x1870;
	v61 =	vnsel vm5, $0x0, v32  }
.Ltmp1:
0x23d: {  	v26 =	vadd.f32 v61, v26;
	v27 =	vmul.f32 v27, v34;
	(pc) =	sbr.rel @p0 .LBB2_4-.Ltmp1, $4  }
0x23e: {  	v62 =	vnsel vm6, $0x0, v33;
	vm15 =	vgt.f32 v34, $0.0e+00  }
0x23f: {  	v26 =	vadd.f32 v62, v26;
	v27 =	vnsel vm15, $0x0, v27  }
0x240: {  	s1 =	sadd.s32 $0x600, s1;
	s2 =	sadd.s32 $0x80, s2;
	v63 =	vnsel vm7, $0x7149F2CA, v27;
	v27 =	vnsel vm7, $0x0, v27  }
0x241: {  	s30 =	sadd.s32 $0x80, s30;
	s31 =	sadd.s32 $0x80, s31;
	[tilespmem:s29+$0x30] =	vst v63;
	s29 =	sadd.s32 $0x80, s29;
	v26 =	vadd.f32 v27, v26  }
0x242: {  	_ = 	snop  }
0x243: {  	s1 =	simm.s32 $0x0;
	[tilespmem:$0xF800] =	vst v26  }
0x244: {  	[tilespmem:s1], [sflag:$0x3] =	stream.linear.gather [hbm4b:s10+s1], $0x1880, $0x38;
	[tilespmem:$0xFAC0] =	vst v63  }
0x245: {  	_ =	swait.ge [sflag:s15], $0x1880  }
0x246: {  	[sflag:s15] =	ssyncset.done $0x0  }
0x247: {  	[sflag:s15] =	ssyncadd.s32 $0xFFFFE780  }
0x248: {  	[tilespmem:s16], [sflag:$0x3] =	stream.linear.gather [hbm4b:s11+s1], $0x1880, $0x38;
	[tilespmem:$0xFAC0] =	vst v63  }
0x249: {  	_ =	swait.ge [sflag:s15], $0x1880  }
0x24a: {  	s2 =	simm.s32 $0x70;
	s29 =	simm.s32 $0xDFF0;
	[sflag:s15] =	ssyncset.done $0x0  }
0x24b: {  	s30 =	simm.s32 $0x40;
	s31 =	simm.s32 $0x18C0;
	v26 =	vimm.f32 $0.0e+00;
	[sflag:s15] =	ssyncadd.s32 $0xFFFFE780  }
.LBB2_6:
0x24c: {  	s6 =	sadd.s32 $0xFFFFFF90, s2  }
0x24d: {  	v27 =	vor.u32 s6, v0  }
0x24e: {  	v29 =	vld [tilespmem:s30+$0xFFFFFFC0];
	v28 =	vmul.u32 $0x3, v27  }
0x24f: {  	v30 =	vld [tilespmem:s31+$0xFFFFFFC0];
	_ =	sdelay $0x1  }
0x250: {  	v31 =	vadd.s32 $0x1, v28  }
0x251: {  	vm0 =	vlt.u32 v27, $0x186A  }
0x252: {  	v59 =	vadd.s32 $0x2, v28;
	v27 =	vnsel vm0, $0x0, v29  }
0x253: {  	v30 =	vnsel vm0, $0x0, v30;
	[tilespmem:v28+s17+$0x0] =	vst.idx.msk $0xffff, v27  }
0x254: {  	v60 =	vadd.s32 $0x12C000, v27;
	[tilespmem:v28+s18+$0x0] =	vst.idx.msk $0xffff, v30  }
0x255: {  	v61 =	vadd.s32 $0x12C000, v30;
	[tilespmem:v31+s17+$0x0] =	vst.idx.msk $0xffff, v60  }
0x256: {  	v27 =	vadd.s32 $0x258000, v27;
	[tilespmem:v31+s18+$0x0] =	vst.idx.msk $0xffff, v61  }
0x257: {  	s7 =	sadd.s32 $0xFFFFFFA0, s2;
	[tilespmem:v59+s17+$0x0] =	vst.idx.msk $0xffff, v27;
	v27 =	vadd.s32 $0x258000, v30  }
0x258: {  	[tilespmem:v59+s18+$0x0] =	vst.idx.msk $0xffff, v27;
	v27 =	vor.u32 s7, v0  }
0x259: {  	v62 =	vmul.u32 $0x3, v27;
	v29 =	vld [tilespmem:s30+$0xFFFFFFD0]  }
0x25a: {  	v63 =	vld [tilespmem:s31+$0xFFFFFFD0];
	_ =	sdelay $0x1  }
0x25b: {  	v33 =	vadd.s32 $0x1, v62  }
0x25c: {  	vm1 =	vlt.u32 v27, $0x186A  }
0x25d: {  	v34 =	vadd.s32 $0x2, v62;
	v27 =	vnsel vm1, $0x0, v29  }
0x25e: {  	v30 =	vnsel vm1, $0x0, v63;
	[tilespmem:v62+s17+$0x0] =	vst.idx.msk $0xffff, v27  }
0x25f: {  	v35 =	vadd.s32 $0x12C000, v27;
	[tilespmem:v62+s18+$0x0] =	vst.idx.msk $0xffff, v30  }
0x260: {  	v36 =	vadd.s32 $0x12C000, v30;
	[tilespmem:v33+s17+$0x0] =	vst.idx.msk $0xffff, v35  }
0x261: {  	v27 =	vadd.s32 $0x258000, v27;
	[tilespmem:v33+s18+$0x0] =	vst.idx.msk $0xffff, v36  }
0x262: {  	s7 =	sadd.s32 $0xFFFFFFB0, s2;
	[tilespmem:v34+s17+$0x0] =	vst.idx.msk $0xffff, v27;
	v27 =	vadd.s32 $0x258000, v30  }
0x263: {  	[tilespmem:v34+s18+$0x0] =	vst.idx.msk $0xffff, v27;
	v27 =	vor.u32 s7, v0  }
0x264: {  	v37 =	vmul.u32 $0x3, v27;
	v29 =	vld [tilespmem:s30+$0xFFFFFFE0]  }
0x265: {  	v38 =	vld [tilespmem:s31+$0xFFFFFFE0];
	_ =	sdelay $0x1  }
0x266: {  	v39 =	vadd.s32 $0x1, v37  }
0x267: {  	vm2 =	vlt.u32 v27, $0x186A  }
0x268: {  	v40 =	vadd.s32 $0x2, v37;
	v27 =	vnsel vm2, $0x0, v29  }
0x269: {  	v30 =	vnsel vm2, $0x0, v38;
	[tilespmem:v37+s17+$0x0] =	vst.idx.msk $0xffff, v27  }
0x26a: {  	v41 =	vadd.s32 $0x12C000, v27;
	[tilespmem:v37+s18+$0x0] =	vst.idx.msk $0xffff, v30  }
0x26b: {  	v42 =	vadd.s32 $0x12C000, v30;
	[tilespmem:v39+s17+$0x0] =	vst.idx.msk $0xffff, v41  }
0x26c: {  	v27 =	vadd.s32 $0x258000, v27;
	[tilespmem:v39+s18+$0x0] =	vst.idx.msk $0xffff, v42  }
0x26d: {  	s7 =	sadd.s32 $0xFFFFFFC0, s2;
	[tilespmem:v40+s17+$0x0] =	vst.idx.msk $0xffff, v27;
	v27 =	vadd.s32 $0x258000, v30  }
0x26e: {  	[tilespmem:v40+s18+$0x0] =	vst.idx.msk $0xffff, v27;
	v27 =	vor.u32 s7, v0  }
0x26f: {  	v43 =	vmul.u32 $0x3, v27;
	v29 =	vld [tilespmem:s30+$0xFFFFFFF0]  }
0x270: {  	v44 =	vld [tilespmem:s31+$0xFFFFFFF0];
	_ =	sdelay $0x1  }
0x271: {  	v45 =	vadd.s32 $0x1, v43  }
0x272: {  	vm3 =	vlt.u32 v27, $0x186A  }
0x273: {  	v46 =	vadd.s32 $0x2, v43;
	v27 =	vnsel vm3, $0x0, v29  }
0x274: {  	v30 =	vnsel vm3, $0x0, v44;
	[tilespmem:v43+s17+$0x0] =	vst.idx.msk $0xffff, v27  }
0x275: {  	v47 =	vadd.s32 $0x12C000, v27;
	[tilespmem:v43+s18+$0x0] =	vst.idx.msk $0xffff, v30  }
0x276: {  	v48 =	vadd.s32 $0x12C000, v30;
	[tilespmem:v45+s17+$0x0] =	vst.idx.msk $0xffff, v47  }
0x277: {  	v27 =	vadd.s32 $0x258000, v27;
	[tilespmem:v45+s18+$0x0] =	vst.idx.msk $0xffff, v48  }
0x278: {  	s7 =	sadd.s32 $0xFFFFFFD0, s2;
	[tilespmem:v46+s17+$0x0] =	vst.idx.msk $0xffff, v27;
	v27 =	vadd.s32 $0x258000, v30  }
0x279: {  	[tilespmem:v46+s18+$0x0] =	vst.idx.msk $0xffff, v27;
	v27 =	vor.u32 s7, v0  }
0x27a: {  	v49 =	vmul.u32 $0x3, v27;
	v29 =	vld [tilespmem:s30+$0x0]  }
0x27b: {  	v50 =	vld [tilespmem:s31+$0x0];
	_ =	sdelay $0x1  }
0x27c: {  	v51 =	vadd.s32 $0x1, v49  }
0x27d: {  	vm4 =	vlt.u32 v27, $0x186A  }
0x27e: {  	v52 =	vadd.s32 $0x2, v49;
	v27 =	vnsel vm4, $0x0, v29  }
0x27f: {  	v30 =	vnsel vm4, $0x0, v50;
	[tilespmem:v49+s17+$0x0] =	vst.idx.msk $0xffff, v27  }
0x280: {  	v53 =	vadd.s32 $0x12C000, v27;
	[tilespmem:v49+s18+$0x0] =	vst.idx.msk $0xffff, v30  }
0x281: {  	v54 =	vadd.s32 $0x12C000, v30;
	[tilespmem:v51+s17+$0x0] =	vst.idx.msk $0xffff, v53  }
0x282: {  	v27 =	vadd.s32 $0x258000, v27;
	[tilespmem:v51+s18+$0x0] =	vst.idx.msk $0xffff, v54  }
0x283: {  	s7 =	sadd.s32 $0xFFFFFFE0, s2;
	[tilespmem:v52+s17+$0x0] =	vst.idx.msk $0xffff, v27;
	v27 =	vadd.s32 $0x258000, v30  }
0x284: {  	[tilespmem:v52+s18+$0x0] =	vst.idx.msk $0xffff, v27;
	v27 =	vor.u32 s7, v0  }
0x285: {  	v55 =	vmul.u32 $0x3, v27;
	v29 =	vld [tilespmem:s30+$0x10]  }
0x286: {  	v56 =	vld [tilespmem:s31+$0x10];
	_ =	sdelay $0x1  }
0x287: {  	v57 =	vadd.s32 $0x1, v55  }
0x288: {  	vm5 =	vlt.u32 v27, $0x186A  }
0x289: {  	v58 =	vadd.s32 $0x2, v55;
	v27 =	vnsel vm5, $0x0, v29  }
0x28a: {  	v30 =	vnsel vm5, $0x0, v56;
	[tilespmem:v55+s17+$0x0] =	vst.idx.msk $0xffff, v27  }
0x28b: {  	v59 =	vadd.s32 $0x12C000, v27;
	[tilespmem:v55+s18+$0x0] =	vst.idx.msk $0xffff, v30  }
0x28c: {  	v60 =	vadd.s32 $0x12C000, v30;
	[tilespmem:v57+s17+$0x0] =	vst.idx.msk $0xffff, v59  }
0x28d: {  	v27 =	vadd.s32 $0x258000, v27;
	[tilespmem:v57+s18+$0x0] =	vst.idx.msk $0xffff, v60  }
0x28e: {  	s7 =	sadd.s32 $0xFFFFFFF0, s2;
	[tilespmem:v58+s17+$0x0] =	vst.idx.msk $0xffff, v27;
	v27 =	vadd.s32 $0x258000, v30  }
0x28f: {  	[tilespmem:v58+s18+$0x0] =	vst.idx.msk $0xffff, v27;
	v27 =	vor.u32 s7, v0  }
0x290: {  	v61 =	vmul.u32 $0x3, v27;
	v29 =	vld [tilespmem:s30+$0x20]  }
0x291: {  	v62 =	vld [tilespmem:s31+$0x20];
	_ =	sdelay $0x1  }
0x292: {  	v63 =	vadd.s32 $0x1, v61  }
0x293: {  	vm6 =	vlt.u32 v27, $0x186A  }
0x294: {  	v33 =	vadd.s32 $0x2, v61;
	v27 =	vnsel vm6, $0x0, v29  }
0x295: {  	v30 =	vnsel vm6, $0x0, v62;
	[tilespmem:v61+s17+$0x0] =	vst.idx.msk $0xffff, v27  }
0x296: {  	v34 =	vadd.s32 $0x12C000, v27;
	[tilespmem:v61+s18+$0x0] =	vst.idx.msk $0xffff, v30  }
0x297: {  	v35 =	vadd.s32 $0x12C000, v30;
	[tilespmem:v63+s17+$0x0] =	vst.idx.msk $0xffff, v34  }
0x298: {  	v27 =	vadd.s32 $0x258000, v27;
	[tilespmem:v63+s18+$0x0] =	vst.idx.msk $0xffff, v35  }
0x299: {  	[tilespmem:v33+s17+$0x0] =	vst.idx.msk $0xffff, v27;
	v27 =	vadd.s32 $0x258000, v30  }
0x29a: {  	[tilespmem:v33+s18+$0x0] =	vst.idx.msk $0xffff, v27;
	v27 =	vor.u32 s2, v0  }
0x29b: {  	v36 =	vmul.u32 $0x3, v27;
	v29 =	vld [tilespmem:s30+$0x30]  }
0x29c: {  	v37 =	vld [tilespmem:s31+$0x30];
	_ =	sdelay $0x1  }
0x29d: {  	v38 =	vadd.s32 $0x1, v36  }
0x29e: {  	vm7 =	vlt.u32 v27, $0x186A  }
0x29f: {  	v39 =	vadd.s32 $0x2, v36;
	v27 =	vnsel vm7, $0x0, v29  }
0x2a0: {  	v30 =	vnsel vm7, $0x0, v37;
	[tilespmem:v36+s17+$0x0] =	vst.idx.msk $0xffff, v27  }
0x2a1: {  	v40 =	vadd.s32 $0x12C000, v27;
	[tilespmem:v36+s18+$0x0] =	vst.idx.msk $0xffff, v30  }
0x2a2: {  	v41 =	vadd.s32 $0x12C000, v30;
	[tilespmem:v38+s17+$0x0] =	vst.idx.msk $0xffff, v40  }
0x2a3: {  	v27 =	vadd.s32 $0x258000, v27;
	[tilespmem:v38+s18+$0x0] =	vst.idx.msk $0xffff, v41  }
0x2a4: {  	s6 =	sshra.s32 s1, $0x2;
	[tilespmem:v39+s17+$0x0] =	vst.idx.msk $0xffff, v27;
	v27 =	vadd.s32 $0x258000, v30  }
0x2a5: {  	s7 =	sadd.s32 $0x3100, s6;
	[tilespmem:v39+s18+$0x0] =	vst.idx.msk $0xffff, v27  }
0x2a6: {  	[tilespmem:s20], [sflag:$0x1] =	stream.indirect.gather [hbm4b:s4+s19], $0x1, s7, s19, $0xb8;
	[tilespmem:$0xFAC0] =	vst v63  }
0x2a7: {  	s7 =	sadd.s32 $0x7A80, s6  }
0x2a8: {  	[tilespmem:s21], [sflag:$0x2] =	stream.indirect.gather [hbm4b:s5+s19], $0x1, s7, s19, $0xb8;
	[tilespmem:$0xFAC0] =	vst v63  }
0x2a9: {  	s7 =	sadd.s32 $0x3180, s6  }
0x2aa: {  	[tilespmem:s22], [sflag:$0x1] =	stream.indirect.gather [hbm4b:s4+s19], $0x1, s7, s19, $0xb8;
	[tilespmem:$0xFAC0] =	vst v63  }
0x2ab: {  	s7 =	sadd.s32 $0x7B00, s6  }
0x2ac: {  	[tilespmem:s23], [sflag:$0x2] =	stream.indirect.gather [hbm4b:s5+s19], $0x1, s7, s19, $0xb8;
	[tilespmem:$0xFAC0] =	vst v63  }
0x2ad: {  	s7 =	sadd.s32 $0x3200, s6  }
0x2ae: {  	[tilespmem:s24], [sflag:$0x1] =	stream.indirect.gather [hbm4b:s4+s19], $0x1, s7, s19, $0xb8;
	[tilespmem:$0xFAC0] =	vst v63  }
0x2af: {  	s6 =	sadd.s32 $0x7B80, s6  }
0x2b0: {  	[tilespmem:s25], [sflag:$0x2] =	stream.indirect.gather [hbm4b:s5+s19], $0x1, s6, s19, $0xb8;
	[tilespmem:$0xFAC0] =	vst v63  }
0x2b1: {  	_ =	swait.ge [sflag:s26], $0x80  }
0x2b2: {  	[sflag:s26] =	ssyncset.done $0x0  }
0x2b3: {  	[sflag:s26] =	ssyncadd.s32 $0xFFFFFF80  }
0x2b4: {  	_ =	swait.ge [sflag:s28], $0x80  }
0x2b5: {  	[sflag:s28] =	ssyncset.done $0x0  }
0x2b6: {  	[sflag:s28] =	ssyncadd.s32 $0xFFFFFF80  }
0x2b7: {  	_ =	swait.ge [sflag:s26], $0x80  }
0x2b8: {  	[sflag:s26] =	ssyncset.done $0x0  }
0x2b9: {  	[sflag:s26] =	ssyncadd.s32 $0xFFFFFF80  }
0x2ba: {  	_ =	swait.ge [sflag:s28], $0x80  }
0x2bb: {  	[sflag:s28] =	ssyncset.done $0x0  }
0x2bc: {  	[sflag:s28] =	ssyncadd.s32 $0xFFFFFF80  }
0x2bd: {  	_ =	swait.ge [sflag:s26], $0x80  }
0x2be: {  	[sflag:s26] =	ssyncset.done $0x0  }
0x2bf: {  	[sflag:s26] =	ssyncadd.s32 $0xFFFFFF80  }
0x2c0: {  	_ =	swait.ge [sflag:s28], $0x80  }
0x2c1: {  	[sflag:s28] =	ssyncset.done $0x0  }
0x2c2: {  	[sflag:s28] =	ssyncadd.s32 $0xFFFFFF80  }
0x2c3: {  	v27 =	vld.idx.msk [tilespmem:v1+s20+$0x0], $0xffff  }
0x2c4: {  	v42 =	vld.idx.msk [tilespmem:v1+s21+$0x0], $0xffff  }
0x2c5: {  	v43 =	vld.idx.msk [tilespmem:v2+s20+$0x0], $0xffff  }
0x2c6: {  	v44 =	vld.idx.msk [tilespmem:v2+s21+$0x0], $0xffff  }
0x2c7: {  	v45 =	vld.idx.msk [tilespmem:v3+s20+$0x0], $0xffff  }
0x2c8: {  	v32 =	vld.idx.msk [tilespmem:v3+s21+$0x0], $0xffff;
	_ =	sdelay $0x2  }
0x2c9: {  	v27 =	vsub.f32 v27, v42;
	v46 =	vsub.f32 v43, v44;
	_ =	sdelay $0x1  }
0x2ca: {  	v47 =	vsub.f32 v45, v32;
	v27 =	vmul.f32 v27, v27;
	v28 =	vmul.f32 v46, v46;
	_ =	sdelay $0x1  }
0x2cb: {  	v48 =	vmul.f32 v47, v47;
	v27 =	vadd.f32 v28, v27;
	_ =	sdelay $0x1  }
0x2cc: {  	v27 =	vadd.f32 v48, v27;
	_ =	sdelay $0x1  }
0x2cd: {  	v28 =	vshrl.u32 v27, $0x1;
	v49 =	vmul.f32 $5.000000000e-01, v27  }
0x2ce: {  	v28 =	vsub.s32 $0x5F3759DF, v28  }
0x2cf: {  	v50 =	vmul.f32 v28, v49;
	_ =	sdelay $0x1  }
0x2d0: {  	v30 =	vmul.f32 v28, v50;
	_ =	sdelay $0x1  }
0x2d1: {  	v30 =	vsub.f32 $1.500000000e+00, v30;
	_ =	sdelay $0x1  }
0x2d2: {  	v28 =	vmul.f32 v28, v30;
	_ =	sdelay $0x1  }
0x2d3: {  	v30 =	vmul.f32 v28, v49;
	_ =	sdelay $0x1  }
0x2d4: {  	v30 =	vmul.f32 v30, v28;
	_ =	sdelay $0x1  }
0x2d5: {  	v30 =	vsub.f32 $1.500000000e+00, v30;
	_ =	sdelay $0x1  }
0x2d6: {  	v28 =	vmul.f32 v30, v28;
	_ =	sdelay $0x1  }
0x2d7: {  	v29 =	vmul.f32 v28, v49;
	_ =	sdelay $0x1  }
0x2d8: {  	v29 =	vmul.f32 v29, v28;
	_ =	sdelay $0x1  }
0x2d9: {  	v29 =	vsub.f32 $1.500000000e+00, v29;
	_ =	sdelay $0x1  }
0x2da: {  	v28 =	vmul.f32 v29, v28;
	_ =	sdelay $0x1  }
0x2db: {  	v28 =	vmul.f32 v28, v27  }
0x2dc: {  	vm8 =	vgt.f32 v27, $0.0e+00  }
0x2dd: {  	v27 =	vnsel vm8, $0x0, v28  }
0x2de: {  	v28 =	vnsel vm0, $0x7149F2CA, v27  }
0x2df: {  	[tilespmem:s29+$0xFFFFFF90] =	vst v28  }
0x2e0: {  	v28 =	vld.idx.msk [tilespmem:v4+s20+$0x0], $0xffff  }
0x2e1: {  	v51 =	vld.idx.msk [tilespmem:v4+s21+$0x0], $0xffff  }
0x2e2: {  	v52 =	vld.idx.msk [tilespmem:v5+s20+$0x0], $0xffff  }
0x2e3: {  	v53 =	vld.idx.msk [tilespmem:v5+s21+$0x0], $0xffff  }
0x2e4: {  	v54 =	vld.idx.msk [tilespmem:v6+s20+$0x0], $0xffff  }
0x2e5: {  	v33 =	vld.idx.msk [tilespmem:v6+s21+$0x0], $0xffff;
	_ =	sdelay $0x2  }
0x2e6: {  	v28 =	vsub.f32 v28, v51;
	v55 =	vsub.f32 v52, v53;
	_ =	sdelay $0x1  }
0x2e7: {  	v56 =	vsub.f32 v54, v33;
	v28 =	vmul.f32 v28, v28;
	v29 =	vmul.f32 v55, v55;
	_ =	sdelay $0x1  }
0x2e8: {  	v57 =	vmul.f32 v56, v56;
	v28 =	vadd.f32 v29, v28;
	_ =	sdelay $0x1  }
0x2e9: {  	v28 =	vadd.f32 v57, v28;
	_ =	sdelay $0x1  }
0x2ea: {  	v29 =	vshrl.u32 v28, $0x1;
	v58 =	vmul.f32 $5.000000000e-01, v28  }
0x2eb: {  	v29 =	vsub.s32 $0x5F3759DF, v29  }
0x2ec: {  	v59 =	vmul.f32 v29, v58;
	_ =	sdelay $0x1  }
0x2ed: {  	v31 =	vmul.f32 v29, v59;
	_ =	sdelay $0x1  }
0x2ee: {  	v31 =	vsub.f32 $1.500000000e+00, v31;
	_ =	sdelay $0x1  }
0x2ef: {  	v29 =	vmul.f32 v29, v31;
	_ =	sdelay $0x1  }
0x2f0: {  	v31 =	vmul.f32 v29, v58;
	_ =	sdelay $0x1  }
0x2f1: {  	v31 =	vmul.f32 v31, v29;
	_ =	sdelay $0x1  }
0x2f2: {  	v31 =	vsub.f32 $1.500000000e+00, v31;
	_ =	sdelay $0x1  }
0x2f3: {  	v29 =	vmul.f32 v31, v29;
	_ =	sdelay $0x1  }
0x2f4: {  	v30 =	vmul.f32 v29, v58;
	_ =	sdelay $0x1  }
0x2f5: {  	v30 =	vmul.f32 v30, v29;
	_ =	sdelay $0x1  }
0x2f6: {  	v30 =	vsub.f32 $1.500000000e+00, v30;
	_ =	sdelay $0x1  }
0x2f7: {  	v29 =	vmul.f32 v30, v29;
	_ =	sdelay $0x1  }
0x2f8: {  	v29 =	vmul.f32 v29, v28  }
0x2f9: {  	vm13 =	vgt.f32 v28, $0.0e+00  }
0x2fa: {  	v28 =	vnsel vm13, $0x0, v29  }
0x2fb: {  	v29 =	vnsel vm1, $0x7149F2CA, v28  }
0x2fc: {  	[tilespmem:s29+$0xFFFFFFA0] =	vst v29  }
0x2fd: {  	v29 =	vld.idx.msk [tilespmem:v7+s20+$0x0], $0xffff  }
0x2fe: {  	v60 =	vld.idx.msk [tilespmem:v7+s21+$0x0], $0xffff  }
0x2ff: {  	v61 =	vld.idx.msk [tilespmem:v8+s20+$0x0], $0xffff  }
0x300: {  	v62 =	vld.idx.msk [tilespmem:v8+s21+$0x0], $0xffff  }
0x301: {  	v63 =	vld.idx.msk [tilespmem:v9+s20+$0x0], $0xffff  }
0x302: {  	v34 =	vld.idx.msk [tilespmem:v9+s21+$0x0], $0xffff;
	_ =	sdelay $0x2  }
0x303: {  	v29 =	vsub.f32 v29, v60;
	v36 =	vsub.f32 v61, v62;
	_ =	sdelay $0x1  }
0x304: {  	v37 =	vsub.f32 v63, v34;
	v29 =	vmul.f32 v29, v29;
	v30 =	vmul.f32 v36, v36;
	_ =	sdelay $0x1  }
0x305: {  	v38 =	vmul.f32 v37, v37;
	v29 =	vadd.f32 v30, v29;
	_ =	sdelay $0x1  }
0x306: {  	v29 =	vadd.f32 v38, v29;
	_ =	sdelay $0x1  }
0x307: {  	v30 =	vshrl.u32 v29, $0x1;
	v39 =	vmul.f32 $5.000000000e-01, v29  }
0x308: {  	v30 =	vsub.s32 $0x5F3759DF, v30  }
0x309: {  	v40 =	vmul.f32 v30, v39;
	_ =	sdelay $0x1  }
0x30a: {  	v32 =	vmul.f32 v30, v40;
	_ =	sdelay $0x1  }
0x30b: {  	v32 =	vsub.f32 $1.500000000e+00, v32;
	_ =	sdelay $0x1  }
0x30c: {  	v30 =	vmul.f32 v30, v32;
	_ =	sdelay $0x1  }
0x30d: {  	v32 =	vmul.f32 v30, v39;
	_ =	sdelay $0x1  }
0x30e: {  	v32 =	vmul.f32 v32, v30;
	_ =	sdelay $0x1  }
0x30f: {  	v32 =	vsub.f32 $1.500000000e+00, v32;
	_ =	sdelay $0x1  }
0x310: {  	v30 =	vmul.f32 v32, v30;
	_ =	sdelay $0x1  }
0x311: {  	v31 =	vmul.f32 v30, v39;
	_ =	sdelay $0x1  }
0x312: {  	v31 =	vmul.f32 v31, v30;
	_ =	sdelay $0x1  }
0x313: {  	v31 =	vsub.f32 $1.500000000e+00, v31;
	_ =	sdelay $0x1  }
0x314: {  	v30 =	vmul.f32 v31, v30;
	_ =	sdelay $0x1  }
0x315: {  	v30 =	vmul.f32 v30, v29  }
0x316: {  	vm14 =	vgt.f32 v29, $0.0e+00  }
0x317: {  	v29 =	vnsel vm14, $0x0, v30  }
0x318: {  	v30 =	vnsel vm2, $0x7149F2CA, v29  }
0x319: {  	[tilespmem:s29+$0xFFFFFFB0] =	vst v30  }
0x31a: {  	v30 =	vld.idx.msk [tilespmem:v10+s20+$0x0], $0xffff  }
0x31b: {  	v41 =	vld.idx.msk [tilespmem:v10+s21+$0x0], $0xffff  }
0x31c: {  	v42 =	vld.idx.msk [tilespmem:v11+s20+$0x0], $0xffff  }
0x31d: {  	v43 =	vld.idx.msk [tilespmem:v11+s21+$0x0], $0xffff  }
0x31e: {  	v44 =	vld.idx.msk [tilespmem:v12+s20+$0x0], $0xffff  }
0x31f: {  	v35 =	vld.idx.msk [tilespmem:v12+s21+$0x0], $0xffff;
	_ =	sdelay $0x2  }
0x320: {  	v30 =	vsub.f32 v30, v41;
	v45 =	vsub.f32 v42, v43;
	_ =	sdelay $0x1  }
0x321: {  	v46 =	vsub.f32 v44, v35;
	v30 =	vmul.f32 v30, v30;
	v31 =	vmul.f32 v45, v45;
	_ =	sdelay $0x1  }
0x322: {  	v47 =	vmul.f32 v46, v46;
	v30 =	vadd.f32 v31, v30;
	_ =	sdelay $0x1  }
0x323: {  	v30 =	vadd.f32 v47, v30;
	_ =	sdelay $0x1  }
0x324: {  	v31 =	vshrl.u32 v30, $0x1;
	v48 =	vmul.f32 $5.000000000e-01, v30  }
0x325: {  	v31 =	vsub.s32 $0x5F3759DF, v31  }
0x326: {  	v49 =	vmul.f32 v31, v48;
	_ =	sdelay $0x1  }
0x327: {  	v33 =	vmul.f32 v31, v49;
	_ =	sdelay $0x1  }
0x328: {  	v33 =	vsub.f32 $1.500000000e+00, v33;
	_ =	sdelay $0x1  }
0x329: {  	v31 =	vmul.f32 v31, v33;
	_ =	sdelay $0x1  }
0x32a: {  	v33 =	vmul.f32 v31, v48;
	_ =	sdelay $0x1  }
0x32b: {  	v33 =	vmul.f32 v33, v31;
	_ =	sdelay $0x1  }
0x32c: {  	v33 =	vsub.f32 $1.500000000e+00, v33;
	_ =	sdelay $0x1  }
0x32d: {  	v31 =	vmul.f32 v33, v31;
	_ =	sdelay $0x1  }
0x32e: {  	v32 =	vmul.f32 v31, v48;
	_ =	sdelay $0x1  }
0x32f: {  	v32 =	vmul.f32 v32, v31;
	_ =	sdelay $0x1  }
0x330: {  	v32 =	vsub.f32 $1.500000000e+00, v32;
	_ =	sdelay $0x1  }
0x331: {  	v31 =	vmul.f32 v32, v31;
	_ =	sdelay $0x1  }
0x332: {  	v31 =	vmul.f32 v31, v30  }
0x333: {  	vm15 =	vgt.f32 v30, $0.0e+00  }
0x334: {  	v30 =	vnsel vm15, $0x0, v31  }
0x335: {  	v31 =	vnsel vm3, $0x7149F2CA, v30  }
0x336: {  	[tilespmem:s29+$0xFFFFFFC0] =	vst v31  }
0x337: {  	v31 =	vld.idx.msk [tilespmem:v13+s20+$0x0], $0xffff  }
0x338: {  	v50 =	vld.idx.msk [tilespmem:v13+s21+$0x0], $0xffff  }
0x339: {  	v51 =	vld.idx.msk [tilespmem:v14+s20+$0x0], $0xffff  }
0x33a: {  	v52 =	vld.idx.msk [tilespmem:v14+s21+$0x0], $0xffff  }
0x33b: {  	v53 =	vld.idx.msk [tilespmem:v15+s20+$0x0], $0xffff  }
0x33c: {  	v36 =	vld.idx.msk [tilespmem:v15+s21+$0x0], $0xffff;
	_ =	sdelay $0x2  }
0x33d: {  	v31 =	vsub.f32 v31, v50;
	v54 =	vsub.f32 v51, v52;
	_ =	sdelay $0x1  }
0x33e: {  	v55 =	vsub.f32 v53, v36;
	v31 =	vmul.f32 v31, v31;
	v32 =	vmul.f32 v54, v54;
	_ =	sdelay $0x1  }
0x33f: {  	v56 =	vmul.f32 v55, v55;
	v31 =	vadd.f32 v32, v31;
	_ =	sdelay $0x1  }
0x340: {  	v31 =	vadd.f32 v56, v31;
	_ =	sdelay $0x1  }
0x341: {  	v32 =	vshrl.u32 v31, $0x1;
	v57 =	vmul.f32 $5.000000000e-01, v31  }
0x342: {  	v32 =	vsub.s32 $0x5F3759DF, v32  }
0x343: {  	v58 =	vmul.f32 v32, v57;
	_ =	sdelay $0x1  }
0x344: {  	v34 =	vmul.f32 v32, v58;
	_ =	sdelay $0x1  }
0x345: {  	v34 =	vsub.f32 $1.500000000e+00, v34;
	_ =	sdelay $0x1  }
0x346: {  	v32 =	vmul.f32 v32, v34;
	_ =	sdelay $0x1  }
0x347: {  	v34 =	vmul.f32 v32, v57;
	_ =	sdelay $0x1  }
0x348: {  	v34 =	vmul.f32 v34, v32;
	_ =	sdelay $0x1  }
0x349: {  	v34 =	vsub.f32 $1.500000000e+00, v34;
	_ =	sdelay $0x1  }
0x34a: {  	v32 =	vmul.f32 v34, v32;
	_ =	sdelay $0x1  }
0x34b: {  	v33 =	vmul.f32 v32, v57;
	_ =	sdelay $0x1  }
0x34c: {  	v33 =	vmul.f32 v33, v32;
	_ =	sdelay $0x1  }
0x34d: {  	v33 =	vsub.f32 $1.500000000e+00, v33;
	_ =	sdelay $0x1  }
0x34e: {  	v32 =	vmul.f32 v33, v32;
	_ =	sdelay $0x1  }
0x34f: {  	v32 =	vmul.f32 v32, v31  }
0x350: {  	vm12 =	vgt.f32 v31, $0.0e+00  }
0x351: {  	v31 =	vnsel vm12, $0x0, v32  }
0x352: {  	v32 =	vnsel vm4, $0x7149F2CA, v31  }
0x353: {  	[tilespmem:s29+$0xFFFFFFD0] =	vst v32  }
0x354: {  	v32 =	vld.idx.msk [tilespmem:v16+s20+$0x0], $0xffff  }
0x355: {  	v59 =	vld.idx.msk [tilespmem:v16+s21+$0x0], $0xffff  }
0x356: {  	v60 =	vld.idx.msk [tilespmem:v17+s20+$0x0], $0xffff  }
0x357: {  	v61 =	vld.idx.msk [tilespmem:v17+s21+$0x0], $0xffff  }
0x358: {  	v62 =	vld.idx.msk [tilespmem:v18+s20+$0x0], $0xffff  }
0x359: {  	v37 =	vld.idx.msk [tilespmem:v18+s21+$0x0], $0xffff;
	_ =	sdelay $0x2  }
0x35a: {  	v32 =	vsub.f32 v32, v59;
	v63 =	vsub.f32 v60, v61;
	_ =	sdelay $0x1  }
0x35b: {  	v36 =	vsub.f32 v62, v37;
	v32 =	vmul.f32 v32, v32;
	v33 =	vmul.f32 v63, v63;
	_ =	sdelay $0x1  }
0x35c: {  	v37 =	vmul.f32 v36, v36;
	v32 =	vadd.f32 v33, v32;
	_ =	sdelay $0x1  }
0x35d: {  	v32 =	vadd.f32 v37, v32;
	_ =	sdelay $0x1  }
0x35e: {  	v33 =	vshrl.u32 v32, $0x1;
	v38 =	vmul.f32 $5.000000000e-01, v32  }
0x35f: {  	v33 =	vsub.s32 $0x5F3759DF, v33  }
0x360: {  	v39 =	vmul.f32 v33, v38;
	_ =	sdelay $0x1  }
0x361: {  	v35 =	vmul.f32 v33, v39;
	_ =	sdelay $0x1  }
0x362: {  	v35 =	vsub.f32 $1.500000000e+00, v35;
	_ =	sdelay $0x1  }
0x363: {  	v33 =	vmul.f32 v33, v35;
	_ =	sdelay $0x1  }
0x364: {  	v35 =	vmul.f32 v33, v38;
	_ =	sdelay $0x1  }
0x365: {  	v35 =	vmul.f32 v35, v33;
	_ =	sdelay $0x1  }
0x366: {  	v35 =	vsub.f32 $1.500000000e+00, v35;
	_ =	sdelay $0x1  }
0x367: {  	v33 =	vmul.f32 v35, v33;
	_ =	sdelay $0x1  }
0x368: {  	v34 =	vmul.f32 v33, v38;
	_ =	sdelay $0x1  }
0x369: {  	v34 =	vmul.f32 v34, v33;
	_ =	sdelay $0x1  }
0x36a: {  	v34 =	vsub.f32 $1.500000000e+00, v34;
	_ =	sdelay $0x1  }
0x36b: {  	v33 =	vmul.f32 v34, v33;
	_ =	sdelay $0x1  }
0x36c: {  	v33 =	vmul.f32 v33, v32  }
0x36d: {  	vm13 =	vgt.f32 v32, $0.0e+00  }
0x36e: {  	v32 =	vnsel vm13, $0x0, v33  }
0x36f: {  	v33 =	vnsel vm5, $0x7149F2CA, v32  }
0x370: {  	[tilespmem:s29+$0xFFFFFFE0] =	vst v33  }
0x371: {  	v33 =	vld.idx.msk [tilespmem:v19+s20+$0x0], $0xffff  }
0x372: {  	v40 =	vld.idx.msk [tilespmem:v19+s21+$0x0], $0xffff  }
0x373: {  	v41 =	vld.idx.msk [tilespmem:v20+s20+$0x0], $0xffff  }
0x374: {  	v42 =	vld.idx.msk [tilespmem:v20+s21+$0x0], $0xffff  }
0x375: {  	v43 =	vld.idx.msk [tilespmem:v21+s20+$0x0], $0xffff  }
0x376: {  	v38 =	vld.idx.msk [tilespmem:v21+s21+$0x0], $0xffff;
	_ =	sdelay $0x2  }
0x377: {  	v33 =	vsub.f32 v33, v40;
	v44 =	vsub.f32 v41, v42;
	_ =	sdelay $0x1  }
0x378: {  	v45 =	vsub.f32 v43, v38;
	v33 =	vmul.f32 v33, v33;
	v34 =	vmul.f32 v44, v44;
	_ =	sdelay $0x1  }
0x379: {  	v46 =	vmul.f32 v45, v45;
	v33 =	vadd.f32 v34, v33;
	_ =	sdelay $0x1  }
0x37a: {  	v33 =	vadd.f32 v46, v33;
	_ =	sdelay $0x1  }
0x37b: {  	v34 =	vshrl.u32 v33, $0x1;
	v47 =	vmul.f32 $5.000000000e-01, v33  }
0x37c: {  	v34 =	vsub.s32 $0x5F3759DF, v34  }
0x37d: {  	v48 =	vmul.f32 v34, v47;
	_ =	sdelay $0x1  }
0x37e: {  	v36 =	vmul.f32 v34, v48;
	_ =	sdelay $0x1  }
0x37f: {  	v36 =	vsub.f32 $1.500000000e+00, v36;
	_ =	sdelay $0x1  }
0x380: {  	v34 =	vmul.f32 v34, v36;
	_ =	sdelay $0x1  }
0x381: {  	v36 =	vmul.f32 v34, v47;
	_ =	sdelay $0x1  }
0x382: {  	v36 =	vmul.f32 v36, v34;
	_ =	sdelay $0x1  }
0x383: {  	v36 =	vsub.f32 $1.500000000e+00, v36;
	_ =	sdelay $0x1  }
0x384: {  	v34 =	vmul.f32 v36, v34;
	_ =	sdelay $0x1  }
0x385: {  	v35 =	vmul.f32 v34, v47;
	_ =	sdelay $0x1  }
0x386: {  	v35 =	vmul.f32 v35, v34;
	_ =	sdelay $0x1  }
0x387: {  	v35 =	vsub.f32 $1.500000000e+00, v35;
	_ =	sdelay $0x1  }
0x388: {  	v34 =	vmul.f32 v35, v34;
	_ =	sdelay $0x1  }
0x389: {  	v34 =	vmul.f32 v34, v33  }
0x38a: {  	vm14 =	vgt.f32 v33, $0.0e+00  }
0x38b: {  	v33 =	vnsel vm14, $0x0, v34  }
0x38c: {  	v34 =	vnsel vm6, $0x7149F2CA, v33  }
0x38d: {  	[tilespmem:s29+$0xFFFFFFF0] =	vst v34  }
0x38e: {  	v34 =	vld.idx.msk [tilespmem:v22+s20+$0x0], $0xffff  }
0x38f: {  	v49 =	vld.idx.msk [tilespmem:v22+s21+$0x0], $0xffff  }
0x390: {  	v50 =	vld.idx.msk [tilespmem:v23+s20+$0x0], $0xffff  }
0x391: {  	v51 =	vld.idx.msk [tilespmem:v23+s21+$0x0], $0xffff  }
0x392: {  	v52 =	vld.idx.msk [tilespmem:v24+s20+$0x0], $0xffff  }
0x393: {  	v39 =	vld.idx.msk [tilespmem:v24+s21+$0x0], $0xffff;
	_ =	sdelay $0x2  }
0x394: {  	v34 =	vsub.f32 v34, v49;
	v53 =	vsub.f32 v50, v51;
	_ =	sdelay $0x1  }
0x395: {  	v54 =	vsub.f32 v52, v39;
	v34 =	vmul.f32 v34, v34;
	v35 =	vmul.f32 v53, v53;
	_ =	sdelay $0x1  }
0x396: {  	v55 =	vmul.f32 v54, v54;
	v34 =	vadd.f32 v35, v34;
	_ =	sdelay $0x1  }
0x397: {  	v34 =	vadd.f32 v55, v34;
	_ =	sdelay $0x1  }
0x398: {  	v35 =	vshrl.u32 v34, $0x1;
	v56 =	vmul.f32 $5.000000000e-01, v34  }
0x399: {  	v35 =	vsub.s32 $0x5F3759DF, v35  }
0x39a: {  	v57 =	vmul.f32 v35, v56;
	_ =	sdelay $0x1  }
0x39b: {  	v37 =	vmul.f32 v35, v57;
	_ =	sdelay $0x1  }
0x39c: {  	v37 =	vsub.f32 $1.500000000e+00, v37;
	_ =	sdelay $0x1  }
0x39d: {  	v35 =	vmul.f32 v35, v37;
	_ =	sdelay $0x1  }
0x39e: {  	v37 =	vmul.f32 v35, v56;
	_ =	sdelay $0x1  }
0x39f: {  	v37 =	vmul.f32 v37, v35;
	_ =	sdelay $0x1  }
0x3a0: {  	v37 =	vsub.f32 $1.500000000e+00, v37  }
0x3a1: {  	v27 =	vnsel vm0, $0x0, v27  }
0x3a2: {  	v26 =	vadd.f32 v27, v26;
	v35 =	vmul.f32 v37, v35  }
0x3a3: {  	v28 =	vnsel vm1, $0x0, v28  }
0x3a4: {  	v26 =	vadd.f32 v28, v26;
	v27 =	vmul.f32 v35, v56  }
0x3a5: {  	v58 =	vnsel vm2, $0x0, v29  }
0x3a6: {  	v26 =	vadd.f32 v58, v26;
	v27 =	vmul.f32 v27, v35  }
0x3a7: {  	v59 =	vnsel vm3, $0x0, v30  }
0x3a8: {  	v26 =	vadd.f32 v59, v26;
	v27 =	vsub.f32 $1.500000000e+00, v27  }
0x3a9: {  	v60 =	vnsel vm4, $0x0, v31  }
0x3aa: {  	v26 =	vadd.f32 v60, v26;
	v27 =	vmul.f32 v27, v35  }
0x3ab: {  	p0 =	sne.s32 s2, $0x1870;
	v61 =	vnsel vm5, $0x0, v32  }
.Ltmp2:
0x3ac: {  	v26 =	vadd.f32 v61, v26;
	v27 =	vmul.f32 v27, v34;
	(pc) =	sbr.rel @p0 .LBB2_6-.Ltmp2, $4  }
0x3ad: {  	v62 =	vnsel vm6, $0x0, v33;
	vm15 =	vgt.f32 v34, $0.0e+00  }
0x3ae: {  	v26 =	vadd.f32 v62, v26;
	v27 =	vnsel vm15, $0x0, v27  }
0x3af: {  	s1 =	sadd.s32 $0x600, s1;
	s2 =	sadd.s32 $0x80, s2;
	v63 =	vnsel vm7, $0x7149F2CA, v27;
	v27 =	vnsel vm7, $0x0, v27  }
0x3b0: {  	s30 =	sadd.s32 $0x80, s30;
	s31 =	sadd.s32 $0x80, s31;
	[tilespmem:s29+$0x0] =	vst v63;
	s29 =	sadd.s32 $0x80, s29;
	v26 =	vadd.f32 v27, v26  }
0x3b1: {  	_ = 	snop  }
0x3b2: {  	s1 =	simm.s32 $0xF800;
	[tilespmem:$0xF810] =	vst v26  }
0x3b3: {  	[spmem:s12] =	stream.linear.scatter [tilespmem:s1], [sflag:$0x3], $0x20, $0x38;
	[tilespmem:$0xFAC0] =	vst v63  }
0x3b4: {  	_ =	swait.ge [sflag:s15], $0x20  }
0x3b5: {  	[sflag:s15] =	ssyncset.done $0x0  }
0x3b6: {  	[sflag:s15] =	ssyncadd.s32 $0xFFFFFFE0  }
0x3b7: {  	[bflag:$0x0] =	sbarrier.arrive $0xFFFF  }
0x3b8: {  	s2 =	simm.s32 $0xF820;
	s7 =	rddreg [dreg:$0x1]  }
0x3b9: {  	[tilespmem:s2], [sflag:$0x3] =	stream.linear.gather [spmem:s7], $0x200, $0x38;
	[tilespmem:$0xFAC0] =	vst v63  }
0x3ba: {  	_ =	swait.ge [sflag:s15], $0x200  }
0x3bb: {  	[sflag:s15] =	ssyncset.done $0x0  }
0x3bc: {  	[sflag:s15] =	ssyncadd.s32 $0xFFFFFE00  }
0x3bd: {  	v26 =	vld [tilespmem:$0xF820];
	_ =	sdelay $0x1  }
0x3be: {  	v27 =	vld [tilespmem:$0xF840];
	_ =	sdelay $0x1  }
0x3bf: {  	v28 =	vld [tilespmem:$0xF860]  }
0x3c0: {  	v26 =	vadd.f32 $0.0e+00, v26  }
0x3c1: {  	v29 =	vld [tilespmem:$0xF880]  }
0x3c2: {  	v26 =	vadd.f32 v27, v26  }
0x3c3: {  	v27 =	vld [tilespmem:$0xF8A0]  }
0x3c4: {  	v26 =	vadd.f32 v28, v26  }
0x3c5: {  	v28 =	vld [tilespmem:$0xF8C0]  }
0x3c6: {  	v26 =	vadd.f32 v29, v26  }
0x3c7: {  	v29 =	vld [tilespmem:$0xF8E0]  }
0x3c8: {  	v26 =	vadd.f32 v27, v26  }
0x3c9: {  	v27 =	vld [tilespmem:$0xF900]  }
0x3ca: {  	v26 =	vadd.f32 v28, v26  }
0x3cb: {  	v28 =	vld [tilespmem:$0xF920]  }
0x3cc: {  	v26 =	vadd.f32 v29, v26  }
0x3cd: {  	v29 =	vld [tilespmem:$0xF940]  }
0x3ce: {  	v26 =	vadd.f32 v27, v26  }
0x3cf: {  	v27 =	vld [tilespmem:$0xF960]  }
0x3d0: {  	v26 =	vadd.f32 v28, v26  }
0x3d1: {  	v28 =	vld [tilespmem:$0xF980]  }
0x3d2: {  	v26 =	vadd.f32 v29, v26  }
0x3d3: {  	v29 =	vld [tilespmem:$0xF9A0]  }
0x3d4: {  	v26 =	vadd.f32 v27, v26  }
0x3d5: {  	v27 =	vld [tilespmem:$0xF9C0]  }
0x3d6: {  	v26 =	vadd.f32 v28, v26  }
0x3d7: {  	v28 =	vld [tilespmem:$0xF9E0]  }
0x3d8: {  	v26 =	vadd.f32 v29, v26  }
0x3d9: {  	v29 =	vld [tilespmem:$0xFA00]  }
0x3da: {  	v26 =	vadd.f32 v27, v26;
	_ =	sdelay $0x1  }
0x3db: {  	v26 =	vadd.f32 v28, v26;
	_ =	sdelay $0x1  }
0x3dc: {  	v26 =	vadd.f32 v29, v26;
	_ =	sdelay $0x1  }
0x3dd: {  	(xrf2) =	vadd.scan.msk.f32 $0xffff, v26;
	_ =	sdelay $0x9  }
0x3de: {  	v26, _, _ =	vpop (xrf2)  }
0x3df: {  	(v2sf) =	vpush v26, $0xF;
	_ =	sdelay $0xc  }
0x3e0: {  	s29 =	simm.s32 $0x0  }
0x3e1: {  	v27 =	vld [tilespmem:s29+$0xC700]  }
0x3e2: {  	s30 =	spop (v2sf)  }
0x3e3: {  	s1 =	smul.f32 $9.999999740e-06, s30;
	_ =	sdelay $0x1  }
0x3e4: {  	v26 =	vmov s1  }
0x3e5: {  	s31 =	simm.s32 $0x10;
	v27 =	vsub.f32 v26, v27  }
0x3e6: {  	v29 =	vld [tilespmem:s31+$0xC700]  }
0x3e7: {  	v27 =	vmax.f32 v27, $0.0e+00  }
0x3e8: {  	v30 =	vmul.f32 v27, v27  }
0x3e9: {  	v27 =	vimm.f32 $0.0e+00  }
0x3ea: {  	s1 =	simm.s32 $0x80;
	v28 =	vadd.f32 v30, v27;
	vm0 =	vgt.f32 v30, $0.0e+00  }
.LBB2_8:
0x3eb: {  	s2 =	sshra.s32 s1, $0x2;
	p0 =	sne.s32 s1, $0x61C0;
	s1 =	sadd.s32 $0x40, s1;
	v30 =	vsub.f32 v26, v29;
	v31 =	vsel vm0, $0x3F800000, v25  }
.Ltmp3:
0x3ec: {  	v29 =	vld [tilespmem:s2+$0xC700];
	v27 =	vadd.f32 v31, v27;
	(pc) =	sbr.rel @p0 .LBB2_8-.Ltmp3, $3  }
0x3ed: {  	v30 =	vmax.f32 v30, $0.0e+00  }
0x3ee: {  	v30 =	vmul.f32 v30, v30;
	_ =	sdelay $0x1  }
0x3ef: {  	v28 =	vadd.f32 v30, v28;
	vm0 =	vgt.f32 v30, $0.0e+00  }
0x3f0: {  	v30 =	vld [tilespmem:$0xF830];
	_ =	sdelay $0x1  }
0x3f1: {  	v31 =	vld [tilespmem:$0xF850];
	_ =	sdelay $0x1  }
0x3f2: {  	v32 =	vld [tilespmem:$0xF870]  }
0x3f3: {  	v30 =	vadd.f32 $0.0e+00, v30  }
0x3f4: {  	v33 =	vld [tilespmem:$0xF890]  }
0x3f5: {  	v30 =	vadd.f32 v31, v30  }
0x3f6: {  	v31 =	vld [tilespmem:$0xF8B0]  }
0x3f7: {  	v30 =	vadd.f32 v32, v30  }
0x3f8: {  	v56 =	vld [tilespmem:$0xF8D0]  }
0x3f9: {  	v30 =	vadd.f32 v33, v30  }
0x3fa: {  	v57 =	vld [tilespmem:$0xF8F0]  }
0x3fb: {  	v30 =	vadd.f32 v31, v30  }
0x3fc: {  	v31 =	vld [tilespmem:$0xF910]  }
0x3fd: {  	v30 =	vadd.f32 v56, v30  }
0x3fe: {  	v58 =	vld [tilespmem:$0xF930]  }
0x3ff: {  	v30 =	vadd.f32 v57, v30  }
0x400: {  	v59 =	vld [tilespmem:$0xF950]  }
0x401: {  	v30 =	vadd.f32 v31, v30  }
0x402: {  	v31 =	vld [tilespmem:$0xF970]  }
0x403: {  	v30 =	vadd.f32 v58, v30  }
0x404: {  	v60 =	vld [tilespmem:$0xF990]  }
0x405: {  	v30 =	vadd.f32 v59, v30  }
0x406: {  	v61 =	vld [tilespmem:$0xF9B0]  }
0x407: {  	v30 =	vadd.f32 v31, v30  }
0x408: {  	v31 =	vld [tilespmem:$0xF9D0]  }
0x409: {  	v30 =	vadd.f32 v60, v30  }
0x40a: {  	v62 =	vld [tilespmem:$0xF9F0]  }
0x40b: {  	v30 =	vadd.f32 v61, v30  }
0x40c: {  	v63 =	vld [tilespmem:$0xFA10]  }
0x40d: {  	v30 =	vadd.f32 v31, v30;
	_ =	sdelay $0x1  }
0x40e: {  	v30 =	vadd.f32 v62, v30;
	_ =	sdelay $0x1  }
0x40f: {  	v30 =	vadd.f32 v63, v30;
	_ =	sdelay $0x1  }
0x410: {  	(xrf2) =	vadd.scan.msk.f32 $0xffff, v30;
	_ =	sdelay $0x9  }
0x411: {  	v30, _, _ =	vpop (xrf2)  }
0x412: {  	(v2sf) =	vpush v30, $0xF;
	_ =	sdelay $0x3  }
0x413: {  	v26 =	vsub.f32 v26, v29;
	_ =	sdelay $0x1  }
0x414: {  	v26 =	vmax.f32 v26, $0.0e+00  }
0x415: {  	v26 =	vmul.f32 v26, v26  }
0x416: {  	v29 =	vsel vm0, $0x3F800000, v25  }
0x417: {  	v27 =	vadd.f32 v29, v27;
	vm0 =	vgt.f32 v26, $0.0e+00  }
0x418: {  	v26 =	vadd.f32 v26, v28;
	v28 =	vsel vm0, $0x3F800000, v25  }
0x419: {  	v27 =	vadd.f32 v28, v27  }
0x41a: {  	[tilespmem:$0xFA30] =	vst v26  }
0x41b: {  	s1 =	simm.s32 $0x0;
	[tilespmem:$0xFA50] =	vst v27  }
0x41c: {  	v27 =	vld [tilespmem:s1+$0xDF80]  }
0x41d: {  	s31 =	spop (v2sf)  }
0x41e: {  	s1 =	smul.f32 $9.999999740e-06, s31;
	_ =	sdelay $0x1  }
0x41f: {  	v26 =	vmov s1  }
0x420: {  	s2 =	simm.s32 $0x10;
	v27 =	vsub.f32 v26, v27  }
0x421: {  	v29 =	vld [tilespmem:s2+$0xDF80]  }
0x422: {  	v27 =	vmax.f32 v27, $0.0e+00  }
0x423: {  	v30 =	vmul.f32 v27, v27  }
0x424: {  	v27 =	vimm.f32 $0.0e+00  }
0x425: {  	s1 =	simm.s32 $0x80;
	v28 =	vadd.f32 v30, v27;
	vm0 =	vgt.f32 v30, $0.0e+00  }
.LBB2_10:
0x426: {  	s2 =	sshra.s32 s1, $0x2;
	p0 =	sne.s32 s1, $0x61C0;
	s1 =	sadd.s32 $0x40, s1;
	v30 =	vsub.f32 v26, v29;
	v31 =	vsel vm0, $0x3F800000, v25  }
.Ltmp4:
0x427: {  	v29 =	vld [tilespmem:s2+$0xDF80];
	v27 =	vadd.f32 v31, v27;
	(pc) =	sbr.rel @p0 .LBB2_10-.Ltmp4, $3  }
0x428: {  	v30 =	vmax.f32 v30, $0.0e+00  }
0x429: {  	v30 =	vmul.f32 v30, v30;
	_ =	sdelay $0x1  }
0x42a: {  	v28 =	vadd.f32 v30, v28;
	vm0 =	vgt.f32 v30, $0.0e+00  }
0x42b: {  	v26 =	vsub.f32 v26, v29;
	_ =	sdelay $0x1  }
0x42c: {  	v26 =	vmax.f32 v26, $0.0e+00  }
0x42d: {  	v26 =	vmul.f32 v26, v26  }
0x42e: {  	v62 =	vsel vm0, $0x3F800000, v25  }
0x42f: {  	v27 =	vadd.f32 v62, v27;
	vm15 =	vgt.f32 v26, $0.0e+00  }
0x430: {  	v26 =	vadd.f32 v26, v28;
	v63 =	vsel vm15, $0x3F800000, v25  }
0x431: {  	s0 =	sadd.s32 $0x1, s0;
	v27 =	vadd.f32 v63, v27  }
0x432: {  	p0 =	sne.s32 s0, s14;
	[tilespmem:$0xFA40] =	vst v26  }
.Ltmp5:
0x433: {  	s1 =	simm.s32 $0xFA20;
	[tilespmem:$0xFA60] =	vst v27;
	(pc) =	sbr.rel @p0 .LBB2_1-.Ltmp5, $4  }
0x434: {  	[hbm4b:s13+s3] =	stream.linear.scatter [tilespmem:s1], [sflag:$0x3], $0x80, $0x38;
	[tilespmem:$0xFAC0] =	vst v63  }
0x435: {  	_ =	swait.ge [sflag:s15], $0x80  }
0x436: {  	[sflag:s15] =	ssyncset.done $0x0  }
0x437: {  	[sflag:s15] =	ssyncadd.s32 $0xFFFFFF80  }
0x438: {  	_ =	sfence.sel $0x180000  }
0x439: {  	[bflag:$0x0] =	sbarrier.arrive $0xFFFF  }
0x43a: {  	_ =	strace $0x90000047  }
0x43b: {  	s0 =	stileid.u32;
	[bflag:$0x2] =	sbarrier.arrive $0xFFFF  }
0x43c: {  	p0 =	sne.s32 s0, $0x0;
	s0 =	rddreg [dreg:$0x2]  }
0x43d: {  	s0 =	sadd.s32 @!p0 $0x100000, s0  }
0x43e: {  	[sflag:s0] =	ssyncadd.tile.s32 @!p0 $0x1;
	_ =	shalt  }
.Lfunc_end2:
_tile_overlayer_lowered:
.L_overlay_start_2:
0x43f: {  	(tag) =	ssettag $0x2  }
0x440: {  	s0 =	rddreg [dreg:$0x0];
	s2 =	stileid.u32  }
0x441: {  	s1 =	rddreg [dreg:$0x1];
	p0 =	sne.s32 s2, $0x0  }
0x442: {  	s3 =	rddreg [dreg:$0x2];
	[bflag:$0x3] =	sbarrier.arrive $0xFFFF;
	s2 =	simm.s32 @!p0 $0x1C03  }
0x443: {  	[timem:s3], [sflag:s2] =	dma.local @!p0 [hbm:s0], s1  }
0x444: {  	s0 =	simm.s32 @!p0 $0x3  }
0x445: {  	_ =	swait.ge @!p0 [sflag:s0], s1  }
0x446: {  	s1 =	ssub.s32 @!p0 $0x0, s1;
	[sflag:s0] =	ssyncset.done @!p0 $0x0  }
0x447: {  	[sflag:s0] =	ssyncadd.s32 @!p0 s1  }
0x448: {  	[bflag:$0x3] =	sbarrier.arrive $0xFFFF  }
0x449: {  	_ =	shalt  }

</sc_bundles>
